<compile_context>
chip_gen: v7x
topology: tpu7x:2x2x1
jax: 0.10.2.dev20260603
libtpu: 0.0.44.dev20260713+nightly
codegen_flags: <defaults>
</compile_context>

<pallas_src>
import functools

import jax
import jax.numpy as jnp
from jax import lax
from jax.experimental import pallas as pl
from jax.experimental.pallas import tpu as pltpu
from jax.experimental.pallas import tpu_sc as plsc

_N_NODES = 10000
_N_EDGES = 320000
_D = 128
_EA_DIM = 16

_NC = 2
_NS = 16
_NW = _NC * _NS
_K = 5
_EPK = _N_EDGES // _K
_EDGES_PER_W = _EPK // _NW
_C = 200
_CHUNKS_PER_W = _EDGES_PER_W // _C
_EB = 8000


def _tc_tables(x, w1ab):
    def body(x_ref, w_ref, out_ref):
        out_ref[...] = jnp.dot(x_ref[...], w_ref[0],
                               preferred_element_type=jnp.float32)

    return pl.pallas_call(
        body,
        grid=(2,),
        in_specs=[
            pl.BlockSpec((_N_NODES, _D), lambda t: (0, 0)),
            pl.BlockSpec((1, _D, _D), lambda t: (t, 0, 0)),
        ],
        out_specs=pl.BlockSpec((_N_NODES, _D), lambda t: (t, 0)),
        out_shape=jax.ShapeDtypeStruct((2 * _N_NODES, _D), jnp.float32),
    )(x, w1ab)


def _alloc_dest():
    def body(dest_ref):
        del dest_ref

    return pl.pallas_call(
        body,
        out_specs=pl.BlockSpec(memory_space=pl.ANY),
        out_shape=jax.ShapeDtypeStruct((_N_EDGES, _D), jnp.float32),
    )()


def _sc_gather_sum(table, src, tgt_off, slice_k):
    mesh = plsc.VectorSubcoreMesh(core_axis_name="c", subcore_axis_name="s",
                                  num_cores=_NC, num_subcores=_NS)
    n_chunks = _CHUNKS_PER_W

    @functools.partial(
        pl.kernel,
        out_type=jax.ShapeDtypeStruct((_EPK, _D), jnp.float32),
        mesh=mesh,
        scratch_types=[
            pltpu.VMEM((_C,), jnp.int32),
            pltpu.VMEM((_C,), jnp.int32),
            pltpu.VMEM((_C,), jnp.int32),
            pltpu.VMEM((_C,), jnp.int32),
            pltpu.VMEM((_C, _D), jnp.float32),
            pltpu.VMEM((_C, _D), jnp.float32),
            pltpu.VMEM((_C, _D), jnp.float32),
            pltpu.VMEM((_C, _D), jnp.float32),
            pltpu.SemaphoreType.DMA,
            pltpu.SemaphoreType.DMA,
            pltpu.SemaphoreType.DMA,
            pltpu.SemaphoreType.DMA,
            pltpu.SemaphoreType.DMA,
            pltpu.SemaphoreType.DMA,
        ],
    )
    def k(table_hbm, src_hbm, tgt_hbm, out_hbm,
          ia0, ib0, ia1, ib1, a0, b0, a1, b1, g0, g1, s0, s1, w0, w1):
        wid = lax.axis_index("s") * _NC + lax.axis_index("c")
        in_base = slice_k * _EPK + wid * _EDGES_PER_W
        out_base = wid * _EDGES_PER_W
        IA = (ia0, ia1)
        IB = (ib0, ib1)
        A = (a0, a1)
        B = (b0, b1)
        G = (g0, g1)
        S = (s0, s1)
        W = (w0, w1)

        def fire_idx(j, s):
            off = pl.multiple_of(in_base + j * _C, 8)
            pltpu.async_copy(src_hbm.at[pl.ds(off, _C)], IA[s], S[s])
            pltpu.async_copy(tgt_hbm.at[pl.ds(off, _C)], IB[s], S[s])

        def wait_idx(s):
            pltpu.make_async_copy(src_hbm.at[pl.ds(0, _C)], IA[s], S[s]).wait()
            pltpu.make_async_copy(tgt_hbm.at[pl.ds(0, _C)], IB[s], S[s]).wait()

        def fire_gather(s):
            pltpu.async_copy(table_hbm.at[IA[s]], A[s], G[s])
            pltpu.async_copy(table_hbm.at[IB[s]], B[s], G[s])

        def wait_gather(s):
            pltpu.make_async_copy(table_hbm.at[IA[s]], A[s], G[s]).wait()
            pltpu.make_async_copy(table_hbm.at[IB[s]], B[s], G[s]).wait()

        def fire_write(j, s):
            off = pl.multiple_of(out_base + j * _C, 8)
            pltpu.async_copy(A[s], out_hbm.at[pl.ds(off, _C)], W[s])

        def wait_write(s):
            pltpu.make_async_copy(A[s], out_hbm.at[pl.ds(0, _C)], W[s]).wait()

        def add_rows(s):
            acc = A[s]
            rb = B[s]

            @plsc.parallel_loop(0, _C, unroll=4)
            def _(r):
                for q in range(_D // 16):
                    sl = pl.ds(q * 16, 16)
                    acc[r, sl] = acc[r, sl] + rb[r, sl]

        def phase(j, s):
            wait_gather(s)

            @pl.when(j <= n_chunks - 2)
            def _():
                wait_idx(s ^ 1)

                @pl.when(j >= 1)
                def _():
                    wait_write(s ^ 1)

                fire_gather(s ^ 1)

                @pl.when(j <= n_chunks - 3)
                def _():
                    fire_idx(j + 2, s)

            add_rows(s)
            fire_write(j, s)

        fire_idx(0, 0)
        wait_idx(0)
        fire_gather(0)
        fire_idx(1, 1)

        def pair(i, carry):
            phase(2 * i, 0)
            phase(2 * i + 1, 1)
            return carry

        lax.fori_loop(0, n_chunks // 2, pair, 0)
        if n_chunks % 2:
            phase(jnp.int32(n_chunks - 1), 0)
        wait_write(0)
        wait_write(1)

    return k(table, src, tgt_off)


def _mlp_body(dst_ref, g_ref, ea_ref, w1c_ref, b1_ref, w2_ref, b2_ref,
              out_ref):
    del dst_ref
    pre = jnp.dot(ea_ref[...], w1c_ref[...],
                  preferred_element_type=jnp.float32)
    h = jnp.maximum(pre + g_ref[...] + b1_ref[...], 0.0)
    out_ref[...] = jnp.dot(h, w2_ref[...],
                           preferred_element_type=jnp.float32) + b2_ref[...]


def _tc_mlp_slice(dest, gsum, edge_attr, w1c, b1, w2, b2, slice_k):
    blk0 = slice_k * (_EPK // _EB)
    in_specs = [
        pl.BlockSpec((_EB, _D), lambda i: (i, 0)),
        pl.BlockSpec((_EB, _EA_DIM), lambda i: (blk0 + i, 0)),
        pl.BlockSpec((_EA_DIM, _D), lambda i: (0, 0)),
        pl.BlockSpec((1, _D), lambda i: (0, 0)),
        pl.BlockSpec((_D, _D), lambda i: (0, 0)),
        pl.BlockSpec((1, _D), lambda i: (0, 0)),
    ]
    out_spec = pl.BlockSpec((_EB, _D), lambda i: (blk0 + i, 0))
    out_shape = jax.ShapeDtypeStruct((_N_EDGES, _D), jnp.float32)
    return pl.pallas_call(
        _mlp_body,
        grid=(_EPK // _EB,),
        in_specs=[pl.BlockSpec(memory_space=pl.ANY)] + in_specs,
        out_specs=out_spec,
        out_shape=out_shape,
        input_output_aliases={0: 0},
    )(dest, gsum, edge_attr, w1c, b1, w2, b2)


def kernel(x, edge_index, edge_attr, W1, b1, W2, b2):
    src = edge_index[0].astype(jnp.int32)
    tgt_off = edge_index[1].astype(jnp.int32) + _N_NODES
    w1ab = W1[: 2 * _D].reshape(2, _D, _D)
    w1c = W1[2 * _D:]
    b1r = b1.reshape(1, _D)
    b2r = b2.reshape(1, _D)
    table = _tc_tables(x, w1ab)
    dest = _alloc_dest()
    gsums = [_sc_gather_sum(table, src, tgt_off, k) for k in range(_K)]
    for k in range(_K):
        dest = _tc_mlp_slice(dest, gsums[k], edge_attr, w1c, b1r, W2, b2r, k)
    return dest

# --- scband reference (transcript-rebuilt; emitter-appended) ---
"""Pipeline reference for scband-edge-aggregation-layer-49512382988573 (READ-ONLY COPY).

The authoritative reference and input builder live on the scoring server;
editing this copy changes nothing except your own understanding.
"""

import jax, jax.numpy as jnp
import numpy as np

NODE_DIM = 128
EDGE_ATTR_DIM = 16
OUT_DIM = 128
N_NODES = 10000
N_EDGES = 320000


def setup_inputs(seed: int = 0) -> dict:
    key = jax.random.key(seed)
    k_x, k_ei, k_ea, k_w1, k_b1, k_w2, k_b2 = jax.random.split(key, 7)
    x = jax.random.normal(k_x, (N_NODES, NODE_DIM), dtype=jnp.float32)
    edge_index = jax.random.randint(k_ei, (2, N_EDGES), 0, N_NODES, dtype=jnp.int64)
    edge_attr = jax.random.normal(k_ea, (N_EDGES, EDGE_ATTR_DIM), dtype=jnp.float32)
    in_dim = 2 * NODE_DIM + EDGE_ATTR_DIM
    W1 = jax.random.normal(k_w1, (in_dim, OUT_DIM), dtype=jnp.float32) * (1.0 / np.sqrt(in_dim))
    b1 = jnp.zeros((OUT_DIM,), dtype=jnp.float32)
    W2 = jax.random.normal(k_w2, (OUT_DIM, OUT_DIM), dtype=jnp.float32) * (1.0 / np.sqrt(OUT_DIM))
    b2 = jnp.zeros((OUT_DIM,), dtype=jnp.float32)
    return {"x": x, "edge_index": edge_index, "edge_attr": edge_attr, "W1": W1, "b1": b1, "W2": W2, "b2": b2}


def reference(x, edge_index, edge_attr, W1, b1, W2, b2):
    src = edge_index[0]
    tgt = edge_index[1]
    x_i = jnp.take(x, src, axis=0)
    x_j = jnp.take(x, tgt, axis=0)
    edge_input = jnp.concatenate([x_i, x_j, edge_attr], axis=1)
    h = jax.nn.relu(edge_input @ W1 + b1)
    out = h @ W2 + b2
    return out

if __name__ == "__main__":
    import jax
    _d = setup_inputs()
    print(jax.jit(kernel)(*tuple(_d.values())))

</pallas_src>

<mosaic_0001>
#map = affine_map<(d0, d1) -> (0, 0)>
#map1 = affine_map<(d0, d1) -> (0)>
module attributes {stable_mosaic.version = 14 : i64} {
  func.func @k(%arg0: i32, %arg1: i32, %arg2: memref<20000x128xf32, #tpu.memory_space<hbm>>, %arg3: memref<320000xi32, #tpu.memory_space<hbm>>, %arg4: memref<320000xi32, #tpu.memory_space<hbm>>, %arg5: memref<64000x128xf32, #tpu.memory_space<hbm>>, %arg6: memref<200xi32, #tpu.memory_space<vmem>>, %arg7: memref<200xi32, #tpu.memory_space<vmem>>, %arg8: memref<200xi32, #tpu.memory_space<vmem>>, %arg9: memref<200xi32, #tpu.memory_space<vmem>>, %arg10: memref<200x128xf32, #tpu.memory_space<vmem>>, %arg11: memref<200x128xf32, #tpu.memory_space<vmem>>, %arg12: memref<200x128xf32, #tpu.memory_space<vmem>>, %arg13: memref<200x128xf32, #tpu.memory_space<vmem>>, %arg14: memref<!tpu.dma_semaphore, #tpu.memory_space<semaphore_mem>>, %arg15: memref<!tpu.dma_semaphore, #tpu.memory_space<semaphore_mem>>, %arg16: memref<!tpu.dma_semaphore, #tpu.memory_space<semaphore_mem>>, %arg17: memref<!tpu.dma_semaphore, #tpu.memory_space<semaphore_mem>>, %arg18: memref<!tpu.dma_semaphore, #tpu.memory_space<semaphore_mem>>, %arg19: memref<!tpu.dma_semaphore, #tpu.memory_space<semaphore_mem>>) attributes {dimension_semantics = [#tpu.dimension_semantics<core_parallel>, #tpu.dimension_semantics<subcore_parallel>], iteration_bounds = array<i64: 2, 16>, scalar_prefetch = 0 : i64, scratch_operands = 14 : i64, tpu.core_type = #tpu.core_type<sc_vector_subcore>, window_params = [{transform_indices = #map}, {transform_indices = #map1}, {transform_indices = #map1}, {transform_indices = #map}]} {
    %mul3A = arith.constant 2 : i32
    %mul3A_0 = arith.muli %arg1, %mul3A : i32
    %add3A = arith.addi %mul3A_0, %arg0 : i32
    %mul3A_1 = arith.constant 2000 : i32
    %mul3A_2 = arith.muli %add3A, %mul3A_1 : i32
    %add3A_3 = arith.constant 0 : i32
    %add3A_4 = arith.addi %add3A_3, %mul3A_2 : i32
    %mul3A_5 = arith.constant 2000 : i32
    %mul3A_6 = arith.muli %add3A, %mul3A_5 : i32
    %add3A_7 = arith.constant 0 : i32
    %add3A_8 = arith.addi %add3A_4, %add3A_7 : i32
    %multiple_of3A = tpu.assume_multiple %add3A_8, 8 : i32
    %dma_start3A = tpu.memref_slice %arg3[%multiple_of3A] : memref<320000xi32, #tpu.memory_space<hbm>> -> memref<200xi32, #tpu.memory_space<hbm>>
    %dma_start3A_9 = tpu.memref_slice %arg3[%multiple_of3A] : memref<320000xi32, #tpu.memory_space<hbm>> -> memref<200xi32, #tpu.memory_space<hbm>>
    tpu.enqueue_dma source(%dma_start3A_9 : memref<200xi32, #tpu.memory_space<hbm>>) target(%arg6 : memref<200xi32, #tpu.memory_space<vmem>>) target_semaphore(%arg16 : memref<!tpu.dma_semaphore, #tpu.memory_space<semaphore_mem>>)
    %dma_start3A_10 = tpu.memref_slice %arg4[%multiple_of3A] : memref<320000xi32, #tpu.memory_space<hbm>> -> memref<200xi32, #tpu.memory_space<hbm>>
    %dma_start3A_11 = tpu.memref_slice %arg4[%multiple_of3A] : memref<320000xi32, #tpu.memory_space<hbm>> -> memref<200xi32, #tpu.memory_space<hbm>>
    tpu.enqueue_dma source(%dma_start3A_11 : memref<200xi32, #tpu.memory_space<hbm>>) target(%arg7 : memref<200xi32, #tpu.memory_space<vmem>>) target_semaphore(%arg16 : memref<!tpu.dma_semaphore, #tpu.memory_space<semaphore_mem>>)
    %dma_wait3A = arith.constant 0 : i32
    %dma_wait3A_12 = tpu.memref_slice %arg3[%dma_wait3A] : memref<320000xi32, #tpu.memory_space<hbm>> -> memref<200xi32, #tpu.memory_space<hbm>>
    %dma_wait3A_13 = arith.constant 0 : i32
    %dma_wait3A_14 = tpu.memref_slice %arg3[%dma_wait3A_13] : memref<320000xi32, #tpu.memory_space<hbm>> -> memref<200xi32, #tpu.memory_space<hbm>>
    tpu.wait_dma2 semaphore(%arg16 : memref<!tpu.dma_semaphore, #tpu.memory_space<semaphore_mem>>) src(%dma_wait3A_14 : memref<200xi32, #tpu.memory_space<hbm>>) dst(%arg6 : memref<200xi32, #tpu.memory_space<vmem>>)
    %dma_wait3A_15 = arith.constant 0 : i32
    %dma_wait3A_16 = tpu.memref_slice %arg4[%dma_wait3A_15] : memref<320000xi32, #tpu.memory_space<hbm>> -> memref<200xi32, #tpu.memory_space<hbm>>
    %dma_wait3A_17 = arith.constant 0 : i32
    %dma_wait3A_18 = tpu.memref_slice %arg4[%dma_wait3A_17] : memref<320000xi32, #tpu.memory_space<hbm>> -> memref<200xi32, #tpu.memory_space<hbm>>
    tpu.wait_dma2 semaphore(%arg16 : memref<!tpu.dma_semaphore, #tpu.memory_space<semaphore_mem>>) src(%dma_wait3A_18 : memref<200xi32, #tpu.memory_space<hbm>>) dst(%arg7 : memref<200xi32, #tpu.memory_space<vmem>>)
    %dma_start3A_19 = arith.constant 0 : i32
    %dma_start3A_20 = arith.constant 0 : i32
    %dma_start3A_21 = tpu.memref_slice %arg2[%dma_start3A_19, %dma_start3A_20] : memref<20000x128xf32, #tpu.memory_space<hbm>> -> memref<20000x128xf32, #tpu.memory_space<hbm>>
    tpu.enqueue_indirect_dma source(%dma_start3A_21 : memref<20000x128xf32, #tpu.memory_space<hbm>>) target(%arg10 : memref<200x128xf32, #tpu.memory_space<vmem>>) offsets(%arg6 : memref<200xi32, #tpu.memory_space<vmem>>) semaphore(%arg14 : memref<!tpu.dma_semaphore, #tpu.memory_space<semaphore_mem>>)
    %dma_start3A_22 = arith.constant 0 : i32
    %dma_start3A_23 = arith.constant 0 : i32
    %dma_start3A_24 = tpu.memref_slice %arg2[%dma_start3A_22, %dma_start3A_23] : memref<20000x128xf32, #tpu.memory_space<hbm>> -> memref<20000x128xf32, #tpu.memory_space<hbm>>
    tpu.enqueue_indirect_dma source(%dma_start3A_24 : memref<20000x128xf32, #tpu.memory_space<hbm>>) target(%arg11 : memref<200x128xf32, #tpu.memory_space<vmem>>) offsets(%arg7 : memref<200xi32, #tpu.memory_space<vmem>>) semaphore(%arg14 : memref<!tpu.dma_semaphore, #tpu.memory_space<semaphore_mem>>)
    %add3A_25 = arith.constant 200 : i32
    %add3A_26 = arith.addi %add3A_4, %add3A_25 : i32
    %multiple_of3A_27 = tpu.assume_multiple %add3A_26, 8 : i32
    %dma_start3A_28 = tpu.memref_slice %arg3[%multiple_of3A_27] : memref<320000xi32, #tpu.memory_space<hbm>> -> memref<200xi32, #tpu.memory_space<hbm>>
    %dma_start3A_29 = tpu.memref_slice %arg3[%multiple_of3A_27] : memref<320000xi32, #tpu.memory_space<hbm>> -> memref<200xi32, #tpu.memory_space<hbm>>
    tpu.enqueue_dma source(%dma_start3A_29 : memref<200xi32, #tpu.memory_space<hbm>>) target(%arg8 : memref<200xi32, #tpu.memory_space<vmem>>) target_semaphore(%arg17 : memref<!tpu.dma_semaphore, #tpu.memory_space<semaphore_mem>>)
    %dma_start3A_30 = tpu.memref_slice %arg4[%multiple_of3A_27] : memref<320000xi32, #tpu.memory_space<hbm>> -> memref<200xi32, #tpu.memory_space<hbm>>
    %dma_start3A_31 = tpu.memref_slice %arg4[%multiple_of3A_27] : memref<320000xi32, #tpu.memory_space<hbm>> -> memref<200xi32, #tpu.memory_space<hbm>>
    tpu.enqueue_dma source(%dma_start3A_31 : memref<200xi32, #tpu.memory_space<hbm>>) target(%arg9 : memref<200xi32, #tpu.memory_space<vmem>>) target_semaphore(%arg17 : memref<!tpu.dma_semaphore, #tpu.memory_space<semaphore_mem>>)
    %scan3A = arith.constant 0 : i32
    %scan3A_32 = arith.constant 0 : i32
    %scan3A_33 = arith.constant 5 : i32
    %scan3A_34 = arith.addi %scan3A_32, %scan3A_33 : i32
    %scan3A_35 = arith.constant 1 : i32
    scf.for %scan3A_49 = %scan3A_32 to %scan3A_34 step %scan3A_35  : i32 {
      %mul3A_50 = arith.constant 2 : i32
      %mul3A_51 = arith.muli %mul3A_50, %scan3A_49 : i32
      %dma_wait3A_52 = arith.constant 0 : i32
      %dma_wait3A_53 = arith.constant 0 : i32
      %dma_wait3A_54 = tpu.memref_slice %arg2[%dma_wait3A_52, %dma_wait3A_53] : memref<20000x128xf32, #tpu.memory_space<hbm>> -> memref<20000x128xf32, #tpu.memory_space<hbm>>
      tpu.wait_indirect_dma semaphore(%arg14 : memref<!tpu.dma_semaphore, #tpu.memory_space<semaphore_mem>>) src(%dma_wait3A_54 : memref<20000x128xf32, #tpu.memory_space<hbm>>) dst(%arg10 : memref<200x128xf32, #tpu.memory_space<vmem>>)
      %dma_wait3A_55 = arith.constant 0 : i32
      %dma_wait3A_56 = arith.constant 0 : i32
      %dma_wait3A_57 = tpu.memref_slice %arg2[%dma_wait3A_55, %dma_wait3A_56] : memref<20000x128xf32, #tpu.memory_space<hbm>> -> memref<20000x128xf32, #tpu.memory_space<hbm>>
      tpu.wait_indirect_dma semaphore(%arg14 : memref<!tpu.dma_semaphore, #tpu.memory_space<semaphore_mem>>) src(%dma_wait3A_57 : memref<20000x128xf32, #tpu.memory_space<hbm>>) dst(%arg11 : memref<200x128xf32, #tpu.memory_space<vmem>>)
      %le3A = arith.constant 8 : i32
      %le3A_58 = arith.cmpi sle, %mul3A_51, %le3A : i32
      %convert_element_type3A = arith.extui %le3A_58 : i1 to i32
      %cond3A = arith.constant 0 : i32
      %cond3A_59 = arith.cmpi ne, %convert_element_type3A, %cond3A : i32
      scf.if %cond3A_59 {
        %dma_wait3A_96 = arith.constant 0 : i32
        %dma_wait3A_97 = tpu.memref_slice %arg3[%dma_wait3A_96] : memref<320000xi32, #tpu.memory_space<hbm>> -> memref<200xi32, #tpu.memory_space<hbm>>
        %dma_wait3A_98 = arith.constant 0 : i32
        %dma_wait3A_99 = tpu.memref_slice %arg3[%dma_wait3A_98] : memref<320000xi32, #tpu.memory_space<hbm>> -> memref<200xi32, #tpu.memory_space<hbm>>
        tpu.wait_dma2 semaphore(%arg17 : memref<!tpu.dma_semaphore, #tpu.memory_space<semaphore_mem>>) src(%dma_wait3A_99 : memref<200xi32, #tpu.memory_space<hbm>>) dst(%arg8 : memref<200xi32, #tpu.memory_space<vmem>>)
        %dma_wait3A_100 = arith.constant 0 : i32
        %dma_wait3A_101 = tpu.memref_slice %arg4[%dma_wait3A_100] : memref<320000xi32, #tpu.memory_space<hbm>> -> memref<200xi32, #tpu.memory_space<hbm>>
        %dma_wait3A_102 = arith.constant 0 : i32
        %dma_wait3A_103 = tpu.memref_slice %arg4[%dma_wait3A_102] : memref<320000xi32, #tpu.memory_space<hbm>> -> memref<200xi32, #tpu.memory_space<hbm>>
        tpu.wait_dma2 semaphore(%arg17 : memref<!tpu.dma_semaphore, #tpu.memory_space<semaphore_mem>>) src(%dma_wait3A_103 : memref<200xi32, #tpu.memory_space<hbm>>) dst(%arg9 : memref<200xi32, #tpu.memory_space<vmem>>)
        %ge3A = arith.constant 1 : i32
        %ge3A_104 = arith.cmpi sge, %mul3A_51, %ge3A : i32
        %convert_element_type3A_105 = arith.extui %ge3A_104 : i1 to i32
        %cond3A_106 = arith.constant 0 : i32
        %cond3A_107 = arith.cmpi ne, %convert_element_type3A_105, %cond3A_106 : i32
        scf.if %cond3A_107 {
          %dma_wait3A_119 = arith.constant 0 : i32
          %dma_wait3A_120 = arith.constant 0 : i32
          %dma_wait3A_121 = tpu.memref_slice %arg5[%dma_wait3A_119, %dma_wait3A_120] : memref<64000x128xf32, #tpu.memory_space<hbm>> -> memref<200x128xf32, #tpu.memory_space<hbm>>
          %dma_wait3A_122 = arith.constant 0 : i32
          %dma_wait3A_123 = arith.constant 0 : i32
          %dma_wait3A_124 = tpu.memref_slice %arg5[%dma_wait3A_122, %dma_wait3A_123] : memref<64000x128xf32, #tpu.memory_space<hbm>> -> memref<200x128xf32, #tpu.memory_space<hbm>>
          tpu.wait_dma2 semaphore(%arg19 : memref<!tpu.dma_semaphore, #tpu.memory_space<semaphore_mem>>) src(%arg12 : memref<200x128xf32, #tpu.memory_space<vmem>>) dst(%dma_wait3A_124 : memref<200x128xf32, #tpu.memory_space<hbm>>)
        } else {
        }
        %dma_start3A_108 = arith.constant 0 : i32
        %dma_start3A_109 = arith.constant 0 : i32
        %dma_start3A_110 = tpu.memref_slice %arg2[%dma_start3A_108, %dma_start3A_109] : memref<20000x128xf32, #tpu.memory_space<hbm>> -> memref<20000x128xf32, #tpu.memory_space<hbm>>
        tpu.enqueue_indirect_dma source(%dma_start3A_110 : memref<20000x128xf32, #tpu.memory_space<hbm>>) target(%arg12 : memref<200x128xf32, #tpu.memory_space<vmem>>) offsets(%arg8 : memref<200xi32, #tpu.memory_space<vmem>>) semaphore(%arg15 : memref<!tpu.dma_semaphore, #tpu.memory_space<semaphore_mem>>)
        %dma_start3A_111 = arith.constant 0 : i32
        %dma_start3A_112 = arith.constant 0 : i32
        %dma_start3A_113 = tpu.memref_slice %arg2[%dma_start3A_111, %dma_start3A_112] : memref<20000x128xf32, #tpu.memory_space<hbm>> -> memref<20000x128xf32, #tpu.memory_space<hbm>>
        tpu.enqueue_indirect_dma source(%dma_start3A_113 : memref<20000x128xf32, #tpu.memory_space<hbm>>) target(%arg13 : memref<200x128xf32, #tpu.memory_space<vmem>>) offsets(%arg9 : memref<200xi32, #tpu.memory_space<vmem>>) semaphore(%arg15 : memref<!tpu.dma_semaphore, #tpu.memory_space<semaphore_mem>>)
        %le3A_114 = arith.constant 7 : i32
        %le3A_115 = arith.cmpi sle, %mul3A_51, %le3A_114 : i32
        %convert_element_type3A_116 = arith.extui %le3A_115 : i1 to i32
        %cond3A_117 = arith.constant 0 : i32
        %cond3A_118 = arith.cmpi ne, %convert_element_type3A_116, %cond3A_117 : i32
        scf.if %cond3A_118 {
          %add3A_119 = arith.constant 2 : i32
          %add3A_120 = arith.addi %mul3A_51, %add3A_119 : i32
          %mul3A_121 = arith.constant 200 : i32
          %mul3A_122 = arith.muli %add3A_120, %mul3A_121 : i32
          %add3A_123 = arith.addi %add3A_4, %mul3A_122 : i32
          %multiple_of3A_124 = tpu.assume_multiple %add3A_123, 8 : i32
          %dma_start3A_125 = tpu.memref_slice %arg3[%multiple_of3A_124] : memref<320000xi32, #tpu.memory_space<hbm>> -> memref<200xi32, #tpu.memory_space<hbm>>
          %dma_start3A_126 = tpu.memref_slice %arg3[%multiple_of3A_124] : memref<320000xi32, #tpu.memory_space<hbm>> -> memref<200xi32, #tpu.memory_space<hbm>>
          tpu.enqueue_dma source(%dma_start3A_126 : memref<200xi32, #tpu.memory_space<hbm>>) target(%arg6 : memref<200xi32, #tpu.memory_space<vmem>>) target_semaphore(%arg16 : memref<!tpu.dma_semaphore, #tpu.memory_space<semaphore_mem>>)
          %dma_start3A_127 = tpu.memref_slice %arg4[%multiple_of3A_124] : memref<320000xi32, #tpu.memory_space<hbm>> -> memref<200xi32, #tpu.memory_space<hbm>>
          %dma_start3A_128 = tpu.memref_slice %arg4[%multiple_of3A_124] : memref<320000xi32, #tpu.memory_space<hbm>> -> memref<200xi32, #tpu.memory_space<hbm>>
          tpu.enqueue_dma source(%dma_start3A_128 : memref<200xi32, #tpu.memory_space<hbm>>) target(%arg7 : memref<200xi32, #tpu.memory_space<vmem>>) target_semaphore(%arg16 : memref<!tpu.dma_semaphore, #tpu.memory_space<semaphore_mem>>)
        } else {
        }
      } else {
      }
      %parallel_loop3A = arith.constant 0 : i32
      %parallel_loop3A_60 = arith.constant 200 : i32
      %parallel_loop3A_61 = arith.constant 1 : i32
      scf.for %parallel_loop3A_96 = %parallel_loop3A to %parallel_loop3A_60 step %parallel_loop3A_61  : i32 {
        %parallel_loop3A_97 = arith.index_cast %parallel_loop3A_96 : i32 to index
        %parallel_loop3A_98 = arith.constant 0 : index
        %parallel_loop3A_99 = tpu.vector_load %arg10[%parallel_loop3A_97, %parallel_loop3A_98] {strides = array<i32>} : memref<200x128xf32, #tpu.memory_space<vmem>>, vector<1x16xf32>,
        %parallel_loop3A_100 = vector.shape_cast %parallel_loop3A_99 : vector<1x16xf32> to vector<16xf32>
        %parallel_loop3A_101 = arith.index_cast %parallel_loop3A_96 : i32 to index
        %parallel_loop3A_102 = arith.constant 0 : index
        %parallel_loop3A_103 = tpu.vector_load %arg11[%parallel_loop3A_101, %parallel_loop3A_102] {strides = array<i32>} : memref<200x128xf32, #tpu.memory_space<vmem>>, vector<1x16xf32>,
        %parallel_loop3A_104 = vector.shape_cast %parallel_loop3A_103 : vector<1x16xf32> to vector<16xf32>
        %parallel_loop3A_105 = arith.addf %parallel_loop3A_100, %parallel_loop3A_104 : vector<16xf32>
        %parallel_loop3A_106 = arith.index_cast %parallel_loop3A_96 : i32 to index
        %parallel_loop3A_107 = arith.constant 0 : index
        %parallel_loop3A_108 = tpu.vector_load %arg10[%parallel_loop3A_106, %parallel_loop3A_107] {strides = array<i32>} : memref<200x128xf32, #tpu.memory_space<vmem>>, vector<1x16xf32>,
        %parallel_loop3A_109 = vector.shape_cast %parallel_loop3A_108 : vector<1x16xf32> to vector<16xf32>
        %parallel_loop3A_110 = vector.shape_cast %parallel_loop3A_105 : vector<16xf32> to vector<1x16xf32>
        tpu.vector_store %arg10[%parallel_loop3A_106, %parallel_loop3A_107], %parallel_loop3A_110 {strides = array<i32>} : memref<200x128xf32, #tpu.memory_space<vmem>>, vector<1x16xf32>,
        %parallel_loop3A_111 = arith.index_cast %parallel_loop3A_96 : i32 to index
        %parallel_loop3A_112 = arith.constant 16 : index
        %parallel_loop3A_113 = tpu.vector_load %arg10[%parallel_loop3A_111, %parallel_loop3A_112] {strides = array<i32>} : memref<200x128xf32, #tpu.memory_space<vmem>>, vector<1x16xf32>,
        %parallel_loop3A_114 = vector.shape_cast %parallel_loop3A_113 : vector<1x16xf32> to vector<16xf32>
        %parallel_loop3A_115 = arith.index_cast %parallel_loop3A_96 : i32 to index
        %parallel_loop3A_116 = arith.constant 16 : index
        %parallel_loop3A_117 = tpu.vector_load %arg11[%parallel_loop3A_115, %parallel_loop3A_116] {strides = array<i32>} : memref<200x128xf32, #tpu.memory_space<vmem>>, vector<1x16xf32>,
        %parallel_loop3A_118 = vector.shape_cast %parallel_loop3A_117 : vector<1x16xf32> to vector<16xf32>
        %parallel_loop3A_119 = arith.addf %parallel_loop3A_114, %parallel_loop3A_118 : vector<16xf32>
        %parallel_loop3A_120 = arith.index_cast %parallel_loop3A_96 : i32 to index
        %parallel_loop3A_121 = arith.constant 16 : index
        %parallel_loop3A_122 = tpu.vector_load %arg10[%parallel_loop3A_120, %parallel_loop3A_121] {strides = array<i32>} : memref<200x128xf32, #tpu.memory_space<vmem>>, vector<1x16xf32>,
        %parallel_loop3A_123 = vector.shape_cast %parallel_loop3A_122 : vector<1x16xf32> to vector<16xf32>
        %parallel_loop3A_124 = vector.shape_cast %parallel_loop3A_119 : vector<16xf32> to vector<1x16xf32>
        tpu.vector_store %arg10[%parallel_loop3A_120, %parallel_loop3A_121], %parallel_loop3A_124 {strides = array<i32>} : memref<200x128xf32, #tpu.memory_space<vmem>>, vector<1x16xf32>,
        %parallel_loop3A_125 = arith.index_cast %parallel_loop3A_96 : i32 to index
        %parallel_loop3A_126 = arith.constant 32 : index
        %parallel_loop3A_127 = tpu.vector_load %arg10[%parallel_loop3A_125, %parallel_loop3A_126] {strides = array<i32>} : memref<200x128xf32, #tpu.memory_space<vmem>>, vector<1x16xf32>,
        %parallel_loop3A_128 = vector.shape_cast %parallel_loop3A_127 : vector<1x16xf32> to vector<16xf32>
        %parallel_loop3A_129 = arith.index_cast %parallel_loop3A_96 : i32 to index
        %parallel_loop3A_130 = arith.constant 32 : index
        %parallel_loop3A_131 = tpu.vector_load %arg11[%parallel_loop3A_129, %parallel_loop3A_130] {strides = array<i32>} : memref<200x128xf32, #tpu.memory_space<vmem>>, vector<1x16xf32>,
        %parallel_loop3A_132 = vector.shape_cast %parallel_loop3A_131 : vector<1x16xf32> to vector<16xf32>
        %parallel_loop3A_133 = arith.addf %parallel_loop3A_128, %parallel_loop3A_132 : vector<16xf32>
        %parallel_loop3A_134 = arith.index_cast %parallel_loop3A_96 : i32 to index
        %parallel_loop3A_135 = arith.constant 32 : index
        %parallel_loop3A_136 = tpu.vector_load %arg10[%parallel_loop3A_134, %parallel_loop3A_135] {strides = array<i32>} : memref<200x128xf32, #tpu.memory_space<vmem>>, vector<1x16xf32>,
        %parallel_loop3A_137 = vector.shape_cast %parallel_loop3A_136 : vector<1x16xf32> to vector<16xf32>
        %parallel_loop3A_138 = vector.shape_cast %parallel_loop3A_133 : vector<16xf32> to vector<1x16xf32>
        tpu.vector_store %arg10[%parallel_loop3A_134, %parallel_loop3A_135], %parallel_loop3A_138 {strides = array<i32>} : memref<200x128xf32, #tpu.memory_space<vmem>>, vector<1x16xf32>,
        %parallel_loop3A_139 = arith.index_cast %parallel_loop3A_96 : i32 to index
        %parallel_loop3A_140 = arith.constant 48 : index
        %parallel_loop3A_141 = tpu.vector_load %arg10[%parallel_loop3A_139, %parallel_loop3A_140] {strides = array<i32>} : memref<200x128xf32, #tpu.memory_space<vmem>>, vector<1x16xf32>,
        %parallel_loop3A_142 = vector.shape_cast %parallel_loop3A_141 : vector<1x16xf32> to vector<16xf32>
        %parallel_loop3A_143 = arith.index_cast %parallel_loop3A_96 : i32 to index
        %parallel_loop3A_144 = arith.constant 48 : index
        %parallel_loop3A_145 = tpu.vector_load %arg11[%parallel_loop3A_143, %parallel_loop3A_144] {strides = array<i32>} : memref<200x128xf32, #tpu.memory_space<vmem>>, vector<1x16xf32>,
        %parallel_loop3A_146 = vector.shape_cast %parallel_loop3A_145 : vector<1x16xf32> to vector<16xf32>
        %parallel_loop3A_147 = arith.addf %parallel_loop3A_142, %parallel_loop3A_146 : vector<16xf32>
        %parallel_loop3A_148 = arith.index_cast %parallel_loop3A_96 : i32 to index
        %parallel_loop3A_149 = arith.constant 48 : index
        %parallel_loop3A_150 = tpu.vector_load %arg10[%parallel_loop3A_148, %parallel_loop3A_149] {strides = array<i32>} : memref<200x128xf32, #tpu.memory_space<vmem>>, vector<1x16xf32>,
        %parallel_loop3A_151 = vector.shape_cast %parallel_loop3A_150 : vector<1x16xf32> to vector<16xf32>
        %parallel_loop3A_152 = vector.shape_cast %parallel_loop3A_147 : vector<16xf32> to vector<1x16xf32>
        tpu.vector_store %arg10[%parallel_loop3A_148, %parallel_loop3A_149], %parallel_loop3A_152 {strides = array<i32>} : memref<200x128xf32, #tpu.memory_space<vmem>>, vector<1x16xf32>,
        %parallel_loop3A_153 = arith.index_cast %parallel_loop3A_96 : i32 to index
        %parallel_loop3A_154 = arith.constant 64 : index
        %parallel_loop3A_155 = tpu.vector_load %arg10[%parallel_loop3A_153, %parallel_loop3A_154] {strides = array<i32>} : memref<200x128xf32, #tpu.memory_space<vmem>>, vector<1x16xf32>,
        %parallel_loop3A_156 = vector.shape_cast %parallel_loop3A_155 : vector<1x16xf32> to vector<16xf32>
        %parallel_loop3A_157 = arith.index_cast %parallel_loop3A_96 : i32 to index
        %parallel_loop3A_158 = arith.constant 64 : index
        %parallel_loop3A_159 = tpu.vector_load %arg11[%parallel_loop3A_157, %parallel_loop3A_158] {strides = array<i32>} : memref<200x128xf32, #tpu.memory_space<vmem>>, vector<1x16xf32>,
        %parallel_loop3A_160 = vector.shape_cast %parallel_loop3A_159 : vector<1x16xf32> to vector<16xf32>
        %parallel_loop3A_161 = arith.addf %parallel_loop3A_156, %parallel_loop3A_160 : vector<16xf32>
        %parallel_loop3A_162 = arith.index_cast %parallel_loop3A_96 : i32 to index
        %parallel_loop3A_163 = arith.constant 64 : index
        %parallel_loop3A_164 = tpu.vector_load %arg10[%parallel_loop3A_162, %parallel_loop3A_163] {strides = array<i32>} : memref<200x128xf32, #tpu.memory_space<vmem>>, vector<1x16xf32>,
        %parallel_loop3A_165 = vector.shape_cast %parallel_loop3A_164 : vector<1x16xf32> to vector<16xf32>
        %parallel_loop3A_166 = vector.shape_cast %parallel_loop3A_161 : vector<16xf32> to vector<1x16xf32>
        tpu.vector_store %arg10[%parallel_loop3A_162, %parallel_loop3A_163], %parallel_loop3A_166 {strides = array<i32>} : memref<200x128xf32, #tpu.memory_space<vmem>>, vector<1x16xf32>,
        %parallel_loop3A_167 = arith.index_cast %parallel_loop3A_96 : i32 to index
        %parallel_loop3A_168 = arith.constant 80 : index
        %parallel_loop3A_169 = tpu.vector_load %arg10[%parallel_loop3A_167, %parallel_loop3A_168] {strides = array<i32>} : memref<200x128xf32, #tpu.memory_space<vmem>>, vector<1x16xf32>,
        %parallel_loop3A_170 = vector.shape_cast %parallel_loop3A_169 : vector<1x16xf32> to vector<16xf32>
        %parallel_loop3A_171 = arith.index_cast %parallel_loop3A_96 : i32 to index
        %parallel_loop3A_172 = arith.constant 80 : index
        %parallel_loop3A_173 = tpu.vector_load %arg11[%parallel_loop3A_171, %parallel_loop3A_172] {strides = array<i32>} : memref<200x128xf32, #tpu.memory_space<vmem>>, vector<1x16xf32>,
        %parallel_loop3A_174 = vector.shape_cast %parallel_loop3A_173 : vector<1x16xf32> to vector<16xf32>
        %parallel_loop3A_175 = arith.addf %parallel_loop3A_170, %parallel_loop3A_174 : vector<16xf32>
        %parallel_loop3A_176 = arith.index_cast %parallel_loop3A_96 : i32 to index
        %parallel_loop3A_177 = arith.constant 80 : index
        %parallel_loop3A_178 = tpu.vector_load %arg10[%parallel_loop3A_176, %parallel_loop3A_177] {strides = array<i32>} : memref<200x128xf32, #tpu.memory_space<vmem>>, vector<1x16xf32>,
        %parallel_loop3A_179 = vector.shape_cast %parallel_loop3A_178 : vector<1x16xf32> to vector<16xf32>
        %parallel_loop3A_180 = vector.shape_cast %parallel_loop3A_175 : vector<16xf32> to vector<1x16xf32>
        tpu.vector_store %arg10[%parallel_loop3A_176, %parallel_loop3A_177], %parallel_loop3A_180 {strides = array<i32>} : memref<200x128xf32, #tpu.memory_space<vmem>>, vector<1x16xf32>,
        %parallel_loop3A_181 = arith.index_cast %parallel_loop3A_96 : i32 to index
        %parallel_loop3A_182 = arith.constant 96 : index
        %parallel_loop3A_183 = tpu.vector_load %arg10[%parallel_loop3A_181, %parallel_loop3A_182] {strides = array<i32>} : memref<200x128xf32, #tpu.memory_space<vmem>>, vector<1x16xf32>,
        %parallel_loop3A_184 = vector.shape_cast %parallel_loop3A_183 : vector<1x16xf32> to vector<16xf32>
        %parallel_loop3A_185 = arith.index_cast %parallel_loop3A_96 : i32 to index
        %parallel_loop3A_186 = arith.constant 96 : index
        %parallel_loop3A_187 = tpu.vector_load %arg11[%parallel_loop3A_185, %parallel_loop3A_186] {strides = array<i32>} : memref<200x128xf32, #tpu.memory_space<vmem>>, vector<1x16xf32>,
        %parallel_loop3A_188 = vector.shape_cast %parallel_loop3A_187 : vector<1x16xf32> to vector<16xf32>
        %parallel_loop3A_189 = arith.addf %parallel_loop3A_184, %parallel_loop3A_188 : vector<16xf32>
        %parallel_loop3A_190 = arith.index_cast %parallel_loop3A_96 : i32 to index
        %parallel_loop3A_191 = arith.constant 96 : index
        %parallel_loop3A_192 = tpu.vector_load %arg10[%parallel_loop3A_190, %parallel_loop3A_191] {strides = array<i32>} : memref<200x128xf32, #tpu.memory_space<vmem>>, vector<1x16xf32>,
        %parallel_loop3A_193 = vector.shape_cast %parallel_loop3A_192 : vector<1x16xf32> to vector<16xf32>
        %parallel_loop3A_194 = vector.shape_cast %parallel_loop3A_189 : vector<16xf32> to vector<1x16xf32>
        tpu.vector_store %arg10[%parallel_loop3A_190, %parallel_loop3A_191], %parallel_loop3A_194 {strides = array<i32>} : memref<200x128xf32, #tpu.memory_space<vmem>>, vector<1x16xf32>,
        %parallel_loop3A_195 = arith.index_cast %parallel_loop3A_96 : i32 to index
        %parallel_loop3A_196 = arith.constant 112 : index
        %parallel_loop3A_197 = tpu.vector_load %arg10[%parallel_loop3A_195, %parallel_loop3A_196] {strides = array<i32>} : memref<200x128xf32, #tpu.memory_space<vmem>>, vector<1x16xf32>,
        %parallel_loop3A_198 = vector.shape_cast %parallel_loop3A_197 : vector<1x16xf32> to vector<16xf32>
        %parallel_loop3A_199 = arith.index_cast %parallel_loop3A_96 : i32 to index
        %parallel_loop3A_200 = arith.constant 112 : index
        %parallel_loop3A_201 = tpu.vector_load %arg11[%parallel_loop3A_199, %parallel_loop3A_200] {strides = array<i32>} : memref<200x128xf32, #tpu.memory_space<vmem>>, vector<1x16xf32>,
        %parallel_loop3A_202 = vector.shape_cast %parallel_loop3A_201 : vector<1x16xf32> to vector<16xf32>
        %parallel_loop3A_203 = arith.addf %parallel_loop3A_198, %parallel_loop3A_202 : vector<16xf32>
        %parallel_loop3A_204 = arith.index_cast %parallel_loop3A_96 : i32 to index
        %parallel_loop3A_205 = arith.constant 112 : index
        %parallel_loop3A_206 = tpu.vector_load %arg10[%parallel_loop3A_204, %parallel_loop3A_205] {strides = array<i32>} : memref<200x128xf32, #tpu.memory_space<vmem>>, vector<1x16xf32>,
        %parallel_loop3A_207 = vector.shape_cast %parallel_loop3A_206 : vector<1x16xf32> to vector<16xf32>
        %parallel_loop3A_208 = vector.shape_cast %parallel_loop3A_203 : vector<16xf32> to vector<1x16xf32>
        tpu.vector_store %arg10[%parallel_loop3A_204, %parallel_loop3A_205], %parallel_loop3A_208 {strides = array<i32>} : memref<200x128xf32, #tpu.memory_space<vmem>>, vector<1x16xf32>,
      } {sc.loop_unroll_factor = 4 : i64, sc.parallel_access}
      %mul3A_62 = arith.constant 200 : i32
      %mul3A_63 = arith.muli %mul3A_51, %mul3A_62 : i32
      %add3A_64 = arith.addi %mul3A_6, %mul3A_63 : i32
      %multiple_of3A_65 = tpu.assume_multiple %add3A_64, 8 : i32
      %dma_start3A_66 = arith.constant 0 : i32
      %dma_start3A_67 = tpu.memref_slice %arg5[%multiple_of3A_65, %dma_start3A_66] : memref<64000x128xf32, #tpu.memory_space<hbm>> -> memref<200x128xf32, #tpu.memory_space<hbm>>
      %dma_start3A_68 = arith.constant 0 : i32
      %dma_start3A_69 = tpu.memref_slice %arg5[%multiple_of3A_65, %dma_start3A_68] : memref<64000x128xf32, #tpu.memory_space<hbm>> -> memref<200x128xf32, #tpu.memory_space<hbm>>
      tpu.enqueue_dma source(%arg10 : memref<200x128xf32, #tpu.memory_space<vmem>>) target(%dma_start3A_69 : memref<200x128xf32, #tpu.memory_space<hbm>>) target_semaphore(%arg18 : memref<!tpu.dma_semaphore, #tpu.memory_space<semaphore_mem>>)
      %mul3A_70 = arith.constant 2 : i32
      %mul3A_71 = arith.muli %mul3A_70, %scan3A_49 : i32
      %add3A_72 = arith.constant 1 : i32
      %add3A_73 = arith.addi %mul3A_71, %add3A_72 : i32
      %dma_wait3A_74 = arith.constant 0 : i32
      %dma_wait3A_75 = arith.constant 0 : i32
      %dma_wait3A_76 = tpu.memref_slice %arg2[%dma_wait3A_74, %dma_wait3A_75] : memref<20000x128xf32, #tpu.memory_space<hbm>> -> memref<20000x128xf32, #tpu.memory_space<hbm>>
      tpu.wait_indirect_dma semaphore(%arg15 : memref<!tpu.dma_semaphore, #tpu.memory_space<semaphore_mem>>) src(%dma_wait3A_76 : memref<20000x128xf32, #tpu.memory_space<hbm>>) dst(%arg12 : memref<200x128xf32, #tpu.memory_space<vmem>>)
      %dma_wait3A_77 = arith.constant 0 : i32
      %dma_wait3A_78 = arith.constant 0 : i32
      %dma_wait3A_79 = tpu.memref_slice %arg2[%dma_wait3A_77, %dma_wait3A_78] : memref<20000x128xf32, #tpu.memory_space<hbm>> -> memref<20000x128xf32, #tpu.memory_space<hbm>>
      tpu.wait_indirect_dma semaphore(%arg15 : memref<!tpu.dma_semaphore, #tpu.memory_space<semaphore_mem>>) src(%dma_wait3A_79 : memref<20000x128xf32, #tpu.memory_space<hbm>>) dst(%arg13 : memref<200x128xf32, #tpu.memory_space<vmem>>)
      %le3A_80 = arith.constant 8 : i32
      %le3A_81 = arith.cmpi sle, %add3A_73, %le3A_80 : i32
      %convert_element_type3A_82 = arith.extui %le3A_81 : i1 to i32
      %cond3A_83 = arith.constant 0 : i32
      %cond3A_84 = arith.cmpi ne, %convert_element_type3A_82, %cond3A_83 : i32
      scf.if %cond3A_84 {
        %dma_wait3A_96 = arith.constant 0 : i32
        %dma_wait3A_97 = tpu.memref_slice %arg3[%dma_wait3A_96] : memref<320000xi32, #tpu.memory_space<hbm>> -> memref<200xi32, #tpu.memory_space<hbm>>
        %dma_wait3A_98 = arith.constant 0 : i32
        %dma_wait3A_99 = tpu.memref_slice %arg3[%dma_wait3A_98] : memref<320000xi32, #tpu.memory_space<hbm>> -> memref<200xi32, #tpu.memory_space<hbm>>
        tpu.wait_dma2 semaphore(%arg16 : memref<!tpu.dma_semaphore, #tpu.memory_space<semaphore_mem>>) src(%dma_wait3A_99 : memref<200xi32, #tpu.memory_space<hbm>>) dst(%arg6 : memref<200xi32, #tpu.memory_space<vmem>>)
        %dma_wait3A_100 = arith.constant 0 : i32
        %dma_wait3A_101 = tpu.memref_slice %arg4[%dma_wait3A_100] : memref<320000xi32, #tpu.memory_space<hbm>> -> memref<200xi32, #tpu.memory_space<hbm>>
        %dma_wait3A_102 = arith.constant 0 : i32
        %dma_wait3A_103 = tpu.memref_slice %arg4[%dma_wait3A_102] : memref<320000xi32, #tpu.memory_space<hbm>> -> memref<200xi32, #tpu.memory_space<hbm>>
        tpu.wait_dma2 semaphore(%arg16 : memref<!tpu.dma_semaphore, #tpu.memory_space<semaphore_mem>>) src(%dma_wait3A_103 : memref<200xi32, #tpu.memory_space<hbm>>) dst(%arg7 : memref<200xi32, #tpu.memory_space<vmem>>)
        %ge3A = arith.constant 1 : i32
        %ge3A_104 = arith.cmpi sge, %add3A_73, %ge3A : i32
        %convert_element_type3A_105 = arith.extui %ge3A_104 : i1 to i32
        %cond3A_106 = arith.constant 0 : i32
        %cond3A_107 = arith.cmpi ne, %convert_element_type3A_105, %cond3A_106 : i32
        scf.if %cond3A_107 {
          %dma_wait3A_119 = arith.constant 0 : i32
          %dma_wait3A_120 = arith.constant 0 : i32
          %dma_wait3A_121 = tpu.memref_slice %arg5[%dma_wait3A_119, %dma_wait3A_120] : memref<64000x128xf32, #tpu.memory_space<hbm>> -> memref<200x128xf32, #tpu.memory_space<hbm>>
          %dma_wait3A_122 = arith.constant 0 : i32
          %dma_wait3A_123 = arith.constant 0 : i32
          %dma_wait3A_124 = tpu.memref_slice %arg5[%dma_wait3A_122, %dma_wait3A_123] : memref<64000x128xf32, #tpu.memory_space<hbm>> -> memref<200x128xf32, #tpu.memory_space<hbm>>
          tpu.wait_dma2 semaphore(%arg18 : memref<!tpu.dma_semaphore, #tpu.memory_space<semaphore_mem>>) src(%arg10 : memref<200x128xf32, #tpu.memory_space<vmem>>) dst(%dma_wait3A_124 : memref<200x128xf32, #tpu.memory_space<hbm>>)
        } else {
        }
        %dma_start3A_108 = arith.constant 0 : i32
        %dma_start3A_109 = arith.constant 0 : i32
        %dma_start3A_110 = tpu.memref_slice %arg2[%dma_start3A_108, %dma_start3A_109] : memref<20000x128xf32, #tpu.memory_space<hbm>> -> memref<20000x128xf32, #tpu.memory_space<hbm>>
        tpu.enqueue_indirect_dma source(%dma_start3A_110 : memref<20000x128xf32, #tpu.memory_space<hbm>>) target(%arg10 : memref<200x128xf32, #tpu.memory_space<vmem>>) offsets(%arg6 : memref<200xi32, #tpu.memory_space<vmem>>) semaphore(%arg14 : memref<!tpu.dma_semaphore, #tpu.memory_space<semaphore_mem>>)
        %dma_start3A_111 = arith.constant 0 : i32
        %dma_start3A_112 = arith.constant 0 : i32
        %dma_start3A_113 = tpu.memref_slice %arg2[%dma_start3A_111, %dma_start3A_112] : memref<20000x128xf32, #tpu.memory_space<hbm>> -> memref<20000x128xf32, #tpu.memory_space<hbm>>
        tpu.enqueue_indirect_dma source(%dma_start3A_113 : memref<20000x128xf32, #tpu.memory_space<hbm>>) target(%arg11 : memref<200x128xf32, #tpu.memory_space<vmem>>) offsets(%arg7 : memref<200xi32, #tpu.memory_space<vmem>>) semaphore(%arg14 : memref<!tpu.dma_semaphore, #tpu.memory_space<semaphore_mem>>)
        %le3A_114 = arith.constant 7 : i32
        %le3A_115 = arith.cmpi sle, %add3A_73, %le3A_114 : i32
        %convert_element_type3A_116 = arith.extui %le3A_115 : i1 to i32
        %cond3A_117 = arith.constant 0 : i32
        %cond3A_118 = arith.cmpi ne, %convert_element_type3A_116, %cond3A_117 : i32
        scf.if %cond3A_118 {
          %add3A_119 = arith.constant 2 : i32
          %add3A_120 = arith.addi %add3A_73, %add3A_119 : i32
          %mul3A_121 = arith.constant 200 : i32
          %mul3A_122 = arith.muli %add3A_120, %mul3A_121 : i32
          %add3A_123 = arith.addi %add3A_4, %mul3A_122 : i32
          %multiple_of3A_124 = tpu.assume_multiple %add3A_123, 8 : i32
          %dma_start3A_125 = tpu.memref_slice %arg3[%multiple_of3A_124] : memref<320000xi32, #tpu.memory_space<hbm>> -> memref<200xi32, #tpu.memory_space<hbm>>
          %dma_start3A_126 = tpu.memref_slice %arg3[%multiple_of3A_124] : memref<320000xi32, #tpu.memory_space<hbm>> -> memref<200xi32, #tpu.memory_space<hbm>>
          tpu.enqueue_dma source(%dma_start3A_126 : memref<200xi32, #tpu.memory_space<hbm>>) target(%arg8 : memref<200xi32, #tpu.memory_space<vmem>>) target_semaphore(%arg17 : memref<!tpu.dma_semaphore, #tpu.memory_space<semaphore_mem>>)
          %dma_start3A_127 = tpu.memref_slice %arg4[%multiple_of3A_124] : memref<320000xi32, #tpu.memory_space<hbm>> -> memref<200xi32, #tpu.memory_space<hbm>>
          %dma_start3A_128 = tpu.memref_slice %arg4[%multiple_of3A_124] : memref<320000xi32, #tpu.memory_space<hbm>> -> memref<200xi32, #tpu.memory_space<hbm>>
          tpu.enqueue_dma source(%dma_start3A_128 : memref<200xi32, #tpu.memory_space<hbm>>) target(%arg9 : memref<200xi32, #tpu.memory_space<vmem>>) target_semaphore(%arg17 : memref<!tpu.dma_semaphore, #tpu.memory_space<semaphore_mem>>)
        } else {
        }
      } else {
      }
      %parallel_loop3A_85 = arith.constant 0 : i32
      %parallel_loop3A_86 = arith.constant 200 : i32
      %parallel_loop3A_87 = arith.constant 1 : i32
      scf.for %parallel_loop3A_96 = %parallel_loop3A_85 to %parallel_loop3A_86 step %parallel_loop3A_87  : i32 {
        %parallel_loop3A_97 = arith.index_cast %parallel_loop3A_96 : i32 to index
        %parallel_loop3A_98 = arith.constant 0 : index
        %parallel_loop3A_99 = tpu.vector_load %arg12[%parallel_loop3A_97, %parallel_loop3A_98] {strides = array<i32>} : memref<200x128xf32, #tpu.memory_space<vmem>>, vector<1x16xf32>,
        %parallel_loop3A_100 = vector.shape_cast %parallel_loop3A_99 : vector<1x16xf32> to vector<16xf32>
        %parallel_loop3A_101 = arith.index_cast %parallel_loop3A_96 : i32 to index
        %parallel_loop3A_102 = arith.constant 0 : index
        %parallel_loop3A_103 = tpu.vector_load %arg13[%parallel_loop3A_101, %parallel_loop3A_102] {strides = array<i32>} : memref<200x128xf32, #tpu.memory_space<vmem>>, vector<1x16xf32>,
        %parallel_loop3A_104 = vector.shape_cast %parallel_loop3A_103 : vector<1x16xf32> to vector<16xf32>
        %parallel_loop3A_105 = arith.addf %parallel_loop3A_100, %parallel_loop3A_104 : vector<16xf32>
        %parallel_loop3A_106 = arith.index_cast %parallel_loop3A_96 : i32 to index
        %parallel_loop3A_107 = arith.constant 0 : index
        %parallel_loop3A_108 = tpu.vector_load %arg12[%parallel_loop3A_106, %parallel_loop3A_107] {strides = array<i32>} : memref<200x128xf32, #tpu.memory_space<vmem>>, vector<1x16xf32>,
        %parallel_loop3A_109 = vector.shape_cast %parallel_loop3A_108 : vector<1x16xf32> to vector<16xf32>
        %parallel_loop3A_110 = vector.shape_cast %parallel_loop3A_105 : vector<16xf32> to vector<1x16xf32>
        tpu.vector_store %arg12[%parallel_loop3A_106, %parallel_loop3A_107], %parallel_loop3A_110 {strides = array<i32>} : memref<200x128xf32, #tpu.memory_space<vmem>>, vector<1x16xf32>,
        %parallel_loop3A_111 = arith.index_cast %parallel_loop3A_96 : i32 to index
        %parallel_loop3A_112 = arith.constant 16 : index
        %parallel_loop3A_113 = tpu.vector_load %arg12[%parallel_loop3A_111, %parallel_loop3A_112] {strides = array<i32>} : memref<200x128xf32, #tpu.memory_space<vmem>>, vector<1x16xf32>,
        %parallel_loop3A_114 = vector.shape_cast %parallel_loop3A_113 : vector<1x16xf32> to vector<16xf32>
        %parallel_loop3A_115 = arith.index_cast %parallel_loop3A_96 : i32 to index
        %parallel_loop3A_116 = arith.constant 16 : index
        %parallel_loop3A_117 = tpu.vector_load %arg13[%parallel_loop3A_115, %parallel_loop3A_116] {strides = array<i32>} : memref<200x128xf32, #tpu.memory_space<vmem>>, vector<1x16xf32>,
        %parallel_loop3A_118 = vector.shape_cast %parallel_loop3A_117 : vector<1x16xf32> to vector<16xf32>
        %parallel_loop3A_119 = arith.addf %parallel_loop3A_114, %parallel_loop3A_118 : vector<16xf32>
        %parallel_loop3A_120 = arith.index_cast %parallel_loop3A_96 : i32 to index
        %parallel_loop3A_121 = arith.constant 16 : index
        %parallel_loop3A_122 = tpu.vector_load %arg12[%parallel_loop3A_120, %parallel_loop3A_121] {strides = array<i32>} : memref<200x128xf32, #tpu.memory_space<vmem>>, vector<1x16xf32>,
        %parallel_loop3A_123 = vector.shape_cast %parallel_loop3A_122 : vector<1x16xf32> to vector<16xf32>
        %parallel_loop3A_124 = vector.shape_cast %parallel_loop3A_119 : vector<16xf32> to vector<1x16xf32>
        tpu.vector_store %arg12[%parallel_loop3A_120, %parallel_loop3A_121], %parallel_loop3A_124 {strides = array<i32>} : memref<200x128xf32, #tpu.memory_space<vmem>>, vector<1x16xf32>,
        %parallel_loop3A_125 = arith.index_cast %parallel_loop3A_96 : i32 to index
        %parallel_loop3A_126 = arith.constant 32 : index
        %parallel_loop3A_127 = tpu.vector_load %arg12[%parallel_loop3A_125, %parallel_loop3A_126] {strides = array<i32>} : memref<200x128xf32, #tpu.memory_space<vmem>>, vector<1x16xf32>,
        %parallel_loop3A_128 = vector.shape_cast %parallel_loop3A_127 : vector<1x16xf32> to vector<16xf32>
        %parallel_loop3A_129 = arith.index_cast %parallel_loop3A_96 : i32 to index
        %parallel_loop3A_130 = arith.constant 32 : index
        %parallel_loop3A_131 = tpu.vector_load %arg13[%parallel_loop3A_129, %parallel_loop3A_130] {strides = array<i32>} : memref<200x128xf32, #tpu.memory_space<vmem>>, vector<1x16xf32>,
        %parallel_loop3A_132 = vector.shape_cast %parallel_loop3A_131 : vector<1x16xf32> to vector<16xf32>
        %parallel_loop3A_133 = arith.addf %parallel_loop3A_128, %parallel_loop3A_132 : vector<16xf32>
        %parallel_loop3A_134 = arith.index_cast %parallel_loop3A_96 : i32 to index
        %parallel_loop3A_135 = arith.constant 32 : index
        %parallel_loop3A_136 = tpu.vector_load %arg12[%parallel_loop3A_134, %parallel_loop3A_135] {strides = array<i32>} : memref<200x128xf32, #tpu.memory_space<vmem>>, vector<1x16xf32>,
        %parallel_loop3A_137 = vector.shape_cast %parallel_loop3A_136 : vector<1x16xf32> to vector<16xf32>
        %parallel_loop3A_138 = vector.shape_cast %parallel_loop3A_133 : vector<16xf32> to vector<1x16xf32>
        tpu.vector_store %arg12[%parallel_loop3A_134, %parallel_loop3A_135], %parallel_loop3A_138 {strides = array<i32>} : memref<200x128xf32, #tpu.memory_space<vmem>>, vector<1x16xf32>,
        %parallel_loop3A_139 = arith.index_cast %parallel_loop3A_96 : i32 to index
        %parallel_loop3A_140 = arith.constant 48 : index
        %parallel_loop3A_141 = tpu.vector_load %arg12[%parallel_loop3A_139, %parallel_loop3A_140] {strides = array<i32>} : memref<200x128xf32, #tpu.memory_space<vmem>>, vector<1x16xf32>,
        %parallel_loop3A_142 = vector.shape_cast %parallel_loop3A_141 : vector<1x16xf32> to vector<16xf32>
        %parallel_loop3A_143 = arith.index_cast %parallel_loop3A_96 : i32 to index
        %parallel_loop3A_144 = arith.constant 48 : index
        %parallel_loop3A_145 = tpu.vector_load %arg13[%parallel_loop3A_143, %parallel_loop3A_144] {strides = array<i32>} : memref<200x128xf32, #tpu.memory_space<vmem>>, vector<1x16xf32>,
        %parallel_loop3A_146 = vector.shape_cast %parallel_loop3A_145 : vector<1x16xf32> to vector<16xf32>
        %parallel_loop3A_147 = arith.addf %parallel_loop3A_142, %parallel_loop3A_146 : vector<16xf32>
        %parallel_loop3A_148 = arith.index_cast %parallel_loop3A_96 : i32 to index
        %parallel_loop3A_149 = arith.constant 48 : index
        %parallel_loop3A_150 = tpu.vector_load %arg12[%parallel_loop3A_148, %parallel_loop3A_149] {strides = array<i32>} : memref<200x128xf32, #tpu.memory_space<vmem>>, vector<1x16xf32>,
        %parallel_loop3A_151 = vector.shape_cast %parallel_loop3A_150 : vector<1x16xf32> to vector<16xf32>
        %parallel_loop3A_152 = vector.shape_cast %parallel_loop3A_147 : vector<16xf32> to vector<1x16xf32>
        tpu.vector_store %arg12[%parallel_loop3A_148, %parallel_loop3A_149], %parallel_loop3A_152 {strides = array<i32>} : memref<200x128xf32, #tpu.memory_space<vmem>>, vector<1x16xf32>,
        %parallel_loop3A_153 = arith.index_cast %parallel_loop3A_96 : i32 to index
        %parallel_loop3A_154 = arith.constant 64 : index
        %parallel_loop3A_155 = tpu.vector_load %arg12[%parallel_loop3A_153, %parallel_loop3A_154] {strides = array<i32>} : memref<200x128xf32, #tpu.memory_space<vmem>>, vector<1x16xf32>,
        %parallel_loop3A_156 = vector.shape_cast %parallel_loop3A_155 : vector<1x16xf32> to vector<16xf32>
        %parallel_loop3A_157 = arith.index_cast %parallel_loop3A_96 : i32 to index
        %parallel_loop3A_158 = arith.constant 64 : index
        %parallel_loop3A_159 = tpu.vector_load %arg13[%parallel_loop3A_157, %parallel_loop3A_158] {strides = array<i32>} : memref<200x128xf32, #tpu.memory_space<vmem>>, vector<1x16xf32>,
        %parallel_loop3A_160 = vector.shape_cast %parallel_loop3A_159 : vector<1x16xf32> to vector<16xf32>
        %parallel_loop3A_161 = arith.addf %parallel_loop3A_156, %parallel_loop3A_160 : vector<16xf32>
        %parallel_loop3A_162 = arith.index_cast %parallel_loop3A_96 : i32 to index
        %parallel_loop3A_163 = arith.constant 64 : index
        %parallel_loop3A_164 = tpu.vector_load %arg12[%parallel_loop3A_162, %parallel_loop3A_163] {strides = array<i32>} : memref<200x128xf32, #tpu.memory_space<vmem>>, vector<1x16xf32>,
        %parallel_loop3A_165 = vector.shape_cast %parallel_loop3A_164 : vector<1x16xf32> to vector<16xf32>
        %parallel_loop3A_166 = vector.shape_cast %parallel_loop3A_161 : vector<16xf32> to vector<1x16xf32>
        tpu.vector_store %arg12[%parallel_loop3A_162, %parallel_loop3A_163], %parallel_loop3A_166 {strides = array<i32>} : memref<200x128xf32, #tpu.memory_space<vmem>>, vector<1x16xf32>,
        %parallel_loop3A_167 = arith.index_cast %parallel_loop3A_96 : i32 to index
        %parallel_loop3A_168 = arith.constant 80 : index
        %parallel_loop3A_169 = tpu.vector_load %arg12[%parallel_loop3A_167, %parallel_loop3A_168] {strides = array<i32>} : memref<200x128xf32, #tpu.memory_space<vmem>>, vector<1x16xf32>,
        %parallel_loop3A_170 = vector.shape_cast %parallel_loop3A_169 : vector<1x16xf32> to vector<16xf32>
        %parallel_loop3A_171 = arith.index_cast %parallel_loop3A_96 : i32 to index
        %parallel_loop3A_172 = arith.constant 80 : index
        %parallel_loop3A_173 = tpu.vector_load %arg13[%parallel_loop3A_171, %parallel_loop3A_172] {strides = array<i32>} : memref<200x128xf32, #tpu.memory_space<vmem>>, vector<1x16xf32>,
        %parallel_loop3A_174 = vector.shape_cast %parallel_loop3A_173 : vector<1x16xf32> to vector<16xf32>
        %parallel_loop3A_175 = arith.addf %parallel_loop3A_170, %parallel_loop3A_174 : vector<16xf32>
        %parallel_loop3A_176 = arith.index_cast %parallel_loop3A_96 : i32 to index
        %parallel_loop3A_177 = arith.constant 80 : index
        %parallel_loop3A_178 = tpu.vector_load %arg12[%parallel_loop3A_176, %parallel_loop3A_177] {strides = array<i32>} : memref<200x128xf32, #tpu.memory_space<vmem>>, vector<1x16xf32>,
        %parallel_loop3A_179 = vector.shape_cast %parallel_loop3A_178 : vector<1x16xf32> to vector<16xf32>
        %parallel_loop3A_180 = vector.shape_cast %parallel_loop3A_175 : vector<16xf32> to vector<1x16xf32>
        tpu.vector_store %arg12[%parallel_loop3A_176, %parallel_loop3A_177], %parallel_loop3A_180 {strides = array<i32>} : memref<200x128xf32, #tpu.memory_space<vmem>>, vector<1x16xf32>,
        %parallel_loop3A_181 = arith.index_cast %parallel_loop3A_96 : i32 to index
        %parallel_loop3A_182 = arith.constant 96 : index
        %parallel_loop3A_183 = tpu.vector_load %arg12[%parallel_loop3A_181, %parallel_loop3A_182] {strides = array<i32>} : memref<200x128xf32, #tpu.memory_space<vmem>>, vector<1x16xf32>,
        %parallel_loop3A_184 = vector.shape_cast %parallel_loop3A_183 : vector<1x16xf32> to vector<16xf32>
        %parallel_loop3A_185 = arith.index_cast %parallel_loop3A_96 : i32 to index
        %parallel_loop3A_186 = arith.constant 96 : index
        %parallel_loop3A_187 = tpu.vector_load %arg13[%parallel_loop3A_185, %parallel_loop3A_186] {strides = array<i32>} : memref<200x128xf32, #tpu.memory_space<vmem>>, vector<1x16xf32>,
        %parallel_loop3A_188 = vector.shape_cast %parallel_loop3A_187 : vector<1x16xf32> to vector<16xf32>
        %parallel_loop3A_189 = arith.addf %parallel_loop3A_184, %parallel_loop3A_188 : vector<16xf32>
        %parallel_loop3A_190 = arith.index_cast %parallel_loop3A_96 : i32 to index
        %parallel_loop3A_191 = arith.constant 96 : index
        %parallel_loop3A_192 = tpu.vector_load %arg12[%parallel_loop3A_190, %parallel_loop3A_191] {strides = array<i32>} : memref<200x128xf32, #tpu.memory_space<vmem>>, vector<1x16xf32>,
        %parallel_loop3A_193 = vector.shape_cast %parallel_loop3A_192 : vector<1x16xf32> to vector<16xf32>
        %parallel_loop3A_194 = vector.shape_cast %parallel_loop3A_189 : vector<16xf32> to vector<1x16xf32>
        tpu.vector_store %arg12[%parallel_loop3A_190, %parallel_loop3A_191], %parallel_loop3A_194 {strides = array<i32>} : memref<200x128xf32, #tpu.memory_space<vmem>>, vector<1x16xf32>,
        %parallel_loop3A_195 = arith.index_cast %parallel_loop3A_96 : i32 to index
        %parallel_loop3A_196 = arith.constant 112 : index
        %parallel_loop3A_197 = tpu.vector_load %arg12[%parallel_loop3A_195, %parallel_loop3A_196] {strides = array<i32>} : memref<200x128xf32, #tpu.memory_space<vmem>>, vector<1x16xf32>,
        %parallel_loop3A_198 = vector.shape_cast %parallel_loop3A_197 : vector<1x16xf32> to vector<16xf32>
        %parallel_loop3A_199 = arith.index_cast %parallel_loop3A_96 : i32 to index
        %parallel_loop3A_200 = arith.constant 112 : index
        %parallel_loop3A_201 = tpu.vector_load %arg13[%parallel_loop3A_199, %parallel_loop3A_200] {strides = array<i32>} : memref<200x128xf32, #tpu.memory_space<vmem>>, vector<1x16xf32>,
        %parallel_loop3A_202 = vector.shape_cast %parallel_loop3A_201 : vector<1x16xf32> to vector<16xf32>
        %parallel_loop3A_203 = arith.addf %parallel_loop3A_198, %parallel_loop3A_202 : vector<16xf32>
        %parallel_loop3A_204 = arith.index_cast %parallel_loop3A_96 : i32 to index
        %parallel_loop3A_205 = arith.constant 112 : index
        %parallel_loop3A_206 = tpu.vector_load %arg12[%parallel_loop3A_204, %parallel_loop3A_205] {strides = array<i32>} : memref<200x128xf32, #tpu.memory_space<vmem>>, vector<1x16xf32>,
        %parallel_loop3A_207 = vector.shape_cast %parallel_loop3A_206 : vector<1x16xf32> to vector<16xf32>
        %parallel_loop3A_208 = vector.shape_cast %parallel_loop3A_203 : vector<16xf32> to vector<1x16xf32>
        tpu.vector_store %arg12[%parallel_loop3A_204, %parallel_loop3A_205], %parallel_loop3A_208 {strides = array<i32>} : memref<200x128xf32, #tpu.memory_space<vmem>>, vector<1x16xf32>,
      } {sc.loop_unroll_factor = 4 : i64, sc.parallel_access}
      %mul3A_88 = arith.constant 200 : i32
      %mul3A_89 = arith.muli %add3A_73, %mul3A_88 : i32
      %add3A_90 = arith.addi %mul3A_6, %mul3A_89 : i32
      %multiple_of3A_91 = tpu.assume_multiple %add3A_90, 8 : i32
      %dma_start3A_92 = arith.constant 0 : i32
      %dma_start3A_93 = tpu.memref_slice %arg5[%multiple_of3A_91, %dma_start3A_92] : memref<64000x128xf32, #tpu.memory_space<hbm>> -> memref<200x128xf32, #tpu.memory_space<hbm>>
      %dma_start3A_94 = arith.constant 0 : i32
      %dma_start3A_95 = tpu.memref_slice %arg5[%multiple_of3A_91, %dma_start3A_94] : memref<64000x128xf32, #tpu.memory_space<hbm>> -> memref<200x128xf32, #tpu.memory_space<hbm>>
      tpu.enqueue_dma source(%arg12 : memref<200x128xf32, #tpu.memory_space<vmem>>) target(%dma_start3A_95 : memref<200x128xf32, #tpu.memory_space<hbm>>) target_semaphore(%arg19 : memref<!tpu.dma_semaphore, #tpu.memory_space<semaphore_mem>>)
    }
    %scan3A_36 = arith.constant 5 : i32
    %dma_wait3A_37 = arith.constant 0 : i32
    %dma_wait3A_38 = arith.constant 0 : i32
    %dma_wait3A_39 = tpu.memref_slice %arg5[%dma_wait3A_37, %dma_wait3A_38] : memref<64000x128xf32, #tpu.memory_space<hbm>> -> memref<200x128xf32, #tpu.memory_space<hbm>>
    %dma_wait3A_40 = arith.constant 0 : i32
    %dma_wait3A_41 = arith.constant 0 : i32
    %dma_wait3A_42 = tpu.memref_slice %arg5[%dma_wait3A_40, %dma_wait3A_41] : memref<64000x128xf32, #tpu.memory_space<hbm>> -> memref<200x128xf32, #tpu.memory_space<hbm>>
    tpu.wait_dma2 semaphore(%arg18 : memref<!tpu.dma_semaphore, #tpu.memory_space<semaphore_mem>>) src(%arg10 : memref<200x128xf32, #tpu.memory_space<vmem>>) dst(%dma_wait3A_42 : memref<200x128xf32, #tpu.memory_space<hbm>>)
    %dma_wait3A_43 = arith.constant 0 : i32
    %dma_wait3A_44 = arith.constant 0 : i32
    %dma_wait3A_45 = tpu.memref_slice %arg5[%dma_wait3A_43, %dma_wait3A_44] : memref<64000x128xf32, #tpu.memory_space<hbm>> -> memref<200x128xf32, #tpu.memory_space<hbm>>
    %dma_wait3A_46 = arith.constant 0 : i32
    %dma_wait3A_47 = arith.constant 0 : i32
    %dma_wait3A_48 = tpu.memref_slice %arg5[%dma_wait3A_46, %dma_wait3A_47] : memref<64000x128xf32, #tpu.memory_space<hbm>> -> memref<200x128xf32, #tpu.memory_space<hbm>>
    tpu.wait_dma2 semaphore(%arg19 : memref<!tpu.dma_semaphore, #tpu.memory_space<semaphore_mem>>) src(%arg12 : memref<200x128xf32, #tpu.memory_space<vmem>>) dst(%dma_wait3A_48 : memref<200x128xf32, #tpu.memory_space<hbm>>)
    return
  }
}

#map = affine_map<(d0, d1) -> (0, 0)>
#map1 = affine_map<(d0, d1) -> (0)>
module attributes {stable_mosaic.version = 14 : i64} {
  func.func @k(%arg0: i32, %arg1: i32, %arg2: memref<20000x128xf32, #tpu.memory_space<hbm>>, %arg3: memref<320000xi32, #tpu.memory_space<hbm>>, %arg4: memref<320000xi32, #tpu.memory_space<hbm>>, %arg5: memref<64000x128xf32, #tpu.memory_space<hbm>>, %arg6: memref<200xi32, #tpu.memory_space<vmem>>, %arg7: memref<200xi32, #tpu.memory_space<vmem>>, %arg8: memref<200xi32, #tpu.memory_space<vmem>>, %arg9: memref<200xi32, #tpu.memory_space<vmem>>, %arg10: memref<200x128xf32, #tpu.memory_space<vmem>>, %arg11: memref<200x128xf32, #tpu.memory_space<vmem>>, %arg12: memref<200x128xf32, #tpu.memory_space<vmem>>, %arg13: memref<200x128xf32, #tpu.memory_space<vmem>>, %arg14: memref<!tpu.dma_semaphore, #tpu.memory_space<semaphore_mem>>, %arg15: memref<!tpu.dma_semaphore, #tpu.memory_space<semaphore_mem>>, %arg16: memref<!tpu.dma_semaphore, #tpu.memory_space<semaphore_mem>>, %arg17: memref<!tpu.dma_semaphore, #tpu.memory_space<semaphore_mem>>, %arg18: memref<!tpu.dma_semaphore, #tpu.memory_space<semaphore_mem>>, %arg19: memref<!tpu.dma_semaphore, #tpu.memory_space<semaphore_mem>>) attributes {dimension_semantics = [#tpu.dimension_semantics<core_parallel>, #tpu.dimension_semantics<subcore_parallel>], iteration_bounds = array<i64: 2, 16>, scalar_prefetch = 0 : i64, scratch_operands = 14 : i64, tpu.core_type = #tpu.core_type<sc_vector_subcore>, window_params = [{transform_indices = #map}, {transform_indices = #map1}, {transform_indices = #map1}, {transform_indices = #map}]} {
    %mul3A = arith.constant 2 : i32
    %mul3A_0 = arith.muli %arg1, %mul3A : i32
    %add3A = arith.addi %mul3A_0, %arg0 : i32
    %mul3A_1 = arith.constant 2000 : i32
    %mul3A_2 = arith.muli %add3A, %mul3A_1 : i32
    %add3A_3 = arith.constant 128000 : i32
    %add3A_4 = arith.addi %add3A_3, %mul3A_2 : i32
    %mul3A_5 = arith.constant 2000 : i32
    %mul3A_6 = arith.muli %add3A, %mul3A_5 : i32
    %add3A_7 = arith.constant 0 : i32
    %add3A_8 = arith.addi %add3A_4, %add3A_7 : i32
    %multiple_of3A = tpu.assume_multiple %add3A_8, 8 : i32
    %dma_start3A = tpu.memref_slice %arg3[%multiple_of3A] : memref<320000xi32, #tpu.memory_space<hbm>> -> memref<200xi32, #tpu.memory_space<hbm>>
    %dma_start3A_9 = tpu.memref_slice %arg3[%multiple_of3A] : memref<320000xi32, #tpu.memory_space<hbm>> -> memref<200xi32, #tpu.memory_space<hbm>>
    tpu.enqueue_dma source(%dma_start3A_9 : memref<200xi32, #tpu.memory_space<hbm>>) target(%arg6 : memref<200xi32, #tpu.memory_space<vmem>>) target_semaphore(%arg16 : memref<!tpu.dma_semaphore, #tpu.memory_space<semaphore_mem>>)
    %dma_start3A_10 = tpu.memref_slice %arg4[%multiple_of3A] : memref<320000xi32, #tpu.memory_space<hbm>> -> memref<200xi32, #tpu.memory_space<hbm>>
    %dma_start3A_11 = tpu.memref_slice %arg4[%multiple_of3A] : memref<320000xi32, #tpu.memory_space<hbm>> -> memref<200xi32, #tpu.memory_space<hbm>>
    tpu.enqueue_dma source(%dma_start3A_11 : memref<200xi32, #tpu.memory_space<hbm>>) target(%arg7 : memref<200xi32, #tpu.memory_space<vmem>>) target_semaphore(%arg16 : memref<!tpu.dma_semaphore, #tpu.memory_space<semaphore_mem>>)
    %dma_wait3A = arith.constant 0 : i32
    %dma_wait3A_12 = tpu.memref_slice %arg3[%dma_wait3A] : memref<320000xi32, #tpu.memory_space<hbm>> -> memref<200xi32, #tpu.memory_space<hbm>>
    %dma_wait3A_13 = arith.constant 0 : i32
    %dma_wait3A_14 = tpu.memref_slice %arg3[%dma_wait3A_13] : memref<320000xi32, #tpu.memory_space<hbm>> -> memref<200xi32, #tpu.memory_space<hbm>>
    tpu.wait_dma2 semaphore(%arg16 : memref<!tpu.dma_semaphore, #tpu.memory_space<semaphore_mem>>) src(%dma_wait3A_14 : memref<200xi32, #tpu.memory_space<hbm>>) dst(%arg6 : memref<200xi32, #tpu.memory_space<vmem>>)
    %dma_wait3A_15 = arith.constant 0 : i32
    %dma_wait3A_16 = tpu.memref_slice %arg4[%dma_wait3A_15] : memref<320000xi32, #tpu.memory_space<hbm>> -> memref<200xi32, #tpu.memory_space<hbm>>
    %dma_wait3A_17 = arith.constant 0 : i32
    %dma_wait3A_18 = tpu.memref_slice %arg4[%dma_wait3A_17] : memref<320000xi32, #tpu.memory_space<hbm>> -> memref<200xi32, #tpu.memory_space<hbm>>
    tpu.wait_dma2 semaphore(%arg16 : memref<!tpu.dma_semaphore, #tpu.memory_space<semaphore_mem>>) src(%dma_wait3A_18 : memref<200xi32, #tpu.memory_space<hbm>>) dst(%arg7 : memref<200xi32, #tpu.memory_space<vmem>>)
    %dma_start3A_19 = arith.constant 0 : i32
    %dma_start3A_20 = arith.constant 0 : i32
    %dma_start3A_21 = tpu.memref_slice %arg2[%dma_start3A_19, %dma_start3A_20] : memref<20000x128xf32, #tpu.memory_space<hbm>> -> memref<20000x128xf32, #tpu.memory_space<hbm>>
    tpu.enqueue_indirect_dma source(%dma_start3A_21 : memref<20000x128xf32, #tpu.memory_space<hbm>>) target(%arg10 : memref<200x128xf32, #tpu.memory_space<vmem>>) offsets(%arg6 : memref<200xi32, #tpu.memory_space<vmem>>) semaphore(%arg14 : memref<!tpu.dma_semaphore, #tpu.memory_space<semaphore_mem>>)
    %dma_start3A_22 = arith.constant 0 : i32
    %dma_start3A_23 = arith.constant 0 : i32
    %dma_start3A_24 = tpu.memref_slice %arg2[%dma_start3A_22, %dma_start3A_23] : memref<20000x128xf32, #tpu.memory_space<hbm>> -> memref<20000x128xf32, #tpu.memory_space<hbm>>
    tpu.enqueue_indirect_dma source(%dma_start3A_24 : memref<20000x128xf32, #tpu.memory_space<hbm>>) target(%arg11 : memref<200x128xf32, #tpu.memory_space<vmem>>) offsets(%arg7 : memref<200xi32, #tpu.memory_space<vmem>>) semaphore(%arg14 : memref<!tpu.dma_semaphore, #tpu.memory_space<semaphore_mem>>)
    %add3A_25 = arith.constant 200 : i32
    %add3A_26 = arith.addi %add3A_4, %add3A_25 : i32
    %multiple_of3A_27 = tpu.assume_multiple %add3A_26, 8 : i32
    %dma_start3A_28 = tpu.memref_slice %arg3[%multiple_of3A_27] : memref<320000xi32, #tpu.memory_space<hbm>> -> memref<200xi32, #tpu.memory_space<hbm>>
    %dma_start3A_29 = tpu.memref_slice %arg3[%multiple_of3A_27] : memref<320000xi32, #tpu.memory_space<hbm>> -> memref<200xi32, #tpu.memory_space<hbm>>
    tpu.enqueue_dma source(%dma_start3A_29 : memref<200xi32, #tpu.memory_space<hbm>>) target(%arg8 : memref<200xi32, #tpu.memory_space<vmem>>) target_semaphore(%arg17 : memref<!tpu.dma_semaphore, #tpu.memory_space<semaphore_mem>>)
    %dma_start3A_30 = tpu.memref_slice %arg4[%multiple_of3A_27] : memref<320000xi32, #tpu.memory_space<hbm>> -> memref<200xi32, #tpu.memory_space<hbm>>
    %dma_start3A_31 = tpu.memref_slice %arg4[%multiple_of3A_27] : memref<320000xi32, #tpu.memory_space<hbm>> -> memref<200xi32, #tpu.memory_space<hbm>>
    tpu.enqueue_dma source(%dma_start3A_31 : memref<200xi32, #tpu.memory_space<hbm>>) target(%arg9 : memref<200xi32, #tpu.memory_space<vmem>>) target_semaphore(%arg17 : memref<!tpu.dma_semaphore, #tpu.memory_space<semaphore_mem>>)
    %scan3A = arith.constant 0 : i32
    %scan3A_32 = arith.constant 0 : i32
    %scan3A_33 = arith.constant 5 : i32
    %scan3A_34 = arith.addi %scan3A_32, %scan3A_33 : i32
    %scan3A_35 = arith.constant 1 : i32
    scf.for %scan3A_49 = %scan3A_32 to %scan3A_34 step %scan3A_35  : i32 {
      %mul3A_50 = arith.constant 2 : i32
      %mul3A_51 = arith.muli %mul3A_50, %scan3A_49 : i32
      %dma_wait3A_52 = arith.constant 0 : i32
      %dma_wait3A_53 = arith.constant 0 : i32
      %dma_wait3A_54 = tpu.memref_slice %arg2[%dma_wait3A_52, %dma_wait3A_53] : memref<20000x128xf32, #tpu.memory_space<hbm>> -> memref<20000x128xf32, #tpu.memory_space<hbm>>
      tpu.wait_indirect_dma semaphore(%arg14 : memref<!tpu.dma_semaphore, #tpu.memory_space<semaphore_mem>>) src(%dma_wait3A_54 : memref<20000x128xf32, #tpu.memory_space<hbm>>) dst(%arg10 : memref<200x128xf32, #tpu.memory_space<vmem>>)
      %dma_wait3A_55 = arith.constant 0 : i32
      %dma_wait3A_56 = arith.constant 0 : i32
      %dma_wait3A_57 = tpu.memref_slice %arg2[%dma_wait3A_55, %dma_wait3A_56] : memref<20000x128xf32, #tpu.memory_space<hbm>> -> memref<20000x128xf32, #tpu.memory_space<hbm>>
      tpu.wait_indirect_dma semaphore(%arg14 : memref<!tpu.dma_semaphore, #tpu.memory_space<semaphore_mem>>) src(%dma_wait3A_57 : memref<20000x128xf32, #tpu.memory_space<hbm>>) dst(%arg11 : memref<200x128xf32, #tpu.memory_space<vmem>>)
      %le3A = arith.constant 8 : i32
      %le3A_58 = arith.cmpi sle, %mul3A_51, %le3A : i32
      %convert_element_type3A = arith.extui %le3A_58 : i1 to i32
      %cond3A = arith.constant 0 : i32
      %cond3A_59 = arith.cmpi ne, %convert_element_type3A, %cond3A : i32
      scf.if %cond3A_59 {
        %dma_wait3A_96 = arith.constant 0 : i32
        %dma_wait3A_97 = tpu.memref_slice %arg3[%dma_wait3A_96] : memref<320000xi32, #tpu.memory_space<hbm>> -> memref<200xi32, #tpu.memory_space<hbm>>
        %dma_wait3A_98 = arith.constant 0 : i32
        %dma_wait3A_99 = tpu.memref_slice %arg3[%dma_wait3A_98] : memref<320000xi32, #tpu.memory_space<hbm>> -> memref<200xi32, #tpu.memory_space<hbm>>
        tpu.wait_dma2 semaphore(%arg17 : memref<!tpu.dma_semaphore, #tpu.memory_space<semaphore_mem>>) src(%dma_wait3A_99 : memref<200xi32, #tpu.memory_space<hbm>>) dst(%arg8 : memref<200xi32, #tpu.memory_space<vmem>>)
        %dma_wait3A_100 = arith.constant 0 : i32
        %dma_wait3A_101 = tpu.memref_slice %arg4[%dma_wait3A_100] : memref<320000xi32, #tpu.memory_space<hbm>> -> memref<200xi32, #tpu.memory_space<hbm>>
        %dma_wait3A_102 = arith.constant 0 : i32
        %dma_wait3A_103 = tpu.memref_slice %arg4[%dma_wait3A_102] : memref<320000xi32, #tpu.memory_space<hbm>> -> memref<200xi32, #tpu.memory_space<hbm>>
        tpu.wait_dma2 semaphore(%arg17 : memref<!tpu.dma_semaphore, #tpu.memory_space<semaphore_mem>>) src(%dma_wait3A_103 : memref<200xi32, #tpu.memory_space<hbm>>) dst(%arg9 : memref<200xi32, #tpu.memory_space<vmem>>)
        %ge3A = arith.constant 1 : i32
        %ge3A_104 = arith.cmpi sge, %mul3A_51, %ge3A : i32
        %convert_element_type3A_105 = arith.extui %ge3A_104 : i1 to i32
        %cond3A_106 = arith.constant 0 : i32
        %cond3A_107 = arith.cmpi ne, %convert_element_type3A_105, %cond3A_106 : i32
        scf.if %cond3A_107 {
          %dma_wait3A_119 = arith.constant 0 : i32
          %dma_wait3A_120 = arith.constant 0 : i32
          %dma_wait3A_121 = tpu.memref_slice %arg5[%dma_wait3A_119, %dma_wait3A_120] : memref<64000x128xf32, #tpu.memory_space<hbm>> -> memref<200x128xf32, #tpu.memory_space<hbm>>
          %dma_wait3A_122 = arith.constant 0 : i32
          %dma_wait3A_123 = arith.constant 0 : i32
          %dma_wait3A_124 = tpu.memref_slice %arg5[%dma_wait3A_122, %dma_wait3A_123] : memref<64000x128xf32, #tpu.memory_space<hbm>> -> memref<200x128xf32, #tpu.memory_space<hbm>>
          tpu.wait_dma2 semaphore(%arg19 : memref<!tpu.dma_semaphore, #tpu.memory_space<semaphore_mem>>) src(%arg12 : memref<200x128xf32, #tpu.memory_space<vmem>>) dst(%dma_wait3A_124 : memref<200x128xf32, #tpu.memory_space<hbm>>)
        } else {
        }
        %dma_start3A_108 = arith.constant 0 : i32
        %dma_start3A_109 = arith.constant 0 : i32
        %dma_start3A_110 = tpu.memref_slice %arg2[%dma_start3A_108, %dma_start3A_109] : memref<20000x128xf32, #tpu.memory_space<hbm>> -> memref<20000x128xf32, #tpu.memory_space<hbm>>
        tpu.enqueue_indirect_dma source(%dma_start3A_110 : memref<20000x128xf32, #tpu.memory_space<hbm>>) target(%arg12 : memref<200x128xf32, #tpu.memory_space<vmem>>) offsets(%arg8 : memref<200xi32, #tpu.memory_space<vmem>>) semaphore(%arg15 : memref<!tpu.dma_semaphore, #tpu.memory_space<semaphore_mem>>)
        %dma_start3A_111 = arith.constant 0 : i32
        %dma_start3A_112 = arith.constant 0 : i32
        %dma_start3A_113 = tpu.memref_slice %arg2[%dma_start3A_111, %dma_start3A_112] : memref<20000x128xf32, #tpu.memory_space<hbm>> -> memref<20000x128xf32, #tpu.memory_space<hbm>>
        tpu.enqueue_indirect_dma source(%dma_start3A_113 : memref<20000x128xf32, #tpu.memory_space<hbm>>) target(%arg13 : memref<200x128xf32, #tpu.memory_space<vmem>>) offsets(%arg9 : memref<200xi32, #tpu.memory_space<vmem>>) semaphore(%arg15 : memref<!tpu.dma_semaphore, #tpu.memory_space<semaphore_mem>>)
        %le3A_114 = arith.constant 7 : i32
        %le3A_115 = arith.cmpi sle, %mul3A_51, %le3A_114 : i32
        %convert_element_type3A_116 = arith.extui %le3A_115 : i1 to i32
        %cond3A_117 = arith.constant 0 : i32
        %cond3A_118 = arith.cmpi ne, %convert_element_type3A_116, %cond3A_117 : i32
        scf.if %cond3A_118 {
          %add3A_119 = arith.constant 2 : i32
          %add3A_120 = arith.addi %mul3A_51, %add3A_119 : i32
          %mul3A_121 = arith.constant 200 : i32
          %mul3A_122 = arith.muli %add3A_120, %mul3A_121 : i32
          %add3A_123 = arith.addi %add3A_4, %mul3A_122 : i32
          %multiple_of3A_124 = tpu.assume_multiple %add3A_123, 8 : i32
          %dma_start3A_125 = tpu.memref_slice %arg3[%multiple_of3A_124] : memref<320000xi32, #tpu.memory_space<hbm>> -> memref<200xi32, #tpu.memory_space<hbm>>
          %dma_start3A_126 = tpu.memref_slice %arg3[%multiple_of3A_124] : memref<320000xi32, #tpu.memory_space<hbm>> -> memref<200xi32, #tpu.memory_space<hbm>>
          tpu.enqueue_dma source(%dma_start3A_126 : memref<200xi32, #tpu.memory_space<hbm>>) target(%arg6 : memref<200xi32, #tpu.memory_space<vmem>>) target_semaphore(%arg16 : memref<!tpu.dma_semaphore, #tpu.memory_space<semaphore_mem>>)
          %dma_start3A_127 = tpu.memref_slice %arg4[%multiple_of3A_124] : memref<320000xi32, #tpu.memory_space<hbm>> -> memref<200xi32, #tpu.memory_space<hbm>>
          %dma_start3A_128 = tpu.memref_slice %arg4[%multiple_of3A_124] : memref<320000xi32, #tpu.memory_space<hbm>> -> memref<200xi32, #tpu.memory_space<hbm>>
          tpu.enqueue_dma source(%dma_start3A_128 : memref<200xi32, #tpu.memory_space<hbm>>) target(%arg7 : memref<200xi32, #tpu.memory_space<vmem>>) target_semaphore(%arg16 : memref<!tpu.dma_semaphore, #tpu.memory_space<semaphore_mem>>)
        } else {
        }
      } else {
      }
      %parallel_loop3A = arith.constant 0 : i32
      %parallel_loop3A_60 = arith.constant 200 : i32
      %parallel_loop3A_61 = arith.constant 1 : i32
      scf.for %parallel_loop3A_96 = %parallel_loop3A to %parallel_loop3A_60 step %parallel_loop3A_61  : i32 {
        %parallel_loop3A_97 = arith.index_cast %parallel_loop3A_96 : i32 to index
        %parallel_loop3A_98 = arith.constant 0 : index
        %parallel_loop3A_99 = tpu.vector_load %arg10[%parallel_loop3A_97, %parallel_loop3A_98] {strides = array<i32>} : memref<200x128xf32, #tpu.memory_space<vmem>>, vector<1x16xf32>,
        %parallel_loop3A_100 = vector.shape_cast %parallel_loop3A_99 : vector<1x16xf32> to vector<16xf32>
        %parallel_loop3A_101 = arith.index_cast %parallel_loop3A_96 : i32 to index
        %parallel_loop3A_102 = arith.constant 0 : index
        %parallel_loop3A_103 = tpu.vector_load %arg11[%parallel_loop3A_101, %parallel_loop3A_102] {strides = array<i32>} : memref<200x128xf32, #tpu.memory_space<vmem>>, vector<1x16xf32>,
        %parallel_loop3A_104 = vector.shape_cast %parallel_loop3A_103 : vector<1x16xf32> to vector<16xf32>
        %parallel_loop3A_105 = arith.addf %parallel_loop3A_100, %parallel_loop3A_104 : vector<16xf32>
        %parallel_loop3A_106 = arith.index_cast %parallel_loop3A_96 : i32 to index
        %parallel_loop3A_107 = arith.constant 0 : index
        %parallel_loop3A_108 = tpu.vector_load %arg10[%parallel_loop3A_106, %parallel_loop3A_107] {strides = array<i32>} : memref<200x128xf32, #tpu.memory_space<vmem>>, vector<1x16xf32>,
        %parallel_loop3A_109 = vector.shape_cast %parallel_loop3A_108 : vector<1x16xf32> to vector<16xf32>
        %parallel_loop3A_110 = vector.shape_cast %parallel_loop3A_105 : vector<16xf32> to vector<1x16xf32>
        tpu.vector_store %arg10[%parallel_loop3A_106, %parallel_loop3A_107], %parallel_loop3A_110 {strides = array<i32>} : memref<200x128xf32, #tpu.memory_space<vmem>>, vector<1x16xf32>,
        %parallel_loop3A_111 = arith.index_cast %parallel_loop3A_96 : i32 to index
        %parallel_loop3A_112 = arith.constant 16 : index
        %parallel_loop3A_113 = tpu.vector_load %arg10[%parallel_loop3A_111, %parallel_loop3A_112] {strides = array<i32>} : memref<200x128xf32, #tpu.memory_space<vmem>>, vector<1x16xf32>,
        %parallel_loop3A_114 = vector.shape_cast %parallel_loop3A_113 : vector<1x16xf32> to vector<16xf32>
        %parallel_loop3A_115 = arith.index_cast %parallel_loop3A_96 : i32 to index
        %parallel_loop3A_116 = arith.constant 16 : index
        %parallel_loop3A_117 = tpu.vector_load %arg11[%parallel_loop3A_115, %parallel_loop3A_116] {strides = array<i32>} : memref<200x128xf32, #tpu.memory_space<vmem>>, vector<1x16xf32>,
        %parallel_loop3A_118 = vector.shape_cast %parallel_loop3A_117 : vector<1x16xf32> to vector<16xf32>
        %parallel_loop3A_119 = arith.addf %parallel_loop3A_114, %parallel_loop3A_118 : vector<16xf32>
        %parallel_loop3A_120 = arith.index_cast %parallel_loop3A_96 : i32 to index
        %parallel_loop3A_121 = arith.constant 16 : index
        %parallel_loop3A_122 = tpu.vector_load %arg10[%parallel_loop3A_120, %parallel_loop3A_121] {strides = array<i32>} : memref<200x128xf32, #tpu.memory_space<vmem>>, vector<1x16xf32>,
        %parallel_loop3A_123 = vector.shape_cast %parallel_loop3A_122 : vector<1x16xf32> to vector<16xf32>
        %parallel_loop3A_124 = vector.shape_cast %parallel_loop3A_119 : vector<16xf32> to vector<1x16xf32>
        tpu.vector_store %arg10[%parallel_loop3A_120, %parallel_loop3A_121], %parallel_loop3A_124 {strides = array<i32>} : memref<200x128xf32, #tpu.memory_space<vmem>>, vector<1x16xf32>,
        %parallel_loop3A_125 = arith.index_cast %parallel_loop3A_96 : i32 to index
        %parallel_loop3A_126 = arith.constant 32 : index
        %parallel_loop3A_127 = tpu.vector_load %arg10[%parallel_loop3A_125, %parallel_loop3A_126] {strides = array<i32>} : memref<200x128xf32, #tpu.memory_space<vmem>>, vector<1x16xf32>,
        %parallel_loop3A_128 = vector.shape_cast %parallel_loop3A_127 : vector<1x16xf32> to vector<16xf32>
        %parallel_loop3A_129 = arith.index_cast %parallel_loop3A_96 : i32 to index
        %parallel_loop3A_130 = arith.constant 32 : index
        %parallel_loop3A_131 = tpu.vector_load %arg11[%parallel_loop3A_129, %parallel_loop3A_130] {strides = array<i32>} : memref<200x128xf32, #tpu.memory_space<vmem>>, vector<1x16xf32>,
        %parallel_loop3A_132 = vector.shape_cast %parallel_loop3A_131 : vector<1x16xf32> to vector<16xf32>
        %parallel_loop3A_133 = arith.addf %parallel_loop3A_128, %parallel_loop3A_132 : vector<16xf32>
        %parallel_loop3A_134 = arith.index_cast %parallel_loop3A_96 : i32 to index
        %parallel_loop3A_135 = arith.constant 32 : index
        %parallel_loop3A_136 = tpu.vector_load %arg10[%parallel_loop3A_134, %parallel_loop3A_135] {strides = array<i32>} : memref<200x128xf32, #tpu.memory_space<vmem>>, vector<1x16xf32>,
        %parallel_loop3A_137 = vector.shape_cast %parallel_loop3A_136 : vector<1x16xf32> to vector<16xf32>
        %parallel_loop3A_138 = vector.shape_cast %parallel_loop3A_133 : vector<16xf32> to vector<1x16xf32>
        tpu.vector_store %arg10[%parallel_loop3A_134, %parallel_loop3A_135], %parallel_loop3A_138 {strides = array<i32>} : memref<200x128xf32, #tpu.memory_space<vmem>>, vector<1x16xf32>,
        %parallel_loop3A_139 = arith.index_cast %parallel_loop3A_96 : i32 to index
        %parallel_loop3A_140 = arith.constant 48 : index
        %parallel_loop3A_141 = tpu.vector_load %arg10[%parallel_loop3A_139, %parallel_loop3A_140] {strides = array<i32>} : memref<200x128xf32, #tpu.memory_space<vmem>>, vector<1x16xf32>,
        %parallel_loop3A_142 = vector.shape_cast %parallel_loop3A_141 : vector<1x16xf32> to vector<16xf32>
        %parallel_loop3A_143 = arith.index_cast %parallel_loop3A_96 : i32 to index
        %parallel_loop3A_144 = arith.constant 48 : index
        %parallel_loop3A_145 = tpu.vector_load %arg11[%parallel_loop3A_143, %parallel_loop3A_144] {strides = array<i32>} : memref<200x128xf32, #tpu.memory_space<vmem>>, vector<1x16xf32>,
        %parallel_loop3A_146 = vector.shape_cast %parallel_loop3A_145 : vector<1x16xf32> to vector<16xf32>
        %parallel_loop3A_147 = arith.addf %parallel_loop3A_142, %parallel_loop3A_146 : vector<16xf32>
        %parallel_loop3A_148 = arith.index_cast %parallel_loop3A_96 : i32 to index
        %parallel_loop3A_149 = arith.constant 48 : index
        %parallel_loop3A_150 = tpu.vector_load %arg10[%parallel_loop3A_148, %parallel_loop3A_149] {strides = array<i32>} : memref<200x128xf32, #tpu.memory_space<vmem>>, vector<1x16xf32>,
        %parallel_loop3A_151 = vector.shape_cast %parallel_loop3A_150 : vector<1x16xf32> to vector<16xf32>
        %parallel_loop3A_152 = vector.shape_cast %parallel_loop3A_147 : vector<16xf32> to vector<1x16xf32>
        tpu.vector_store %arg10[%parallel_loop3A_148, %parallel_loop3A_149], %parallel_loop3A_152 {strides = array<i32>} : memref<200x128xf32, #tpu.memory_space<vmem>>, vector<1x16xf32>,
        %parallel_loop3A_153 = arith.index_cast %parallel_loop3A_96 : i32 to index
        %parallel_loop3A_154 = arith.constant 64 : index
        %parallel_loop3A_155 = tpu.vector_load %arg10[%parallel_loop3A_153, %parallel_loop3A_154] {strides = array<i32>} : memref<200x128xf32, #tpu.memory_space<vmem>>, vector<1x16xf32>,
        %parallel_loop3A_156 = vector.shape_cast %parallel_loop3A_155 : vector<1x16xf32> to vector<16xf32>
        %parallel_loop3A_157 = arith.index_cast %parallel_loop3A_96 : i32 to index
        %parallel_loop3A_158 = arith.constant 64 : index
        %parallel_loop3A_159 = tpu.vector_load %arg11[%parallel_loop3A_157, %parallel_loop3A_158] {strides = array<i32>} : memref<200x128xf32, #tpu.memory_space<vmem>>, vector<1x16xf32>,
        %parallel_loop3A_160 = vector.shape_cast %parallel_loop3A_159 : vector<1x16xf32> to vector<16xf32>
        %parallel_loop3A_161 = arith.addf %parallel_loop3A_156, %parallel_loop3A_160 : vector<16xf32>
        %parallel_loop3A_162 = arith.index_cast %parallel_loop3A_96 : i32 to index
        %parallel_loop3A_163 = arith.constant 64 : index
        %parallel_loop3A_164 = tpu.vector_load %arg10[%parallel_loop3A_162, %parallel_loop3A_163] {strides = array<i32>} : memref<200x128xf32, #tpu.memory_space<vmem>>, vector<1x16xf32>,
        %parallel_loop3A_165 = vector.shape_cast %parallel_loop3A_164 : vector<1x16xf32> to vector<16xf32>
        %parallel_loop3A_166 = vector.shape_cast %parallel_loop3A_161 : vector<16xf32> to vector<1x16xf32>
        tpu.vector_store %arg10[%parallel_loop3A_162, %parallel_loop3A_163], %parallel_loop3A_166 {strides = array<i32>} : memref<200x128xf32, #tpu.memory_space<vmem>>, vector<1x16xf32>,
        %parallel_loop3A_167 = arith.index_cast %parallel_loop3A_96 : i32 to index
        %parallel_loop3A_168 = arith.constant 80 : index
        %parallel_loop3A_169 = tpu.vector_load %arg10[%parallel_loop3A_167, %parallel_loop3A_168] {strides = array<i32>} : memref<200x128xf32, #tpu.memory_space<vmem>>, vector<1x16xf32>,
        %parallel_loop3A_170 = vector.shape_cast %parallel_loop3A_169 : vector<1x16xf32> to vector<16xf32>
        %parallel_loop3A_171 = arith.index_cast %parallel_loop3A_96 : i32 to index
        %parallel_loop3A_172 = arith.constant 80 : index
        %parallel_loop3A_173 = tpu.vector_load %arg11[%parallel_loop3A_171, %parallel_loop3A_172] {strides = array<i32>} : memref<200x128xf32, #tpu.memory_space<vmem>>, vector<1x16xf32>,
        %parallel_loop3A_174 = vector.shape_cast %parallel_loop3A_173 : vector<1x16xf32> to vector<16xf32>
        %parallel_loop3A_175 = arith.addf %parallel_loop3A_170, %parallel_loop3A_174 : vector<16xf32>
        %parallel_loop3A_176 = arith.index_cast %parallel_loop3A_96 : i32 to index
        %parallel_loop3A_177 = arith.constant 80 : index
        %parallel_loop3A_178 = tpu.vector_load %arg10[%parallel_loop3A_176, %parallel_loop3A_177] {strides = array<i32>} : memref<200x128xf32, #tpu.memory_space<vmem>>, vector<1x16xf32>,
        %parallel_loop3A_179 = vector.shape_cast %parallel_loop3A_178 : vector<1x16xf32> to vector<16xf32>
        %parallel_loop3A_180 = vector.shape_cast %parallel_loop3A_175 : vector<16xf32> to vector<1x16xf32>
        tpu.vector_store %arg10[%parallel_loop3A_176, %parallel_loop3A_177], %parallel_loop3A_180 {strides = array<i32>} : memref<200x128xf32, #tpu.memory_space<vmem>>, vector<1x16xf32>,
        %parallel_loop3A_181 = arith.index_cast %parallel_loop3A_96 : i32 to index
        %parallel_loop3A_182 = arith.constant 96 : index
        %parallel_loop3A_183 = tpu.vector_load %arg10[%parallel_loop3A_181, %parallel_loop3A_182] {strides = array<i32>} : memref<200x128xf32, #tpu.memory_space<vmem>>, vector<1x16xf32>,
        %parallel_loop3A_184 = vector.shape_cast %parallel_loop3A_183 : vector<1x16xf32> to vector<16xf32>
        %parallel_loop3A_185 = arith.index_cast %parallel_loop3A_96 : i32 to index
        %parallel_loop3A_186 = arith.constant 96 : index
        %parallel_loop3A_187 = tpu.vector_load %arg11[%parallel_loop3A_185, %parallel_loop3A_186] {strides = array<i32>} : memref<200x128xf32, #tpu.memory_space<vmem>>, vector<1x16xf32>,
        %parallel_loop3A_188 = vector.shape_cast %parallel_loop3A_187 : vector<1x16xf32> to vector<16xf32>
        %parallel_loop3A_189 = arith.addf %parallel_loop3A_184, %parallel_loop3A_188 : vector<16xf32>
        %parallel_loop3A_190 = arith.index_cast %parallel_loop3A_96 : i32 to index
        %parallel_loop3A_191 = arith.constant 96 : index
        %parallel_loop3A_192 = tpu.vector_load %arg10[%parallel_loop3A_190, %parallel_loop3A_191] {strides = array<i32>} : memref<200x128xf32, #tpu.memory_space<vmem>>, vector<1x16xf32>,
        %parallel_loop3A_193 = vector.shape_cast %parallel_loop3A_192 : vector<1x16xf32> to vector<16xf32>
        %parallel_loop3A_194 = vector.shape_cast %parallel_loop3A_189 : vector<16xf32> to vector<1x16xf32>
        tpu.vector_store %arg10[%parallel_loop3A_190, %parallel_loop3A_191], %parallel_loop3A_194 {strides = array<i32>} : memref<200x128xf32, #tpu.memory_space<vmem>>, vector<1x16xf32>,
        %parallel_loop3A_195 = arith.index_cast %parallel_loop3A_96 : i32 to index
        %parallel_loop3A_196 = arith.constant 112 : index
        %parallel_loop3A_197 = tpu.vector_load %arg10[%parallel_loop3A_195, %parallel_loop3A_196] {strides = array<i32>} : memref<200x128xf32, #tpu.memory_space<vmem>>, vector<1x16xf32>,
        %parallel_loop3A_198 = vector.shape_cast %parallel_loop3A_197 : vector<1x16xf32> to vector<16xf32>
        %parallel_loop3A_199 = arith.index_cast %parallel_loop3A_96 : i32 to index
        %parallel_loop3A_200 = arith.constant 112 : index
        %parallel_loop3A_201 = tpu.vector_load %arg11[%parallel_loop3A_199, %parallel_loop3A_200] {strides = array<i32>} : memref<200x128xf32, #tpu.memory_space<vmem>>, vector<1x16xf32>,
        %parallel_loop3A_202 = vector.shape_cast %parallel_loop3A_201 : vector<1x16xf32> to vector<16xf32>
        %parallel_loop3A_203 = arith.addf %parallel_loop3A_198, %parallel_loop3A_202 : vector<16xf32>
        %parallel_loop3A_204 = arith.index_cast %parallel_loop3A_96 : i32 to index
        %parallel_loop3A_205 = arith.constant 112 : index
        %parallel_loop3A_206 = tpu.vector_load %arg10[%parallel_loop3A_204, %parallel_loop3A_205] {strides = array<i32>} : memref<200x128xf32, #tpu.memory_space<vmem>>, vector<1x16xf32>,
        %parallel_loop3A_207 = vector.shape_cast %parallel_loop3A_206 : vector<1x16xf32> to vector<16xf32>
        %parallel_loop3A_208 = vector.shape_cast %parallel_loop3A_203 : vector<16xf32> to vector<1x16xf32>
        tpu.vector_store %arg10[%parallel_loop3A_204, %parallel_loop3A_205], %parallel_loop3A_208 {strides = array<i32>} : memref<200x128xf32, #tpu.memory_space<vmem>>, vector<1x16xf32>,
      } {sc.loop_unroll_factor = 4 : i64, sc.parallel_access}
      %mul3A_62 = arith.constant 200 : i32
      %mul3A_63 = arith.muli %mul3A_51, %mul3A_62 : i32
      %add3A_64 = arith.addi %mul3A_6, %mul3A_63 : i32
      %multiple_of3A_65 = tpu.assume_multiple %add3A_64, 8 : i32
      %dma_start3A_66 = arith.constant 0 : i32
      %dma_start3A_67 = tpu.memref_slice %arg5[%multiple_of3A_65, %dma_start3A_66] : memref<64000x128xf32, #tpu.memory_space<hbm>> -> memref<200x128xf32, #tpu.memory_space<hbm>>
      %dma_start3A_68 = arith.constant 0 : i32
      %dma_start3A_69 = tpu.memref_slice %arg5[%multiple_of3A_65, %dma_start3A_68] : memref<64000x128xf32, #tpu.memory_space<hbm>> -> memref<200x128xf32, #tpu.memory_space<hbm>>
      tpu.enqueue_dma source(%arg10 : memref<200x128xf32, #tpu.memory_space<vmem>>) target(%dma_start3A_69 : memref<200x128xf32, #tpu.memory_space<hbm>>) target_semaphore(%arg18 : memref<!tpu.dma_semaphore, #tpu.memory_space<semaphore_mem>>)
      %mul3A_70 = arith.constant 2 : i32
      %mul3A_71 = arith.muli %mul3A_70, %scan3A_49 : i32
      %add3A_72 = arith.constant 1 : i32
      %add3A_73 = arith.addi %mul3A_71, %add3A_72 : i32
      %dma_wait3A_74 = arith.constant 0 : i32
      %dma_wait3A_75 = arith.constant 0 : i32
      %dma_wait3A_76 = tpu.memref_slice %arg2[%dma_wait3A_74, %dma_wait3A_75] : memref<20000x128xf32, #tpu.memory_space<hbm>> -> memref<20000x128xf32, #tpu.memory_space<hbm>>
      tpu.wait_indirect_dma semaphore(%arg15 : memref<!tpu.dma_semaphore, #tpu.memory_space<semaphore_mem>>) src(%dma_wait3A_76 : memref<20000x128xf32, #tpu.memory_space<hbm>>) dst(%arg12 : memref<200x128xf32, #tpu.memory_space<vmem>>)
      %dma_wait3A_77 = arith.constant 0 : i32
      %dma_wait3A_78 = arith.constant 0 : i32
      %dma_wait3A_79 = tpu.memref_slice %arg2[%dma_wait3A_77, %dma_wait3A_78] : memref<20000x128xf32, #tpu.memory_space<hbm>> -> memref<20000x128xf32, #tpu.memory_space<hbm>>
      tpu.wait_indirect_dma semaphore(%arg15 : memref<!tpu.dma_semaphore, #tpu.memory_space<semaphore_mem>>) src(%dma_wait3A_79 : memref<20000x128xf32, #tpu.memory_space<hbm>>) dst(%arg13 : memref<200x128xf32, #tpu.memory_space<vmem>>)
      %le3A_80 = arith.constant 8 : i32
      %le3A_81 = arith.cmpi sle, %add3A_73, %le3A_80 : i32
      %convert_element_type3A_82 = arith.extui %le3A_81 : i1 to i32
      %cond3A_83 = arith.constant 0 : i32
      %cond3A_84 = arith.cmpi ne, %convert_element_type3A_82, %cond3A_83 : i32
      scf.if %cond3A_84 {
        %dma_wait3A_96 = arith.constant 0 : i32
        %dma_wait3A_97 = tpu.memref_slice %arg3[%dma_wait3A_96] : memref<320000xi32, #tpu.memory_space<hbm>> -> memref<200xi32, #tpu.memory_space<hbm>>
        %dma_wait3A_98 = arith.constant 0 : i32
        %dma_wait3A_99 = tpu.memref_slice %arg3[%dma_wait3A_98] : memref<320000xi32, #tpu.memory_space<hbm>> -> memref<200xi32, #tpu.memory_space<hbm>>
        tpu.wait_dma2 semaphore(%arg16 : memref<!tpu.dma_semaphore, #tpu.memory_space<semaphore_mem>>) src(%dma_wait3A_99 : memref<200xi32, #tpu.memory_space<hbm>>) dst(%arg6 : memref<200xi32, #tpu.memory_space<vmem>>)
        %dma_wait3A_100 = arith.constant 0 : i32
        %dma_wait3A_101 = tpu.memref_slice %arg4[%dma_wait3A_100] : memref<320000xi32, #tpu.memory_space<hbm>> -> memref<200xi32, #tpu.memory_space<hbm>>
        %dma_wait3A_102 = arith.constant 0 : i32
        %dma_wait3A_103 = tpu.memref_slice %arg4[%dma_wait3A_102] : memref<320000xi32, #tpu.memory_space<hbm>> -> memref<200xi32, #tpu.memory_space<hbm>>
        tpu.wait_dma2 semaphore(%arg16 : memref<!tpu.dma_semaphore, #tpu.memory_space<semaphore_mem>>) src(%dma_wait3A_103 : memref<200xi32, #tpu.memory_space<hbm>>) dst(%arg7 : memref<200xi32, #tpu.memory_space<vmem>>)
        %ge3A = arith.constant 1 : i32
        %ge3A_104 = arith.cmpi sge, %add3A_73, %ge3A : i32
        %convert_element_type3A_105 = arith.extui %ge3A_104 : i1 to i32
        %cond3A_106 = arith.constant 0 : i32
        %cond3A_107 = arith.cmpi ne, %convert_element_type3A_105, %cond3A_106 : i32
        scf.if %cond3A_107 {
          %dma_wait3A_119 = arith.constant 0 : i32
          %dma_wait3A_120 = arith.constant 0 : i32
          %dma_wait3A_121 = tpu.memref_slice %arg5[%dma_wait3A_119, %dma_wait3A_120] : memref<64000x128xf32, #tpu.memory_space<hbm>> -> memref<200x128xf32, #tpu.memory_space<hbm>>
          %dma_wait3A_122 = arith.constant 0 : i32
          %dma_wait3A_123 = arith.constant 0 : i32
          %dma_wait3A_124 = tpu.memref_slice %arg5[%dma_wait3A_122, %dma_wait3A_123] : memref<64000x128xf32, #tpu.memory_space<hbm>> -> memref<200x128xf32, #tpu.memory_space<hbm>>
          tpu.wait_dma2 semaphore(%arg18 : memref<!tpu.dma_semaphore, #tpu.memory_space<semaphore_mem>>) src(%arg10 : memref<200x128xf32, #tpu.memory_space<vmem>>) dst(%dma_wait3A_124 : memref<200x128xf32, #tpu.memory_space<hbm>>)
        } else {
        }
        %dma_start3A_108 = arith.constant 0 : i32
        %dma_start3A_109 = arith.constant 0 : i32
        %dma_start3A_110 = tpu.memref_slice %arg2[%dma_start3A_108, %dma_start3A_109] : memref<20000x128xf32, #tpu.memory_space<hbm>> -> memref<20000x128xf32, #tpu.memory_space<hbm>>
        tpu.enqueue_indirect_dma source(%dma_start3A_110 : memref<20000x128xf32, #tpu.memory_space<hbm>>) target(%arg10 : memref<200x128xf32, #tpu.memory_space<vmem>>) offsets(%arg6 : memref<200xi32, #tpu.memory_space<vmem>>) semaphore(%arg14 : memref<!tpu.dma_semaphore, #tpu.memory_space<semaphore_mem>>)
        %dma_start3A_111 = arith.constant 0 : i32
        %dma_start3A_112 = arith.constant 0 : i32
        %dma_start3A_113 = tpu.memref_slice %arg2[%dma_start3A_111, %dma_start3A_112] : memref<20000x128xf32, #tpu.memory_space<hbm>> -> memref<20000x128xf32, #tpu.memory_space<hbm>>
        tpu.enqueue_indirect_dma source(%dma_start3A_113 : memref<20000x128xf32, #tpu.memory_space<hbm>>) target(%arg11 : memref<200x128xf32, #tpu.memory_space<vmem>>) offsets(%arg7 : memref<200xi32, #tpu.memory_space<vmem>>) semaphore(%arg14 : memref<!tpu.dma_semaphore, #tpu.memory_space<semaphore_mem>>)
        %le3A_114 = arith.constant 7 : i32
        %le3A_115 = arith.cmpi sle, %add3A_73, %le3A_114 : i32
        %convert_element_type3A_116 = arith.extui %le3A_115 : i1 to i32
        %cond3A_117 = arith.constant 0 : i32
        %cond3A_118 = arith.cmpi ne, %convert_element_type3A_116, %cond3A_117 : i32
        scf.if %cond3A_118 {
          %add3A_119 = arith.constant 2 : i32
          %add3A_120 = arith.addi %add3A_73, %add3A_119 : i32
          %mul3A_121 = arith.constant 200 : i32
          %mul3A_122 = arith.muli %add3A_120, %mul3A_121 : i32
          %add3A_123 = arith.addi %add3A_4, %mul3A_122 : i32
          %multiple_of3A_124 = tpu.assume_multiple %add3A_123, 8 : i32
          %dma_start3A_125 = tpu.memref_slice %arg3[%multiple_of3A_124] : memref<320000xi32, #tpu.memory_space<hbm>> -> memref<200xi32, #tpu.memory_space<hbm>>
          %dma_start3A_126 = tpu.memref_slice %arg3[%multiple_of3A_124] : memref<320000xi32, #tpu.memory_space<hbm>> -> memref<200xi32, #tpu.memory_space<hbm>>
          tpu.enqueue_dma source(%dma_start3A_126 : memref<200xi32, #tpu.memory_space<hbm>>) target(%arg8 : memref<200xi32, #tpu.memory_space<vmem>>) target_semaphore(%arg17 : memref<!tpu.dma_semaphore, #tpu.memory_space<semaphore_mem>>)
          %dma_start3A_127 = tpu.memref_slice %arg4[%multiple_of3A_124] : memref<320000xi32, #tpu.memory_space<hbm>> -> memref<200xi32, #tpu.memory_space<hbm>>
          %dma_start3A_128 = tpu.memref_slice %arg4[%multiple_of3A_124] : memref<320000xi32, #tpu.memory_space<hbm>> -> memref<200xi32, #tpu.memory_space<hbm>>
          tpu.enqueue_dma source(%dma_start3A_128 : memref<200xi32, #tpu.memory_space<hbm>>) target(%arg9 : memref<200xi32, #tpu.memory_space<vmem>>) target_semaphore(%arg17 : memref<!tpu.dma_semaphore, #tpu.memory_space<semaphore_mem>>)
        } else {
        }
      } else {
      }
      %parallel_loop3A_85 = arith.constant 0 : i32
      %parallel_loop3A_86 = arith.constant 200 : i32
      %parallel_loop3A_87 = arith.constant 1 : i32
      scf.for %parallel_loop3A_96 = %parallel_loop3A_85 to %parallel_loop3A_86 step %parallel_loop3A_87  : i32 {
        %parallel_loop3A_97 = arith.index_cast %parallel_loop3A_96 : i32 to index
        %parallel_loop3A_98 = arith.constant 0 : index
        %parallel_loop3A_99 = tpu.vector_load %arg12[%parallel_loop3A_97, %parallel_loop3A_98] {strides = array<i32>} : memref<200x128xf32, #tpu.memory_space<vmem>>, vector<1x16xf32>,
        %parallel_loop3A_100 = vector.shape_cast %parallel_loop3A_99 : vector<1x16xf32> to vector<16xf32>
        %parallel_loop3A_101 = arith.index_cast %parallel_loop3A_96 : i32 to index
        %parallel_loop3A_102 = arith.constant 0 : index
        %parallel_loop3A_103 = tpu.vector_load %arg13[%parallel_loop3A_101, %parallel_loop3A_102] {strides = array<i32>} : memref<200x128xf32, #tpu.memory_space<vmem>>, vector<1x16xf32>,
        %parallel_loop3A_104 = vector.shape_cast %parallel_loop3A_103 : vector<1x16xf32> to vector<16xf32>
        %parallel_loop3A_105 = arith.addf %parallel_loop3A_100, %parallel_loop3A_104 : vector<16xf32>
        %parallel_loop3A_106 = arith.index_cast %parallel_loop3A_96 : i32 to index
        %parallel_loop3A_107 = arith.constant 0 : index
        %parallel_loop3A_108 = tpu.vector_load %arg12[%parallel_loop3A_106, %parallel_loop3A_107] {strides = array<i32>} : memref<200x128xf32, #tpu.memory_space<vmem>>, vector<1x16xf32>,
        %parallel_loop3A_109 = vector.shape_cast %parallel_loop3A_108 : vector<1x16xf32> to vector<16xf32>
        %parallel_loop3A_110 = vector.shape_cast %parallel_loop3A_105 : vector<16xf32> to vector<1x16xf32>
        tpu.vector_store %arg12[%parallel_loop3A_106, %parallel_loop3A_107], %parallel_loop3A_110 {strides = array<i32>} : memref<200x128xf32, #tpu.memory_space<vmem>>, vector<1x16xf32>,
        %parallel_loop3A_111 = arith.index_cast %parallel_loop3A_96 : i32 to index
        %parallel_loop3A_112 = arith.constant 16 : index
        %parallel_loop3A_113 = tpu.vector_load %arg12[%parallel_loop3A_111, %parallel_loop3A_112] {strides = array<i32>} : memref<200x128xf32, #tpu.memory_space<vmem>>, vector<1x16xf32>,
        %parallel_loop3A_114 = vector.shape_cast %parallel_loop3A_113 : vector<1x16xf32> to vector<16xf32>
        %parallel_loop3A_115 = arith.index_cast %parallel_loop3A_96 : i32 to index
        %parallel_loop3A_116 = arith.constant 16 : index
        %parallel_loop3A_117 = tpu.vector_load %arg13[%parallel_loop3A_115, %parallel_loop3A_116] {strides = array<i32>} : memref<200x128xf32, #tpu.memory_space<vmem>>, vector<1x16xf32>,
        %parallel_loop3A_118 = vector.shape_cast %parallel_loop3A_117 : vector<1x16xf32> to vector<16xf32>
        %parallel_loop3A_119 = arith.addf %parallel_loop3A_114, %parallel_loop3A_118 : vector<16xf32>
        %parallel_loop3A_120 = arith.index_cast %parallel_loop3A_96 : i32 to index
        %parallel_loop3A_121 = arith.constant 16 : index
        %parallel_loop3A_122 = tpu.vector_load %arg12[%parallel_loop3A_120, %parallel_loop3A_121] {strides = array<i32>} : memref<200x128xf32, #tpu.memory_space<vmem>>, vector<1x16xf32>,
        %parallel_loop3A_123 = vector.shape_cast %parallel_loop3A_122 : vector<1x16xf32> to vector<16xf32>
        %parallel_loop3A_124 = vector.shape_cast %parallel_loop3A_119 : vector<16xf32> to vector<1x16xf32>
        tpu.vector_store %arg12[%parallel_loop3A_120, %parallel_loop3A_121], %parallel_loop3A_124 {strides = array<i32>} : memref<200x128xf32, #tpu.memory_space<vmem>>, vector<1x16xf32>,
        %parallel_loop3A_125 = arith.index_cast %parallel_loop3A_96 : i32 to index
        %parallel_loop3A_126 = arith.constant 32 : index
        %parallel_loop3A_127 = tpu.vector_load %arg12[%parallel_loop3A_125, %parallel_loop3A_126] {strides = array<i32>} : memref<200x128xf32, #tpu.memory_space<vmem>>, vector<1x16xf32>,
        %parallel_loop3A_128 = vector.shape_cast %parallel_loop3A_127 : vector<1x16xf32> to vector<16xf32>
        %parallel_loop3A_129 = arith.index_cast %parallel_loop3A_96 : i32 to index
        %parallel_loop3A_130 = arith.constant 32 : index
        %parallel_loop3A_131 = tpu.vector_load %arg13[%parallel_loop3A_129, %parallel_loop3A_130] {strides = array<i32>} : memref<200x128xf32, #tpu.memory_space<vmem>>, vector<1x16xf32>,
        %parallel_loop3A_132 = vector.shape_cast %parallel_loop3A_131 : vector<1x16xf32> to vector<16xf32>
        %parallel_loop3A_133 = arith.addf %parallel_loop3A_128, %parallel_loop3A_132 : vector<16xf32>
        %parallel_loop3A_134 = arith.index_cast %parallel_loop3A_96 : i32 to index
        %parallel_loop3A_135 = arith.constant 32 : index
        %parallel_loop3A_136 = tpu.vector_load %arg12[%parallel_loop3A_134, %parallel_loop3A_135] {strides = array<i32>} : memref<200x128xf32, #tpu.memory_space<vmem>>, vector<1x16xf32>,
        %parallel_loop3A_137 = vector.shape_cast %parallel_loop3A_136 : vector<1x16xf32> to vector<16xf32>
        %parallel_loop3A_138 = vector.shape_cast %parallel_loop3A_133 : vector<16xf32> to vector<1x16xf32>
        tpu.vector_store %arg12[%parallel_loop3A_134, %parallel_loop3A_135], %parallel_loop3A_138 {strides = array<i32>} : memref<200x128xf32, #tpu.memory_space<vmem>>, vector<1x16xf32>,
        %parallel_loop3A_139 = arith.index_cast %parallel_loop3A_96 : i32 to index
        %parallel_loop3A_140 = arith.constant 48 : index
        %parallel_loop3A_141 = tpu.vector_load %arg12[%parallel_loop3A_139, %parallel_loop3A_140] {strides = array<i32>} : memref<200x128xf32, #tpu.memory_space<vmem>>, vector<1x16xf32>,
        %parallel_loop3A_142 = vector.shape_cast %parallel_loop3A_141 : vector<1x16xf32> to vector<16xf32>
        %parallel_loop3A_143 = arith.index_cast %parallel_loop3A_96 : i32 to index
        %parallel_loop3A_144 = arith.constant 48 : index
        %parallel_loop3A_145 = tpu.vector_load %arg13[%parallel_loop3A_143, %parallel_loop3A_144] {strides = array<i32>} : memref<200x128xf32, #tpu.memory_space<vmem>>, vector<1x16xf32>,
        %parallel_loop3A_146 = vector.shape_cast %parallel_loop3A_145 : vector<1x16xf32> to vector<16xf32>
        %parallel_loop3A_147 = arith.addf %parallel_loop3A_142, %parallel_loop3A_146 : vector<16xf32>
        %parallel_loop3A_148 = arith.index_cast %parallel_loop3A_96 : i32 to index
        %parallel_loop3A_149 = arith.constant 48 : index
        %parallel_loop3A_150 = tpu.vector_load %arg12[%parallel_loop3A_148, %parallel_loop3A_149] {strides = array<i32>} : memref<200x128xf32, #tpu.memory_space<vmem>>, vector<1x16xf32>,
        %parallel_loop3A_151 = vector.shape_cast %parallel_loop3A_150 : vector<1x16xf32> to vector<16xf32>
        %parallel_loop3A_152 = vector.shape_cast %parallel_loop3A_147 : vector<16xf32> to vector<1x16xf32>
        tpu.vector_store %arg12[%parallel_loop3A_148, %parallel_loop3A_149], %parallel_loop3A_152 {strides = array<i32>} : memref<200x128xf32, #tpu.memory_space<vmem>>, vector<1x16xf32>,
        %parallel_loop3A_153 = arith.index_cast %parallel_loop3A_96 : i32 to index
        %parallel_loop3A_154 = arith.constant 64 : index
        %parallel_loop3A_155 = tpu.vector_load %arg12[%parallel_loop3A_153, %parallel_loop3A_154] {strides = array<i32>} : memref<200x128xf32, #tpu.memory_space<vmem>>, vector<1x16xf32>,
        %parallel_loop3A_156 = vector.shape_cast %parallel_loop3A_155 : vector<1x16xf32> to vector<16xf32>
        %parallel_loop3A_157 = arith.index_cast %parallel_loop3A_96 : i32 to index
        %parallel_loop3A_158 = arith.constant 64 : index
        %parallel_loop3A_159 = tpu.vector_load %arg13[%parallel_loop3A_157, %parallel_loop3A_158] {strides = array<i32>} : memref<200x128xf32, #tpu.memory_space<vmem>>, vector<1x16xf32>,
        %parallel_loop3A_160 = vector.shape_cast %parallel_loop3A_159 : vector<1x16xf32> to vector<16xf32>
        %parallel_loop3A_161 = arith.addf %parallel_loop3A_156, %parallel_loop3A_160 : vector<16xf32>
        %parallel_loop3A_162 = arith.index_cast %parallel_loop3A_96 : i32 to index
        %parallel_loop3A_163 = arith.constant 64 : index
        %parallel_loop3A_164 = tpu.vector_load %arg12[%parallel_loop3A_162, %parallel_loop3A_163] {strides = array<i32>} : memref<200x128xf32, #tpu.memory_space<vmem>>, vector<1x16xf32>,
        %parallel_loop3A_165 = vector.shape_cast %parallel_loop3A_164 : vector<1x16xf32> to vector<16xf32>
        %parallel_loop3A_166 = vector.shape_cast %parallel_loop3A_161 : vector<16xf32> to vector<1x16xf32>
        tpu.vector_store %arg12[%parallel_loop3A_162, %parallel_loop3A_163], %parallel_loop3A_166 {strides = array<i32>} : memref<200x128xf32, #tpu.memory_space<vmem>>, vector<1x16xf32>,
        %parallel_loop3A_167 = arith.index_cast %parallel_loop3A_96 : i32 to index
        %parallel_loop3A_168 = arith.constant 80 : index
        %parallel_loop3A_169 = tpu.vector_load %arg12[%parallel_loop3A_167, %parallel_loop3A_168] {strides = array<i32>} : memref<200x128xf32, #tpu.memory_space<vmem>>, vector<1x16xf32>,
        %parallel_loop3A_170 = vector.shape_cast %parallel_loop3A_169 : vector<1x16xf32> to vector<16xf32>
        %parallel_loop3A_171 = arith.index_cast %parallel_loop3A_96 : i32 to index
        %parallel_loop3A_172 = arith.constant 80 : index
        %parallel_loop3A_173 = tpu.vector_load %arg13[%parallel_loop3A_171, %parallel_loop3A_172] {strides = array<i32>} : memref<200x128xf32, #tpu.memory_space<vmem>>, vector<1x16xf32>,
        %parallel_loop3A_174 = vector.shape_cast %parallel_loop3A_173 : vector<1x16xf32> to vector<16xf32>
        %parallel_loop3A_175 = arith.addf %parallel_loop3A_170, %parallel_loop3A_174 : vector<16xf32>
        %parallel_loop3A_176 = arith.index_cast %parallel_loop3A_96 : i32 to index
        %parallel_loop3A_177 = arith.constant 80 : index
        %parallel_loop3A_178 = tpu.vector_load %arg12[%parallel_loop3A_176, %parallel_loop3A_177] {strides = array<i32>} : memref<200x128xf32, #tpu.memory_space<vmem>>, vector<1x16xf32>,
        %parallel_loop3A_179 = vector.shape_cast %parallel_loop3A_178 : vector<1x16xf32> to vector<16xf32>
        %parallel_loop3A_180 = vector.shape_cast %parallel_loop3A_175 : vector<16xf32> to vector<1x16xf32>
        tpu.vector_store %arg12[%parallel_loop3A_176, %parallel_loop3A_177], %parallel_loop3A_180 {strides = array<i32>} : memref<200x128xf32, #tpu.memory_space<vmem>>, vector<1x16xf32>,
        %parallel_loop3A_181 = arith.index_cast %parallel_loop3A_96 : i32 to index
        %parallel_loop3A_182 = arith.constant 96 : index
        %parallel_loop3A_183 = tpu.vector_load %arg12[%parallel_loop3A_181, %parallel_loop3A_182] {strides = array<i32>} : memref<200x128xf32, #tpu.memory_space<vmem>>, vector<1x16xf32>,
        %parallel_loop3A_184 = vector.shape_cast %parallel_loop3A_183 : vector<1x16xf32> to vector<16xf32>
        %parallel_loop3A_185 = arith.index_cast %parallel_loop3A_96 : i32 to index
        %parallel_loop3A_186 = arith.constant 96 : index
        %parallel_loop3A_187 = tpu.vector_load %arg13[%parallel_loop3A_185, %parallel_loop3A_186] {strides = array<i32>} : memref<200x128xf32, #tpu.memory_space<vmem>>, vector<1x16xf32>,
        %parallel_loop3A_188 = vector.shape_cast %parallel_loop3A_187 : vector<1x16xf32> to vector<16xf32>
        %parallel_loop3A_189 = arith.addf %parallel_loop3A_184, %parallel_loop3A_188 : vector<16xf32>
        %parallel_loop3A_190 = arith.index_cast %parallel_loop3A_96 : i32 to index
        %parallel_loop3A_191 = arith.constant 96 : index
        %parallel_loop3A_192 = tpu.vector_load %arg12[%parallel_loop3A_190, %parallel_loop3A_191] {strides = array<i32>} : memref<200x128xf32, #tpu.memory_space<vmem>>, vector<1x16xf32>,
        %parallel_loop3A_193 = vector.shape_cast %parallel_loop3A_192 : vector<1x16xf32> to vector<16xf32>
        %parallel_loop3A_194 = vector.shape_cast %parallel_loop3A_189 : vector<16xf32> to vector<1x16xf32>
        tpu.vector_store %arg12[%parallel_loop3A_190, %parallel_loop3A_191], %parallel_loop3A_194 {strides = array<i32>} : memref<200x128xf32, #tpu.memory_space<vmem>>, vector<1x16xf32>,
        %parallel_loop3A_195 = arith.index_cast %parallel_loop3A_96 : i32 to index
        %parallel_loop3A_196 = arith.constant 112 : index
        %parallel_loop3A_197 = tpu.vector_load %arg12[%parallel_loop3A_195, %parallel_loop3A_196] {strides = array<i32>} : memref<200x128xf32, #tpu.memory_space<vmem>>, vector<1x16xf32>,
        %parallel_loop3A_198 = vector.shape_cast %parallel_loop3A_197 : vector<1x16xf32> to vector<16xf32>
        %parallel_loop3A_199 = arith.index_cast %parallel_loop3A_96 : i32 to index
        %parallel_loop3A_200 = arith.constant 112 : index
        %parallel_loop3A_201 = tpu.vector_load %arg13[%parallel_loop3A_199, %parallel_loop3A_200] {strides = array<i32>} : memref<200x128xf32, #tpu.memory_space<vmem>>, vector<1x16xf32>,
        %parallel_loop3A_202 = vector.shape_cast %parallel_loop3A_201 : vector<1x16xf32> to vector<16xf32>
        %parallel_loop3A_203 = arith.addf %parallel_loop3A_198, %parallel_loop3A_202 : vector<16xf32>
        %parallel_loop3A_204 = arith.index_cast %parallel_loop3A_96 : i32 to index
        %parallel_loop3A_205 = arith.constant 112 : index
        %parallel_loop3A_206 = tpu.vector_load %arg12[%parallel_loop3A_204, %parallel_loop3A_205] {strides = array<i32>} : memref<200x128xf32, #tpu.memory_space<vmem>>, vector<1x16xf32>,
        %parallel_loop3A_207 = vector.shape_cast %parallel_loop3A_206 : vector<1x16xf32> to vector<16xf32>
        %parallel_loop3A_208 = vector.shape_cast %parallel_loop3A_203 : vector<16xf32> to vector<1x16xf32>
        tpu.vector_store %arg12[%parallel_loop3A_204, %parallel_loop3A_205], %parallel_loop3A_208 {strides = array<i32>} : memref<200x128xf32, #tpu.memory_space<vmem>>, vector<1x16xf32>,
      } {sc.loop_unroll_factor = 4 : i64, sc.parallel_access}
      %mul3A_88 = arith.constant 200 : i32
      %mul3A_89 = arith.muli %add3A_73, %mul3A_88 : i32
      %add3A_90 = arith.addi %mul3A_6, %mul3A_89 : i32
      %multiple_of3A_91 = tpu.assume_multiple %add3A_90, 8 : i32
      %dma_start3A_92 = arith.constant 0 : i32
      %dma_start3A_93 = tpu.memref_slice %arg5[%multiple_of3A_91, %dma_start3A_92] : memref<64000x128xf32, #tpu.memory_space<hbm>> -> memref<200x128xf32, #tpu.memory_space<hbm>>
      %dma_start3A_94 = arith.constant 0 : i32
      %dma_start3A_95 = tpu.memref_slice %arg5[%multiple_of3A_91, %dma_start3A_94] : memref<64000x128xf32, #tpu.memory_space<hbm>> -> memref<200x128xf32, #tpu.memory_space<hbm>>
      tpu.enqueue_dma source(%arg12 : memref<200x128xf32, #tpu.memory_space<vmem>>) target(%dma_start3A_95 : memref<200x128xf32, #tpu.memory_space<hbm>>) target_semaphore(%arg19 : memref<!tpu.dma_semaphore, #tpu.memory_space<semaphore_mem>>)
    }
    %scan3A_36 = arith.constant 5 : i32
    %dma_wait3A_37 = arith.constant 0 : i32
    %dma_wait3A_38 = arith.constant 0 : i32
    %dma_wait3A_39 = tpu.memref_slice %arg5[%dma_wait3A_37, %dma_wait3A_38] : memref<64000x128xf32, #tpu.memory_space<hbm>> -> memref<200x128xf32, #tpu.memory_space<hbm>>
    %dma_wait3A_40 = arith.constant 0 : i32
    %dma_wait3A_41 = arith.constant 0 : i32
    %dma_wait3A_42 = tpu.memref_slice %arg5[%dma_wait3A_40, %dma_wait3A_41] : memref<64000x128xf32, #tpu.memory_space<hbm>> -> memref<200x128xf32, #tpu.memory_space<hbm>>
    tpu.wait_dma2 semaphore(%arg18 : memref<!tpu.dma_semaphore, #tpu.memory_space<semaphore_mem>>) src(%arg10 : memref<200x128xf32, #tpu.memory_space<vmem>>) dst(%dma_wait3A_42 : memref<200x128xf32, #tpu.memory_space<hbm>>)
    %dma_wait3A_43 = arith.constant 0 : i32
    %dma_wait3A_44 = arith.constant 0 : i32
    %dma_wait3A_45 = tpu.memref_slice %arg5[%dma_wait3A_43, %dma_wait3A_44] : memref<64000x128xf32, #tpu.memory_space<hbm>> -> memref<200x128xf32, #tpu.memory_space<hbm>>
    %dma_wait3A_46 = arith.constant 0 : i32
    %dma_wait3A_47 = arith.constant 0 : i32
    %dma_wait3A_48 = tpu.memref_slice %arg5[%dma_wait3A_46, %dma_wait3A_47] : memref<64000x128xf32, #tpu.memory_space<hbm>> -> memref<200x128xf32, #tpu.memory_space<hbm>>
    tpu.wait_dma2 semaphore(%arg19 : memref<!tpu.dma_semaphore, #tpu.memory_space<semaphore_mem>>) src(%arg12 : memref<200x128xf32, #tpu.memory_space<vmem>>) dst(%dma_wait3A_48 : memref<200x128xf32, #tpu.memory_space<hbm>>)
    return
  }
}

#map = affine_map<(d0, d1) -> (0, 0)>
#map1 = affine_map<(d0, d1) -> (0)>
module attributes {stable_mosaic.version = 14 : i64} {
  func.func @k(%arg0: i32, %arg1: i32, %arg2: memref<20000x128xf32, #tpu.memory_space<hbm>>, %arg3: memref<320000xi32, #tpu.memory_space<hbm>>, %arg4: memref<320000xi32, #tpu.memory_space<hbm>>, %arg5: memref<64000x128xf32, #tpu.memory_space<hbm>>, %arg6: memref<200xi32, #tpu.memory_space<vmem>>, %arg7: memref<200xi32, #tpu.memory_space<vmem>>, %arg8: memref<200xi32, #tpu.memory_space<vmem>>, %arg9: memref<200xi32, #tpu.memory_space<vmem>>, %arg10: memref<200x128xf32, #tpu.memory_space<vmem>>, %arg11: memref<200x128xf32, #tpu.memory_space<vmem>>, %arg12: memref<200x128xf32, #tpu.memory_space<vmem>>, %arg13: memref<200x128xf32, #tpu.memory_space<vmem>>, %arg14: memref<!tpu.dma_semaphore, #tpu.memory_space<semaphore_mem>>, %arg15: memref<!tpu.dma_semaphore, #tpu.memory_space<semaphore_mem>>, %arg16: memref<!tpu.dma_semaphore, #tpu.memory_space<semaphore_mem>>, %arg17: memref<!tpu.dma_semaphore, #tpu.memory_space<semaphore_mem>>, %arg18: memref<!tpu.dma_semaphore, #tpu.memory_space<semaphore_mem>>, %arg19: memref<!tpu.dma_semaphore, #tpu.memory_space<semaphore_mem>>) attributes {dimension_semantics = [#tpu.dimension_semantics<core_parallel>, #tpu.dimension_semantics<subcore_parallel>], iteration_bounds = array<i64: 2, 16>, scalar_prefetch = 0 : i64, scratch_operands = 14 : i64, tpu.core_type = #tpu.core_type<sc_vector_subcore>, window_params = [{transform_indices = #map}, {transform_indices = #map1}, {transform_indices = #map1}, {transform_indices = #map}]} {
    %mul3A = arith.constant 2 : i32
    %mul3A_0 = arith.muli %arg1, %mul3A : i32
    %add3A = arith.addi %mul3A_0, %arg0 : i32
    %mul3A_1 = arith.constant 2000 : i32
    %mul3A_2 = arith.muli %add3A, %mul3A_1 : i32
    %add3A_3 = arith.constant 64000 : i32
    %add3A_4 = arith.addi %add3A_3, %mul3A_2 : i32
    %mul3A_5 = arith.constant 2000 : i32
    %mul3A_6 = arith.muli %add3A, %mul3A_5 : i32
    %add3A_7 = arith.constant 0 : i32
    %add3A_8 = arith.addi %add3A_4, %add3A_7 : i32
    %multiple_of3A = tpu.assume_multiple %add3A_8, 8 : i32
    %dma_start3A = tpu.memref_slice %arg3[%multiple_of3A] : memref<320000xi32, #tpu.memory_space<hbm>> -> memref<200xi32, #tpu.memory_space<hbm>>
    %dma_start3A_9 = tpu.memref_slice %arg3[%multiple_of3A] : memref<320000xi32, #tpu.memory_space<hbm>> -> memref<200xi32, #tpu.memory_space<hbm>>
    tpu.enqueue_dma source(%dma_start3A_9 : memref<200xi32, #tpu.memory_space<hbm>>) target(%arg6 : memref<200xi32, #tpu.memory_space<vmem>>) target_semaphore(%arg16 : memref<!tpu.dma_semaphore, #tpu.memory_space<semaphore_mem>>)
    %dma_start3A_10 = tpu.memref_slice %arg4[%multiple_of3A] : memref<320000xi32, #tpu.memory_space<hbm>> -> memref<200xi32, #tpu.memory_space<hbm>>
    %dma_start3A_11 = tpu.memref_slice %arg4[%multiple_of3A] : memref<320000xi32, #tpu.memory_space<hbm>> -> memref<200xi32, #tpu.memory_space<hbm>>
    tpu.enqueue_dma source(%dma_start3A_11 : memref<200xi32, #tpu.memory_space<hbm>>) target(%arg7 : memref<200xi32, #tpu.memory_space<vmem>>) target_semaphore(%arg16 : memref<!tpu.dma_semaphore, #tpu.memory_space<semaphore_mem>>)
    %dma_wait3A = arith.constant 0 : i32
    %dma_wait3A_12 = tpu.memref_slice %arg3[%dma_wait3A] : memref<320000xi32, #tpu.memory_space<hbm>> -> memref<200xi32, #tpu.memory_space<hbm>>
    %dma_wait3A_13 = arith.constant 0 : i32
    %dma_wait3A_14 = tpu.memref_slice %arg3[%dma_wait3A_13] : memref<320000xi32, #tpu.memory_space<hbm>> -> memref<200xi32, #tpu.memory_space<hbm>>
    tpu.wait_dma2 semaphore(%arg16 : memref<!tpu.dma_semaphore, #tpu.memory_space<semaphore_mem>>) src(%dma_wait3A_14 : memref<200xi32, #tpu.memory_space<hbm>>) dst(%arg6 : memref<200xi32, #tpu.memory_space<vmem>>)
    %dma_wait3A_15 = arith.constant 0 : i32
    %dma_wait3A_16 = tpu.memref_slice %arg4[%dma_wait3A_15] : memref<320000xi32, #tpu.memory_space<hbm>> -> memref<200xi32, #tpu.memory_space<hbm>>
    %dma_wait3A_17 = arith.constant 0 : i32
    %dma_wait3A_18 = tpu.memref_slice %arg4[%dma_wait3A_17] : memref<320000xi32, #tpu.memory_space<hbm>> -> memref<200xi32, #tpu.memory_space<hbm>>
    tpu.wait_dma2 semaphore(%arg16 : memref<!tpu.dma_semaphore, #tpu.memory_space<semaphore_mem>>) src(%dma_wait3A_18 : memref<200xi32, #tpu.memory_space<hbm>>) dst(%arg7 : memref<200xi32, #tpu.memory_space<vmem>>)
    %dma_start3A_19 = arith.constant 0 : i32
    %dma_start3A_20 = arith.constant 0 : i32
    %dma_start3A_21 = tpu.memref_slice %arg2[%dma_start3A_19, %dma_start3A_20] : memref<20000x128xf32, #tpu.memory_space<hbm>> -> memref<20000x128xf32, #tpu.memory_space<hbm>>
    tpu.enqueue_indirect_dma source(%dma_start3A_21 : memref<20000x128xf32, #tpu.memory_space<hbm>>) target(%arg10 : memref<200x128xf32, #tpu.memory_space<vmem>>) offsets(%arg6 : memref<200xi32, #tpu.memory_space<vmem>>) semaphore(%arg14 : memref<!tpu.dma_semaphore, #tpu.memory_space<semaphore_mem>>)
    %dma_start3A_22 = arith.constant 0 : i32
    %dma_start3A_23 = arith.constant 0 : i32
    %dma_start3A_24 = tpu.memref_slice %arg2[%dma_start3A_22, %dma_start3A_23] : memref<20000x128xf32, #tpu.memory_space<hbm>> -> memref<20000x128xf32, #tpu.memory_space<hbm>>
    tpu.enqueue_indirect_dma source(%dma_start3A_24 : memref<20000x128xf32, #tpu.memory_space<hbm>>) target(%arg11 : memref<200x128xf32, #tpu.memory_space<vmem>>) offsets(%arg7 : memref<200xi32, #tpu.memory_space<vmem>>) semaphore(%arg14 : memref<!tpu.dma_semaphore, #tpu.memory_space<semaphore_mem>>)
    %add3A_25 = arith.constant 200 : i32
    %add3A_26 = arith.addi %add3A_4, %add3A_25 : i32
    %multiple_of3A_27 = tpu.assume_multiple %add3A_26, 8 : i32
    %dma_start3A_28 = tpu.memref_slice %arg3[%multiple_of3A_27] : memref<320000xi32, #tpu.memory_space<hbm>> -> memref<200xi32, #tpu.memory_space<hbm>>
    %dma_start3A_29 = tpu.memref_slice %arg3[%multiple_of3A_27] : memref<320000xi32, #tpu.memory_space<hbm>> -> memref<200xi32, #tpu.memory_space<hbm>>
    tpu.enqueue_dma source(%dma_start3A_29 : memref<200xi32, #tpu.memory_space<hbm>>) target(%arg8 : memref<200xi32, #tpu.memory_space<vmem>>) target_semaphore(%arg17 : memref<!tpu.dma_semaphore, #tpu.memory_space<semaphore_mem>>)
    %dma_start3A_30 = tpu.memref_slice %arg4[%multiple_of3A_27] : memref<320000xi32, #tpu.memory_space<hbm>> -> memref<200xi32, #tpu.memory_space<hbm>>
    %dma_start3A_31 = tpu.memref_slice %arg4[%multiple_of3A_27] : memref<320000xi32, #tpu.memory_space<hbm>> -> memref<200xi32, #tpu.memory_space<hbm>>
    tpu.enqueue_dma source(%dma_start3A_31 : memref<200xi32, #tpu.memory_space<hbm>>) target(%arg9 : memref<200xi32, #tpu.memory_space<vmem>>) target_semaphore(%arg17 : memref<!tpu.dma_semaphore, #tpu.memory_space<semaphore_mem>>)
    %scan3A = arith.constant 0 : i32
    %scan3A_32 = arith.constant 0 : i32
    %scan3A_33 = arith.constant 5 : i32
    %scan3A_34 = arith.addi %scan3A_32, %scan3A_33 : i32
    %scan3A_35 = arith.constant 1 : i32
    scf.for %scan3A_49 = %scan3A_32 to %scan3A_34 step %scan3A_35  : i32 {
      %mul3A_50 = arith.constant 2 : i32
      %mul3A_51 = arith.muli %mul3A_50, %scan3A_49 : i32
      %dma_wait3A_52 = arith.constant 0 : i32
      %dma_wait3A_53 = arith.constant 0 : i32
      %dma_wait3A_54 = tpu.memref_slice %arg2[%dma_wait3A_52, %dma_wait3A_53] : memref<20000x128xf32, #tpu.memory_space<hbm>> -> memref<20000x128xf32, #tpu.memory_space<hbm>>
      tpu.wait_indirect_dma semaphore(%arg14 : memref<!tpu.dma_semaphore, #tpu.memory_space<semaphore_mem>>) src(%dma_wait3A_54 : memref<20000x128xf32, #tpu.memory_space<hbm>>) dst(%arg10 : memref<200x128xf32, #tpu.memory_space<vmem>>)
      %dma_wait3A_55 = arith.constant 0 : i32
      %dma_wait3A_56 = arith.constant 0 : i32
      %dma_wait3A_57 = tpu.memref_slice %arg2[%dma_wait3A_55, %dma_wait3A_56] : memref<20000x128xf32, #tpu.memory_space<hbm>> -> memref<20000x128xf32, #tpu.memory_space<hbm>>
      tpu.wait_indirect_dma semaphore(%arg14 : memref<!tpu.dma_semaphore, #tpu.memory_space<semaphore_mem>>) src(%dma_wait3A_57 : memref<20000x128xf32, #tpu.memory_space<hbm>>) dst(%arg11 : memref<200x128xf32, #tpu.memory_space<vmem>>)
      %le3A = arith.constant 8 : i32
      %le3A_58 = arith.cmpi sle, %mul3A_51, %le3A : i32
      %convert_element_type3A = arith.extui %le3A_58 : i1 to i32
      %cond3A = arith.constant 0 : i32
      %cond3A_59 = arith.cmpi ne, %convert_element_type3A, %cond3A : i32
      scf.if %cond3A_59 {
        %dma_wait3A_96 = arith.constant 0 : i32
        %dma_wait3A_97 = tpu.memref_slice %arg3[%dma_wait3A_96] : memref<320000xi32, #tpu.memory_space<hbm>> -> memref<200xi32, #tpu.memory_space<hbm>>
        %dma_wait3A_98 = arith.constant 0 : i32
        %dma_wait3A_99 = tpu.memref_slice %arg3[%dma_wait3A_98] : memref<320000xi32, #tpu.memory_space<hbm>> -> memref<200xi32, #tpu.memory_space<hbm>>
        tpu.wait_dma2 semaphore(%arg17 : memref<!tpu.dma_semaphore, #tpu.memory_space<semaphore_mem>>) src(%dma_wait3A_99 : memref<200xi32, #tpu.memory_space<hbm>>) dst(%arg8 : memref<200xi32, #tpu.memory_space<vmem>>)
        %dma_wait3A_100 = arith.constant 0 : i32
        %dma_wait3A_101 = tpu.memref_slice %arg4[%dma_wait3A_100] : memref<320000xi32, #tpu.memory_space<hbm>> -> memref<200xi32, #tpu.memory_space<hbm>>
        %dma_wait3A_102 = arith.constant 0 : i32
        %dma_wait3A_103 = tpu.memref_slice %arg4[%dma_wait3A_102] : memref<320000xi32, #tpu.memory_space<hbm>> -> memref<200xi32, #tpu.memory_space<hbm>>
        tpu.wait_dma2 semaphore(%arg17 : memref<!tpu.dma_semaphore, #tpu.memory_space<semaphore_mem>>) src(%dma_wait3A_103 : memref<200xi32, #tpu.memory_space<hbm>>) dst(%arg9 : memref<200xi32, #tpu.memory_space<vmem>>)
        %ge3A = arith.constant 1 : i32
        %ge3A_104 = arith.cmpi sge, %mul3A_51, %ge3A : i32
        %convert_element_type3A_105 = arith.extui %ge3A_104 : i1 to i32
        %cond3A_106 = arith.constant 0 : i32
        %cond3A_107 = arith.cmpi ne, %convert_element_type3A_105, %cond3A_106 : i32
        scf.if %cond3A_107 {
          %dma_wait3A_119 = arith.constant 0 : i32
          %dma_wait3A_120 = arith.constant 0 : i32
          %dma_wait3A_121 = tpu.memref_slice %arg5[%dma_wait3A_119, %dma_wait3A_120] : memref<64000x128xf32, #tpu.memory_space<hbm>> -> memref<200x128xf32, #tpu.memory_space<hbm>>
          %dma_wait3A_122 = arith.constant 0 : i32
          %dma_wait3A_123 = arith.constant 0 : i32
          %dma_wait3A_124 = tpu.memref_slice %arg5[%dma_wait3A_122, %dma_wait3A_123] : memref<64000x128xf32, #tpu.memory_space<hbm>> -> memref<200x128xf32, #tpu.memory_space<hbm>>
          tpu.wait_dma2 semaphore(%arg19 : memref<!tpu.dma_semaphore, #tpu.memory_space<semaphore_mem>>) src(%arg12 : memref<200x128xf32, #tpu.memory_space<vmem>>) dst(%dma_wait3A_124 : memref<200x128xf32, #tpu.memory_space<hbm>>)
        } else {
        }
        %dma_start3A_108 = arith.constant 0 : i32
        %dma_start3A_109 = arith.constant 0 : i32
        %dma_start3A_110 = tpu.memref_slice %arg2[%dma_start3A_108, %dma_start3A_109] : memref<20000x128xf32, #tpu.memory_space<hbm>> -> memref<20000x128xf32, #tpu.memory_space<hbm>>
        tpu.enqueue_indirect_dma source(%dma_start3A_110 : memref<20000x128xf32, #tpu.memory_space<hbm>>) target(%arg12 : memref<200x128xf32, #tpu.memory_space<vmem>>) offsets(%arg8 : memref<200xi32, #tpu.memory_space<vmem>>) semaphore(%arg15 : memref<!tpu.dma_semaphore, #tpu.memory_space<semaphore_mem>>)
        %dma_start3A_111 = arith.constant 0 : i32
        %dma_start3A_112 = arith.constant 0 : i32
        %dma_start3A_113 = tpu.memref_slice %arg2[%dma_start3A_111, %dma_start3A_112] : memref<20000x128xf32, #tpu.memory_space<hbm>> -> memref<20000x128xf32, #tpu.memory_space<hbm>>
        tpu.enqueue_indirect_dma source(%dma_start3A_113 : memref<20000x128xf32, #tpu.memory_space<hbm>>) target(%arg13 : memref<200x128xf32, #tpu.memory_space<vmem>>) offsets(%arg9 : memref<200xi32, #tpu.memory_space<vmem>>) semaphore(%arg15 : memref<!tpu.dma_semaphore, #tpu.memory_space<semaphore_mem>>)
        %le3A_114 = arith.constant 7 : i32
        %le3A_115 = arith.cmpi sle, %mul3A_51, %le3A_114 : i32
        %convert_element_type3A_116 = arith.extui %le3A_115 : i1 to i32
        %cond3A_117 = arith.constant 0 : i32
        %cond3A_118 = arith.cmpi ne, %convert_element_type3A_116, %cond3A_117 : i32
        scf.if %cond3A_118 {
          %add3A_119 = arith.constant 2 : i32
          %add3A_120 = arith.addi %mul3A_51, %add3A_119 : i32
          %mul3A_121 = arith.constant 200 : i32
          %mul3A_122 = arith.muli %add3A_120, %mul3A_121 : i32
          %add3A_123 = arith.addi %add3A_4, %mul3A_122 : i32
          %multiple_of3A_124 = tpu.assume_multiple %add3A_123, 8 : i32
          %dma_start3A_125 = tpu.memref_slice %arg3[%multiple_of3A_124] : memref<320000xi32, #tpu.memory_space<hbm>> -> memref<200xi32, #tpu.memory_space<hbm>>
          %dma_start3A_126 = tpu.memref_slice %arg3[%multiple_of3A_124] : memref<320000xi32, #tpu.memory_space<hbm>> -> memref<200xi32, #tpu.memory_space<hbm>>
          tpu.enqueue_dma source(%dma_start3A_126 : memref<200xi32, #tpu.memory_space<hbm>>) target(%arg6 : memref<200xi32, #tpu.memory_space<vmem>>) target_semaphore(%arg16 : memref<!tpu.dma_semaphore, #tpu.memory_space<semaphore_mem>>)
          %dma_start3A_127 = tpu.memref_slice %arg4[%multiple_of3A_124] : memref<320000xi32, #tpu.memory_space<hbm>> -> memref<200xi32, #tpu.memory_space<hbm>>
          %dma_start3A_128 = tpu.memref_slice %arg4[%multiple_of3A_124] : memref<320000xi32, #tpu.memory_space<hbm>> -> memref<200xi32, #tpu.memory_space<hbm>>
          tpu.enqueue_dma source(%dma_start3A_128 : memref<200xi32, #tpu.memory_space<hbm>>) target(%arg7 : memref<200xi32, #tpu.memory_space<vmem>>) target_semaphore(%arg16 : memref<!tpu.dma_semaphore, #tpu.memory_space<semaphore_mem>>)
        } else {
        }
      } else {
      }
      %parallel_loop3A = arith.constant 0 : i32
      %parallel_loop3A_60 = arith.constant 200 : i32
      %parallel_loop3A_61 = arith.constant 1 : i32
      scf.for %parallel_loop3A_96 = %parallel_loop3A to %parallel_loop3A_60 step %parallel_loop3A_61  : i32 {
        %parallel_loop3A_97 = arith.index_cast %parallel_loop3A_96 : i32 to index
        %parallel_loop3A_98 = arith.constant 0 : index
        %parallel_loop3A_99 = tpu.vector_load %arg10[%parallel_loop3A_97, %parallel_loop3A_98] {strides = array<i32>} : memref<200x128xf32, #tpu.memory_space<vmem>>, vector<1x16xf32>,
        %parallel_loop3A_100 = vector.shape_cast %parallel_loop3A_99 : vector<1x16xf32> to vector<16xf32>
        %parallel_loop3A_101 = arith.index_cast %parallel_loop3A_96 : i32 to index
        %parallel_loop3A_102 = arith.constant 0 : index
        %parallel_loop3A_103 = tpu.vector_load %arg11[%parallel_loop3A_101, %parallel_loop3A_102] {strides = array<i32>} : memref<200x128xf32, #tpu.memory_space<vmem>>, vector<1x16xf32>,
        %parallel_loop3A_104 = vector.shape_cast %parallel_loop3A_103 : vector<1x16xf32> to vector<16xf32>
        %parallel_loop3A_105 = arith.addf %parallel_loop3A_100, %parallel_loop3A_104 : vector<16xf32>
        %parallel_loop3A_106 = arith.index_cast %parallel_loop3A_96 : i32 to index
        %parallel_loop3A_107 = arith.constant 0 : index
        %parallel_loop3A_108 = tpu.vector_load %arg10[%parallel_loop3A_106, %parallel_loop3A_107] {strides = array<i32>} : memref<200x128xf32, #tpu.memory_space<vmem>>, vector<1x16xf32>,
        %parallel_loop3A_109 = vector.shape_cast %parallel_loop3A_108 : vector<1x16xf32> to vector<16xf32>
        %parallel_loop3A_110 = vector.shape_cast %parallel_loop3A_105 : vector<16xf32> to vector<1x16xf32>
        tpu.vector_store %arg10[%parallel_loop3A_106, %parallel_loop3A_107], %parallel_loop3A_110 {strides = array<i32>} : memref<200x128xf32, #tpu.memory_space<vmem>>, vector<1x16xf32>,
        %parallel_loop3A_111 = arith.index_cast %parallel_loop3A_96 : i32 to index
        %parallel_loop3A_112 = arith.constant 16 : index
        %parallel_loop3A_113 = tpu.vector_load %arg10[%parallel_loop3A_111, %parallel_loop3A_112] {strides = array<i32>} : memref<200x128xf32, #tpu.memory_space<vmem>>, vector<1x16xf32>,
        %parallel_loop3A_114 = vector.shape_cast %parallel_loop3A_113 : vector<1x16xf32> to vector<16xf32>
        %parallel_loop3A_115 = arith.index_cast %parallel_loop3A_96 : i32 to index
        %parallel_loop3A_116 = arith.constant 16 : index
        %parallel_loop3A_117 = tpu.vector_load %arg11[%parallel_loop3A_115, %parallel_loop3A_116] {strides = array<i32>} : memref<200x128xf32, #tpu.memory_space<vmem>>, vector<1x16xf32>,
        %parallel_loop3A_118 = vector.shape_cast %parallel_loop3A_117 : vector<1x16xf32> to vector<16xf32>
        %parallel_loop3A_119 = arith.addf %parallel_loop3A_114, %parallel_loop3A_118 : vector<16xf32>
        %parallel_loop3A_120 = arith.index_cast %parallel_loop3A_96 : i32 to index
        %parallel_loop3A_121 = arith.constant 16 : index
        %parallel_loop3A_122 = tpu.vector_load %arg10[%parallel_loop3A_120, %parallel_loop3A_121] {strides = array<i32>} : memref<200x128xf32, #tpu.memory_space<vmem>>, vector<1x16xf32>,
        %parallel_loop3A_123 = vector.shape_cast %parallel_loop3A_122 : vector<1x16xf32> to vector<16xf32>
        %parallel_loop3A_124 = vector.shape_cast %parallel_loop3A_119 : vector<16xf32> to vector<1x16xf32>
        tpu.vector_store %arg10[%parallel_loop3A_120, %parallel_loop3A_121], %parallel_loop3A_124 {strides = array<i32>} : memref<200x128xf32, #tpu.memory_space<vmem>>, vector<1x16xf32>,
        %parallel_loop3A_125 = arith.index_cast %parallel_loop3A_96 : i32 to index
        %parallel_loop3A_126 = arith.constant 32 : index
        %parallel_loop3A_127 = tpu.vector_load %arg10[%parallel_loop3A_125, %parallel_loop3A_126] {strides = array<i32>} : memref<200x128xf32, #tpu.memory_space<vmem>>, vector<1x16xf32>,
        %parallel_loop3A_128 = vector.shape_cast %parallel_loop3A_127 : vector<1x16xf32> to vector<16xf32>
        %parallel_loop3A_129 = arith.index_cast %parallel_loop3A_96 : i32 to index
        %parallel_loop3A_130 = arith.constant 32 : index
        %parallel_loop3A_131 = tpu.vector_load %arg11[%parallel_loop3A_129, %parallel_loop3A_130] {strides = array<i32>} : memref<200x128xf32, #tpu.memory_space<vmem>>, vector<1x16xf32>,
        %parallel_loop3A_132 = vector.shape_cast %parallel_loop3A_131 : vector<1x16xf32> to vector<16xf32>
        %parallel_loop3A_133 = arith.addf %parallel_loop3A_128, %parallel_loop3A_132 : vector<16xf32>
        %parallel_loop3A_134 = arith.index_cast %parallel_loop3A_96 : i32 to index
        %parallel_loop3A_135 = arith.constant 32 : index
        %parallel_loop3A_136 = tpu.vector_load %arg10[%parallel_loop3A_134, %parallel_loop3A_135] {strides = array<i32>} : memref<200x128xf32, #tpu.memory_space<vmem>>, vector<1x16xf32>,
        %parallel_loop3A_137 = vector.shape_cast %parallel_loop3A_136 : vector<1x16xf32> to vector<16xf32>
        %parallel_loop3A_138 = vector.shape_cast %parallel_loop3A_133 : vector<16xf32> to vector<1x16xf32>
        tpu.vector_store %arg10[%parallel_loop3A_134, %parallel_loop3A_135], %parallel_loop3A_138 {strides = array<i32>} : memref<200x128xf32, #tpu.memory_space<vmem>>, vector<1x16xf32>,
        %parallel_loop3A_139 = arith.index_cast %parallel_loop3A_96 : i32 to index
        %parallel_loop3A_140 = arith.constant 48 : index
        %parallel_loop3A_141 = tpu.vector_load %arg10[%parallel_loop3A_139, %parallel_loop3A_140] {strides = array<i32>} : memref<200x128xf32, #tpu.memory_space<vmem>>, vector<1x16xf32>,
        %parallel_loop3A_142 = vector.shape_cast %parallel_loop3A_141 : vector<1x16xf32> to vector<16xf32>
        %parallel_loop3A_143 = arith.index_cast %parallel_loop3A_96 : i32 to index
        %parallel_loop3A_144 = arith.constant 48 : index
        %parallel_loop3A_145 = tpu.vector_load %arg11[%parallel_loop3A_143, %parallel_loop3A_144] {strides = array<i32>} : memref<200x128xf32, #tpu.memory_space<vmem>>, vector<1x16xf32>,
        %parallel_loop3A_146 = vector.shape_cast %parallel_loop3A_145 : vector<1x16xf32> to vector<16xf32>
        %parallel_loop3A_147 = arith.addf %parallel_loop3A_142, %parallel_loop3A_146 : vector<16xf32>
        %parallel_loop3A_148 = arith.index_cast %parallel_loop3A_96 : i32 to index
        %parallel_loop3A_149 = arith.constant 48 : index
        %parallel_loop3A_150 = tpu.vector_load %arg10[%parallel_loop3A_148, %parallel_loop3A_149] {strides = array<i32>} : memref<200x128xf32, #tpu.memory_space<vmem>>, vector<1x16xf32>,
        %parallel_loop3A_151 = vector.shape_cast %parallel_loop3A_150 : vector<1x16xf32> to vector<16xf32>
        %parallel_loop3A_152 = vector.shape_cast %parallel_loop3A_147 : vector<16xf32> to vector<1x16xf32>
        tpu.vector_store %arg10[%parallel_loop3A_148, %parallel_loop3A_149], %parallel_loop3A_152 {strides = array<i32>} : memref<200x128xf32, #tpu.memory_space<vmem>>, vector<1x16xf32>,
        %parallel_loop3A_153 = arith.index_cast %parallel_loop3A_96 : i32 to index
        %parallel_loop3A_154 = arith.constant 64 : index
        %parallel_loop3A_155 = tpu.vector_load %arg10[%parallel_loop3A_153, %parallel_loop3A_154] {strides = array<i32>} : memref<200x128xf32, #tpu.memory_space<vmem>>, vector<1x16xf32>,
        %parallel_loop3A_156 = vector.shape_cast %parallel_loop3A_155 : vector<1x16xf32> to vector<16xf32>
        %parallel_loop3A_157 = arith.index_cast %parallel_loop3A_96 : i32 to index
        %parallel_loop3A_158 = arith.constant 64 : index
        %parallel_loop3A_159 = tpu.vector_load %arg11[%parallel_loop3A_157, %parallel_loop3A_158] {strides = array<i32>} : memref<200x128xf32, #tpu.memory_space<vmem>>, vector<1x16xf32>,
        %parallel_loop3A_160 = vector.shape_cast %parallel_loop3A_159 : vector<1x16xf32> to vector<16xf32>
        %parallel_loop3A_161 = arith.addf %parallel_loop3A_156, %parallel_loop3A_160 : vector<16xf32>
        %parallel_loop3A_162 = arith.index_cast %parallel_loop3A_96 : i32 to index
        %parallel_loop3A_163 = arith.constant 64 : index
        %parallel_loop3A_164 = tpu.vector_load %arg10[%parallel_loop3A_162, %parallel_loop3A_163] {strides = array<i32>} : memref<200x128xf32, #tpu.memory_space<vmem>>, vector<1x16xf32>,
        %parallel_loop3A_165 = vector.shape_cast %parallel_loop3A_164 : vector<1x16xf32> to vector<16xf32>
        %parallel_loop3A_166 = vector.shape_cast %parallel_loop3A_161 : vector<16xf32> to vector<1x16xf32>
        tpu.vector_store %arg10[%parallel_loop3A_162, %parallel_loop3A_163], %parallel_loop3A_166 {strides = array<i32>} : memref<200x128xf32, #tpu.memory_space<vmem>>, vector<1x16xf32>,
        %parallel_loop3A_167 = arith.index_cast %parallel_loop3A_96 : i32 to index
        %parallel_loop3A_168 = arith.constant 80 : index
        %parallel_loop3A_169 = tpu.vector_load %arg10[%parallel_loop3A_167, %parallel_loop3A_168] {strides = array<i32>} : memref<200x128xf32, #tpu.memory_space<vmem>>, vector<1x16xf32>,
        %parallel_loop3A_170 = vector.shape_cast %parallel_loop3A_169 : vector<1x16xf32> to vector<16xf32>
        %parallel_loop3A_171 = arith.index_cast %parallel_loop3A_96 : i32 to index
        %parallel_loop3A_172 = arith.constant 80 : index
        %parallel_loop3A_173 = tpu.vector_load %arg11[%parallel_loop3A_171, %parallel_loop3A_172] {strides = array<i32>} : memref<200x128xf32, #tpu.memory_space<vmem>>, vector<1x16xf32>,
        %parallel_loop3A_174 = vector.shape_cast %parallel_loop3A_173 : vector<1x16xf32> to vector<16xf32>
        %parallel_loop3A_175 = arith.addf %parallel_loop3A_170, %parallel_loop3A_174 : vector<16xf32>
        %parallel_loop3A_176 = arith.index_cast %parallel_loop3A_96 : i32 to index
        %parallel_loop3A_177 = arith.constant 80 : index
        %parallel_loop3A_178 = tpu.vector_load %arg10[%parallel_loop3A_176, %parallel_loop3A_177] {strides = array<i32>} : memref<200x128xf32, #tpu.memory_space<vmem>>, vector<1x16xf32>,
        %parallel_loop3A_179 = vector.shape_cast %parallel_loop3A_178 : vector<1x16xf32> to vector<16xf32>
        %parallel_loop3A_180 = vector.shape_cast %parallel_loop3A_175 : vector<16xf32> to vector<1x16xf32>
        tpu.vector_store %arg10[%parallel_loop3A_176, %parallel_loop3A_177], %parallel_loop3A_180 {strides = array<i32>} : memref<200x128xf32, #tpu.memory_space<vmem>>, vector<1x16xf32>,
        %parallel_loop3A_181 = arith.index_cast %parallel_loop3A_96 : i32 to index
        %parallel_loop3A_182 = arith.constant 96 : index
        %parallel_loop3A_183 = tpu.vector_load %arg10[%parallel_loop3A_181, %parallel_loop3A_182] {strides = array<i32>} : memref<200x128xf32, #tpu.memory_space<vmem>>, vector<1x16xf32>,
        %parallel_loop3A_184 = vector.shape_cast %parallel_loop3A_183 : vector<1x16xf32> to vector<16xf32>
        %parallel_loop3A_185 = arith.index_cast %parallel_loop3A_96 : i32 to index
        %parallel_loop3A_186 = arith.constant 96 : index
        %parallel_loop3A_187 = tpu.vector_load %arg11[%parallel_loop3A_185, %parallel_loop3A_186] {strides = array<i32>} : memref<200x128xf32, #tpu.memory_space<vmem>>, vector<1x16xf32>,
        %parallel_loop3A_188 = vector.shape_cast %parallel_loop3A_187 : vector<1x16xf32> to vector<16xf32>
        %parallel_loop3A_189 = arith.addf %parallel_loop3A_184, %parallel_loop3A_188 : vector<16xf32>
        %parallel_loop3A_190 = arith.index_cast %parallel_loop3A_96 : i32 to index
        %parallel_loop3A_191 = arith.constant 96 : index
        %parallel_loop3A_192 = tpu.vector_load %arg10[%parallel_loop3A_190, %parallel_loop3A_191] {strides = array<i32>} : memref<200x128xf32, #tpu.memory_space<vmem>>, vector<1x16xf32>,
        %parallel_loop3A_193 = vector.shape_cast %parallel_loop3A_192 : vector<1x16xf32> to vector<16xf32>
        %parallel_loop3A_194 = vector.shape_cast %parallel_loop3A_189 : vector<16xf32> to vector<1x16xf32>
        tpu.vector_store %arg10[%parallel_loop3A_190, %parallel_loop3A_191], %parallel_loop3A_194 {strides = array<i32>} : memref<200x128xf32, #tpu.memory_space<vmem>>, vector<1x16xf32>,
        %parallel_loop3A_195 = arith.index_cast %parallel_loop3A_96 : i32 to index
        %parallel_loop3A_196 = arith.constant 112 : index
        %parallel_loop3A_197 = tpu.vector_load %arg10[%parallel_loop3A_195, %parallel_loop3A_196] {strides = array<i32>} : memref<200x128xf32, #tpu.memory_space<vmem>>, vector<1x16xf32>,
        %parallel_loop3A_198 = vector.shape_cast %parallel_loop3A_197 : vector<1x16xf32> to vector<16xf32>
        %parallel_loop3A_199 = arith.index_cast %parallel_loop3A_96 : i32 to index
        %parallel_loop3A_200 = arith.constant 112 : index
        %parallel_loop3A_201 = tpu.vector_load %arg11[%parallel_loop3A_199, %parallel_loop3A_200] {strides = array<i32>} : memref<200x128xf32, #tpu.memory_space<vmem>>, vector<1x16xf32>,
        %parallel_loop3A_202 = vector.shape_cast %parallel_loop3A_201 : vector<1x16xf32> to vector<16xf32>
        %parallel_loop3A_203 = arith.addf %parallel_loop3A_198, %parallel_loop3A_202 : vector<16xf32>
        %parallel_loop3A_204 = arith.index_cast %parallel_loop3A_96 : i32 to index
        %parallel_loop3A_205 = arith.constant 112 : index
        %parallel_loop3A_206 = tpu.vector_load %arg10[%parallel_loop3A_204, %parallel_loop3A_205] {strides = array<i32>} : memref<200x128xf32, #tpu.memory_space<vmem>>, vector<1x16xf32>,
        %parallel_loop3A_207 = vector.shape_cast %parallel_loop3A_206 : vector<1x16xf32> to vector<16xf32>
        %parallel_loop3A_208 = vector.shape_cast %parallel_loop3A_203 : vector<16xf32> to vector<1x16xf32>
        tpu.vector_store %arg10[%parallel_loop3A_204, %parallel_loop3A_205], %parallel_loop3A_208 {strides = array<i32>} : memref<200x128xf32, #tpu.memory_space<vmem>>, vector<1x16xf32>,
      } {sc.loop_unroll_factor = 4 : i64, sc.parallel_access}
      %mul3A_62 = arith.constant 200 : i32
      %mul3A_63 = arith.muli %mul3A_51, %mul3A_62 : i32
      %add3A_64 = arith.addi %mul3A_6, %mul3A_63 : i32
      %multiple_of3A_65 = tpu.assume_multiple %add3A_64, 8 : i32
      %dma_start3A_66 = arith.constant 0 : i32
      %dma_start3A_67 = tpu.memref_slice %arg5[%multiple_of3A_65, %dma_start3A_66] : memref<64000x128xf32, #tpu.memory_space<hbm>> -> memref<200x128xf32, #tpu.memory_space<hbm>>
      %dma_start3A_68 = arith.constant 0 : i32
      %dma_start3A_69 = tpu.memref_slice %arg5[%multiple_of3A_65, %dma_start3A_68] : memref<64000x128xf32, #tpu.memory_space<hbm>> -> memref<200x128xf32, #tpu.memory_space<hbm>>
      tpu.enqueue_dma source(%arg10 : memref<200x128xf32, #tpu.memory_space<vmem>>) target(%dma_start3A_69 : memref<200x128xf32, #tpu.memory_space<hbm>>) target_semaphore(%arg18 : memref<!tpu.dma_semaphore, #tpu.memory_space<semaphore_mem>>)
      %mul3A_70 = arith.constant 2 : i32
      %mul3A_71 = arith.muli %mul3A_70, %scan3A_49 : i32
      %add3A_72 = arith.constant 1 : i32
      %add3A_73 = arith.addi %mul3A_71, %add3A_72 : i32
      %dma_wait3A_74 = arith.constant 0 : i32
      %dma_wait3A_75 = arith.constant 0 : i32
      %dma_wait3A_76 = tpu.memref_slice %arg2[%dma_wait3A_74, %dma_wait3A_75] : memref<20000x128xf32, #tpu.memory_space<hbm>> -> memref<20000x128xf32, #tpu.memory_space<hbm>>
      tpu.wait_indirect_dma semaphore(%arg15 : memref<!tpu.dma_semaphore, #tpu.memory_space<semaphore_mem>>) src(%dma_wait3A_76 : memref<20000x128xf32, #tpu.memory_space<hbm>>) dst(%arg12 : memref<200x128xf32, #tpu.memory_space<vmem>>)
      %dma_wait3A_77 = arith.constant 0 : i32
      %dma_wait3A_78 = arith.constant 0 : i32
      %dma_wait3A_79 = tpu.memref_slice %arg2[%dma_wait3A_77, %dma_wait3A_78] : memref<20000x128xf32, #tpu.memory_space<hbm>> -> memref<20000x128xf32, #tpu.memory_space<hbm>>
      tpu.wait_indirect_dma semaphore(%arg15 : memref<!tpu.dma_semaphore, #tpu.memory_space<semaphore_mem>>) src(%dma_wait3A_79 : memref<20000x128xf32, #tpu.memory_space<hbm>>) dst(%arg13 : memref<200x128xf32, #tpu.memory_space<vmem>>)
      %le3A_80 = arith.constant 8 : i32
      %le3A_81 = arith.cmpi sle, %add3A_73, %le3A_80 : i32
      %convert_element_type3A_82 = arith.extui %le3A_81 : i1 to i32
      %cond3A_83 = arith.constant 0 : i32
      %cond3A_84 = arith.cmpi ne, %convert_element_type3A_82, %cond3A_83 : i32
      scf.if %cond3A_84 {
        %dma_wait3A_96 = arith.constant 0 : i32
        %dma_wait3A_97 = tpu.memref_slice %arg3[%dma_wait3A_96] : memref<320000xi32, #tpu.memory_space<hbm>> -> memref<200xi32, #tpu.memory_space<hbm>>
        %dma_wait3A_98 = arith.constant 0 : i32
        %dma_wait3A_99 = tpu.memref_slice %arg3[%dma_wait3A_98] : memref<320000xi32, #tpu.memory_space<hbm>> -> memref<200xi32, #tpu.memory_space<hbm>>
        tpu.wait_dma2 semaphore(%arg16 : memref<!tpu.dma_semaphore, #tpu.memory_space<semaphore_mem>>) src(%dma_wait3A_99 : memref<200xi32, #tpu.memory_space<hbm>>) dst(%arg6 : memref<200xi32, #tpu.memory_space<vmem>>)
        %dma_wait3A_100 = arith.constant 0 : i32
        %dma_wait3A_101 = tpu.memref_slice %arg4[%dma_wait3A_100] : memref<320000xi32, #tpu.memory_space<hbm>> -> memref<200xi32, #tpu.memory_space<hbm>>
        %dma_wait3A_102 = arith.constant 0 : i32
        %dma_wait3A_103 = tpu.memref_slice %arg4[%dma_wait3A_102] : memref<320000xi32, #tpu.memory_space<hbm>> -> memref<200xi32, #tpu.memory_space<hbm>>
        tpu.wait_dma2 semaphore(%arg16 : memref<!tpu.dma_semaphore, #tpu.memory_space<semaphore_mem>>) src(%dma_wait3A_103 : memref<200xi32, #tpu.memory_space<hbm>>) dst(%arg7 : memref<200xi32, #tpu.memory_space<vmem>>)
        %ge3A = arith.constant 1 : i32
        %ge3A_104 = arith.cmpi sge, %add3A_73, %ge3A : i32
        %convert_element_type3A_105 = arith.extui %ge3A_104 : i1 to i32
        %cond3A_106 = arith.constant 0 : i32
        %cond3A_107 = arith.cmpi ne, %convert_element_type3A_105, %cond3A_106 : i32
        scf.if %cond3A_107 {
          %dma_wait3A_119 = arith.constant 0 : i32
          %dma_wait3A_120 = arith.constant 0 : i32
          %dma_wait3A_121 = tpu.memref_slice %arg5[%dma_wait3A_119, %dma_wait3A_120] : memref<64000x128xf32, #tpu.memory_space<hbm>> -> memref<200x128xf32, #tpu.memory_space<hbm>>
          %dma_wait3A_122 = arith.constant 0 : i32
          %dma_wait3A_123 = arith.constant 0 : i32
          %dma_wait3A_124 = tpu.memref_slice %arg5[%dma_wait3A_122, %dma_wait3A_123] : memref<64000x128xf32, #tpu.memory_space<hbm>> -> memref<200x128xf32, #tpu.memory_space<hbm>>
          tpu.wait_dma2 semaphore(%arg18 : memref<!tpu.dma_semaphore, #tpu.memory_space<semaphore_mem>>) src(%arg10 : memref<200x128xf32, #tpu.memory_space<vmem>>) dst(%dma_wait3A_124 : memref<200x128xf32, #tpu.memory_space<hbm>>)
        } else {
        }
        %dma_start3A_108 = arith.constant 0 : i32
        %dma_start3A_109 = arith.constant 0 : i32
        %dma_start3A_110 = tpu.memref_slice %arg2[%dma_start3A_108, %dma_start3A_109] : memref<20000x128xf32, #tpu.memory_space<hbm>> -> memref<20000x128xf32, #tpu.memory_space<hbm>>
        tpu.enqueue_indirect_dma source(%dma_start3A_110 : memref<20000x128xf32, #tpu.memory_space<hbm>>) target(%arg10 : memref<200x128xf32, #tpu.memory_space<vmem>>) offsets(%arg6 : memref<200xi32, #tpu.memory_space<vmem>>) semaphore(%arg14 : memref<!tpu.dma_semaphore, #tpu.memory_space<semaphore_mem>>)
        %dma_start3A_111 = arith.constant 0 : i32
        %dma_start3A_112 = arith.constant 0 : i32
        %dma_start3A_113 = tpu.memref_slice %arg2[%dma_start3A_111, %dma_start3A_112] : memref<20000x128xf32, #tpu.memory_space<hbm>> -> memref<20000x128xf32, #tpu.memory_space<hbm>>
        tpu.enqueue_indirect_dma source(%dma_start3A_113 : memref<20000x128xf32, #tpu.memory_space<hbm>>) target(%arg11 : memref<200x128xf32, #tpu.memory_space<vmem>>) offsets(%arg7 : memref<200xi32, #tpu.memory_space<vmem>>) semaphore(%arg14 : memref<!tpu.dma_semaphore, #tpu.memory_space<semaphore_mem>>)
        %le3A_114 = arith.constant 7 : i32
        %le3A_115 = arith.cmpi sle, %add3A_73, %le3A_114 : i32
        %convert_element_type3A_116 = arith.extui %le3A_115 : i1 to i32
        %cond3A_117 = arith.constant 0 : i32
        %cond3A_118 = arith.cmpi ne, %convert_element_type3A_116, %cond3A_117 : i32
        scf.if %cond3A_118 {
          %add3A_119 = arith.constant 2 : i32
          %add3A_120 = arith.addi %add3A_73, %add3A_119 : i32
          %mul3A_121 = arith.constant 200 : i32
          %mul3A_122 = arith.muli %add3A_120, %mul3A_121 : i32
          %add3A_123 = arith.addi %add3A_4, %mul3A_122 : i32
          %multiple_of3A_124 = tpu.assume_multiple %add3A_123, 8 : i32
          %dma_start3A_125 = tpu.memref_slice %arg3[%multiple_of3A_124] : memref<320000xi32, #tpu.memory_space<hbm>> -> memref<200xi32, #tpu.memory_space<hbm>>
          %dma_start3A_126 = tpu.memref_slice %arg3[%multiple_of3A_124] : memref<320000xi32, #tpu.memory_space<hbm>> -> memref<200xi32, #tpu.memory_space<hbm>>
          tpu.enqueue_dma source(%dma_start3A_126 : memref<200xi32, #tpu.memory_space<hbm>>) target(%arg8 : memref<200xi32, #tpu.memory_space<vmem>>) target_semaphore(%arg17 : memref<!tpu.dma_semaphore, #tpu.memory_space<semaphore_mem>>)
          %dma_start3A_127 = tpu.memref_slice %arg4[%multiple_of3A_124] : memref<320000xi32, #tpu.memory_space<hbm>> -> memref<200xi32, #tpu.memory_space<hbm>>
          %dma_start3A_128 = tpu.memref_slice %arg4[%multiple_of3A_124] : memref<320000xi32, #tpu.memory_space<hbm>> -> memref<200xi32, #tpu.memory_space<hbm>>
          tpu.enqueue_dma source(%dma_start3A_128 : memref<200xi32, #tpu.memory_space<hbm>>) target(%arg9 : memref<200xi32, #tpu.memory_space<vmem>>) target_semaphore(%arg17 : memref<!tpu.dma_semaphore, #tpu.memory_space<semaphore_mem>>)
        } else {
        }
      } else {
      }
      %parallel_loop3A_85 = arith.constant 0 : i32
      %parallel_loop3A_86 = arith.constant 200 : i32
      %parallel_loop3A_87 = arith.constant 1 : i32
      scf.for %parallel_loop3A_96 = %parallel_loop3A_85 to %parallel_loop3A_86 step %parallel_loop3A_87  : i32 {
        %parallel_loop3A_97 = arith.index_cast %parallel_loop3A_96 : i32 to index
        %parallel_loop3A_98 = arith.constant 0 : index
        %parallel_loop3A_99 = tpu.vector_load %arg12[%parallel_loop3A_97, %parallel_loop3A_98] {strides = array<i32>} : memref<200x128xf32, #tpu.memory_space<vmem>>, vector<1x16xf32>,
        %parallel_loop3A_100 = vector.shape_cast %parallel_loop3A_99 : vector<1x16xf32> to vector<16xf32>
        %parallel_loop3A_101 = arith.index_cast %parallel_loop3A_96 : i32 to index
        %parallel_loop3A_102 = arith.constant 0 : index
        %parallel_loop3A_103 = tpu.vector_load %arg13[%parallel_loop3A_101, %parallel_loop3A_102] {strides = array<i32>} : memref<200x128xf32, #tpu.memory_space<vmem>>, vector<1x16xf32>,
        %parallel_loop3A_104 = vector.shape_cast %parallel_loop3A_103 : vector<1x16xf32> to vector<16xf32>
        %parallel_loop3A_105 = arith.addf %parallel_loop3A_100, %parallel_loop3A_104 : vector<16xf32>
        %parallel_loop3A_106 = arith.index_cast %parallel_loop3A_96 : i32 to index
        %parallel_loop3A_107 = arith.constant 0 : index
        %parallel_loop3A_108 = tpu.vector_load %arg12[%parallel_loop3A_106, %parallel_loop3A_107] {strides = array<i32>} : memref<200x128xf32, #tpu.memory_space<vmem>>, vector<1x16xf32>,
        %parallel_loop3A_109 = vector.shape_cast %parallel_loop3A_108 : vector<1x16xf32> to vector<16xf32>
        %parallel_loop3A_110 = vector.shape_cast %parallel_loop3A_105 : vector<16xf32> to vector<1x16xf32>
        tpu.vector_store %arg12[%parallel_loop3A_106, %parallel_loop3A_107], %parallel_loop3A_110 {strides = array<i32>} : memref<200x128xf32, #tpu.memory_space<vmem>>, vector<1x16xf32>,
        %parallel_loop3A_111 = arith.index_cast %parallel_loop3A_96 : i32 to index
        %parallel_loop3A_112 = arith.constant 16 : index
        %parallel_loop3A_113 = tpu.vector_load %arg12[%parallel_loop3A_111, %parallel_loop3A_112] {strides = array<i32>} : memref<200x128xf32, #tpu.memory_space<vmem>>, vector<1x16xf32>,
        %parallel_loop3A_114 = vector.shape_cast %parallel_loop3A_113 : vector<1x16xf32> to vector<16xf32>
        %parallel_loop3A_115 = arith.index_cast %parallel_loop3A_96 : i32 to index
        %parallel_loop3A_116 = arith.constant 16 : index
        %parallel_loop3A_117 = tpu.vector_load %arg13[%parallel_loop3A_115, %parallel_loop3A_116] {strides = array<i32>} : memref<200x128xf32, #tpu.memory_space<vmem>>, vector<1x16xf32>,
        %parallel_loop3A_118 = vector.shape_cast %parallel_loop3A_117 : vector<1x16xf32> to vector<16xf32>
        %parallel_loop3A_119 = arith.addf %parallel_loop3A_114, %parallel_loop3A_118 : vector<16xf32>
        %parallel_loop3A_120 = arith.index_cast %parallel_loop3A_96 : i32 to index
        %parallel_loop3A_121 = arith.constant 16 : index
        %parallel_loop3A_122 = tpu.vector_load %arg12[%parallel_loop3A_120, %parallel_loop3A_121] {strides = array<i32>} : memref<200x128xf32, #tpu.memory_space<vmem>>, vector<1x16xf32>,
        %parallel_loop3A_123 = vector.shape_cast %parallel_loop3A_122 : vector<1x16xf32> to vector<16xf32>
        %parallel_loop3A_124 = vector.shape_cast %parallel_loop3A_119 : vector<16xf32> to vector<1x16xf32>
        tpu.vector_store %arg12[%parallel_loop3A_120, %parallel_loop3A_121], %parallel_loop3A_124 {strides = array<i32>} : memref<200x128xf32, #tpu.memory_space<vmem>>, vector<1x16xf32>,
        %parallel_loop3A_125 = arith.index_cast %parallel_loop3A_96 : i32 to index
        %parallel_loop3A_126 = arith.constant 32 : index
        %parallel_loop3A_127 = tpu.vector_load %arg12[%parallel_loop3A_125, %parallel_loop3A_126] {strides = array<i32>} : memref<200x128xf32, #tpu.memory_space<vmem>>, vector<1x16xf32>,
        %parallel_loop3A_128 = vector.shape_cast %parallel_loop3A_127 : vector<1x16xf32> to vector<16xf32>
        %parallel_loop3A_129 = arith.index_cast %parallel_loop3A_96 : i32 to index
        %parallel_loop3A_130 = arith.constant 32 : index
        %parallel_loop3A_131 = tpu.vector_load %arg13[%parallel_loop3A_129, %parallel_loop3A_130] {strides = array<i32>} : memref<200x128xf32, #tpu.memory_space<vmem>>, vector<1x16xf32>,
        %parallel_loop3A_132 = vector.shape_cast %parallel_loop3A_131 : vector<1x16xf32> to vector<16xf32>
        %parallel_loop3A_133 = arith.addf %parallel_loop3A_128, %parallel_loop3A_132 : vector<16xf32>
        %parallel_loop3A_134 = arith.index_cast %parallel_loop3A_96 : i32 to index
        %parallel_loop3A_135 = arith.constant 32 : index
        %parallel_loop3A_136 = tpu.vector_load %arg12[%parallel_loop3A_134, %parallel_loop3A_135] {strides = array<i32>} : memref<200x128xf32, #tpu.memory_space<vmem>>, vector<1x16xf32>,
        %parallel_loop3A_137 = vector.shape_cast %parallel_loop3A_136 : vector<1x16xf32> to vector<16xf32>
        %parallel_loop3A_138 = vector.shape_cast %parallel_loop3A_133 : vector<16xf32> to vector<1x16xf32>
        tpu.vector_store %arg12[%parallel_loop3A_134, %parallel_loop3A_135], %parallel_loop3A_138 {strides = array<i32>} : memref<200x128xf32, #tpu.memory_space<vmem>>, vector<1x16xf32>,
        %parallel_loop3A_139 = arith.index_cast %parallel_loop3A_96 : i32 to index
        %parallel_loop3A_140 = arith.constant 48 : index
        %parallel_loop3A_141 = tpu.vector_load %arg12[%parallel_loop3A_139, %parallel_loop3A_140] {strides = array<i32>} : memref<200x128xf32, #tpu.memory_space<vmem>>, vector<1x16xf32>,
        %parallel_loop3A_142 = vector.shape_cast %parallel_loop3A_141 : vector<1x16xf32> to vector<16xf32>
        %parallel_loop3A_143 = arith.index_cast %parallel_loop3A_96 : i32 to index
        %parallel_loop3A_144 = arith.constant 48 : index
        %parallel_loop3A_145 = tpu.vector_load %arg13[%parallel_loop3A_143, %parallel_loop3A_144] {strides = array<i32>} : memref<200x128xf32, #tpu.memory_space<vmem>>, vector<1x16xf32>,
        %parallel_loop3A_146 = vector.shape_cast %parallel_loop3A_145 : vector<1x16xf32> to vector<16xf32>
        %parallel_loop3A_147 = arith.addf %parallel_loop3A_142, %parallel_loop3A_146 : vector<16xf32>
        %parallel_loop3A_148 = arith.index_cast %parallel_loop3A_96 : i32 to index
        %parallel_loop3A_149 = arith.constant 48 : index
        %parallel_loop3A_150 = tpu.vector_load %arg12[%parallel_loop3A_148, %parallel_loop3A_149] {strides = array<i32>} : memref<200x128xf32, #tpu.memory_space<vmem>>, vector<1x16xf32>,
        %parallel_loop3A_151 = vector.shape_cast %parallel_loop3A_150 : vector<1x16xf32> to vector<16xf32>
        %parallel_loop3A_152 = vector.shape_cast %parallel_loop3A_147 : vector<16xf32> to vector<1x16xf32>
        tpu.vector_store %arg12[%parallel_loop3A_148, %parallel_loop3A_149], %parallel_loop3A_152 {strides = array<i32>} : memref<200x128xf32, #tpu.memory_space<vmem>>, vector<1x16xf32>,
        %parallel_loop3A_153 = arith.index_cast %parallel_loop3A_96 : i32 to index
        %parallel_loop3A_154 = arith.constant 64 : index
        %parallel_loop3A_155 = tpu.vector_load %arg12[%parallel_loop3A_153, %parallel_loop3A_154] {strides = array<i32>} : memref<200x128xf32, #tpu.memory_space<vmem>>, vector<1x16xf32>,
        %parallel_loop3A_156 = vector.shape_cast %parallel_loop3A_155 : vector<1x16xf32> to vector<16xf32>
        %parallel_loop3A_157 = arith.index_cast %parallel_loop3A_96 : i32 to index
        %parallel_loop3A_158 = arith.constant 64 : index
        %parallel_loop3A_159 = tpu.vector_load %arg13[%parallel_loop3A_157, %parallel_loop3A_158] {strides = array<i32>} : memref<200x128xf32, #tpu.memory_space<vmem>>, vector<1x16xf32>,
        %parallel_loop3A_160 = vector.shape_cast %parallel_loop3A_159 : vector<1x16xf32> to vector<16xf32>
        %parallel_loop3A_161 = arith.addf %parallel_loop3A_156, %parallel_loop3A_160 : vector<16xf32>
        %parallel_loop3A_162 = arith.index_cast %parallel_loop3A_96 : i32 to index
        %parallel_loop3A_163 = arith.constant 64 : index
        %parallel_loop3A_164 = tpu.vector_load %arg12[%parallel_loop3A_162, %parallel_loop3A_163] {strides = array<i32>} : memref<200x128xf32, #tpu.memory_space<vmem>>, vector<1x16xf32>,
        %parallel_loop3A_165 = vector.shape_cast %parallel_loop3A_164 : vector<1x16xf32> to vector<16xf32>
        %parallel_loop3A_166 = vector.shape_cast %parallel_loop3A_161 : vector<16xf32> to vector<1x16xf32>
        tpu.vector_store %arg12[%parallel_loop3A_162, %parallel_loop3A_163], %parallel_loop3A_166 {strides = array<i32>} : memref<200x128xf32, #tpu.memory_space<vmem>>, vector<1x16xf32>,
        %parallel_loop3A_167 = arith.index_cast %parallel_loop3A_96 : i32 to index
        %parallel_loop3A_168 = arith.constant 80 : index
        %parallel_loop3A_169 = tpu.vector_load %arg12[%parallel_loop3A_167, %parallel_loop3A_168] {strides = array<i32>} : memref<200x128xf32, #tpu.memory_space<vmem>>, vector<1x16xf32>,
        %parallel_loop3A_170 = vector.shape_cast %parallel_loop3A_169 : vector<1x16xf32> to vector<16xf32>
        %parallel_loop3A_171 = arith.index_cast %parallel_loop3A_96 : i32 to index
        %parallel_loop3A_172 = arith.constant 80 : index
        %parallel_loop3A_173 = tpu.vector_load %arg13[%parallel_loop3A_171, %parallel_loop3A_172] {strides = array<i32>} : memref<200x128xf32, #tpu.memory_space<vmem>>, vector<1x16xf32>,
        %parallel_loop3A_174 = vector.shape_cast %parallel_loop3A_173 : vector<1x16xf32> to vector<16xf32>
        %parallel_loop3A_175 = arith.addf %parallel_loop3A_170, %parallel_loop3A_174 : vector<16xf32>
        %parallel_loop3A_176 = arith.index_cast %parallel_loop3A_96 : i32 to index
        %parallel_loop3A_177 = arith.constant 80 : index
        %parallel_loop3A_178 = tpu.vector_load %arg12[%parallel_loop3A_176, %parallel_loop3A_177] {strides = array<i32>} : memref<200x128xf32, #tpu.memory_space<vmem>>, vector<1x16xf32>,
        %parallel_loop3A_179 = vector.shape_cast %parallel_loop3A_178 : vector<1x16xf32> to vector<16xf32>
        %parallel_loop3A_180 = vector.shape_cast %parallel_loop3A_175 : vector<16xf32> to vector<1x16xf32>
        tpu.vector_store %arg12[%parallel_loop3A_176, %parallel_loop3A_177], %parallel_loop3A_180 {strides = array<i32>} : memref<200x128xf32, #tpu.memory_space<vmem>>, vector<1x16xf32>,
        %parallel_loop3A_181 = arith.index_cast %parallel_loop3A_96 : i32 to index
        %parallel_loop3A_182 = arith.constant 96 : index
        %parallel_loop3A_183 = tpu.vector_load %arg12[%parallel_loop3A_181, %parallel_loop3A_182] {strides = array<i32>} : memref<200x128xf32, #tpu.memory_space<vmem>>, vector<1x16xf32>,
        %parallel_loop3A_184 = vector.shape_cast %parallel_loop3A_183 : vector<1x16xf32> to vector<16xf32>
        %parallel_loop3A_185 = arith.index_cast %parallel_loop3A_96 : i32 to index
        %parallel_loop3A_186 = arith.constant 96 : index
        %parallel_loop3A_187 = tpu.vector_load %arg13[%parallel_loop3A_185, %parallel_loop3A_186] {strides = array<i32>} : memref<200x128xf32, #tpu.memory_space<vmem>>, vector<1x16xf32>,
        %parallel_loop3A_188 = vector.shape_cast %parallel_loop3A_187 : vector<1x16xf32> to vector<16xf32>
        %parallel_loop3A_189 = arith.addf %parallel_loop3A_184, %parallel_loop3A_188 : vector<16xf32>
        %parallel_loop3A_190 = arith.index_cast %parallel_loop3A_96 : i32 to index
        %parallel_loop3A_191 = arith.constant 96 : index
        %parallel_loop3A_192 = tpu.vector_load %arg12[%parallel_loop3A_190, %parallel_loop3A_191] {strides = array<i32>} : memref<200x128xf32, #tpu.memory_space<vmem>>, vector<1x16xf32>,
        %parallel_loop3A_193 = vector.shape_cast %parallel_loop3A_192 : vector<1x16xf32> to vector<16xf32>
        %parallel_loop3A_194 = vector.shape_cast %parallel_loop3A_189 : vector<16xf32> to vector<1x16xf32>
        tpu.vector_store %arg12[%parallel_loop3A_190, %parallel_loop3A_191], %parallel_loop3A_194 {strides = array<i32>} : memref<200x128xf32, #tpu.memory_space<vmem>>, vector<1x16xf32>,
        %parallel_loop3A_195 = arith.index_cast %parallel_loop3A_96 : i32 to index
        %parallel_loop3A_196 = arith.constant 112 : index
        %parallel_loop3A_197 = tpu.vector_load %arg12[%parallel_loop3A_195, %parallel_loop3A_196] {strides = array<i32>} : memref<200x128xf32, #tpu.memory_space<vmem>>, vector<1x16xf32>,
        %parallel_loop3A_198 = vector.shape_cast %parallel_loop3A_197 : vector<1x16xf32> to vector<16xf32>
        %parallel_loop3A_199 = arith.index_cast %parallel_loop3A_96 : i32 to index
        %parallel_loop3A_200 = arith.constant 112 : index
        %parallel_loop3A_201 = tpu.vector_load %arg13[%parallel_loop3A_199, %parallel_loop3A_200] {strides = array<i32>} : memref<200x128xf32, #tpu.memory_space<vmem>>, vector<1x16xf32>,
        %parallel_loop3A_202 = vector.shape_cast %parallel_loop3A_201 : vector<1x16xf32> to vector<16xf32>
        %parallel_loop3A_203 = arith.addf %parallel_loop3A_198, %parallel_loop3A_202 : vector<16xf32>
        %parallel_loop3A_204 = arith.index_cast %parallel_loop3A_96 : i32 to index
        %parallel_loop3A_205 = arith.constant 112 : index
        %parallel_loop3A_206 = tpu.vector_load %arg12[%parallel_loop3A_204, %parallel_loop3A_205] {strides = array<i32>} : memref<200x128xf32, #tpu.memory_space<vmem>>, vector<1x16xf32>,
        %parallel_loop3A_207 = vector.shape_cast %parallel_loop3A_206 : vector<1x16xf32> to vector<16xf32>
        %parallel_loop3A_208 = vector.shape_cast %parallel_loop3A_203 : vector<16xf32> to vector<1x16xf32>
        tpu.vector_store %arg12[%parallel_loop3A_204, %parallel_loop3A_205], %parallel_loop3A_208 {strides = array<i32>} : memref<200x128xf32, #tpu.memory_space<vmem>>, vector<1x16xf32>,
      } {sc.loop_unroll_factor = 4 : i64, sc.parallel_access}
      %mul3A_88 = arith.constant 200 : i32
      %mul3A_89 = arith.muli %add3A_73, %mul3A_88 : i32
      %add3A_90 = arith.addi %mul3A_6, %mul3A_89 : i32
      %multiple_of3A_91 = tpu.assume_multiple %add3A_90, 8 : i32
      %dma_start3A_92 = arith.constant 0 : i32
      %dma_start3A_93 = tpu.memref_slice %arg5[%multiple_of3A_91, %dma_start3A_92] : memref<64000x128xf32, #tpu.memory_space<hbm>> -> memref<200x128xf32, #tpu.memory_space<hbm>>
      %dma_start3A_94 = arith.constant 0 : i32
      %dma_start3A_95 = tpu.memref_slice %arg5[%multiple_of3A_91, %dma_start3A_94] : memref<64000x128xf32, #tpu.memory_space<hbm>> -> memref<200x128xf32, #tpu.memory_space<hbm>>
      tpu.enqueue_dma source(%arg12 : memref<200x128xf32, #tpu.memory_space<vmem>>) target(%dma_start3A_95 : memref<200x128xf32, #tpu.memory_space<hbm>>) target_semaphore(%arg19 : memref<!tpu.dma_semaphore, #tpu.memory_space<semaphore_mem>>)
    }
    %scan3A_36 = arith.constant 5 : i32
    %dma_wait3A_37 = arith.constant 0 : i32
    %dma_wait3A_38 = arith.constant 0 : i32
    %dma_wait3A_39 = tpu.memref_slice %arg5[%dma_wait3A_37, %dma_wait3A_38] : memref<64000x128xf32, #tpu.memory_space<hbm>> -> memref<200x128xf32, #tpu.memory_space<hbm>>
    %dma_wait3A_40 = arith.constant 0 : i32
    %dma_wait3A_41 = arith.constant 0 : i32
    %dma_wait3A_42 = tpu.memref_slice %arg5[%dma_wait3A_40, %dma_wait3A_41] : memref<64000x128xf32, #tpu.memory_space<hbm>> -> memref<200x128xf32, #tpu.memory_space<hbm>>
    tpu.wait_dma2 semaphore(%arg18 : memref<!tpu.dma_semaphore, #tpu.memory_space<semaphore_mem>>) src(%arg10 : memref<200x128xf32, #tpu.memory_space<vmem>>) dst(%dma_wait3A_42 : memref<200x128xf32, #tpu.memory_space<hbm>>)
    %dma_wait3A_43 = arith.constant 0 : i32
    %dma_wait3A_44 = arith.constant 0 : i32
    %dma_wait3A_45 = tpu.memref_slice %arg5[%dma_wait3A_43, %dma_wait3A_44] : memref<64000x128xf32, #tpu.memory_space<hbm>> -> memref<200x128xf32, #tpu.memory_space<hbm>>
    %dma_wait3A_46 = arith.constant 0 : i32
    %dma_wait3A_47 = arith.constant 0 : i32
    %dma_wait3A_48 = tpu.memref_slice %arg5[%dma_wait3A_46, %dma_wait3A_47] : memref<64000x128xf32, #tpu.memory_space<hbm>> -> memref<200x128xf32, #tpu.memory_space<hbm>>
    tpu.wait_dma2 semaphore(%arg19 : memref<!tpu.dma_semaphore, #tpu.memory_space<semaphore_mem>>) src(%arg12 : memref<200x128xf32, #tpu.memory_space<vmem>>) dst(%dma_wait3A_48 : memref<200x128xf32, #tpu.memory_space<hbm>>)
    return
  }
}

#map = affine_map<(d0, d1) -> (0, 0)>
#map1 = affine_map<(d0, d1) -> (0)>
module attributes {stable_mosaic.version = 14 : i64} {
  func.func @k(%arg0: i32, %arg1: i32, %arg2: memref<20000x128xf32, #tpu.memory_space<hbm>>, %arg3: memref<320000xi32, #tpu.memory_space<hbm>>, %arg4: memref<320000xi32, #tpu.memory_space<hbm>>, %arg5: memref<64000x128xf32, #tpu.memory_space<hbm>>, %arg6: memref<200xi32, #tpu.memory_space<vmem>>, %arg7: memref<200xi32, #tpu.memory_space<vmem>>, %arg8: memref<200xi32, #tpu.memory_space<vmem>>, %arg9: memref<200xi32, #tpu.memory_space<vmem>>, %arg10: memref<200x128xf32, #tpu.memory_space<vmem>>, %arg11: memref<200x128xf32, #tpu.memory_space<vmem>>, %arg12: memref<200x128xf32, #tpu.memory_space<vmem>>, %arg13: memref<200x128xf32, #tpu.memory_space<vmem>>, %arg14: memref<!tpu.dma_semaphore, #tpu.memory_space<semaphore_mem>>, %arg15: memref<!tpu.dma_semaphore, #tpu.memory_space<semaphore_mem>>, %arg16: memref<!tpu.dma_semaphore, #tpu.memory_space<semaphore_mem>>, %arg17: memref<!tpu.dma_semaphore, #tpu.memory_space<semaphore_mem>>, %arg18: memref<!tpu.dma_semaphore, #tpu.memory_space<semaphore_mem>>, %arg19: memref<!tpu.dma_semaphore, #tpu.memory_space<semaphore_mem>>) attributes {dimension_semantics = [#tpu.dimension_semantics<core_parallel>, #tpu.dimension_semantics<subcore_parallel>], iteration_bounds = array<i64: 2, 16>, scalar_prefetch = 0 : i64, scratch_operands = 14 : i64, tpu.core_type = #tpu.core_type<sc_vector_subcore>, window_params = [{transform_indices = #map}, {transform_indices = #map1}, {transform_indices = #map1}, {transform_indices = #map}]} {
    %mul3A = arith.constant 2 : i32
    %mul3A_0 = arith.muli %arg1, %mul3A : i32
    %add3A = arith.addi %mul3A_0, %arg0 : i32
    %mul3A_1 = arith.constant 2000 : i32
    %mul3A_2 = arith.muli %add3A, %mul3A_1 : i32
    %add3A_3 = arith.constant 192000 : i32
    %add3A_4 = arith.addi %add3A_3, %mul3A_2 : i32
    %mul3A_5 = arith.constant 2000 : i32
    %mul3A_6 = arith.muli %add3A, %mul3A_5 : i32
    %add3A_7 = arith.constant 0 : i32
    %add3A_8 = arith.addi %add3A_4, %add3A_7 : i32
    %multiple_of3A = tpu.assume_multiple %add3A_8, 8 : i32
    %dma_start3A = tpu.memref_slice %arg3[%multiple_of3A] : memref<320000xi32, #tpu.memory_space<hbm>> -> memref<200xi32, #tpu.memory_space<hbm>>
    %dma_start3A_9 = tpu.memref_slice %arg3[%multiple_of3A] : memref<320000xi32, #tpu.memory_space<hbm>> -> memref<200xi32, #tpu.memory_space<hbm>>
    tpu.enqueue_dma source(%dma_start3A_9 : memref<200xi32, #tpu.memory_space<hbm>>) target(%arg6 : memref<200xi32, #tpu.memory_space<vmem>>) target_semaphore(%arg16 : memref<!tpu.dma_semaphore, #tpu.memory_space<semaphore_mem>>)
    %dma_start3A_10 = tpu.memref_slice %arg4[%multiple_of3A] : memref<320000xi32, #tpu.memory_space<hbm>> -> memref<200xi32, #tpu.memory_space<hbm>>
    %dma_start3A_11 = tpu.memref_slice %arg4[%multiple_of3A] : memref<320000xi32, #tpu.memory_space<hbm>> -> memref<200xi32, #tpu.memory_space<hbm>>
    tpu.enqueue_dma source(%dma_start3A_11 : memref<200xi32, #tpu.memory_space<hbm>>) target(%arg7 : memref<200xi32, #tpu.memory_space<vmem>>) target_semaphore(%arg16 : memref<!tpu.dma_semaphore, #tpu.memory_space<semaphore_mem>>)
    %dma_wait3A = arith.constant 0 : i32
    %dma_wait3A_12 = tpu.memref_slice %arg3[%dma_wait3A] : memref<320000xi32, #tpu.memory_space<hbm>> -> memref<200xi32, #tpu.memory_space<hbm>>
    %dma_wait3A_13 = arith.constant 0 : i32
    %dma_wait3A_14 = tpu.memref_slice %arg3[%dma_wait3A_13] : memref<320000xi32, #tpu.memory_space<hbm>> -> memref<200xi32, #tpu.memory_space<hbm>>
    tpu.wait_dma2 semaphore(%arg16 : memref<!tpu.dma_semaphore, #tpu.memory_space<semaphore_mem>>) src(%dma_wait3A_14 : memref<200xi32, #tpu.memory_space<hbm>>) dst(%arg6 : memref<200xi32, #tpu.memory_space<vmem>>)
    %dma_wait3A_15 = arith.constant 0 : i32
    %dma_wait3A_16 = tpu.memref_slice %arg4[%dma_wait3A_15] : memref<320000xi32, #tpu.memory_space<hbm>> -> memref<200xi32, #tpu.memory_space<hbm>>
    %dma_wait3A_17 = arith.constant 0 : i32
    %dma_wait3A_18 = tpu.memref_slice %arg4[%dma_wait3A_17] : memref<320000xi32, #tpu.memory_space<hbm>> -> memref<200xi32, #tpu.memory_space<hbm>>
    tpu.wait_dma2 semaphore(%arg16 : memref<!tpu.dma_semaphore, #tpu.memory_space<semaphore_mem>>) src(%dma_wait3A_18 : memref<200xi32, #tpu.memory_space<hbm>>) dst(%arg7 : memref<200xi32, #tpu.memory_space<vmem>>)
    %dma_start3A_19 = arith.constant 0 : i32
    %dma_start3A_20 = arith.constant 0 : i32
    %dma_start3A_21 = tpu.memref_slice %arg2[%dma_start3A_19, %dma_start3A_20] : memref<20000x128xf32, #tpu.memory_space<hbm>> -> memref<20000x128xf32, #tpu.memory_space<hbm>>
    tpu.enqueue_indirect_dma source(%dma_start3A_21 : memref<20000x128xf32, #tpu.memory_space<hbm>>) target(%arg10 : memref<200x128xf32, #tpu.memory_space<vmem>>) offsets(%arg6 : memref<200xi32, #tpu.memory_space<vmem>>) semaphore(%arg14 : memref<!tpu.dma_semaphore, #tpu.memory_space<semaphore_mem>>)
    %dma_start3A_22 = arith.constant 0 : i32
    %dma_start3A_23 = arith.constant 0 : i32
    %dma_start3A_24 = tpu.memref_slice %arg2[%dma_start3A_22, %dma_start3A_23] : memref<20000x128xf32, #tpu.memory_space<hbm>> -> memref<20000x128xf32, #tpu.memory_space<hbm>>
    tpu.enqueue_indirect_dma source(%dma_start3A_24 : memref<20000x128xf32, #tpu.memory_space<hbm>>) target(%arg11 : memref<200x128xf32, #tpu.memory_space<vmem>>) offsets(%arg7 : memref<200xi32, #tpu.memory_space<vmem>>) semaphore(%arg14 : memref<!tpu.dma_semaphore, #tpu.memory_space<semaphore_mem>>)
    %add3A_25 = arith.constant 200 : i32
    %add3A_26 = arith.addi %add3A_4, %add3A_25 : i32
    %multiple_of3A_27 = tpu.assume_multiple %add3A_26, 8 : i32
    %dma_start3A_28 = tpu.memref_slice %arg3[%multiple_of3A_27] : memref<320000xi32, #tpu.memory_space<hbm>> -> memref<200xi32, #tpu.memory_space<hbm>>
    %dma_start3A_29 = tpu.memref_slice %arg3[%multiple_of3A_27] : memref<320000xi32, #tpu.memory_space<hbm>> -> memref<200xi32, #tpu.memory_space<hbm>>
    tpu.enqueue_dma source(%dma_start3A_29 : memref<200xi32, #tpu.memory_space<hbm>>) target(%arg8 : memref<200xi32, #tpu.memory_space<vmem>>) target_semaphore(%arg17 : memref<!tpu.dma_semaphore, #tpu.memory_space<semaphore_mem>>)
    %dma_start3A_30 = tpu.memref_slice %arg4[%multiple_of3A_27] : memref<320000xi32, #tpu.memory_space<hbm>> -> memref<200xi32, #tpu.memory_space<hbm>>
    %dma_start3A_31 = tpu.memref_slice %arg4[%multiple_of3A_27] : memref<320000xi32, #tpu.memory_space<hbm>> -> memref<200xi32, #tpu.memory_space<hbm>>
    tpu.enqueue_dma source(%dma_start3A_31 : memref<200xi32, #tpu.memory_space<hbm>>) target(%arg9 : memref<200xi32, #tpu.memory_space<vmem>>) target_semaphore(%arg17 : memref<!tpu.dma_semaphore, #tpu.memory_space<semaphore_mem>>)
    %scan3A = arith.constant 0 : i32
    %scan3A_32 = arith.constant 0 : i32
    %scan3A_33 = arith.constant 5 : i32
    %scan3A_34 = arith.addi %scan3A_32, %scan3A_33 : i32
    %scan3A_35 = arith.constant 1 : i32
    scf.for %scan3A_49 = %scan3A_32 to %scan3A_34 step %scan3A_35  : i32 {
      %mul3A_50 = arith.constant 2 : i32
      %mul3A_51 = arith.muli %mul3A_50, %scan3A_49 : i32
      %dma_wait3A_52 = arith.constant 0 : i32
      %dma_wait3A_53 = arith.constant 0 : i32
      %dma_wait3A_54 = tpu.memref_slice %arg2[%dma_wait3A_52, %dma_wait3A_53] : memref<20000x128xf32, #tpu.memory_space<hbm>> -> memref<20000x128xf32, #tpu.memory_space<hbm>>
      tpu.wait_indirect_dma semaphore(%arg14 : memref<!tpu.dma_semaphore, #tpu.memory_space<semaphore_mem>>) src(%dma_wait3A_54 : memref<20000x128xf32, #tpu.memory_space<hbm>>) dst(%arg10 : memref<200x128xf32, #tpu.memory_space<vmem>>)
      %dma_wait3A_55 = arith.constant 0 : i32
      %dma_wait3A_56 = arith.constant 0 : i32
      %dma_wait3A_57 = tpu.memref_slice %arg2[%dma_wait3A_55, %dma_wait3A_56] : memref<20000x128xf32, #tpu.memory_space<hbm>> -> memref<20000x128xf32, #tpu.memory_space<hbm>>
      tpu.wait_indirect_dma semaphore(%arg14 : memref<!tpu.dma_semaphore, #tpu.memory_space<semaphore_mem>>) src(%dma_wait3A_57 : memref<20000x128xf32, #tpu.memory_space<hbm>>) dst(%arg11 : memref<200x128xf32, #tpu.memory_space<vmem>>)
      %le3A = arith.constant 8 : i32
      %le3A_58 = arith.cmpi sle, %mul3A_51, %le3A : i32
      %convert_element_type3A = arith.extui %le3A_58 : i1 to i32
      %cond3A = arith.constant 0 : i32
      %cond3A_59 = arith.cmpi ne, %convert_element_type3A, %cond3A : i32
      scf.if %cond3A_59 {
        %dma_wait3A_96 = arith.constant 0 : i32
        %dma_wait3A_97 = tpu.memref_slice %arg3[%dma_wait3A_96] : memref<320000xi32, #tpu.memory_space<hbm>> -> memref<200xi32, #tpu.memory_space<hbm>>
        %dma_wait3A_98 = arith.constant 0 : i32
        %dma_wait3A_99 = tpu.memref_slice %arg3[%dma_wait3A_98] : memref<320000xi32, #tpu.memory_space<hbm>> -> memref<200xi32, #tpu.memory_space<hbm>>
        tpu.wait_dma2 semaphore(%arg17 : memref<!tpu.dma_semaphore, #tpu.memory_space<semaphore_mem>>) src(%dma_wait3A_99 : memref<200xi32, #tpu.memory_space<hbm>>) dst(%arg8 : memref<200xi32, #tpu.memory_space<vmem>>)
        %dma_wait3A_100 = arith.constant 0 : i32
        %dma_wait3A_101 = tpu.memref_slice %arg4[%dma_wait3A_100] : memref<320000xi32, #tpu.memory_space<hbm>> -> memref<200xi32, #tpu.memory_space<hbm>>
        %dma_wait3A_102 = arith.constant 0 : i32
        %dma_wait3A_103 = tpu.memref_slice %arg4[%dma_wait3A_102] : memref<320000xi32, #tpu.memory_space<hbm>> -> memref<200xi32, #tpu.memory_space<hbm>>
        tpu.wait_dma2 semaphore(%arg17 : memref<!tpu.dma_semaphore, #tpu.memory_space<semaphore_mem>>) src(%dma_wait3A_103 : memref<200xi32, #tpu.memory_space<hbm>>) dst(%arg9 : memref<200xi32, #tpu.memory_space<vmem>>)
        %ge3A = arith.constant 1 : i32
        %ge3A_104 = arith.cmpi sge, %mul3A_51, %ge3A : i32
        %convert_element_type3A_105 = arith.extui %ge3A_104 : i1 to i32
        %cond3A_106 = arith.constant 0 : i32
        %cond3A_107 = arith.cmpi ne, %convert_element_type3A_105, %cond3A_106 : i32
        scf.if %cond3A_107 {
          %dma_wait3A_119 = arith.constant 0 : i32
          %dma_wait3A_120 = arith.constant 0 : i32
          %dma_wait3A_121 = tpu.memref_slice %arg5[%dma_wait3A_119, %dma_wait3A_120] : memref<64000x128xf32, #tpu.memory_space<hbm>> -> memref<200x128xf32, #tpu.memory_space<hbm>>
          %dma_wait3A_122 = arith.constant 0 : i32
          %dma_wait3A_123 = arith.constant 0 : i32
          %dma_wait3A_124 = tpu.memref_slice %arg5[%dma_wait3A_122, %dma_wait3A_123] : memref<64000x128xf32, #tpu.memory_space<hbm>> -> memref<200x128xf32, #tpu.memory_space<hbm>>
          tpu.wait_dma2 semaphore(%arg19 : memref<!tpu.dma_semaphore, #tpu.memory_space<semaphore_mem>>) src(%arg12 : memref<200x128xf32, #tpu.memory_space<vmem>>) dst(%dma_wait3A_124 : memref<200x128xf32, #tpu.memory_space<hbm>>)
        } else {
        }
        %dma_start3A_108 = arith.constant 0 : i32
        %dma_start3A_109 = arith.constant 0 : i32
        %dma_start3A_110 = tpu.memref_slice %arg2[%dma_start3A_108, %dma_start3A_109] : memref<20000x128xf32, #tpu.memory_space<hbm>> -> memref<20000x128xf32, #tpu.memory_space<hbm>>
        tpu.enqueue_indirect_dma source(%dma_start3A_110 : memref<20000x128xf32, #tpu.memory_space<hbm>>) target(%arg12 : memref<200x128xf32, #tpu.memory_space<vmem>>) offsets(%arg8 : memref<200xi32, #tpu.memory_space<vmem>>) semaphore(%arg15 : memref<!tpu.dma_semaphore, #tpu.memory_space<semaphore_mem>>)
        %dma_start3A_111 = arith.constant 0 : i32
        %dma_start3A_112 = arith.constant 0 : i32
        %dma_start3A_113 = tpu.memref_slice %arg2[%dma_start3A_111, %dma_start3A_112] : memref<20000x128xf32, #tpu.memory_space<hbm>> -> memref<20000x128xf32, #tpu.memory_space<hbm>>
        tpu.enqueue_indirect_dma source(%dma_start3A_113 : memref<20000x128xf32, #tpu.memory_space<hbm>>) target(%arg13 : memref<200x128xf32, #tpu.memory_space<vmem>>) offsets(%arg9 : memref<200xi32, #tpu.memory_space<vmem>>) semaphore(%arg15 : memref<!tpu.dma_semaphore, #tpu.memory_space<semaphore_mem>>)
        %le3A_114 = arith.constant 7 : i32
        %le3A_115 = arith.cmpi sle, %mul3A_51, %le3A_114 : i32
        %convert_element_type3A_116 = arith.extui %le3A_115 : i1 to i32
        %cond3A_117 = arith.constant 0 : i32
        %cond3A_118 = arith.cmpi ne, %convert_element_type3A_116, %cond3A_117 : i32
        scf.if %cond3A_118 {
          %add3A_119 = arith.constant 2 : i32
          %add3A_120 = arith.addi %mul3A_51, %add3A_119 : i32
          %mul3A_121 = arith.constant 200 : i32
          %mul3A_122 = arith.muli %add3A_120, %mul3A_121 : i32
          %add3A_123 = arith.addi %add3A_4, %mul3A_122 : i32
          %multiple_of3A_124 = tpu.assume_multiple %add3A_123, 8 : i32
          %dma_start3A_125 = tpu.memref_slice %arg3[%multiple_of3A_124] : memref<320000xi32, #tpu.memory_space<hbm>> -> memref<200xi32, #tpu.memory_space<hbm>>
          %dma_start3A_126 = tpu.memref_slice %arg3[%multiple_of3A_124] : memref<320000xi32, #tpu.memory_space<hbm>> -> memref<200xi32, #tpu.memory_space<hbm>>
          tpu.enqueue_dma source(%dma_start3A_126 : memref<200xi32, #tpu.memory_space<hbm>>) target(%arg6 : memref<200xi32, #tpu.memory_space<vmem>>) target_semaphore(%arg16 : memref<!tpu.dma_semaphore, #tpu.memory_space<semaphore_mem>>)
          %dma_start3A_127 = tpu.memref_slice %arg4[%multiple_of3A_124] : memref<320000xi32, #tpu.memory_space<hbm>> -> memref<200xi32, #tpu.memory_space<hbm>>
          %dma_start3A_128 = tpu.memref_slice %arg4[%multiple_of3A_124] : memref<320000xi32, #tpu.memory_space<hbm>> -> memref<200xi32, #tpu.memory_space<hbm>>
          tpu.enqueue_dma source(%dma_start3A_128 : memref<200xi32, #tpu.memory_space<hbm>>) target(%arg7 : memref<200xi32, #tpu.memory_space<vmem>>) target_semaphore(%arg16 : memref<!tpu.dma_semaphore, #tpu.memory_space<semaphore_mem>>)
        } else {
        }
      } else {
      }
      %parallel_loop3A = arith.constant 0 : i32
      %parallel_loop3A_60 = arith.constant 200 : i32
      %parallel_loop3A_61 = arith.constant 1 : i32
      scf.for %parallel_loop3A_96 = %parallel_loop3A to %parallel_loop3A_60 step %parallel_loop3A_61  : i32 {
        %parallel_loop3A_97 = arith.index_cast %parallel_loop3A_96 : i32 to index
        %parallel_loop3A_98 = arith.constant 0 : index
        %parallel_loop3A_99 = tpu.vector_load %arg10[%parallel_loop3A_97, %parallel_loop3A_98] {strides = array<i32>} : memref<200x128xf32, #tpu.memory_space<vmem>>, vector<1x16xf32>,
        %parallel_loop3A_100 = vector.shape_cast %parallel_loop3A_99 : vector<1x16xf32> to vector<16xf32>
        %parallel_loop3A_101 = arith.index_cast %parallel_loop3A_96 : i32 to index
        %parallel_loop3A_102 = arith.constant 0 : index
        %parallel_loop3A_103 = tpu.vector_load %arg11[%parallel_loop3A_101, %parallel_loop3A_102] {strides = array<i32>} : memref<200x128xf32, #tpu.memory_space<vmem>>, vector<1x16xf32>,
        %parallel_loop3A_104 = vector.shape_cast %parallel_loop3A_103 : vector<1x16xf32> to vector<16xf32>
        %parallel_loop3A_105 = arith.addf %parallel_loop3A_100, %parallel_loop3A_104 : vector<16xf32>
        %parallel_loop3A_106 = arith.index_cast %parallel_loop3A_96 : i32 to index
        %parallel_loop3A_107 = arith.constant 0 : index
        %parallel_loop3A_108 = tpu.vector_load %arg10[%parallel_loop3A_106, %parallel_loop3A_107] {strides = array<i32>} : memref<200x128xf32, #tpu.memory_space<vmem>>, vector<1x16xf32>,
        %parallel_loop3A_109 = vector.shape_cast %parallel_loop3A_108 : vector<1x16xf32> to vector<16xf32>
        %parallel_loop3A_110 = vector.shape_cast %parallel_loop3A_105 : vector<16xf32> to vector<1x16xf32>
        tpu.vector_store %arg10[%parallel_loop3A_106, %parallel_loop3A_107], %parallel_loop3A_110 {strides = array<i32>} : memref<200x128xf32, #tpu.memory_space<vmem>>, vector<1x16xf32>,
        %parallel_loop3A_111 = arith.index_cast %parallel_loop3A_96 : i32 to index
        %parallel_loop3A_112 = arith.constant 16 : index
        %parallel_loop3A_113 = tpu.vector_load %arg10[%parallel_loop3A_111, %parallel_loop3A_112] {strides = array<i32>} : memref<200x128xf32, #tpu.memory_space<vmem>>, vector<1x16xf32>,
        %parallel_loop3A_114 = vector.shape_cast %parallel_loop3A_113 : vector<1x16xf32> to vector<16xf32>
        %parallel_loop3A_115 = arith.index_cast %parallel_loop3A_96 : i32 to index
        %parallel_loop3A_116 = arith.constant 16 : index
        %parallel_loop3A_117 = tpu.vector_load %arg11[%parallel_loop3A_115, %parallel_loop3A_116] {strides = array<i32>} : memref<200x128xf32, #tpu.memory_space<vmem>>, vector<1x16xf32>,
        %parallel_loop3A_118 = vector.shape_cast %parallel_loop3A_117 : vector<1x16xf32> to vector<16xf32>
        %parallel_loop3A_119 = arith.addf %parallel_loop3A_114, %parallel_loop3A_118 : vector<16xf32>
        %parallel_loop3A_120 = arith.index_cast %parallel_loop3A_96 : i32 to index
        %parallel_loop3A_121 = arith.constant 16 : index
        %parallel_loop3A_122 = tpu.vector_load %arg10[%parallel_loop3A_120, %parallel_loop3A_121] {strides = array<i32>} : memref<200x128xf32, #tpu.memory_space<vmem>>, vector<1x16xf32>,
        %parallel_loop3A_123 = vector.shape_cast %parallel_loop3A_122 : vector<1x16xf32> to vector<16xf32>
        %parallel_loop3A_124 = vector.shape_cast %parallel_loop3A_119 : vector<16xf32> to vector<1x16xf32>
        tpu.vector_store %arg10[%parallel_loop3A_120, %parallel_loop3A_121], %parallel_loop3A_124 {strides = array<i32>} : memref<200x128xf32, #tpu.memory_space<vmem>>, vector<1x16xf32>,
        %parallel_loop3A_125 = arith.index_cast %parallel_loop3A_96 : i32 to index
        %parallel_loop3A_126 = arith.constant 32 : index
        %parallel_loop3A_127 = tpu.vector_load %arg10[%parallel_loop3A_125, %parallel_loop3A_126] {strides = array<i32>} : memref<200x128xf32, #tpu.memory_space<vmem>>, vector<1x16xf32>,
        %parallel_loop3A_128 = vector.shape_cast %parallel_loop3A_127 : vector<1x16xf32> to vector<16xf32>
        %parallel_loop3A_129 = arith.index_cast %parallel_loop3A_96 : i32 to index
        %parallel_loop3A_130 = arith.constant 32 : index
        %parallel_loop3A_131 = tpu.vector_load %arg11[%parallel_loop3A_129, %parallel_loop3A_130] {strides = array<i32>} : memref<200x128xf32, #tpu.memory_space<vmem>>, vector<1x16xf32>,
        %parallel_loop3A_132 = vector.shape_cast %parallel_loop3A_131 : vector<1x16xf32> to vector<16xf32>
        %parallel_loop3A_133 = arith.addf %parallel_loop3A_128, %parallel_loop3A_132 : vector<16xf32>
        %parallel_loop3A_134 = arith.index_cast %parallel_loop3A_96 : i32 to index
        %parallel_loop3A_135 = arith.constant 32 : index
        %parallel_loop3A_136 = tpu.vector_load %arg10[%parallel_loop3A_134, %parallel_loop3A_135] {strides = array<i32>} : memref<200x128xf32, #tpu.memory_space<vmem>>, vector<1x16xf32>,
        %parallel_loop3A_137 = vector.shape_cast %parallel_loop3A_136 : vector<1x16xf32> to vector<16xf32>
        %parallel_loop3A_138 = vector.shape_cast %parallel_loop3A_133 : vector<16xf32> to vector<1x16xf32>
        tpu.vector_store %arg10[%parallel_loop3A_134, %parallel_loop3A_135], %parallel_loop3A_138 {strides = array<i32>} : memref<200x128xf32, #tpu.memory_space<vmem>>, vector<1x16xf32>,
        %parallel_loop3A_139 = arith.index_cast %parallel_loop3A_96 : i32 to index
        %parallel_loop3A_140 = arith.constant 48 : index
        %parallel_loop3A_141 = tpu.vector_load %arg10[%parallel_loop3A_139, %parallel_loop3A_140] {strides = array<i32>} : memref<200x128xf32, #tpu.memory_space<vmem>>, vector<1x16xf32>,
        %parallel_loop3A_142 = vector.shape_cast %parallel_loop3A_141 : vector<1x16xf32> to vector<16xf32>
        %parallel_loop3A_143 = arith.index_cast %parallel_loop3A_96 : i32 to index
        %parallel_loop3A_144 = arith.constant 48 : index
        %parallel_loop3A_145 = tpu.vector_load %arg11[%parallel_loop3A_143, %parallel_loop3A_144] {strides = array<i32>} : memref<200x128xf32, #tpu.memory_space<vmem>>, vector<1x16xf32>,
        %parallel_loop3A_146 = vector.shape_cast %parallel_loop3A_145 : vector<1x16xf32> to vector<16xf32>
        %parallel_loop3A_147 = arith.addf %parallel_loop3A_142, %parallel_loop3A_146 : vector<16xf32>
        %parallel_loop3A_148 = arith.index_cast %parallel_loop3A_96 : i32 to index
        %parallel_loop3A_149 = arith.constant 48 : index
        %parallel_loop3A_150 = tpu.vector_load %arg10[%parallel_loop3A_148, %parallel_loop3A_149] {strides = array<i32>} : memref<200x128xf32, #tpu.memory_space<vmem>>, vector<1x16xf32>,
        %parallel_loop3A_151 = vector.shape_cast %parallel_loop3A_150 : vector<1x16xf32> to vector<16xf32>
        %parallel_loop3A_152 = vector.shape_cast %parallel_loop3A_147 : vector<16xf32> to vector<1x16xf32>
        tpu.vector_store %arg10[%parallel_loop3A_148, %parallel_loop3A_149], %parallel_loop3A_152 {strides = array<i32>} : memref<200x128xf32, #tpu.memory_space<vmem>>, vector<1x16xf32>,
        %parallel_loop3A_153 = arith.index_cast %parallel_loop3A_96 : i32 to index
        %parallel_loop3A_154 = arith.constant 64 : index
        %parallel_loop3A_155 = tpu.vector_load %arg10[%parallel_loop3A_153, %parallel_loop3A_154] {strides = array<i32>} : memref<200x128xf32, #tpu.memory_space<vmem>>, vector<1x16xf32>,
        %parallel_loop3A_156 = vector.shape_cast %parallel_loop3A_155 : vector<1x16xf32> to vector<16xf32>
        %parallel_loop3A_157 = arith.index_cast %parallel_loop3A_96 : i32 to index
        %parallel_loop3A_158 = arith.constant 64 : index
        %parallel_loop3A_159 = tpu.vector_load %arg11[%parallel_loop3A_157, %parallel_loop3A_158] {strides = array<i32>} : memref<200x128xf32, #tpu.memory_space<vmem>>, vector<1x16xf32>,
        %parallel_loop3A_160 = vector.shape_cast %parallel_loop3A_159 : vector<1x16xf32> to vector<16xf32>
        %parallel_loop3A_161 = arith.addf %parallel_loop3A_156, %parallel_loop3A_160 : vector<16xf32>
        %parallel_loop3A_162 = arith.index_cast %parallel_loop3A_96 : i32 to index
        %parallel_loop3A_163 = arith.constant 64 : index
        %parallel_loop3A_164 = tpu.vector_load %arg10[%parallel_loop3A_162, %parallel_loop3A_163] {strides = array<i32>} : memref<200x128xf32, #tpu.memory_space<vmem>>, vector<1x16xf32>,
        %parallel_loop3A_165 = vector.shape_cast %parallel_loop3A_164 : vector<1x16xf32> to vector<16xf32>
        %parallel_loop3A_166 = vector.shape_cast %parallel_loop3A_161 : vector<16xf32> to vector<1x16xf32>
        tpu.vector_store %arg10[%parallel_loop3A_162, %parallel_loop3A_163], %parallel_loop3A_166 {strides = array<i32>} : memref<200x128xf32, #tpu.memory_space<vmem>>, vector<1x16xf32>,
        %parallel_loop3A_167 = arith.index_cast %parallel_loop3A_96 : i32 to index
        %parallel_loop3A_168 = arith.constant 80 : index
        %parallel_loop3A_169 = tpu.vector_load %arg10[%parallel_loop3A_167, %parallel_loop3A_168] {strides = array<i32>} : memref<200x128xf32, #tpu.memory_space<vmem>>, vector<1x16xf32>,
        %parallel_loop3A_170 = vector.shape_cast %parallel_loop3A_169 : vector<1x16xf32> to vector<16xf32>
        %parallel_loop3A_171 = arith.index_cast %parallel_loop3A_96 : i32 to index
        %parallel_loop3A_172 = arith.constant 80 : index
        %parallel_loop3A_173 = tpu.vector_load %arg11[%parallel_loop3A_171, %parallel_loop3A_172] {strides = array<i32>} : memref<200x128xf32, #tpu.memory_space<vmem>>, vector<1x16xf32>,
        %parallel_loop3A_174 = vector.shape_cast %parallel_loop3A_173 : vector<1x16xf32> to vector<16xf32>
        %parallel_loop3A_175 = arith.addf %parallel_loop3A_170, %parallel_loop3A_174 : vector<16xf32>
        %parallel_loop3A_176 = arith.index_cast %parallel_loop3A_96 : i32 to index
        %parallel_loop3A_177 = arith.constant 80 : index
        %parallel_loop3A_178 = tpu.vector_load %arg10[%parallel_loop3A_176, %parallel_loop3A_177] {strides = array<i32>} : memref<200x128xf32, #tpu.memory_space<vmem>>, vector<1x16xf32>,
        %parallel_loop3A_179 = vector.shape_cast %parallel_loop3A_178 : vector<1x16xf32> to vector<16xf32>
        %parallel_loop3A_180 = vector.shape_cast %parallel_loop3A_175 : vector<16xf32> to vector<1x16xf32>
        tpu.vector_store %arg10[%parallel_loop3A_176, %parallel_loop3A_177], %parallel_loop3A_180 {strides = array<i32>} : memref<200x128xf32, #tpu.memory_space<vmem>>, vector<1x16xf32>,
        %parallel_loop3A_181 = arith.index_cast %parallel_loop3A_96 : i32 to index
        %parallel_loop3A_182 = arith.constant 96 : index
        %parallel_loop3A_183 = tpu.vector_load %arg10[%parallel_loop3A_181, %parallel_loop3A_182] {strides = array<i32>} : memref<200x128xf32, #tpu.memory_space<vmem>>, vector<1x16xf32>,
        %parallel_loop3A_184 = vector.shape_cast %parallel_loop3A_183 : vector<1x16xf32> to vector<16xf32>
        %parallel_loop3A_185 = arith.index_cast %parallel_loop3A_96 : i32 to index
        %parallel_loop3A_186 = arith.constant 96 : index
        %parallel_loop3A_187 = tpu.vector_load %arg11[%parallel_loop3A_185, %parallel_loop3A_186] {strides = array<i32>} : memref<200x128xf32, #tpu.memory_space<vmem>>, vector<1x16xf32>,
        %parallel_loop3A_188 = vector.shape_cast %parallel_loop3A_187 : vector<1x16xf32> to vector<16xf32>
        %parallel_loop3A_189 = arith.addf %parallel_loop3A_184, %parallel_loop3A_188 : vector<16xf32>
        %parallel_loop3A_190 = arith.index_cast %parallel_loop3A_96 : i32 to index
        %parallel_loop3A_191 = arith.constant 96 : index
        %parallel_loop3A_192 = tpu.vector_load %arg10[%parallel_loop3A_190, %parallel_loop3A_191] {strides = array<i32>} : memref<200x128xf32, #tpu.memory_space<vmem>>, vector<1x16xf32>,
        %parallel_loop3A_193 = vector.shape_cast %parallel_loop3A_192 : vector<1x16xf32> to vector<16xf32>
        %parallel_loop3A_194 = vector.shape_cast %parallel_loop3A_189 : vector<16xf32> to vector<1x16xf32>
        tpu.vector_store %arg10[%parallel_loop3A_190, %parallel_loop3A_191], %parallel_loop3A_194 {strides = array<i32>} : memref<200x128xf32, #tpu.memory_space<vmem>>, vector<1x16xf32>,
        %parallel_loop3A_195 = arith.index_cast %parallel_loop3A_96 : i32 to index
        %parallel_loop3A_196 = arith.constant 112 : index
        %parallel_loop3A_197 = tpu.vector_load %arg10[%parallel_loop3A_195, %parallel_loop3A_196] {strides = array<i32>} : memref<200x128xf32, #tpu.memory_space<vmem>>, vector<1x16xf32>,
        %parallel_loop3A_198 = vector.shape_cast %parallel_loop3A_197 : vector<1x16xf32> to vector<16xf32>
        %parallel_loop3A_199 = arith.index_cast %parallel_loop3A_96 : i32 to index
        %parallel_loop3A_200 = arith.constant 112 : index
        %parallel_loop3A_201 = tpu.vector_load %arg11[%parallel_loop3A_199, %parallel_loop3A_200] {strides = array<i32>} : memref<200x128xf32, #tpu.memory_space<vmem>>, vector<1x16xf32>,
        %parallel_loop3A_202 = vector.shape_cast %parallel_loop3A_201 : vector<1x16xf32> to vector<16xf32>
        %parallel_loop3A_203 = arith.addf %parallel_loop3A_198, %parallel_loop3A_202 : vector<16xf32>
        %parallel_loop3A_204 = arith.index_cast %parallel_loop3A_96 : i32 to index
        %parallel_loop3A_205 = arith.constant 112 : index
        %parallel_loop3A_206 = tpu.vector_load %arg10[%parallel_loop3A_204, %parallel_loop3A_205] {strides = array<i32>} : memref<200x128xf32, #tpu.memory_space<vmem>>, vector<1x16xf32>,
        %parallel_loop3A_207 = vector.shape_cast %parallel_loop3A_206 : vector<1x16xf32> to vector<16xf32>
        %parallel_loop3A_208 = vector.shape_cast %parallel_loop3A_203 : vector<16xf32> to vector<1x16xf32>
        tpu.vector_store %arg10[%parallel_loop3A_204, %parallel_loop3A_205], %parallel_loop3A_208 {strides = array<i32>} : memref<200x128xf32, #tpu.memory_space<vmem>>, vector<1x16xf32>,
      } {sc.loop_unroll_factor = 4 : i64, sc.parallel_access}
      %mul3A_62 = arith.constant 200 : i32
      %mul3A_63 = arith.muli %mul3A_51, %mul3A_62 : i32
      %add3A_64 = arith.addi %mul3A_6, %mul3A_63 : i32
      %multiple_of3A_65 = tpu.assume_multiple %add3A_64, 8 : i32
      %dma_start3A_66 = arith.constant 0 : i32
      %dma_start3A_67 = tpu.memref_slice %arg5[%multiple_of3A_65, %dma_start3A_66] : memref<64000x128xf32, #tpu.memory_space<hbm>> -> memref<200x128xf32, #tpu.memory_space<hbm>>
      %dma_start3A_68 = arith.constant 0 : i32
      %dma_start3A_69 = tpu.memref_slice %arg5[%multiple_of3A_65, %dma_start3A_68] : memref<64000x128xf32, #tpu.memory_space<hbm>> -> memref<200x128xf32, #tpu.memory_space<hbm>>
      tpu.enqueue_dma source(%arg10 : memref<200x128xf32, #tpu.memory_space<vmem>>) target(%dma_start3A_69 : memref<200x128xf32, #tpu.memory_space<hbm>>) target_semaphore(%arg18 : memref<!tpu.dma_semaphore, #tpu.memory_space<semaphore_mem>>)
      %mul3A_70 = arith.constant 2 : i32
      %mul3A_71 = arith.muli %mul3A_70, %scan3A_49 : i32
      %add3A_72 = arith.constant 1 : i32
      %add3A_73 = arith.addi %mul3A_71, %add3A_72 : i32
      %dma_wait3A_74 = arith.constant 0 : i32
      %dma_wait3A_75 = arith.constant 0 : i32
      %dma_wait3A_76 = tpu.memref_slice %arg2[%dma_wait3A_74, %dma_wait3A_75] : memref<20000x128xf32, #tpu.memory_space<hbm>> -> memref<20000x128xf32, #tpu.memory_space<hbm>>
      tpu.wait_indirect_dma semaphore(%arg15 : memref<!tpu.dma_semaphore, #tpu.memory_space<semaphore_mem>>) src(%dma_wait3A_76 : memref<20000x128xf32, #tpu.memory_space<hbm>>) dst(%arg12 : memref<200x128xf32, #tpu.memory_space<vmem>>)
      %dma_wait3A_77 = arith.constant 0 : i32
      %dma_wait3A_78 = arith.constant 0 : i32
      %dma_wait3A_79 = tpu.memref_slice %arg2[%dma_wait3A_77, %dma_wait3A_78] : memref<20000x128xf32, #tpu.memory_space<hbm>> -> memref<20000x128xf32, #tpu.memory_space<hbm>>
      tpu.wait_indirect_dma semaphore(%arg15 : memref<!tpu.dma_semaphore, #tpu.memory_space<semaphore_mem>>) src(%dma_wait3A_79 : memref<20000x128xf32, #tpu.memory_space<hbm>>) dst(%arg13 : memref<200x128xf32, #tpu.memory_space<vmem>>)
      %le3A_80 = arith.constant 8 : i32
      %le3A_81 = arith.cmpi sle, %add3A_73, %le3A_80 : i32
      %convert_element_type3A_82 = arith.extui %le3A_81 : i1 to i32
      %cond3A_83 = arith.constant 0 : i32
      %cond3A_84 = arith.cmpi ne, %convert_element_type3A_82, %cond3A_83 : i32
      scf.if %cond3A_84 {
        %dma_wait3A_96 = arith.constant 0 : i32
        %dma_wait3A_97 = tpu.memref_slice %arg3[%dma_wait3A_96] : memref<320000xi32, #tpu.memory_space<hbm>> -> memref<200xi32, #tpu.memory_space<hbm>>
        %dma_wait3A_98 = arith.constant 0 : i32
        %dma_wait3A_99 = tpu.memref_slice %arg3[%dma_wait3A_98] : memref<320000xi32, #tpu.memory_space<hbm>> -> memref<200xi32, #tpu.memory_space<hbm>>
        tpu.wait_dma2 semaphore(%arg16 : memref<!tpu.dma_semaphore, #tpu.memory_space<semaphore_mem>>) src(%dma_wait3A_99 : memref<200xi32, #tpu.memory_space<hbm>>) dst(%arg6 : memref<200xi32, #tpu.memory_space<vmem>>)
        %dma_wait3A_100 = arith.constant 0 : i32
        %dma_wait3A_101 = tpu.memref_slice %arg4[%dma_wait3A_100] : memref<320000xi32, #tpu.memory_space<hbm>> -> memref<200xi32, #tpu.memory_space<hbm>>
        %dma_wait3A_102 = arith.constant 0 : i32
        %dma_wait3A_103 = tpu.memref_slice %arg4[%dma_wait3A_102] : memref<320000xi32, #tpu.memory_space<hbm>> -> memref<200xi32, #tpu.memory_space<hbm>>
        tpu.wait_dma2 semaphore(%arg16 : memref<!tpu.dma_semaphore, #tpu.memory_space<semaphore_mem>>) src(%dma_wait3A_103 : memref<200xi32, #tpu.memory_space<hbm>>) dst(%arg7 : memref<200xi32, #tpu.memory_space<vmem>>)
        %ge3A = arith.constant 1 : i32
        %ge3A_104 = arith.cmpi sge, %add3A_73, %ge3A : i32
        %convert_element_type3A_105 = arith.extui %ge3A_104 : i1 to i32
        %cond3A_106 = arith.constant 0 : i32
        %cond3A_107 = arith.cmpi ne, %convert_element_type3A_105, %cond3A_106 : i32
        scf.if %cond3A_107 {
          %dma_wait3A_119 = arith.constant 0 : i32
          %dma_wait3A_120 = arith.constant 0 : i32
          %dma_wait3A_121 = tpu.memref_slice %arg5[%dma_wait3A_119, %dma_wait3A_120] : memref<64000x128xf32, #tpu.memory_space<hbm>> -> memref<200x128xf32, #tpu.memory_space<hbm>>
          %dma_wait3A_122 = arith.constant 0 : i32
          %dma_wait3A_123 = arith.constant 0 : i32
          %dma_wait3A_124 = tpu.memref_slice %arg5[%dma_wait3A_122, %dma_wait3A_123] : memref<64000x128xf32, #tpu.memory_space<hbm>> -> memref<200x128xf32, #tpu.memory_space<hbm>>
          tpu.wait_dma2 semaphore(%arg18 : memref<!tpu.dma_semaphore, #tpu.memory_space<semaphore_mem>>) src(%arg10 : memref<200x128xf32, #tpu.memory_space<vmem>>) dst(%dma_wait3A_124 : memref<200x128xf32, #tpu.memory_space<hbm>>)
        } else {
        }
        %dma_start3A_108 = arith.constant 0 : i32
        %dma_start3A_109 = arith.constant 0 : i32
        %dma_start3A_110 = tpu.memref_slice %arg2[%dma_start3A_108, %dma_start3A_109] : memref<20000x128xf32, #tpu.memory_space<hbm>> -> memref<20000x128xf32, #tpu.memory_space<hbm>>
        tpu.enqueue_indirect_dma source(%dma_start3A_110 : memref<20000x128xf32, #tpu.memory_space<hbm>>) target(%arg10 : memref<200x128xf32, #tpu.memory_space<vmem>>) offsets(%arg6 : memref<200xi32, #tpu.memory_space<vmem>>) semaphore(%arg14 : memref<!tpu.dma_semaphore, #tpu.memory_space<semaphore_mem>>)
        %dma_start3A_111 = arith.constant 0 : i32
        %dma_start3A_112 = arith.constant 0 : i32
        %dma_start3A_113 = tpu.memref_slice %arg2[%dma_start3A_111, %dma_start3A_112] : memref<20000x128xf32, #tpu.memory_space<hbm>> -> memref<20000x128xf32, #tpu.memory_space<hbm>>
        tpu.enqueue_indirect_dma source(%dma_start3A_113 : memref<20000x128xf32, #tpu.memory_space<hbm>>) target(%arg11 : memref<200x128xf32, #tpu.memory_space<vmem>>) offsets(%arg7 : memref<200xi32, #tpu.memory_space<vmem>>) semaphore(%arg14 : memref<!tpu.dma_semaphore, #tpu.memory_space<semaphore_mem>>)
        %le3A_114 = arith.constant 7 : i32
        %le3A_115 = arith.cmpi sle, %add3A_73, %le3A_114 : i32
        %convert_element_type3A_116 = arith.extui %le3A_115 : i1 to i32
        %cond3A_117 = arith.constant 0 : i32
        %cond3A_118 = arith.cmpi ne, %convert_element_type3A_116, %cond3A_117 : i32
        scf.if %cond3A_118 {
          %add3A_119 = arith.constant 2 : i32
          %add3A_120 = arith.addi %add3A_73, %add3A_119 : i32
          %mul3A_121 = arith.constant 200 : i32
          %mul3A_122 = arith.muli %add3A_120, %mul3A_121 : i32
          %add3A_123 = arith.addi %add3A_4, %mul3A_122 : i32
          %multiple_of3A_124 = tpu.assume_multiple %add3A_123, 8 : i32
          %dma_start3A_125 = tpu.memref_slice %arg3[%multiple_of3A_124] : memref<320000xi32, #tpu.memory_space<hbm>> -> memref<200xi32, #tpu.memory_space<hbm>>
          %dma_start3A_126 = tpu.memref_slice %arg3[%multiple_of3A_124] : memref<320000xi32, #tpu.memory_space<hbm>> -> memref<200xi32, #tpu.memory_space<hbm>>
          tpu.enqueue_dma source(%dma_start3A_126 : memref<200xi32, #tpu.memory_space<hbm>>) target(%arg8 : memref<200xi32, #tpu.memory_space<vmem>>) target_semaphore(%arg17 : memref<!tpu.dma_semaphore, #tpu.memory_space<semaphore_mem>>)
          %dma_start3A_127 = tpu.memref_slice %arg4[%multiple_of3A_124] : memref<320000xi32, #tpu.memory_space<hbm>> -> memref<200xi32, #tpu.memory_space<hbm>>
          %dma_start3A_128 = tpu.memref_slice %arg4[%multiple_of3A_124] : memref<320000xi32, #tpu.memory_space<hbm>> -> memref<200xi32, #tpu.memory_space<hbm>>
          tpu.enqueue_dma source(%dma_start3A_128 : memref<200xi32, #tpu.memory_space<hbm>>) target(%arg9 : memref<200xi32, #tpu.memory_space<vmem>>) target_semaphore(%arg17 : memref<!tpu.dma_semaphore, #tpu.memory_space<semaphore_mem>>)
        } else {
        }
      } else {
      }
      %parallel_loop3A_85 = arith.constant 0 : i32
      %parallel_loop3A_86 = arith.constant 200 : i32
      %parallel_loop3A_87 = arith.constant 1 : i32
      scf.for %parallel_loop3A_96 = %parallel_loop3A_85 to %parallel_loop3A_86 step %parallel_loop3A_87  : i32 {
        %parallel_loop3A_97 = arith.index_cast %parallel_loop3A_96 : i32 to index
        %parallel_loop3A_98 = arith.constant 0 : index
        %parallel_loop3A_99 = tpu.vector_load %arg12[%parallel_loop3A_97, %parallel_loop3A_98] {strides = array<i32>} : memref<200x128xf32, #tpu.memory_space<vmem>>, vector<1x16xf32>,
        %parallel_loop3A_100 = vector.shape_cast %parallel_loop3A_99 : vector<1x16xf32> to vector<16xf32>
        %parallel_loop3A_101 = arith.index_cast %parallel_loop3A_96 : i32 to index
        %parallel_loop3A_102 = arith.constant 0 : index
        %parallel_loop3A_103 = tpu.vector_load %arg13[%parallel_loop3A_101, %parallel_loop3A_102] {strides = array<i32>} : memref<200x128xf32, #tpu.memory_space<vmem>>, vector<1x16xf32>,
        %parallel_loop3A_104 = vector.shape_cast %parallel_loop3A_103 : vector<1x16xf32> to vector<16xf32>
        %parallel_loop3A_105 = arith.addf %parallel_loop3A_100, %parallel_loop3A_104 : vector<16xf32>
        %parallel_loop3A_106 = arith.index_cast %parallel_loop3A_96 : i32 to index
        %parallel_loop3A_107 = arith.constant 0 : index
        %parallel_loop3A_108 = tpu.vector_load %arg12[%parallel_loop3A_106, %parallel_loop3A_107] {strides = array<i32>} : memref<200x128xf32, #tpu.memory_space<vmem>>, vector<1x16xf32>,
        %parallel_loop3A_109 = vector.shape_cast %parallel_loop3A_108 : vector<1x16xf32> to vector<16xf32>
        %parallel_loop3A_110 = vector.shape_cast %parallel_loop3A_105 : vector<16xf32> to vector<1x16xf32>
        tpu.vector_store %arg12[%parallel_loop3A_106, %parallel_loop3A_107], %parallel_loop3A_110 {strides = array<i32>} : memref<200x128xf32, #tpu.memory_space<vmem>>, vector<1x16xf32>,
        %parallel_loop3A_111 = arith.index_cast %parallel_loop3A_96 : i32 to index
        %parallel_loop3A_112 = arith.constant 16 : index
        %parallel_loop3A_113 = tpu.vector_load %arg12[%parallel_loop3A_111, %parallel_loop3A_112] {strides = array<i32>} : memref<200x128xf32, #tpu.memory_space<vmem>>, vector<1x16xf32>,
        %parallel_loop3A_114 = vector.shape_cast %parallel_loop3A_113 : vector<1x16xf32> to vector<16xf32>
        %parallel_loop3A_115 = arith.index_cast %parallel_loop3A_96 : i32 to index
        %parallel_loop3A_116 = arith.constant 16 : index
        %parallel_loop3A_117 = tpu.vector_load %arg13[%parallel_loop3A_115, %parallel_loop3A_116] {strides = array<i32>} : memref<200x128xf32, #tpu.memory_space<vmem>>, vector<1x16xf32>,
        %parallel_loop3A_118 = vector.shape_cast %parallel_loop3A_117 : vector<1x16xf32> to vector<16xf32>
        %parallel_loop3A_119 = arith.addf %parallel_loop3A_114, %parallel_loop3A_118 : vector<16xf32>
        %parallel_loop3A_120 = arith.index_cast %parallel_loop3A_96 : i32 to index
        %parallel_loop3A_121 = arith.constant 16 : index
        %parallel_loop3A_122 = tpu.vector_load %arg12[%parallel_loop3A_120, %parallel_loop3A_121] {strides = array<i32>} : memref<200x128xf32, #tpu.memory_space<vmem>>, vector<1x16xf32>,
        %parallel_loop3A_123 = vector.shape_cast %parallel_loop3A_122 : vector<1x16xf32> to vector<16xf32>
        %parallel_loop3A_124 = vector.shape_cast %parallel_loop3A_119 : vector<16xf32> to vector<1x16xf32>
        tpu.vector_store %arg12[%parallel_loop3A_120, %parallel_loop3A_121], %parallel_loop3A_124 {strides = array<i32>} : memref<200x128xf32, #tpu.memory_space<vmem>>, vector<1x16xf32>,
        %parallel_loop3A_125 = arith.index_cast %parallel_loop3A_96 : i32 to index
        %parallel_loop3A_126 = arith.constant 32 : index
        %parallel_loop3A_127 = tpu.vector_load %arg12[%parallel_loop3A_125, %parallel_loop3A_126] {strides = array<i32>} : memref<200x128xf32, #tpu.memory_space<vmem>>, vector<1x16xf32>,
        %parallel_loop3A_128 = vector.shape_cast %parallel_loop3A_127 : vector<1x16xf32> to vector<16xf32>
        %parallel_loop3A_129 = arith.index_cast %parallel_loop3A_96 : i32 to index
        %parallel_loop3A_130 = arith.constant 32 : index
        %parallel_loop3A_131 = tpu.vector_load %arg13[%parallel_loop3A_129, %parallel_loop3A_130] {strides = array<i32>} : memref<200x128xf32, #tpu.memory_space<vmem>>, vector<1x16xf32>,
        %parallel_loop3A_132 = vector.shape_cast %parallel_loop3A_131 : vector<1x16xf32> to vector<16xf32>
        %parallel_loop3A_133 = arith.addf %parallel_loop3A_128, %parallel_loop3A_132 : vector<16xf32>
        %parallel_loop3A_134 = arith.index_cast %parallel_loop3A_96 : i32 to index
        %parallel_loop3A_135 = arith.constant 32 : index
        %parallel_loop3A_136 = tpu.vector_load %arg12[%parallel_loop3A_134, %parallel_loop3A_135] {strides = array<i32>} : memref<200x128xf32, #tpu.memory_space<vmem>>, vector<1x16xf32>,
        %parallel_loop3A_137 = vector.shape_cast %parallel_loop3A_136 : vector<1x16xf32> to vector<16xf32>
        %parallel_loop3A_138 = vector.shape_cast %parallel_loop3A_133 : vector<16xf32> to vector<1x16xf32>
        tpu.vector_store %arg12[%parallel_loop3A_134, %parallel_loop3A_135], %parallel_loop3A_138 {strides = array<i32>} : memref<200x128xf32, #tpu.memory_space<vmem>>, vector<1x16xf32>,
        %parallel_loop3A_139 = arith.index_cast %parallel_loop3A_96 : i32 to index
        %parallel_loop3A_140 = arith.constant 48 : index
        %parallel_loop3A_141 = tpu.vector_load %arg12[%parallel_loop3A_139, %parallel_loop3A_140] {strides = array<i32>} : memref<200x128xf32, #tpu.memory_space<vmem>>, vector<1x16xf32>,
        %parallel_loop3A_142 = vector.shape_cast %parallel_loop3A_141 : vector<1x16xf32> to vector<16xf32>
        %parallel_loop3A_143 = arith.index_cast %parallel_loop3A_96 : i32 to index
        %parallel_loop3A_144 = arith.constant 48 : index
        %parallel_loop3A_145 = tpu.vector_load %arg13[%parallel_loop3A_143, %parallel_loop3A_144] {strides = array<i32>} : memref<200x128xf32, #tpu.memory_space<vmem>>, vector<1x16xf32>,
        %parallel_loop3A_146 = vector.shape_cast %parallel_loop3A_145 : vector<1x16xf32> to vector<16xf32>
        %parallel_loop3A_147 = arith.addf %parallel_loop3A_142, %parallel_loop3A_146 : vector<16xf32>
        %parallel_loop3A_148 = arith.index_cast %parallel_loop3A_96 : i32 to index
        %parallel_loop3A_149 = arith.constant 48 : index
        %parallel_loop3A_150 = tpu.vector_load %arg12[%parallel_loop3A_148, %parallel_loop3A_149] {strides = array<i32>} : memref<200x128xf32, #tpu.memory_space<vmem>>, vector<1x16xf32>,
        %parallel_loop3A_151 = vector.shape_cast %parallel_loop3A_150 : vector<1x16xf32> to vector<16xf32>
        %parallel_loop3A_152 = vector.shape_cast %parallel_loop3A_147 : vector<16xf32> to vector<1x16xf32>
        tpu.vector_store %arg12[%parallel_loop3A_148, %parallel_loop3A_149], %parallel_loop3A_152 {strides = array<i32>} : memref<200x128xf32, #tpu.memory_space<vmem>>, vector<1x16xf32>,
        %parallel_loop3A_153 = arith.index_cast %parallel_loop3A_96 : i32 to index
        %parallel_loop3A_154 = arith.constant 64 : index
        %parallel_loop3A_155 = tpu.vector_load %arg12[%parallel_loop3A_153, %parallel_loop3A_154] {strides = array<i32>} : memref<200x128xf32, #tpu.memory_space<vmem>>, vector<1x16xf32>,
        %parallel_loop3A_156 = vector.shape_cast %parallel_loop3A_155 : vector<1x16xf32> to vector<16xf32>
        %parallel_loop3A_157 = arith.index_cast %parallel_loop3A_96 : i32 to index
        %parallel_loop3A_158 = arith.constant 64 : index
        %parallel_loop3A_159 = tpu.vector_load %arg13[%parallel_loop3A_157, %parallel_loop3A_158] {strides = array<i32>} : memref<200x128xf32, #tpu.memory_space<vmem>>, vector<1x16xf32>,
        %parallel_loop3A_160 = vector.shape_cast %parallel_loop3A_159 : vector<1x16xf32> to vector<16xf32>
        %parallel_loop3A_161 = arith.addf %parallel_loop3A_156, %parallel_loop3A_160 : vector<16xf32>
        %parallel_loop3A_162 = arith.index_cast %parallel_loop3A_96 : i32 to index
        %parallel_loop3A_163 = arith.constant 64 : index
        %parallel_loop3A_164 = tpu.vector_load %arg12[%parallel_loop3A_162, %parallel_loop3A_163] {strides = array<i32>} : memref<200x128xf32, #tpu.memory_space<vmem>>, vector<1x16xf32>,
        %parallel_loop3A_165 = vector.shape_cast %parallel_loop3A_164 : vector<1x16xf32> to vector<16xf32>
        %parallel_loop3A_166 = vector.shape_cast %parallel_loop3A_161 : vector<16xf32> to vector<1x16xf32>
        tpu.vector_store %arg12[%parallel_loop3A_162, %parallel_loop3A_163], %parallel_loop3A_166 {strides = array<i32>} : memref<200x128xf32, #tpu.memory_space<vmem>>, vector<1x16xf32>,
        %parallel_loop3A_167 = arith.index_cast %parallel_loop3A_96 : i32 to index
        %parallel_loop3A_168 = arith.constant 80 : index
        %parallel_loop3A_169 = tpu.vector_load %arg12[%parallel_loop3A_167, %parallel_loop3A_168] {strides = array<i32>} : memref<200x128xf32, #tpu.memory_space<vmem>>, vector<1x16xf32>,
        %parallel_loop3A_170 = vector.shape_cast %parallel_loop3A_169 : vector<1x16xf32> to vector<16xf32>
        %parallel_loop3A_171 = arith.index_cast %parallel_loop3A_96 : i32 to index
        %parallel_loop3A_172 = arith.constant 80 : index
        %parallel_loop3A_173 = tpu.vector_load %arg13[%parallel_loop3A_171, %parallel_loop3A_172] {strides = array<i32>} : memref<200x128xf32, #tpu.memory_space<vmem>>, vector<1x16xf32>,
        %parallel_loop3A_174 = vector.shape_cast %parallel_loop3A_173 : vector<1x16xf32> to vector<16xf32>
        %parallel_loop3A_175 = arith.addf %parallel_loop3A_170, %parallel_loop3A_174 : vector<16xf32>
        %parallel_loop3A_176 = arith.index_cast %parallel_loop3A_96 : i32 to index
        %parallel_loop3A_177 = arith.constant 80 : index
        %parallel_loop3A_178 = tpu.vector_load %arg12[%parallel_loop3A_176, %parallel_loop3A_177] {strides = array<i32>} : memref<200x128xf32, #tpu.memory_space<vmem>>, vector<1x16xf32>,
        %parallel_loop3A_179 = vector.shape_cast %parallel_loop3A_178 : vector<1x16xf32> to vector<16xf32>
        %parallel_loop3A_180 = vector.shape_cast %parallel_loop3A_175 : vector<16xf32> to vector<1x16xf32>
        tpu.vector_store %arg12[%parallel_loop3A_176, %parallel_loop3A_177], %parallel_loop3A_180 {strides = array<i32>} : memref<200x128xf32, #tpu.memory_space<vmem>>, vector<1x16xf32>,
        %parallel_loop3A_181 = arith.index_cast %parallel_loop3A_96 : i32 to index
        %parallel_loop3A_182 = arith.constant 96 : index
        %parallel_loop3A_183 = tpu.vector_load %arg12[%parallel_loop3A_181, %parallel_loop3A_182] {strides = array<i32>} : memref<200x128xf32, #tpu.memory_space<vmem>>, vector<1x16xf32>,
        %parallel_loop3A_184 = vector.shape_cast %parallel_loop3A_183 : vector<1x16xf32> to vector<16xf32>
        %parallel_loop3A_185 = arith.index_cast %parallel_loop3A_96 : i32 to index
        %parallel_loop3A_186 = arith.constant 96 : index
        %parallel_loop3A_187 = tpu.vector_load %arg13[%parallel_loop3A_185, %parallel_loop3A_186] {strides = array<i32>} : memref<200x128xf32, #tpu.memory_space<vmem>>, vector<1x16xf32>,
        %parallel_loop3A_188 = vector.shape_cast %parallel_loop3A_187 : vector<1x16xf32> to vector<16xf32>
        %parallel_loop3A_189 = arith.addf %parallel_loop3A_184, %parallel_loop3A_188 : vector<16xf32>
        %parallel_loop3A_190 = arith.index_cast %parallel_loop3A_96 : i32 to index
        %parallel_loop3A_191 = arith.constant 96 : index
        %parallel_loop3A_192 = tpu.vector_load %arg12[%parallel_loop3A_190, %parallel_loop3A_191] {strides = array<i32>} : memref<200x128xf32, #tpu.memory_space<vmem>>, vector<1x16xf32>,
        %parallel_loop3A_193 = vector.shape_cast %parallel_loop3A_192 : vector<1x16xf32> to vector<16xf32>
        %parallel_loop3A_194 = vector.shape_cast %parallel_loop3A_189 : vector<16xf32> to vector<1x16xf32>
        tpu.vector_store %arg12[%parallel_loop3A_190, %parallel_loop3A_191], %parallel_loop3A_194 {strides = array<i32>} : memref<200x128xf32, #tpu.memory_space<vmem>>, vector<1x16xf32>,
        %parallel_loop3A_195 = arith.index_cast %parallel_loop3A_96 : i32 to index
        %parallel_loop3A_196 = arith.constant 112 : index
        %parallel_loop3A_197 = tpu.vector_load %arg12[%parallel_loop3A_195, %parallel_loop3A_196] {strides = array<i32>} : memref<200x128xf32, #tpu.memory_space<vmem>>, vector<1x16xf32>,
        %parallel_loop3A_198 = vector.shape_cast %parallel_loop3A_197 : vector<1x16xf32> to vector<16xf32>
        %parallel_loop3A_199 = arith.index_cast %parallel_loop3A_96 : i32 to index
        %parallel_loop3A_200 = arith.constant 112 : index
        %parallel_loop3A_201 = tpu.vector_load %arg13[%parallel_loop3A_199, %parallel_loop3A_200] {strides = array<i32>} : memref<200x128xf32, #tpu.memory_space<vmem>>, vector<1x16xf32>,
        %parallel_loop3A_202 = vector.shape_cast %parallel_loop3A_201 : vector<1x16xf32> to vector<16xf32>
        %parallel_loop3A_203 = arith.addf %parallel_loop3A_198, %parallel_loop3A_202 : vector<16xf32>
        %parallel_loop3A_204 = arith.index_cast %parallel_loop3A_96 : i32 to index
        %parallel_loop3A_205 = arith.constant 112 : index
        %parallel_loop3A_206 = tpu.vector_load %arg12[%parallel_loop3A_204, %parallel_loop3A_205] {strides = array<i32>} : memref<200x128xf32, #tpu.memory_space<vmem>>, vector<1x16xf32>,
        %parallel_loop3A_207 = vector.shape_cast %parallel_loop3A_206 : vector<1x16xf32> to vector<16xf32>
        %parallel_loop3A_208 = vector.shape_cast %parallel_loop3A_203 : vector<16xf32> to vector<1x16xf32>
        tpu.vector_store %arg12[%parallel_loop3A_204, %parallel_loop3A_205], %parallel_loop3A_208 {strides = array<i32>} : memref<200x128xf32, #tpu.memory_space<vmem>>, vector<1x16xf32>,
      } {sc.loop_unroll_factor = 4 : i64, sc.parallel_access}
      %mul3A_88 = arith.constant 200 : i32
      %mul3A_89 = arith.muli %add3A_73, %mul3A_88 : i32
      %add3A_90 = arith.addi %mul3A_6, %mul3A_89 : i32
      %multiple_of3A_91 = tpu.assume_multiple %add3A_90, 8 : i32
      %dma_start3A_92 = arith.constant 0 : i32
      %dma_start3A_93 = tpu.memref_slice %arg5[%multiple_of3A_91, %dma_start3A_92] : memref<64000x128xf32, #tpu.memory_space<hbm>> -> memref<200x128xf32, #tpu.memory_space<hbm>>
      %dma_start3A_94 = arith.constant 0 : i32
      %dma_start3A_95 = tpu.memref_slice %arg5[%multiple_of3A_91, %dma_start3A_94] : memref<64000x128xf32, #tpu.memory_space<hbm>> -> memref<200x128xf32, #tpu.memory_space<hbm>>
      tpu.enqueue_dma source(%arg12 : memref<200x128xf32, #tpu.memory_space<vmem>>) target(%dma_start3A_95 : memref<200x128xf32, #tpu.memory_space<hbm>>) target_semaphore(%arg19 : memref<!tpu.dma_semaphore, #tpu.memory_space<semaphore_mem>>)
    }
    %scan3A_36 = arith.constant 5 : i32
    %dma_wait3A_37 = arith.constant 0 : i32
    %dma_wait3A_38 = arith.constant 0 : i32
    %dma_wait3A_39 = tpu.memref_slice %arg5[%dma_wait3A_37, %dma_wait3A_38] : memref<64000x128xf32, #tpu.memory_space<hbm>> -> memref<200x128xf32, #tpu.memory_space<hbm>>
    %dma_wait3A_40 = arith.constant 0 : i32
    %dma_wait3A_41 = arith.constant 0 : i32
    %dma_wait3A_42 = tpu.memref_slice %arg5[%dma_wait3A_40, %dma_wait3A_41] : memref<64000x128xf32, #tpu.memory_space<hbm>> -> memref<200x128xf32, #tpu.memory_space<hbm>>
    tpu.wait_dma2 semaphore(%arg18 : memref<!tpu.dma_semaphore, #tpu.memory_space<semaphore_mem>>) src(%arg10 : memref<200x128xf32, #tpu.memory_space<vmem>>) dst(%dma_wait3A_42 : memref<200x128xf32, #tpu.memory_space<hbm>>)
    %dma_wait3A_43 = arith.constant 0 : i32
    %dma_wait3A_44 = arith.constant 0 : i32
    %dma_wait3A_45 = tpu.memref_slice %arg5[%dma_wait3A_43, %dma_wait3A_44] : memref<64000x128xf32, #tpu.memory_space<hbm>> -> memref<200x128xf32, #tpu.memory_space<hbm>>
    %dma_wait3A_46 = arith.constant 0 : i32
    %dma_wait3A_47 = arith.constant 0 : i32
    %dma_wait3A_48 = tpu.memref_slice %arg5[%dma_wait3A_46, %dma_wait3A_47] : memref<64000x128xf32, #tpu.memory_space<hbm>> -> memref<200x128xf32, #tpu.memory_space<hbm>>
    tpu.wait_dma2 semaphore(%arg19 : memref<!tpu.dma_semaphore, #tpu.memory_space<semaphore_mem>>) src(%arg12 : memref<200x128xf32, #tpu.memory_space<vmem>>) dst(%dma_wait3A_48 : memref<200x128xf32, #tpu.memory_space<hbm>>)
    return
  }
}

#map = affine_map<(d0, d1) -> (0, 0)>
#map1 = affine_map<(d0, d1) -> (0)>
module attributes {stable_mosaic.version = 14 : i64} {
  func.func @k(%arg0: i32, %arg1: i32, %arg2: memref<20000x128xf32, #tpu.memory_space<hbm>>, %arg3: memref<320000xi32, #tpu.memory_space<hbm>>, %arg4: memref<320000xi32, #tpu.memory_space<hbm>>, %arg5: memref<64000x128xf32, #tpu.memory_space<hbm>>, %arg6: memref<200xi32, #tpu.memory_space<vmem>>, %arg7: memref<200xi32, #tpu.memory_space<vmem>>, %arg8: memref<200xi32, #tpu.memory_space<vmem>>, %arg9: memref<200xi32, #tpu.memory_space<vmem>>, %arg10: memref<200x128xf32, #tpu.memory_space<vmem>>, %arg11: memref<200x128xf32, #tpu.memory_space<vmem>>, %arg12: memref<200x128xf32, #tpu.memory_space<vmem>>, %arg13: memref<200x128xf32, #tpu.memory_space<vmem>>, %arg14: memref<!tpu.dma_semaphore, #tpu.memory_space<semaphore_mem>>, %arg15: memref<!tpu.dma_semaphore, #tpu.memory_space<semaphore_mem>>, %arg16: memref<!tpu.dma_semaphore, #tpu.memory_space<semaphore_mem>>, %arg17: memref<!tpu.dma_semaphore, #tpu.memory_space<semaphore_mem>>, %arg18: memref<!tpu.dma_semaphore, #tpu.memory_space<semaphore_mem>>, %arg19: memref<!tpu.dma_semaphore, #tpu.memory_space<semaphore_mem>>) attributes {dimension_semantics = [#tpu.dimension_semantics<core_parallel>, #tpu.dimension_semantics<subcore_parallel>], iteration_bounds = array<i64: 2, 16>, scalar_prefetch = 0 : i64, scratch_operands = 14 : i64, tpu.core_type = #tpu.core_type<sc_vector_subcore>, window_params = [{transform_indices = #map}, {transform_indices = #map1}, {transform_indices = #map1}, {transform_indices = #map}]} {
    %mul3A = arith.constant 2 : i32
    %mul3A_0 = arith.muli %arg1, %mul3A : i32
    %add3A = arith.addi %mul3A_0, %arg0 : i32
    %mul3A_1 = arith.constant 2000 : i32
    %mul3A_2 = arith.muli %add3A, %mul3A_1 : i32
    %add3A_3 = arith.constant 256000 : i32
    %add3A_4 = arith.addi %add3A_3, %mul3A_2 : i32
    %mul3A_5 = arith.constant 2000 : i32
    %mul3A_6 = arith.muli %add3A, %mul3A_5 : i32
    %add3A_7 = arith.constant 0 : i32
    %add3A_8 = arith.addi %add3A_4, %add3A_7 : i32
    %multiple_of3A = tpu.assume_multiple %add3A_8, 8 : i32
    %dma_start3A = tpu.memref_slice %arg3[%multiple_of3A] : memref<320000xi32, #tpu.memory_space<hbm>> -> memref<200xi32, #tpu.memory_space<hbm>>
    %dma_start3A_9 = tpu.memref_slice %arg3[%multiple_of3A] : memref<320000xi32, #tpu.memory_space<hbm>> -> memref<200xi32, #tpu.memory_space<hbm>>
    tpu.enqueue_dma source(%dma_start3A_9 : memref<200xi32, #tpu.memory_space<hbm>>) target(%arg6 : memref<200xi32, #tpu.memory_space<vmem>>) target_semaphore(%arg16 : memref<!tpu.dma_semaphore, #tpu.memory_space<semaphore_mem>>)
    %dma_start3A_10 = tpu.memref_slice %arg4[%multiple_of3A] : memref<320000xi32, #tpu.memory_space<hbm>> -> memref<200xi32, #tpu.memory_space<hbm>>
    %dma_start3A_11 = tpu.memref_slice %arg4[%multiple_of3A] : memref<320000xi32, #tpu.memory_space<hbm>> -> memref<200xi32, #tpu.memory_space<hbm>>
    tpu.enqueue_dma source(%dma_start3A_11 : memref<200xi32, #tpu.memory_space<hbm>>) target(%arg7 : memref<200xi32, #tpu.memory_space<vmem>>) target_semaphore(%arg16 : memref<!tpu.dma_semaphore, #tpu.memory_space<semaphore_mem>>)
    %dma_wait3A = arith.constant 0 : i32
    %dma_wait3A_12 = tpu.memref_slice %arg3[%dma_wait3A] : memref<320000xi32, #tpu.memory_space<hbm>> -> memref<200xi32, #tpu.memory_space<hbm>>
    %dma_wait3A_13 = arith.constant 0 : i32
    %dma_wait3A_14 = tpu.memref_slice %arg3[%dma_wait3A_13] : memref<320000xi32, #tpu.memory_space<hbm>> -> memref<200xi32, #tpu.memory_space<hbm>>
    tpu.wait_dma2 semaphore(%arg16 : memref<!tpu.dma_semaphore, #tpu.memory_space<semaphore_mem>>) src(%dma_wait3A_14 : memref<200xi32, #tpu.memory_space<hbm>>) dst(%arg6 : memref<200xi32, #tpu.memory_space<vmem>>)
    %dma_wait3A_15 = arith.constant 0 : i32
    %dma_wait3A_16 = tpu.memref_slice %arg4[%dma_wait3A_15] : memref<320000xi32, #tpu.memory_space<hbm>> -> memref<200xi32, #tpu.memory_space<hbm>>
    %dma_wait3A_17 = arith.constant 0 : i32
    %dma_wait3A_18 = tpu.memref_slice %arg4[%dma_wait3A_17] : memref<320000xi32, #tpu.memory_space<hbm>> -> memref<200xi32, #tpu.memory_space<hbm>>
    tpu.wait_dma2 semaphore(%arg16 : memref<!tpu.dma_semaphore, #tpu.memory_space<semaphore_mem>>) src(%dma_wait3A_18 : memref<200xi32, #tpu.memory_space<hbm>>) dst(%arg7 : memref<200xi32, #tpu.memory_space<vmem>>)
    %dma_start3A_19 = arith.constant 0 : i32
    %dma_start3A_20 = arith.constant 0 : i32
    %dma_start3A_21 = tpu.memref_slice %arg2[%dma_start3A_19, %dma_start3A_20] : memref<20000x128xf32, #tpu.memory_space<hbm>> -> memref<20000x128xf32, #tpu.memory_space<hbm>>
    tpu.enqueue_indirect_dma source(%dma_start3A_21 : memref<20000x128xf32, #tpu.memory_space<hbm>>) target(%arg10 : memref<200x128xf32, #tpu.memory_space<vmem>>) offsets(%arg6 : memref<200xi32, #tpu.memory_space<vmem>>) semaphore(%arg14 : memref<!tpu.dma_semaphore, #tpu.memory_space<semaphore_mem>>)
    %dma_start3A_22 = arith.constant 0 : i32
    %dma_start3A_23 = arith.constant 0 : i32
    %dma_start3A_24 = tpu.memref_slice %arg2[%dma_start3A_22, %dma_start3A_23] : memref<20000x128xf32, #tpu.memory_space<hbm>> -> memref<20000x128xf32, #tpu.memory_space<hbm>>
    tpu.enqueue_indirect_dma source(%dma_start3A_24 : memref<20000x128xf32, #tpu.memory_space<hbm>>) target(%arg11 : memref<200x128xf32, #tpu.memory_space<vmem>>) offsets(%arg7 : memref<200xi32, #tpu.memory_space<vmem>>) semaphore(%arg14 : memref<!tpu.dma_semaphore, #tpu.memory_space<semaphore_mem>>)
    %add3A_25 = arith.constant 200 : i32
    %add3A_26 = arith.addi %add3A_4, %add3A_25 : i32
    %multiple_of3A_27 = tpu.assume_multiple %add3A_26, 8 : i32
    %dma_start3A_28 = tpu.memref_slice %arg3[%multiple_of3A_27] : memref<320000xi32, #tpu.memory_space<hbm>> -> memref<200xi32, #tpu.memory_space<hbm>>
    %dma_start3A_29 = tpu.memref_slice %arg3[%multiple_of3A_27] : memref<320000xi32, #tpu.memory_space<hbm>> -> memref<200xi32, #tpu.memory_space<hbm>>
    tpu.enqueue_dma source(%dma_start3A_29 : memref<200xi32, #tpu.memory_space<hbm>>) target(%arg8 : memref<200xi32, #tpu.memory_space<vmem>>) target_semaphore(%arg17 : memref<!tpu.dma_semaphore, #tpu.memory_space<semaphore_mem>>)
    %dma_start3A_30 = tpu.memref_slice %arg4[%multiple_of3A_27] : memref<320000xi32, #tpu.memory_space<hbm>> -> memref<200xi32, #tpu.memory_space<hbm>>
    %dma_start3A_31 = tpu.memref_slice %arg4[%multiple_of3A_27] : memref<320000xi32, #tpu.memory_space<hbm>> -> memref<200xi32, #tpu.memory_space<hbm>>
    tpu.enqueue_dma source(%dma_start3A_31 : memref<200xi32, #tpu.memory_space<hbm>>) target(%arg9 : memref<200xi32, #tpu.memory_space<vmem>>) target_semaphore(%arg17 : memref<!tpu.dma_semaphore, #tpu.memory_space<semaphore_mem>>)
    %scan3A = arith.constant 0 : i32
    %scan3A_32 = arith.constant 0 : i32
    %scan3A_33 = arith.constant 5 : i32
    %scan3A_34 = arith.addi %scan3A_32, %scan3A_33 : i32
    %scan3A_35 = arith.constant 1 : i32
    scf.for %scan3A_49 = %scan3A_32 to %scan3A_34 step %scan3A_35  : i32 {
      %mul3A_50 = arith.constant 2 : i32
      %mul3A_51 = arith.muli %mul3A_50, %scan3A_49 : i32
      %dma_wait3A_52 = arith.constant 0 : i32
      %dma_wait3A_53 = arith.constant 0 : i32
      %dma_wait3A_54 = tpu.memref_slice %arg2[%dma_wait3A_52, %dma_wait3A_53] : memref<20000x128xf32, #tpu.memory_space<hbm>> -> memref<20000x128xf32, #tpu.memory_space<hbm>>
      tpu.wait_indirect_dma semaphore(%arg14 : memref<!tpu.dma_semaphore, #tpu.memory_space<semaphore_mem>>) src(%dma_wait3A_54 : memref<20000x128xf32, #tpu.memory_space<hbm>>) dst(%arg10 : memref<200x128xf32, #tpu.memory_space<vmem>>)
      %dma_wait3A_55 = arith.constant 0 : i32
      %dma_wait3A_56 = arith.constant 0 : i32
      %dma_wait3A_57 = tpu.memref_slice %arg2[%dma_wait3A_55, %dma_wait3A_56] : memref<20000x128xf32, #tpu.memory_space<hbm>> -> memref<20000x128xf32, #tpu.memory_space<hbm>>
      tpu.wait_indirect_dma semaphore(%arg14 : memref<!tpu.dma_semaphore, #tpu.memory_space<semaphore_mem>>) src(%dma_wait3A_57 : memref<20000x128xf32, #tpu.memory_space<hbm>>) dst(%arg11 : memref<200x128xf32, #tpu.memory_space<vmem>>)
      %le3A = arith.constant 8 : i32
      %le3A_58 = arith.cmpi sle, %mul3A_51, %le3A : i32
      %convert_element_type3A = arith.extui %le3A_58 : i1 to i32
      %cond3A = arith.constant 0 : i32
      %cond3A_59 = arith.cmpi ne, %convert_element_type3A, %cond3A : i32
      scf.if %cond3A_59 {
        %dma_wait3A_96 = arith.constant 0 : i32
        %dma_wait3A_97 = tpu.memref_slice %arg3[%dma_wait3A_96] : memref<320000xi32, #tpu.memory_space<hbm>> -> memref<200xi32, #tpu.memory_space<hbm>>
        %dma_wait3A_98 = arith.constant 0 : i32
        %dma_wait3A_99 = tpu.memref_slice %arg3[%dma_wait3A_98] : memref<320000xi32, #tpu.memory_space<hbm>> -> memref<200xi32, #tpu.memory_space<hbm>>
        tpu.wait_dma2 semaphore(%arg17 : memref<!tpu.dma_semaphore, #tpu.memory_space<semaphore_mem>>) src(%dma_wait3A_99 : memref<200xi32, #tpu.memory_space<hbm>>) dst(%arg8 : memref<200xi32, #tpu.memory_space<vmem>>)
        %dma_wait3A_100 = arith.constant 0 : i32
        %dma_wait3A_101 = tpu.memref_slice %arg4[%dma_wait3A_100] : memref<320000xi32, #tpu.memory_space<hbm>> -> memref<200xi32, #tpu.memory_space<hbm>>
        %dma_wait3A_102 = arith.constant 0 : i32
        %dma_wait3A_103 = tpu.memref_slice %arg4[%dma_wait3A_102] : memref<320000xi32, #tpu.memory_space<hbm>> -> memref<200xi32, #tpu.memory_space<hbm>>
        tpu.wait_dma2 semaphore(%arg17 : memref<!tpu.dma_semaphore, #tpu.memory_space<semaphore_mem>>) src(%dma_wait3A_103 : memref<200xi32, #tpu.memory_space<hbm>>) dst(%arg9 : memref<200xi32, #tpu.memory_space<vmem>>)
        %ge3A = arith.constant 1 : i32
        %ge3A_104 = arith.cmpi sge, %mul3A_51, %ge3A : i32
        %convert_element_type3A_105 = arith.extui %ge3A_104 : i1 to i32
        %cond3A_106 = arith.constant 0 : i32
        %cond3A_107 = arith.cmpi ne, %convert_element_type3A_105, %cond3A_106 : i32
        scf.if %cond3A_107 {
          %dma_wait3A_119 = arith.constant 0 : i32
          %dma_wait3A_120 = arith.constant 0 : i32
          %dma_wait3A_121 = tpu.memref_slice %arg5[%dma_wait3A_119, %dma_wait3A_120] : memref<64000x128xf32, #tpu.memory_space<hbm>> -> memref<200x128xf32, #tpu.memory_space<hbm>>
          %dma_wait3A_122 = arith.constant 0 : i32
          %dma_wait3A_123 = arith.constant 0 : i32
          %dma_wait3A_124 = tpu.memref_slice %arg5[%dma_wait3A_122, %dma_wait3A_123] : memref<64000x128xf32, #tpu.memory_space<hbm>> -> memref<200x128xf32, #tpu.memory_space<hbm>>
          tpu.wait_dma2 semaphore(%arg19 : memref<!tpu.dma_semaphore, #tpu.memory_space<semaphore_mem>>) src(%arg12 : memref<200x128xf32, #tpu.memory_space<vmem>>) dst(%dma_wait3A_124 : memref<200x128xf32, #tpu.memory_space<hbm>>)
        } else {
        }
        %dma_start3A_108 = arith.constant 0 : i32
        %dma_start3A_109 = arith.constant 0 : i32
        %dma_start3A_110 = tpu.memref_slice %arg2[%dma_start3A_108, %dma_start3A_109] : memref<20000x128xf32, #tpu.memory_space<hbm>> -> memref<20000x128xf32, #tpu.memory_space<hbm>>
        tpu.enqueue_indirect_dma source(%dma_start3A_110 : memref<20000x128xf32, #tpu.memory_space<hbm>>) target(%arg12 : memref<200x128xf32, #tpu.memory_space<vmem>>) offsets(%arg8 : memref<200xi32, #tpu.memory_space<vmem>>) semaphore(%arg15 : memref<!tpu.dma_semaphore, #tpu.memory_space<semaphore_mem>>)
        %dma_start3A_111 = arith.constant 0 : i32
        %dma_start3A_112 = arith.constant 0 : i32
        %dma_start3A_113 = tpu.memref_slice %arg2[%dma_start3A_111, %dma_start3A_112] : memref<20000x128xf32, #tpu.memory_space<hbm>> -> memref<20000x128xf32, #tpu.memory_space<hbm>>
        tpu.enqueue_indirect_dma source(%dma_start3A_113 : memref<20000x128xf32, #tpu.memory_space<hbm>>) target(%arg13 : memref<200x128xf32, #tpu.memory_space<vmem>>) offsets(%arg9 : memref<200xi32, #tpu.memory_space<vmem>>) semaphore(%arg15 : memref<!tpu.dma_semaphore, #tpu.memory_space<semaphore_mem>>)
        %le3A_114 = arith.constant 7 : i32
        %le3A_115 = arith.cmpi sle, %mul3A_51, %le3A_114 : i32
        %convert_element_type3A_116 = arith.extui %le3A_115 : i1 to i32
        %cond3A_117 = arith.constant 0 : i32
        %cond3A_118 = arith.cmpi ne, %convert_element_type3A_116, %cond3A_117 : i32
        scf.if %cond3A_118 {
          %add3A_119 = arith.constant 2 : i32
          %add3A_120 = arith.addi %mul3A_51, %add3A_119 : i32
          %mul3A_121 = arith.constant 200 : i32
          %mul3A_122 = arith.muli %add3A_120, %mul3A_121 : i32
          %add3A_123 = arith.addi %add3A_4, %mul3A_122 : i32
          %multiple_of3A_124 = tpu.assume_multiple %add3A_123, 8 : i32
          %dma_start3A_125 = tpu.memref_slice %arg3[%multiple_of3A_124] : memref<320000xi32, #tpu.memory_space<hbm>> -> memref<200xi32, #tpu.memory_space<hbm>>
          %dma_start3A_126 = tpu.memref_slice %arg3[%multiple_of3A_124] : memref<320000xi32, #tpu.memory_space<hbm>> -> memref<200xi32, #tpu.memory_space<hbm>>
          tpu.enqueue_dma source(%dma_start3A_126 : memref<200xi32, #tpu.memory_space<hbm>>) target(%arg6 : memref<200xi32, #tpu.memory_space<vmem>>) target_semaphore(%arg16 : memref<!tpu.dma_semaphore, #tpu.memory_space<semaphore_mem>>)
          %dma_start3A_127 = tpu.memref_slice %arg4[%multiple_of3A_124] : memref<320000xi32, #tpu.memory_space<hbm>> -> memref<200xi32, #tpu.memory_space<hbm>>
          %dma_start3A_128 = tpu.memref_slice %arg4[%multiple_of3A_124] : memref<320000xi32, #tpu.memory_space<hbm>> -> memref<200xi32, #tpu.memory_space<hbm>>
          tpu.enqueue_dma source(%dma_start3A_128 : memref<200xi32, #tpu.memory_space<hbm>>) target(%arg7 : memref<200xi32, #tpu.memory_space<vmem>>) target_semaphore(%arg16 : memref<!tpu.dma_semaphore, #tpu.memory_space<semaphore_mem>>)
        } else {
        }
      } else {
      }
      %parallel_loop3A = arith.constant 0 : i32
      %parallel_loop3A_60 = arith.constant 200 : i32
      %parallel_loop3A_61 = arith.constant 1 : i32
      scf.for %parallel_loop3A_96 = %parallel_loop3A to %parallel_loop3A_60 step %parallel_loop3A_61  : i32 {
        %parallel_loop3A_97 = arith.index_cast %parallel_loop3A_96 : i32 to index
        %parallel_loop3A_98 = arith.constant 0 : index
        %parallel_loop3A_99 = tpu.vector_load %arg10[%parallel_loop3A_97, %parallel_loop3A_98] {strides = array<i32>} : memref<200x128xf32, #tpu.memory_space<vmem>>, vector<1x16xf32>,
        %parallel_loop3A_100 = vector.shape_cast %parallel_loop3A_99 : vector<1x16xf32> to vector<16xf32>
        %parallel_loop3A_101 = arith.index_cast %parallel_loop3A_96 : i32 to index
        %parallel_loop3A_102 = arith.constant 0 : index
        %parallel_loop3A_103 = tpu.vector_load %arg11[%parallel_loop3A_101, %parallel_loop3A_102] {strides = array<i32>} : memref<200x128xf32, #tpu.memory_space<vmem>>, vector<1x16xf32>,
        %parallel_loop3A_104 = vector.shape_cast %parallel_loop3A_103 : vector<1x16xf32> to vector<16xf32>
        %parallel_loop3A_105 = arith.addf %parallel_loop3A_100, %parallel_loop3A_104 : vector<16xf32>
        %parallel_loop3A_106 = arith.index_cast %parallel_loop3A_96 : i32 to index
        %parallel_loop3A_107 = arith.constant 0 : index
        %parallel_loop3A_108 = tpu.vector_load %arg10[%parallel_loop3A_106, %parallel_loop3A_107] {strides = array<i32>} : memref<200x128xf32, #tpu.memory_space<vmem>>, vector<1x16xf32>,
        %parallel_loop3A_109 = vector.shape_cast %parallel_loop3A_108 : vector<1x16xf32> to vector<16xf32>
        %parallel_loop3A_110 = vector.shape_cast %parallel_loop3A_105 : vector<16xf32> to vector<1x16xf32>
        tpu.vector_store %arg10[%parallel_loop3A_106, %parallel_loop3A_107], %parallel_loop3A_110 {strides = array<i32>} : memref<200x128xf32, #tpu.memory_space<vmem>>, vector<1x16xf32>,
        %parallel_loop3A_111 = arith.index_cast %parallel_loop3A_96 : i32 to index
        %parallel_loop3A_112 = arith.constant 16 : index
        %parallel_loop3A_113 = tpu.vector_load %arg10[%parallel_loop3A_111, %parallel_loop3A_112] {strides = array<i32>} : memref<200x128xf32, #tpu.memory_space<vmem>>, vector<1x16xf32>,
        %parallel_loop3A_114 = vector.shape_cast %parallel_loop3A_113 : vector<1x16xf32> to vector<16xf32>
        %parallel_loop3A_115 = arith.index_cast %parallel_loop3A_96 : i32 to index
        %parallel_loop3A_116 = arith.constant 16 : index
        %parallel_loop3A_117 = tpu.vector_load %arg11[%parallel_loop3A_115, %parallel_loop3A_116] {strides = array<i32>} : memref<200x128xf32, #tpu.memory_space<vmem>>, vector<1x16xf32>,
        %parallel_loop3A_118 = vector.shape_cast %parallel_loop3A_117 : vector<1x16xf32> to vector<16xf32>
        %parallel_loop3A_119 = arith.addf %parallel_loop3A_114, %parallel_loop3A_118 : vector<16xf32>
        %parallel_loop3A_120 = arith.index_cast %parallel_loop3A_96 : i32 to index
        %parallel_loop3A_121 = arith.constant 16 : index
        %parallel_loop3A_122 = tpu.vector_load %arg10[%parallel_loop3A_120, %parallel_loop3A_121] {strides = array<i32>} : memref<200x128xf32, #tpu.memory_space<vmem>>, vector<1x16xf32>,
        %parallel_loop3A_123 = vector.shape_cast %parallel_loop3A_122 : vector<1x16xf32> to vector<16xf32>
        %parallel_loop3A_124 = vector.shape_cast %parallel_loop3A_119 : vector<16xf32> to vector<1x16xf32>
        tpu.vector_store %arg10[%parallel_loop3A_120, %parallel_loop3A_121], %parallel_loop3A_124 {strides = array<i32>} : memref<200x128xf32, #tpu.memory_space<vmem>>, vector<1x16xf32>,
        %parallel_loop3A_125 = arith.index_cast %parallel_loop3A_96 : i32 to index
        %parallel_loop3A_126 = arith.constant 32 : index
        %parallel_loop3A_127 = tpu.vector_load %arg10[%parallel_loop3A_125, %parallel_loop3A_126] {strides = array<i32>} : memref<200x128xf32, #tpu.memory_space<vmem>>, vector<1x16xf32>,
        %parallel_loop3A_128 = vector.shape_cast %parallel_loop3A_127 : vector<1x16xf32> to vector<16xf32>
        %parallel_loop3A_129 = arith.index_cast %parallel_loop3A_96 : i32 to index
        %parallel_loop3A_130 = arith.constant 32 : index
        %parallel_loop3A_131 = tpu.vector_load %arg11[%parallel_loop3A_129, %parallel_loop3A_130] {strides = array<i32>} : memref<200x128xf32, #tpu.memory_space<vmem>>, vector<1x16xf32>,
        %parallel_loop3A_132 = vector.shape_cast %parallel_loop3A_131 : vector<1x16xf32> to vector<16xf32>
        %parallel_loop3A_133 = arith.addf %parallel_loop3A_128, %parallel_loop3A_132 : vector<16xf32>
        %parallel_loop3A_134 = arith.index_cast %parallel_loop3A_96 : i32 to index
        %parallel_loop3A_135 = arith.constant 32 : index
        %parallel_loop3A_136 = tpu.vector_load %arg10[%parallel_loop3A_134, %parallel_loop3A_135] {strides = array<i32>} : memref<200x128xf32, #tpu.memory_space<vmem>>, vector<1x16xf32>,
        %parallel_loop3A_137 = vector.shape_cast %parallel_loop3A_136 : vector<1x16xf32> to vector<16xf32>
        %parallel_loop3A_138 = vector.shape_cast %parallel_loop3A_133 : vector<16xf32> to vector<1x16xf32>
        tpu.vector_store %arg10[%parallel_loop3A_134, %parallel_loop3A_135], %parallel_loop3A_138 {strides = array<i32>} : memref<200x128xf32, #tpu.memory_space<vmem>>, vector<1x16xf32>,
        %parallel_loop3A_139 = arith.index_cast %parallel_loop3A_96 : i32 to index
        %parallel_loop3A_140 = arith.constant 48 : index
        %parallel_loop3A_141 = tpu.vector_load %arg10[%parallel_loop3A_139, %parallel_loop3A_140] {strides = array<i32>} : memref<200x128xf32, #tpu.memory_space<vmem>>, vector<1x16xf32>,
        %parallel_loop3A_142 = vector.shape_cast %parallel_loop3A_141 : vector<1x16xf32> to vector<16xf32>
        %parallel_loop3A_143 = arith.index_cast %parallel_loop3A_96 : i32 to index
        %parallel_loop3A_144 = arith.constant 48 : index
        %parallel_loop3A_145 = tpu.vector_load %arg11[%parallel_loop3A_143, %parallel_loop3A_144] {strides = array<i32>} : memref<200x128xf32, #tpu.memory_space<vmem>>, vector<1x16xf32>,
        %parallel_loop3A_146 = vector.shape_cast %parallel_loop3A_145 : vector<1x16xf32> to vector<16xf32>
        %parallel_loop3A_147 = arith.addf %parallel_loop3A_142, %parallel_loop3A_146 : vector<16xf32>
        %parallel_loop3A_148 = arith.index_cast %parallel_loop3A_96 : i32 to index
        %parallel_loop3A_149 = arith.constant 48 : index
        %parallel_loop3A_150 = tpu.vector_load %arg10[%parallel_loop3A_148, %parallel_loop3A_149] {strides = array<i32>} : memref<200x128xf32, #tpu.memory_space<vmem>>, vector<1x16xf32>,
        %parallel_loop3A_151 = vector.shape_cast %parallel_loop3A_150 : vector<1x16xf32> to vector<16xf32>
        %parallel_loop3A_152 = vector.shape_cast %parallel_loop3A_147 : vector<16xf32> to vector<1x16xf32>
        tpu.vector_store %arg10[%parallel_loop3A_148, %parallel_loop3A_149], %parallel_loop3A_152 {strides = array<i32>} : memref<200x128xf32, #tpu.memory_space<vmem>>, vector<1x16xf32>,
        %parallel_loop3A_153 = arith.index_cast %parallel_loop3A_96 : i32 to index
        %parallel_loop3A_154 = arith.constant 64 : index
        %parallel_loop3A_155 = tpu.vector_load %arg10[%parallel_loop3A_153, %parallel_loop3A_154] {strides = array<i32>} : memref<200x128xf32, #tpu.memory_space<vmem>>, vector<1x16xf32>,
        %parallel_loop3A_156 = vector.shape_cast %parallel_loop3A_155 : vector<1x16xf32> to vector<16xf32>
        %parallel_loop3A_157 = arith.index_cast %parallel_loop3A_96 : i32 to index
        %parallel_loop3A_158 = arith.constant 64 : index
        %parallel_loop3A_159 = tpu.vector_load %arg11[%parallel_loop3A_157, %parallel_loop3A_158] {strides = array<i32>} : memref<200x128xf32, #tpu.memory_space<vmem>>, vector<1x16xf32>,
        %parallel_loop3A_160 = vector.shape_cast %parallel_loop3A_159 : vector<1x16xf32> to vector<16xf32>
        %parallel_loop3A_161 = arith.addf %parallel_loop3A_156, %parallel_loop3A_160 : vector<16xf32>
        %parallel_loop3A_162 = arith.index_cast %parallel_loop3A_96 : i32 to index
        %parallel_loop3A_163 = arith.constant 64 : index
        %parallel_loop3A_164 = tpu.vector_load %arg10[%parallel_loop3A_162, %parallel_loop3A_163] {strides = array<i32>} : memref<200x128xf32, #tpu.memory_space<vmem>>, vector<1x16xf32>,
        %parallel_loop3A_165 = vector.shape_cast %parallel_loop3A_164 : vector<1x16xf32> to vector<16xf32>
        %parallel_loop3A_166 = vector.shape_cast %parallel_loop3A_161 : vector<16xf32> to vector<1x16xf32>
        tpu.vector_store %arg10[%parallel_loop3A_162, %parallel_loop3A_163], %parallel_loop3A_166 {strides = array<i32>} : memref<200x128xf32, #tpu.memory_space<vmem>>, vector<1x16xf32>,
        %parallel_loop3A_167 = arith.index_cast %parallel_loop3A_96 : i32 to index
        %parallel_loop3A_168 = arith.constant 80 : index
        %parallel_loop3A_169 = tpu.vector_load %arg10[%parallel_loop3A_167, %parallel_loop3A_168] {strides = array<i32>} : memref<200x128xf32, #tpu.memory_space<vmem>>, vector<1x16xf32>,
        %parallel_loop3A_170 = vector.shape_cast %parallel_loop3A_169 : vector<1x16xf32> to vector<16xf32>
        %parallel_loop3A_171 = arith.index_cast %parallel_loop3A_96 : i32 to index
        %parallel_loop3A_172 = arith.constant 80 : index
        %parallel_loop3A_173 = tpu.vector_load %arg11[%parallel_loop3A_171, %parallel_loop3A_172] {strides = array<i32>} : memref<200x128xf32, #tpu.memory_space<vmem>>, vector<1x16xf32>,
        %parallel_loop3A_174 = vector.shape_cast %parallel_loop3A_173 : vector<1x16xf32> to vector<16xf32>
        %parallel_loop3A_175 = arith.addf %parallel_loop3A_170, %parallel_loop3A_174 : vector<16xf32>
        %parallel_loop3A_176 = arith.index_cast %parallel_loop3A_96 : i32 to index
        %parallel_loop3A_177 = arith.constant 80 : index
        %parallel_loop3A_178 = tpu.vector_load %arg10[%parallel_loop3A_176, %parallel_loop3A_177] {strides = array<i32>} : memref<200x128xf32, #tpu.memory_space<vmem>>, vector<1x16xf32>,
        %parallel_loop3A_179 = vector.shape_cast %parallel_loop3A_178 : vector<1x16xf32> to vector<16xf32>
        %parallel_loop3A_180 = vector.shape_cast %parallel_loop3A_175 : vector<16xf32> to vector<1x16xf32>
        tpu.vector_store %arg10[%parallel_loop3A_176, %parallel_loop3A_177], %parallel_loop3A_180 {strides = array<i32>} : memref<200x128xf32, #tpu.memory_space<vmem>>, vector<1x16xf32>,
        %parallel_loop3A_181 = arith.index_cast %parallel_loop3A_96 : i32 to index
        %parallel_loop3A_182 = arith.constant 96 : index
        %parallel_loop3A_183 = tpu.vector_load %arg10[%parallel_loop3A_181, %parallel_loop3A_182] {strides = array<i32>} : memref<200x128xf32, #tpu.memory_space<vmem>>, vector<1x16xf32>,
        %parallel_loop3A_184 = vector.shape_cast %parallel_loop3A_183 : vector<1x16xf32> to vector<16xf32>
        %parallel_loop3A_185 = arith.index_cast %parallel_loop3A_96 : i32 to index
        %parallel_loop3A_186 = arith.constant 96 : index
        %parallel_loop3A_187 = tpu.vector_load %arg11[%parallel_loop3A_185, %parallel_loop3A_186] {strides = array<i32>} : memref<200x128xf32, #tpu.memory_space<vmem>>, vector<1x16xf32>,
        %parallel_loop3A_188 = vector.shape_cast %parallel_loop3A_187 : vector<1x16xf32> to vector<16xf32>
        %parallel_loop3A_189 = arith.addf %parallel_loop3A_184, %parallel_loop3A_188 : vector<16xf32>
        %parallel_loop3A_190 = arith.index_cast %parallel_loop3A_96 : i32 to index
        %parallel_loop3A_191 = arith.constant 96 : index
        %parallel_loop3A_192 = tpu.vector_load %arg10[%parallel_loop3A_190, %parallel_loop3A_191] {strides = array<i32>} : memref<200x128xf32, #tpu.memory_space<vmem>>, vector<1x16xf32>,
        %parallel_loop3A_193 = vector.shape_cast %parallel_loop3A_192 : vector<1x16xf32> to vector<16xf32>
        %parallel_loop3A_194 = vector.shape_cast %parallel_loop3A_189 : vector<16xf32> to vector<1x16xf32>
        tpu.vector_store %arg10[%parallel_loop3A_190, %parallel_loop3A_191], %parallel_loop3A_194 {strides = array<i32>} : memref<200x128xf32, #tpu.memory_space<vmem>>, vector<1x16xf32>,
        %parallel_loop3A_195 = arith.index_cast %parallel_loop3A_96 : i32 to index
        %parallel_loop3A_196 = arith.constant 112 : index
        %parallel_loop3A_197 = tpu.vector_load %arg10[%parallel_loop3A_195, %parallel_loop3A_196] {strides = array<i32>} : memref<200x128xf32, #tpu.memory_space<vmem>>, vector<1x16xf32>,
        %parallel_loop3A_198 = vector.shape_cast %parallel_loop3A_197 : vector<1x16xf32> to vector<16xf32>
        %parallel_loop3A_199 = arith.index_cast %parallel_loop3A_96 : i32 to index
        %parallel_loop3A_200 = arith.constant 112 : index
        %parallel_loop3A_201 = tpu.vector_load %arg11[%parallel_loop3A_199, %parallel_loop3A_200] {strides = array<i32>} : memref<200x128xf32, #tpu.memory_space<vmem>>, vector<1x16xf32>,
        %parallel_loop3A_202 = vector.shape_cast %parallel_loop3A_201 : vector<1x16xf32> to vector<16xf32>
        %parallel_loop3A_203 = arith.addf %parallel_loop3A_198, %parallel_loop3A_202 : vector<16xf32>
        %parallel_loop3A_204 = arith.index_cast %parallel_loop3A_96 : i32 to index
        %parallel_loop3A_205 = arith.constant 112 : index
        %parallel_loop3A_206 = tpu.vector_load %arg10[%parallel_loop3A_204, %parallel_loop3A_205] {strides = array<i32>} : memref<200x128xf32, #tpu.memory_space<vmem>>, vector<1x16xf32>,
        %parallel_loop3A_207 = vector.shape_cast %parallel_loop3A_206 : vector<1x16xf32> to vector<16xf32>
        %parallel_loop3A_208 = vector.shape_cast %parallel_loop3A_203 : vector<16xf32> to vector<1x16xf32>
        tpu.vector_store %arg10[%parallel_loop3A_204, %parallel_loop3A_205], %parallel_loop3A_208 {strides = array<i32>} : memref<200x128xf32, #tpu.memory_space<vmem>>, vector<1x16xf32>,
      } {sc.loop_unroll_factor = 4 : i64, sc.parallel_access}
      %mul3A_62 = arith.constant 200 : i32
      %mul3A_63 = arith.muli %mul3A_51, %mul3A_62 : i32
      %add3A_64 = arith.addi %mul3A_6, %mul3A_63 : i32
      %multiple_of3A_65 = tpu.assume_multiple %add3A_64, 8 : i32
      %dma_start3A_66 = arith.constant 0 : i32
      %dma_start3A_67 = tpu.memref_slice %arg5[%multiple_of3A_65, %dma_start3A_66] : memref<64000x128xf32, #tpu.memory_space<hbm>> -> memref<200x128xf32, #tpu.memory_space<hbm>>
      %dma_start3A_68 = arith.constant 0 : i32
      %dma_start3A_69 = tpu.memref_slice %arg5[%multiple_of3A_65, %dma_start3A_68] : memref<64000x128xf32, #tpu.memory_space<hbm>> -> memref<200x128xf32, #tpu.memory_space<hbm>>
      tpu.enqueue_dma source(%arg10 : memref<200x128xf32, #tpu.memory_space<vmem>>) target(%dma_start3A_69 : memref<200x128xf32, #tpu.memory_space<hbm>>) target_semaphore(%arg18 : memref<!tpu.dma_semaphore, #tpu.memory_space<semaphore_mem>>)
      %mul3A_70 = arith.constant 2 : i32
      %mul3A_71 = arith.muli %mul3A_70, %scan3A_49 : i32
      %add3A_72 = arith.constant 1 : i32
      %add3A_73 = arith.addi %mul3A_71, %add3A_72 : i32
      %dma_wait3A_74 = arith.constant 0 : i32
      %dma_wait3A_75 = arith.constant 0 : i32
      %dma_wait3A_76 = tpu.memref_slice %arg2[%dma_wait3A_74, %dma_wait3A_75] : memref<20000x128xf32, #tpu.memory_space<hbm>> -> memref<20000x128xf32, #tpu.memory_space<hbm>>
      tpu.wait_indirect_dma semaphore(%arg15 : memref<!tpu.dma_semaphore, #tpu.memory_space<semaphore_mem>>) src(%dma_wait3A_76 : memref<20000x128xf32, #tpu.memory_space<hbm>>) dst(%arg12 : memref<200x128xf32, #tpu.memory_space<vmem>>)
      %dma_wait3A_77 = arith.constant 0 : i32
      %dma_wait3A_78 = arith.constant 0 : i32
      %dma_wait3A_79 = tpu.memref_slice %arg2[%dma_wait3A_77, %dma_wait3A_78] : memref<20000x128xf32, #tpu.memory_space<hbm>> -> memref<20000x128xf32, #tpu.memory_space<hbm>>
      tpu.wait_indirect_dma semaphore(%arg15 : memref<!tpu.dma_semaphore, #tpu.memory_space<semaphore_mem>>) src(%dma_wait3A_79 : memref<20000x128xf32, #tpu.memory_space<hbm>>) dst(%arg13 : memref<200x128xf32, #tpu.memory_space<vmem>>)
      %le3A_80 = arith.constant 8 : i32
      %le3A_81 = arith.cmpi sle, %add3A_73, %le3A_80 : i32
      %convert_element_type3A_82 = arith.extui %le3A_81 : i1 to i32
      %cond3A_83 = arith.constant 0 : i32
      %cond3A_84 = arith.cmpi ne, %convert_element_type3A_82, %cond3A_83 : i32
      scf.if %cond3A_84 {
        %dma_wait3A_96 = arith.constant 0 : i32
        %dma_wait3A_97 = tpu.memref_slice %arg3[%dma_wait3A_96] : memref<320000xi32, #tpu.memory_space<hbm>> -> memref<200xi32, #tpu.memory_space<hbm>>
        %dma_wait3A_98 = arith.constant 0 : i32
        %dma_wait3A_99 = tpu.memref_slice %arg3[%dma_wait3A_98] : memref<320000xi32, #tpu.memory_space<hbm>> -> memref<200xi32, #tpu.memory_space<hbm>>
        tpu.wait_dma2 semaphore(%arg16 : memref<!tpu.dma_semaphore, #tpu.memory_space<semaphore_mem>>) src(%dma_wait3A_99 : memref<200xi32, #tpu.memory_space<hbm>>) dst(%arg6 : memref<200xi32, #tpu.memory_space<vmem>>)
        %dma_wait3A_100 = arith.constant 0 : i32
        %dma_wait3A_101 = tpu.memref_slice %arg4[%dma_wait3A_100] : memref<320000xi32, #tpu.memory_space<hbm>> -> memref<200xi32, #tpu.memory_space<hbm>>
        %dma_wait3A_102 = arith.constant 0 : i32
        %dma_wait3A_103 = tpu.memref_slice %arg4[%dma_wait3A_102] : memref<320000xi32, #tpu.memory_space<hbm>> -> memref<200xi32, #tpu.memory_space<hbm>>
        tpu.wait_dma2 semaphore(%arg16 : memref<!tpu.dma_semaphore, #tpu.memory_space<semaphore_mem>>) src(%dma_wait3A_103 : memref<200xi32, #tpu.memory_space<hbm>>) dst(%arg7 : memref<200xi32, #tpu.memory_space<vmem>>)
        %ge3A = arith.constant 1 : i32
        %ge3A_104 = arith.cmpi sge, %add3A_73, %ge3A : i32
        %convert_element_type3A_105 = arith.extui %ge3A_104 : i1 to i32
        %cond3A_106 = arith.constant 0 : i32
        %cond3A_107 = arith.cmpi ne, %convert_element_type3A_105, %cond3A_106 : i32
        scf.if %cond3A_107 {
          %dma_wait3A_119 = arith.constant 0 : i32
          %dma_wait3A_120 = arith.constant 0 : i32
          %dma_wait3A_121 = tpu.memref_slice %arg5[%dma_wait3A_119, %dma_wait3A_120] : memref<64000x128xf32, #tpu.memory_space<hbm>> -> memref<200x128xf32, #tpu.memory_space<hbm>>
          %dma_wait3A_122 = arith.constant 0 : i32
          %dma_wait3A_123 = arith.constant 0 : i32
          %dma_wait3A_124 = tpu.memref_slice %arg5[%dma_wait3A_122, %dma_wait3A_123] : memref<64000x128xf32, #tpu.memory_space<hbm>> -> memref<200x128xf32, #tpu.memory_space<hbm>>
          tpu.wait_dma2 semaphore(%arg18 : memref<!tpu.dma_semaphore, #tpu.memory_space<semaphore_mem>>) src(%arg10 : memref<200x128xf32, #tpu.memory_space<vmem>>) dst(%dma_wait3A_124 : memref<200x128xf32, #tpu.memory_space<hbm>>)
        } else {
        }
        %dma_start3A_108 = arith.constant 0 : i32
        %dma_start3A_109 = arith.constant 0 : i32
        %dma_start3A_110 = tpu.memref_slice %arg2[%dma_start3A_108, %dma_start3A_109] : memref<20000x128xf32, #tpu.memory_space<hbm>> -> memref<20000x128xf32, #tpu.memory_space<hbm>>
        tpu.enqueue_indirect_dma source(%dma_start3A_110 : memref<20000x128xf32, #tpu.memory_space<hbm>>) target(%arg10 : memref<200x128xf32, #tpu.memory_space<vmem>>) offsets(%arg6 : memref<200xi32, #tpu.memory_space<vmem>>) semaphore(%arg14 : memref<!tpu.dma_semaphore, #tpu.memory_space<semaphore_mem>>)
        %dma_start3A_111 = arith.constant 0 : i32
        %dma_start3A_112 = arith.constant 0 : i32
        %dma_start3A_113 = tpu.memref_slice %arg2[%dma_start3A_111, %dma_start3A_112] : memref<20000x128xf32, #tpu.memory_space<hbm>> -> memref<20000x128xf32, #tpu.memory_space<hbm>>
        tpu.enqueue_indirect_dma source(%dma_start3A_113 : memref<20000x128xf32, #tpu.memory_space<hbm>>) target(%arg11 : memref<200x128xf32, #tpu.memory_space<vmem>>) offsets(%arg7 : memref<200xi32, #tpu.memory_space<vmem>>) semaphore(%arg14 : memref<!tpu.dma_semaphore, #tpu.memory_space<semaphore_mem>>)
        %le3A_114 = arith.constant 7 : i32
        %le3A_115 = arith.cmpi sle, %add3A_73, %le3A_114 : i32
        %convert_element_type3A_116 = arith.extui %le3A_115 : i1 to i32
        %cond3A_117 = arith.constant 0 : i32
        %cond3A_118 = arith.cmpi ne, %convert_element_type3A_116, %cond3A_117 : i32
        scf.if %cond3A_118 {
          %add3A_119 = arith.constant 2 : i32
          %add3A_120 = arith.addi %add3A_73, %add3A_119 : i32
          %mul3A_121 = arith.constant 200 : i32
          %mul3A_122 = arith.muli %add3A_120, %mul3A_121 : i32
          %add3A_123 = arith.addi %add3A_4, %mul3A_122 : i32
          %multiple_of3A_124 = tpu.assume_multiple %add3A_123, 8 : i32
          %dma_start3A_125 = tpu.memref_slice %arg3[%multiple_of3A_124] : memref<320000xi32, #tpu.memory_space<hbm>> -> memref<200xi32, #tpu.memory_space<hbm>>
          %dma_start3A_126 = tpu.memref_slice %arg3[%multiple_of3A_124] : memref<320000xi32, #tpu.memory_space<hbm>> -> memref<200xi32, #tpu.memory_space<hbm>>
          tpu.enqueue_dma source(%dma_start3A_126 : memref<200xi32, #tpu.memory_space<hbm>>) target(%arg8 : memref<200xi32, #tpu.memory_space<vmem>>) target_semaphore(%arg17 : memref<!tpu.dma_semaphore, #tpu.memory_space<semaphore_mem>>)
          %dma_start3A_127 = tpu.memref_slice %arg4[%multiple_of3A_124] : memref<320000xi32, #tpu.memory_space<hbm>> -> memref<200xi32, #tpu.memory_space<hbm>>
          %dma_start3A_128 = tpu.memref_slice %arg4[%multiple_of3A_124] : memref<320000xi32, #tpu.memory_space<hbm>> -> memref<200xi32, #tpu.memory_space<hbm>>
          tpu.enqueue_dma source(%dma_start3A_128 : memref<200xi32, #tpu.memory_space<hbm>>) target(%arg9 : memref<200xi32, #tpu.memory_space<vmem>>) target_semaphore(%arg17 : memref<!tpu.dma_semaphore, #tpu.memory_space<semaphore_mem>>)
        } else {
        }
      } else {
      }
      %parallel_loop3A_85 = arith.constant 0 : i32
      %parallel_loop3A_86 = arith.constant 200 : i32
      %parallel_loop3A_87 = arith.constant 1 : i32
      scf.for %parallel_loop3A_96 = %parallel_loop3A_85 to %parallel_loop3A_86 step %parallel_loop3A_87  : i32 {
        %parallel_loop3A_97 = arith.index_cast %parallel_loop3A_96 : i32 to index
        %parallel_loop3A_98 = arith.constant 0 : index
        %parallel_loop3A_99 = tpu.vector_load %arg12[%parallel_loop3A_97, %parallel_loop3A_98] {strides = array<i32>} : memref<200x128xf32, #tpu.memory_space<vmem>>, vector<1x16xf32>,
        %parallel_loop3A_100 = vector.shape_cast %parallel_loop3A_99 : vector<1x16xf32> to vector<16xf32>
        %parallel_loop3A_101 = arith.index_cast %parallel_loop3A_96 : i32 to index
        %parallel_loop3A_102 = arith.constant 0 : index
        %parallel_loop3A_103 = tpu.vector_load %arg13[%parallel_loop3A_101, %parallel_loop3A_102] {strides = array<i32>} : memref<200x128xf32, #tpu.memory_space<vmem>>, vector<1x16xf32>,
        %parallel_loop3A_104 = vector.shape_cast %parallel_loop3A_103 : vector<1x16xf32> to vector<16xf32>
        %parallel_loop3A_105 = arith.addf %parallel_loop3A_100, %parallel_loop3A_104 : vector<16xf32>
        %parallel_loop3A_106 = arith.index_cast %parallel_loop3A_96 : i32 to index
        %parallel_loop3A_107 = arith.constant 0 : index
        %parallel_loop3A_108 = tpu.vector_load %arg12[%parallel_loop3A_106, %parallel_loop3A_107] {strides = array<i32>} : memref<200x128xf32, #tpu.memory_space<vmem>>, vector<1x16xf32>,
        %parallel_loop3A_109 = vector.shape_cast %parallel_loop3A_108 : vector<1x16xf32> to vector<16xf32>
        %parallel_loop3A_110 = vector.shape_cast %parallel_loop3A_105 : vector<16xf32> to vector<1x16xf32>
        tpu.vector_store %arg12[%parallel_loop3A_106, %parallel_loop3A_107], %parallel_loop3A_110 {strides = array<i32>} : memref<200x128xf32, #tpu.memory_space<vmem>>, vector<1x16xf32>,
        %parallel_loop3A_111 = arith.index_cast %parallel_loop3A_96 : i32 to index
        %parallel_loop3A_112 = arith.constant 16 : index
        %parallel_loop3A_113 = tpu.vector_load %arg12[%parallel_loop3A_111, %parallel_loop3A_112] {strides = array<i32>} : memref<200x128xf32, #tpu.memory_space<vmem>>, vector<1x16xf32>,
        %parallel_loop3A_114 = vector.shape_cast %parallel_loop3A_113 : vector<1x16xf32> to vector<16xf32>
        %parallel_loop3A_115 = arith.index_cast %parallel_loop3A_96 : i32 to index
        %parallel_loop3A_116 = arith.constant 16 : index
        %parallel_loop3A_117 = tpu.vector_load %arg13[%parallel_loop3A_115, %parallel_loop3A_116] {strides = array<i32>} : memref<200x128xf32, #tpu.memory_space<vmem>>, vector<1x16xf32>,
        %parallel_loop3A_118 = vector.shape_cast %parallel_loop3A_117 : vector<1x16xf32> to vector<16xf32>
        %parallel_loop3A_119 = arith.addf %parallel_loop3A_114, %parallel_loop3A_118 : vector<16xf32>
        %parallel_loop3A_120 = arith.index_cast %parallel_loop3A_96 : i32 to index
        %parallel_loop3A_121 = arith.constant 16 : index
        %parallel_loop3A_122 = tpu.vector_load %arg12[%parallel_loop3A_120, %parallel_loop3A_121] {strides = array<i32>} : memref<200x128xf32, #tpu.memory_space<vmem>>, vector<1x16xf32>,
        %parallel_loop3A_123 = vector.shape_cast %parallel_loop3A_122 : vector<1x16xf32> to vector<16xf32>
        %parallel_loop3A_124 = vector.shape_cast %parallel_loop3A_119 : vector<16xf32> to vector<1x16xf32>
        tpu.vector_store %arg12[%parallel_loop3A_120, %parallel_loop3A_121], %parallel_loop3A_124 {strides = array<i32>} : memref<200x128xf32, #tpu.memory_space<vmem>>, vector<1x16xf32>,
        %parallel_loop3A_125 = arith.index_cast %parallel_loop3A_96 : i32 to index
        %parallel_loop3A_126 = arith.constant 32 : index
        %parallel_loop3A_127 = tpu.vector_load %arg12[%parallel_loop3A_125, %parallel_loop3A_126] {strides = array<i32>} : memref<200x128xf32, #tpu.memory_space<vmem>>, vector<1x16xf32>,
        %parallel_loop3A_128 = vector.shape_cast %parallel_loop3A_127 : vector<1x16xf32> to vector<16xf32>
        %parallel_loop3A_129 = arith.index_cast %parallel_loop3A_96 : i32 to index
        %parallel_loop3A_130 = arith.constant 32 : index
        %parallel_loop3A_131 = tpu.vector_load %arg13[%parallel_loop3A_129, %parallel_loop3A_130] {strides = array<i32>} : memref<200x128xf32, #tpu.memory_space<vmem>>, vector<1x16xf32>,
        %parallel_loop3A_132 = vector.shape_cast %parallel_loop3A_131 : vector<1x16xf32> to vector<16xf32>
        %parallel_loop3A_133 = arith.addf %parallel_loop3A_128, %parallel_loop3A_132 : vector<16xf32>
        %parallel_loop3A_134 = arith.index_cast %parallel_loop3A_96 : i32 to index
        %parallel_loop3A_135 = arith.constant 32 : index
        %parallel_loop3A_136 = tpu.vector_load %arg12[%parallel_loop3A_134, %parallel_loop3A_135] {strides = array<i32>} : memref<200x128xf32, #tpu.memory_space<vmem>>, vector<1x16xf32>,
        %parallel_loop3A_137 = vector.shape_cast %parallel_loop3A_136 : vector<1x16xf32> to vector<16xf32>
        %parallel_loop3A_138 = vector.shape_cast %parallel_loop3A_133 : vector<16xf32> to vector<1x16xf32>
        tpu.vector_store %arg12[%parallel_loop3A_134, %parallel_loop3A_135], %parallel_loop3A_138 {strides = array<i32>} : memref<200x128xf32, #tpu.memory_space<vmem>>, vector<1x16xf32>,
        %parallel_loop3A_139 = arith.index_cast %parallel_loop3A_96 : i32 to index
        %parallel_loop3A_140 = arith.constant 48 : index
        %parallel_loop3A_141 = tpu.vector_load %arg12[%parallel_loop3A_139, %parallel_loop3A_140] {strides = array<i32>} : memref<200x128xf32, #tpu.memory_space<vmem>>, vector<1x16xf32>,
        %parallel_loop3A_142 = vector.shape_cast %parallel_loop3A_141 : vector<1x16xf32> to vector<16xf32>
        %parallel_loop3A_143 = arith.index_cast %parallel_loop3A_96 : i32 to index
        %parallel_loop3A_144 = arith.constant 48 : index
        %parallel_loop3A_145 = tpu.vector_load %arg13[%parallel_loop3A_143, %parallel_loop3A_144] {strides = array<i32>} : memref<200x128xf32, #tpu.memory_space<vmem>>, vector<1x16xf32>,
        %parallel_loop3A_146 = vector.shape_cast %parallel_loop3A_145 : vector<1x16xf32> to vector<16xf32>
        %parallel_loop3A_147 = arith.addf %parallel_loop3A_142, %parallel_loop3A_146 : vector<16xf32>
        %parallel_loop3A_148 = arith.index_cast %parallel_loop3A_96 : i32 to index
        %parallel_loop3A_149 = arith.constant 48 : index
        %parallel_loop3A_150 = tpu.vector_load %arg12[%parallel_loop3A_148, %parallel_loop3A_149] {strides = array<i32>} : memref<200x128xf32, #tpu.memory_space<vmem>>, vector<1x16xf32>,
        %parallel_loop3A_151 = vector.shape_cast %parallel_loop3A_150 : vector<1x16xf32> to vector<16xf32>
        %parallel_loop3A_152 = vector.shape_cast %parallel_loop3A_147 : vector<16xf32> to vector<1x16xf32>
        tpu.vector_store %arg12[%parallel_loop3A_148, %parallel_loop3A_149], %parallel_loop3A_152 {strides = array<i32>} : memref<200x128xf32, #tpu.memory_space<vmem>>, vector<1x16xf32>,
        %parallel_loop3A_153 = arith.index_cast %parallel_loop3A_96 : i32 to index
        %parallel_loop3A_154 = arith.constant 64 : index
        %parallel_loop3A_155 = tpu.vector_load %arg12[%parallel_loop3A_153, %parallel_loop3A_154] {strides = array<i32>} : memref<200x128xf32, #tpu.memory_space<vmem>>, vector<1x16xf32>,
        %parallel_loop3A_156 = vector.shape_cast %parallel_loop3A_155 : vector<1x16xf32> to vector<16xf32>
        %parallel_loop3A_157 = arith.index_cast %parallel_loop3A_96 : i32 to index
        %parallel_loop3A_158 = arith.constant 64 : index
        %parallel_loop3A_159 = tpu.vector_load %arg13[%parallel_loop3A_157, %parallel_loop3A_158] {strides = array<i32>} : memref<200x128xf32, #tpu.memory_space<vmem>>, vector<1x16xf32>,
        %parallel_loop3A_160 = vector.shape_cast %parallel_loop3A_159 : vector<1x16xf32> to vector<16xf32>
        %parallel_loop3A_161 = arith.addf %parallel_loop3A_156, %parallel_loop3A_160 : vector<16xf32>
        %parallel_loop3A_162 = arith.index_cast %parallel_loop3A_96 : i32 to index
        %parallel_loop3A_163 = arith.constant 64 : index
        %parallel_loop3A_164 = tpu.vector_load %arg12[%parallel_loop3A_162, %parallel_loop3A_163] {strides = array<i32>} : memref<200x128xf32, #tpu.memory_space<vmem>>, vector<1x16xf32>,
        %parallel_loop3A_165 = vector.shape_cast %parallel_loop3A_164 : vector<1x16xf32> to vector<16xf32>
        %parallel_loop3A_166 = vector.shape_cast %parallel_loop3A_161 : vector<16xf32> to vector<1x16xf32>
        tpu.vector_store %arg12[%parallel_loop3A_162, %parallel_loop3A_163], %parallel_loop3A_166 {strides = array<i32>} : memref<200x128xf32, #tpu.memory_space<vmem>>, vector<1x16xf32>,
        %parallel_loop3A_167 = arith.index_cast %parallel_loop3A_96 : i32 to index
        %parallel_loop3A_168 = arith.constant 80 : index
        %parallel_loop3A_169 = tpu.vector_load %arg12[%parallel_loop3A_167, %parallel_loop3A_168] {strides = array<i32>} : memref<200x128xf32, #tpu.memory_space<vmem>>, vector<1x16xf32>,
        %parallel_loop3A_170 = vector.shape_cast %parallel_loop3A_169 : vector<1x16xf32> to vector<16xf32>
        %parallel_loop3A_171 = arith.index_cast %parallel_loop3A_96 : i32 to index
        %parallel_loop3A_172 = arith.constant 80 : index
        %parallel_loop3A_173 = tpu.vector_load %arg13[%parallel_loop3A_171, %parallel_loop3A_172] {strides = array<i32>} : memref<200x128xf32, #tpu.memory_space<vmem>>, vector<1x16xf32>,
        %parallel_loop3A_174 = vector.shape_cast %parallel_loop3A_173 : vector<1x16xf32> to vector<16xf32>
        %parallel_loop3A_175 = arith.addf %parallel_loop3A_170, %parallel_loop3A_174 : vector<16xf32>
        %parallel_loop3A_176 = arith.index_cast %parallel_loop3A_96 : i32 to index
        %parallel_loop3A_177 = arith.constant 80 : index
        %parallel_loop3A_178 = tpu.vector_load %arg12[%parallel_loop3A_176, %parallel_loop3A_177] {strides = array<i32>} : memref<200x128xf32, #tpu.memory_space<vmem>>, vector<1x16xf32>,
        %parallel_loop3A_179 = vector.shape_cast %parallel_loop3A_178 : vector<1x16xf32> to vector<16xf32>
        %parallel_loop3A_180 = vector.shape_cast %parallel_loop3A_175 : vector<16xf32> to vector<1x16xf32>
        tpu.vector_store %arg12[%parallel_loop3A_176, %parallel_loop3A_177], %parallel_loop3A_180 {strides = array<i32>} : memref<200x128xf32, #tpu.memory_space<vmem>>, vector<1x16xf32>,
        %parallel_loop3A_181 = arith.index_cast %parallel_loop3A_96 : i32 to index
        %parallel_loop3A_182 = arith.constant 96 : index
        %parallel_loop3A_183 = tpu.vector_load %arg12[%parallel_loop3A_181, %parallel_loop3A_182] {strides = array<i32>} : memref<200x128xf32, #tpu.memory_space<vmem>>, vector<1x16xf32>,
        %parallel_loop3A_184 = vector.shape_cast %parallel_loop3A_183 : vector<1x16xf32> to vector<16xf32>
        %parallel_loop3A_185 = arith.index_cast %parallel_loop3A_96 : i32 to index
        %parallel_loop3A_186 = arith.constant 96 : index
        %parallel_loop3A_187 = tpu.vector_load %arg13[%parallel_loop3A_185, %parallel_loop3A_186] {strides = array<i32>} : memref<200x128xf32, #tpu.memory_space<vmem>>, vector<1x16xf32>,
        %parallel_loop3A_188 = vector.shape_cast %parallel_loop3A_187 : vector<1x16xf32> to vector<16xf32>
        %parallel_loop3A_189 = arith.addf %parallel_loop3A_184, %parallel_loop3A_188 : vector<16xf32>
        %parallel_loop3A_190 = arith.index_cast %parallel_loop3A_96 : i32 to index
        %parallel_loop3A_191 = arith.constant 96 : index
        %parallel_loop3A_192 = tpu.vector_load %arg12[%parallel_loop3A_190, %parallel_loop3A_191] {strides = array<i32>} : memref<200x128xf32, #tpu.memory_space<vmem>>, vector<1x16xf32>,
        %parallel_loop3A_193 = vector.shape_cast %parallel_loop3A_192 : vector<1x16xf32> to vector<16xf32>
        %parallel_loop3A_194 = vector.shape_cast %parallel_loop3A_189 : vector<16xf32> to vector<1x16xf32>
        tpu.vector_store %arg12[%parallel_loop3A_190, %parallel_loop3A_191], %parallel_loop3A_194 {strides = array<i32>} : memref<200x128xf32, #tpu.memory_space<vmem>>, vector<1x16xf32>,
        %parallel_loop3A_195 = arith.index_cast %parallel_loop3A_96 : i32 to index
        %parallel_loop3A_196 = arith.constant 112 : index
        %parallel_loop3A_197 = tpu.vector_load %arg12[%parallel_loop3A_195, %parallel_loop3A_196] {strides = array<i32>} : memref<200x128xf32, #tpu.memory_space<vmem>>, vector<1x16xf32>,
        %parallel_loop3A_198 = vector.shape_cast %parallel_loop3A_197 : vector<1x16xf32> to vector<16xf32>
        %parallel_loop3A_199 = arith.index_cast %parallel_loop3A_96 : i32 to index
        %parallel_loop3A_200 = arith.constant 112 : index
        %parallel_loop3A_201 = tpu.vector_load %arg13[%parallel_loop3A_199, %parallel_loop3A_200] {strides = array<i32>} : memref<200x128xf32, #tpu.memory_space<vmem>>, vector<1x16xf32>,
        %parallel_loop3A_202 = vector.shape_cast %parallel_loop3A_201 : vector<1x16xf32> to vector<16xf32>
        %parallel_loop3A_203 = arith.addf %parallel_loop3A_198, %parallel_loop3A_202 : vector<16xf32>
        %parallel_loop3A_204 = arith.index_cast %parallel_loop3A_96 : i32 to index
        %parallel_loop3A_205 = arith.constant 112 : index
        %parallel_loop3A_206 = tpu.vector_load %arg12[%parallel_loop3A_204, %parallel_loop3A_205] {strides = array<i32>} : memref<200x128xf32, #tpu.memory_space<vmem>>, vector<1x16xf32>,
        %parallel_loop3A_207 = vector.shape_cast %parallel_loop3A_206 : vector<1x16xf32> to vector<16xf32>
        %parallel_loop3A_208 = vector.shape_cast %parallel_loop3A_203 : vector<16xf32> to vector<1x16xf32>
        tpu.vector_store %arg12[%parallel_loop3A_204, %parallel_loop3A_205], %parallel_loop3A_208 {strides = array<i32>} : memref<200x128xf32, #tpu.memory_space<vmem>>, vector<1x16xf32>,
      } {sc.loop_unroll_factor = 4 : i64, sc.parallel_access}
      %mul3A_88 = arith.constant 200 : i32
      %mul3A_89 = arith.muli %add3A_73, %mul3A_88 : i32
      %add3A_90 = arith.addi %mul3A_6, %mul3A_89 : i32
      %multiple_of3A_91 = tpu.assume_multiple %add3A_90, 8 : i32
      %dma_start3A_92 = arith.constant 0 : i32
      %dma_start3A_93 = tpu.memref_slice %arg5[%multiple_of3A_91, %dma_start3A_92] : memref<64000x128xf32, #tpu.memory_space<hbm>> -> memref<200x128xf32, #tpu.memory_space<hbm>>
      %dma_start3A_94 = arith.constant 0 : i32
      %dma_start3A_95 = tpu.memref_slice %arg5[%multiple_of3A_91, %dma_start3A_94] : memref<64000x128xf32, #tpu.memory_space<hbm>> -> memref<200x128xf32, #tpu.memory_space<hbm>>
      tpu.enqueue_dma source(%arg12 : memref<200x128xf32, #tpu.memory_space<vmem>>) target(%dma_start3A_95 : memref<200x128xf32, #tpu.memory_space<hbm>>) target_semaphore(%arg19 : memref<!tpu.dma_semaphore, #tpu.memory_space<semaphore_mem>>)
    }
    %scan3A_36 = arith.constant 5 : i32
    %dma_wait3A_37 = arith.constant 0 : i32
    %dma_wait3A_38 = arith.constant 0 : i32
    %dma_wait3A_39 = tpu.memref_slice %arg5[%dma_wait3A_37, %dma_wait3A_38] : memref<64000x128xf32, #tpu.memory_space<hbm>> -> memref<200x128xf32, #tpu.memory_space<hbm>>
    %dma_wait3A_40 = arith.constant 0 : i32
    %dma_wait3A_41 = arith.constant 0 : i32
    %dma_wait3A_42 = tpu.memref_slice %arg5[%dma_wait3A_40, %dma_wait3A_41] : memref<64000x128xf32, #tpu.memory_space<hbm>> -> memref<200x128xf32, #tpu.memory_space<hbm>>
    tpu.wait_dma2 semaphore(%arg18 : memref<!tpu.dma_semaphore, #tpu.memory_space<semaphore_mem>>) src(%arg10 : memref<200x128xf32, #tpu.memory_space<vmem>>) dst(%dma_wait3A_42 : memref<200x128xf32, #tpu.memory_space<hbm>>)
    %dma_wait3A_43 = arith.constant 0 : i32
    %dma_wait3A_44 = arith.constant 0 : i32
    %dma_wait3A_45 = tpu.memref_slice %arg5[%dma_wait3A_43, %dma_wait3A_44] : memref<64000x128xf32, #tpu.memory_space<hbm>> -> memref<200x128xf32, #tpu.memory_space<hbm>>
    %dma_wait3A_46 = arith.constant 0 : i32
    %dma_wait3A_47 = arith.constant 0 : i32
    %dma_wait3A_48 = tpu.memref_slice %arg5[%dma_wait3A_46, %dma_wait3A_47] : memref<64000x128xf32, #tpu.memory_space<hbm>> -> memref<200x128xf32, #tpu.memory_space<hbm>>
    tpu.wait_dma2 semaphore(%arg19 : memref<!tpu.dma_semaphore, #tpu.memory_space<semaphore_mem>>) src(%arg12 : memref<200x128xf32, #tpu.memory_space<vmem>>) dst(%dma_wait3A_48 : memref<200x128xf32, #tpu.memory_space<hbm>>)
    return
  }
}

module attributes {stable_mosaic.version = 14 : i64} {
  func.func @body(%arg0: i32, %arg1: memref<10000x128xf32, #tpu.memory_space<vmem>>, %arg2: memref<1x128x128xf32, #tpu.memory_space<vmem>>, %arg3: memref<10000x128xf32, #tpu.memory_space<vmem>>) attributes {dimension_semantics = [#tpu.dimension_semantics<arbitrary>], iteration_bounds = array<i64: 2>, scalar_prefetch = 0 : i64, scratch_operands = 0 : i64, tpu.core_type = #tpu.core_type<tc>, window_params = [{pipeline_mode = #tpu.pipeline_mode<synchronous>, transform_indices = @transform_0, window_bounds = array<i64: 10000, 128>}, {transform_indices = @transform_1, window_bounds = array<i64: 1, 128, 128>}, {transform_indices = @transform_2, window_bounds = array<i64: 10000, 128>}]} {
    %get3A = arith.constant 0 : index
    %get3A_0 = arith.constant 0 : index
    %get3A_1 = vector.load %arg1[%get3A, %get3A_0] : memref<10000x128xf32, #tpu.memory_space<vmem>>, vector<10000x128xf32>
    %get3A_2 = arith.constant 0 : index
    %get3A_3 = arith.constant 0 : index
    %get3A_4 = arith.constant 0 : index
    %get3A_5 = vector.load %arg2[%get3A_2, %get3A_3, %get3A_4] : memref<1x128x128xf32, #tpu.memory_space<vmem>>, vector<1x128x128xf32>
    %get3A_6 = vector.shape_cast %get3A_5 : vector<1x128x128xf32> to vector<128x128xf32>
    %dot_general3A = arith.constant dense<0.000000e+00> : vector<10000x128xf32>
    %dot_general3A_7 = tpu.matmul %get3A_1, %get3A_6, %dot_general3A {dimension_numbers = #tpu.dot_dimension_numbers<[1], [0], [0], [1], [0, 0, 1, 1], [], []>, transpose_lhs_hint = false} : vector<10000x128xf32>, vector<128x128xf32>, vector<10000x128xf32> -> vector<10000x128xf32>
    %swap3A = arith.constant 0 : index
    %swap3A_8 = arith.constant 0 : index
    %swap3A_9 = vector.load %arg3[%swap3A, %swap3A_8] : memref<10000x128xf32, #tpu.memory_space<vmem>>, vector<10000x128xf32>
    tpu.vector_store %arg3[%swap3A, %swap3A_8], %dot_general3A_7 {strides = array<i32>} : memref<10000x128xf32, #tpu.memory_space<vmem>>, vector<10000x128xf32>,
    return
  }
  func.func @transform_0(%arg0: i32) -> (i32, i32) {
    %c0_i32 = arith.constant 0 : i32
    %c0_i32_0 = arith.constant 0 : i32
    %c0_i32_1 = arith.constant 0 : i32
    return %c0_i32, %c0_i32_0 : i32, i32
  }
  func.func @transform_1(%arg0: i32) -> (i32, i32, i32) {
    %c0_i32 = arith.constant 0 : i32
    %c0_i32_0 = arith.constant 0 : i32
    %c0_i32_1 = arith.constant 0 : i32
    return %arg0, %c0_i32, %c0_i32_0 : i32, i32, i32
  }
  func.func @transform_2(%arg0: i32) -> (i32, i32) {
    %c0_i32 = arith.constant 0 : i32
    %c0_i32_0 = arith.constant 0 : i32
    return %arg0, %c0_i32 : i32, i32
  }
}

module attributes {stable_mosaic.version = 14 : i64} {
  func.func @body(%arg0: memref<320000x128xf32, #tpu.memory_space<any>>) attributes {dimension_semantics = [], scalar_prefetch = 0 : i64, scratch_operands = 0 : i64, tpu.core_type = #tpu.core_type<tc>} {
    return
  }
}

module attributes {stable_mosaic.version = 14 : i64} {
  func.func @_mlp_body(%arg0: i32, %arg1: memref<320000x128xf32, #tpu.memory_space<any>>, %arg2: memref<8000x128xf32, #tpu.memory_space<vmem>>, %arg3: memref<8000x16xf32, #tpu.memory_space<vmem>>, %arg4: memref<16x128xf32, #tpu.memory_space<vmem>>, %arg5: memref<1x128xf32, #tpu.memory_space<vmem>>, %arg6: memref<128x128xf32, #tpu.memory_space<vmem>>, %arg7: memref<1x128xf32, #tpu.memory_space<vmem>>, %arg8: memref<8000x128xf32, #tpu.memory_space<vmem>>) attributes {dimension_semantics = [#tpu.dimension_semantics<arbitrary>], iteration_bounds = array<i64: 8>, scalar_prefetch = 0 : i64, scratch_operands = 0 : i64, tpu.core_type = #tpu.core_type<tc>, window_params = [{}, {transform_indices = @transform_1, window_bounds = array<i64: 8000, 128>}, {transform_indices = @transform_2, window_bounds = array<i64: 8000, 16>}, {pipeline_mode = #tpu.pipeline_mode<synchronous>, transform_indices = @transform_3, window_bounds = array<i64: 16, 128>}, {pipeline_mode = #tpu.pipeline_mode<synchronous>, transform_indices = @transform_4, window_bounds = array<i64: 1, 128>}, {pipeline_mode = #tpu.pipeline_mode<synchronous>, transform_indices = @transform_5, window_bounds = array<i64: 128, 128>}, {pipeline_mode = #tpu.pipeline_mode<synchronous>, transform_indices = @transform_6, window_bounds = array<i64: 1, 128>}, {transform_indices = @transform_7, window_bounds = array<i64: 8000, 128>}]} {
    %get3A = arith.constant 0 : index
    %get3A_0 = arith.constant 0 : index
    %get3A_1 = vector.load %arg3[%get3A, %get3A_0] : memref<8000x16xf32, #tpu.memory_space<vmem>>, vector<8000x16xf32>
    %get3A_2 = arith.constant 0 : index
    %get3A_3 = arith.constant 0 : index
    %get3A_4 = vector.load %arg4[%get3A_2, %get3A_3] : memref<16x128xf32, #tpu.memory_space<vmem>>, vector<16x128xf32>
    %dot_general3A = arith.constant dense<0.000000e+00> : vector<8000x128xf32>
    %dot_general3A_5 = tpu.matmul %get3A_1, %get3A_4, %dot_general3A {dimension_numbers = #tpu.dot_dimension_numbers<[1], [0], [0], [1], [0, 0, 1, 1], [], []>, transpose_lhs_hint = false} : vector<8000x16xf32>, vector<16x128xf32>, vector<8000x128xf32> -> vector<8000x128xf32>
    %get3A_6 = arith.constant 0 : index
    %get3A_7 = arith.constant 0 : index
    %get3A_8 = vector.load %arg2[%get3A_6, %get3A_7] : memref<8000x128xf32, #tpu.memory_space<vmem>>, vector<8000x128xf32>
    %add3A = arith.addf %dot_general3A_5, %get3A_8 : vector<8000x128xf32>
    %get3A_9 = arith.constant 0 : index
    %get3A_10 = arith.constant 0 : index
    %get3A_11 = vector.load %arg5[%get3A_9, %get3A_10] : memref<1x128xf32, #tpu.memory_space<vmem>>, vector<1x128xf32>
    %add3A_12 = vector.broadcast %get3A_11 : vector<1x128xf32> to vector<8000x128xf32>
    %add3A_13 = arith.addf %add3A, %add3A_12 : vector<8000x128xf32>
    %max3A = arith.constant 0.000000e+00 : f32
    %max3A_14 = vector.broadcast %max3A : f32 to vector<8000x128xf32>
    %max3A_15 = arith.maximumf %add3A_13, %max3A_14 : vector<8000x128xf32>
    %get3A_16 = arith.constant 0 : index
    %get3A_17 = arith.constant 0 : index
    %get3A_18 = vector.load %arg6[%get3A_16, %get3A_17] : memref<128x128xf32, #tpu.memory_space<vmem>>, vector<128x128xf32>
    %dot_general3A_19 = arith.constant dense<0.000000e+00> : vector<8000x128xf32>
    %dot_general3A_20 = tpu.matmul %max3A_15, %get3A_18, %dot_general3A_19 {dimension_numbers = #tpu.dot_dimension_numbers<[1], [0], [0], [1], [0, 0, 1, 1], [], []>, transpose_lhs_hint = false} : vector<8000x128xf32>, vector<128x128xf32>, vector<8000x128xf32> -> vector<8000x128xf32>
    %get3A_21 = arith.constant 0 : index
    %get3A_22 = arith.constant 0 : index
    %get3A_23 = vector.load %arg7[%get3A_21, %get3A_22] : memref<1x128xf32, #tpu.memory_space<vmem>>, vector<1x128xf32>
    %add3A_24 = vector.broadcast %get3A_23 : vector<1x128xf32> to vector<8000x128xf32>
    %add3A_25 = arith.addf %dot_general3A_20, %add3A_24 : vector<8000x128xf32>
    %swap3A = arith.constant 0 : index
    %swap3A_26 = arith.constant 0 : index
    %swap3A_27 = vector.load %arg8[%swap3A, %swap3A_26] : memref<8000x128xf32, #tpu.memory_space<vmem>>, vector<8000x128xf32>
    tpu.vector_store %arg8[%swap3A, %swap3A_26], %add3A_25 {strides = array<i32>} : memref<8000x128xf32, #tpu.memory_space<vmem>>, vector<8000x128xf32>,
    return
  }
  func.func @transform_1(%arg0: i32) -> (i32, i32) {
    %c0_i32 = arith.constant 0 : i32
    %c0_i32_0 = arith.constant 0 : i32
    return %arg0, %c0_i32 : i32, i32
  }
  func.func @transform_2(%arg0: i32) -> (i32, i32) {
    %add3A = arith.constant 0 : i32
    %add3A_0 = arith.addi %add3A, %arg0 : i32
    %c0_i32 = arith.constant 0 : i32
    %c0_i32_1 = arith.constant 0 : i32
    return %add3A_0, %c0_i32 : i32, i32
  }
  func.func @transform_3(%arg0: i32) -> (i32, i32) {
    %c0_i32 = arith.constant 0 : i32
    %c0_i32_0 = arith.constant 0 : i32
    %c0_i32_1 = arith.constant 0 : i32
    return %c0_i32, %c0_i32_0 : i32, i32
  }
  func.func @transform_4(%arg0: i32) -> (i32, i32) {
    %c0_i32 = arith.constant 0 : i32
    %c0_i32_0 = arith.constant 0 : i32
    %c0_i32_1 = arith.constant 0 : i32
    return %c0_i32, %c0_i32_0 : i32, i32
  }
  func.func @transform_5(%arg0: i32) -> (i32, i32) {
    %c0_i32 = arith.constant 0 : i32
    %c0_i32_0 = arith.constant 0 : i32
    %c0_i32_1 = arith.constant 0 : i32
    return %c0_i32, %c0_i32_0 : i32, i32
  }
  func.func @transform_6(%arg0: i32) -> (i32, i32) {
    %c0_i32 = arith.constant 0 : i32
    %c0_i32_0 = arith.constant 0 : i32
    %c0_i32_1 = arith.constant 0 : i32
    return %c0_i32, %c0_i32_0 : i32, i32
  }
  func.func @transform_7(%arg0: i32) -> (i32, i32) {
    %add3A = arith.constant 0 : i32
    %add3A_0 = arith.addi %add3A, %arg0 : i32
    %c0_i32 = arith.constant 0 : i32
    %c0_i32_1 = arith.constant 0 : i32
    return %add3A_0, %c0_i32 : i32, i32
  }
}

module attributes {stable_mosaic.version = 14 : i64} {
  func.func @_mlp_body(%arg0: i32, %arg1: memref<320000x128xf32, #tpu.memory_space<any>>, %arg2: memref<8000x128xf32, #tpu.memory_space<vmem>>, %arg3: memref<8000x16xf32, #tpu.memory_space<vmem>>, %arg4: memref<16x128xf32, #tpu.memory_space<vmem>>, %arg5: memref<1x128xf32, #tpu.memory_space<vmem>>, %arg6: memref<128x128xf32, #tpu.memory_space<vmem>>, %arg7: memref<1x128xf32, #tpu.memory_space<vmem>>, %arg8: memref<8000x128xf32, #tpu.memory_space<vmem>>) attributes {dimension_semantics = [#tpu.dimension_semantics<arbitrary>], iteration_bounds = array<i64: 8>, scalar_prefetch = 0 : i64, scratch_operands = 0 : i64, tpu.core_type = #tpu.core_type<tc>, window_params = [{}, {transform_indices = @transform_1, window_bounds = array<i64: 8000, 128>}, {transform_indices = @transform_2, window_bounds = array<i64: 8000, 16>}, {pipeline_mode = #tpu.pipeline_mode<synchronous>, transform_indices = @transform_3, window_bounds = array<i64: 16, 128>}, {pipeline_mode = #tpu.pipeline_mode<synchronous>, transform_indices = @transform_4, window_bounds = array<i64: 1, 128>}, {pipeline_mode = #tpu.pipeline_mode<synchronous>, transform_indices = @transform_5, window_bounds = array<i64: 128, 128>}, {pipeline_mode = #tpu.pipeline_mode<synchronous>, transform_indices = @transform_6, window_bounds = array<i64: 1, 128>}, {transform_indices = @transform_7, window_bounds = array<i64: 8000, 128>}]} {
    %get3A = arith.constant 0 : index
    %get3A_0 = arith.constant 0 : index
    %get3A_1 = vector.load %arg3[%get3A, %get3A_0] : memref<8000x16xf32, #tpu.memory_space<vmem>>, vector<8000x16xf32>
    %get3A_2 = arith.constant 0 : index
    %get3A_3 = arith.constant 0 : index
    %get3A_4 = vector.load %arg4[%get3A_2, %get3A_3] : memref<16x128xf32, #tpu.memory_space<vmem>>, vector<16x128xf32>
    %dot_general3A = arith.constant dense<0.000000e+00> : vector<8000x128xf32>
    %dot_general3A_5 = tpu.matmul %get3A_1, %get3A_4, %dot_general3A {dimension_numbers = #tpu.dot_dimension_numbers<[1], [0], [0], [1], [0, 0, 1, 1], [], []>, transpose_lhs_hint = false} : vector<8000x16xf32>, vector<16x128xf32>, vector<8000x128xf32> -> vector<8000x128xf32>
    %get3A_6 = arith.constant 0 : index
    %get3A_7 = arith.constant 0 : index
    %get3A_8 = vector.load %arg2[%get3A_6, %get3A_7] : memref<8000x128xf32, #tpu.memory_space<vmem>>, vector<8000x128xf32>
    %add3A = arith.addf %dot_general3A_5, %get3A_8 : vector<8000x128xf32>
    %get3A_9 = arith.constant 0 : index
    %get3A_10 = arith.constant 0 : index
    %get3A_11 = vector.load %arg5[%get3A_9, %get3A_10] : memref<1x128xf32, #tpu.memory_space<vmem>>, vector<1x128xf32>
    %add3A_12 = vector.broadcast %get3A_11 : vector<1x128xf32> to vector<8000x128xf32>
    %add3A_13 = arith.addf %add3A, %add3A_12 : vector<8000x128xf32>
    %max3A = arith.constant 0.000000e+00 : f32
    %max3A_14 = vector.broadcast %max3A : f32 to vector<8000x128xf32>
    %max3A_15 = arith.maximumf %add3A_13, %max3A_14 : vector<8000x128xf32>
    %get3A_16 = arith.constant 0 : index
    %get3A_17 = arith.constant 0 : index
    %get3A_18 = vector.load %arg6[%get3A_16, %get3A_17] : memref<128x128xf32, #tpu.memory_space<vmem>>, vector<128x128xf32>
    %dot_general3A_19 = arith.constant dense<0.000000e+00> : vector<8000x128xf32>
    %dot_general3A_20 = tpu.matmul %max3A_15, %get3A_18, %dot_general3A_19 {dimension_numbers = #tpu.dot_dimension_numbers<[1], [0], [0], [1], [0, 0, 1, 1], [], []>, transpose_lhs_hint = false} : vector<8000x128xf32>, vector<128x128xf32>, vector<8000x128xf32> -> vector<8000x128xf32>
    %get3A_21 = arith.constant 0 : index
    %get3A_22 = arith.constant 0 : index
    %get3A_23 = vector.load %arg7[%get3A_21, %get3A_22] : memref<1x128xf32, #tpu.memory_space<vmem>>, vector<1x128xf32>
    %add3A_24 = vector.broadcast %get3A_23 : vector<1x128xf32> to vector<8000x128xf32>
    %add3A_25 = arith.addf %dot_general3A_20, %add3A_24 : vector<8000x128xf32>
    %swap3A = arith.constant 0 : index
    %swap3A_26 = arith.constant 0 : index
    %swap3A_27 = vector.load %arg8[%swap3A, %swap3A_26] : memref<8000x128xf32, #tpu.memory_space<vmem>>, vector<8000x128xf32>
    tpu.vector_store %arg8[%swap3A, %swap3A_26], %add3A_25 {strides = array<i32>} : memref<8000x128xf32, #tpu.memory_space<vmem>>, vector<8000x128xf32>,
    return
  }
  func.func @transform_1(%arg0: i32) -> (i32, i32) {
    %c0_i32 = arith.constant 0 : i32
    %c0_i32_0 = arith.constant 0 : i32
    return %arg0, %c0_i32 : i32, i32
  }
  func.func @transform_2(%arg0: i32) -> (i32, i32) {
    %add3A = arith.constant 8 : i32
    %add3A_0 = arith.addi %add3A, %arg0 : i32
    %c0_i32 = arith.constant 0 : i32
    %c0_i32_1 = arith.constant 0 : i32
    return %add3A_0, %c0_i32 : i32, i32
  }
  func.func @transform_3(%arg0: i32) -> (i32, i32) {
    %c0_i32 = arith.constant 0 : i32
    %c0_i32_0 = arith.constant 0 : i32
    %c0_i32_1 = arith.constant 0 : i32
    return %c0_i32, %c0_i32_0 : i32, i32
  }
  func.func @transform_4(%arg0: i32) -> (i32, i32) {
    %c0_i32 = arith.constant 0 : i32
    %c0_i32_0 = arith.constant 0 : i32
    %c0_i32_1 = arith.constant 0 : i32
    return %c0_i32, %c0_i32_0 : i32, i32
  }
  func.func @transform_5(%arg0: i32) -> (i32, i32) {
    %c0_i32 = arith.constant 0 : i32
    %c0_i32_0 = arith.constant 0 : i32
    %c0_i32_1 = arith.constant 0 : i32
    return %c0_i32, %c0_i32_0 : i32, i32
  }
  func.func @transform_6(%arg0: i32) -> (i32, i32) {
    %c0_i32 = arith.constant 0 : i32
    %c0_i32_0 = arith.constant 0 : i32
    %c0_i32_1 = arith.constant 0 : i32
    return %c0_i32, %c0_i32_0 : i32, i32
  }
  func.func @transform_7(%arg0: i32) -> (i32, i32) {
    %add3A = arith.constant 8 : i32
    %add3A_0 = arith.addi %add3A, %arg0 : i32
    %c0_i32 = arith.constant 0 : i32
    %c0_i32_1 = arith.constant 0 : i32
    return %add3A_0, %c0_i32 : i32, i32
  }
}

module attributes {stable_mosaic.version = 14 : i64} {
  func.func @_mlp_body(%arg0: i32, %arg1: memref<320000x128xf32, #tpu.memory_space<any>>, %arg2: memref<8000x128xf32, #tpu.memory_space<vmem>>, %arg3: memref<8000x16xf32, #tpu.memory_space<vmem>>, %arg4: memref<16x128xf32, #tpu.memory_space<vmem>>, %arg5: memref<1x128xf32, #tpu.memory_space<vmem>>, %arg6: memref<128x128xf32, #tpu.memory_space<vmem>>, %arg7: memref<1x128xf32, #tpu.memory_space<vmem>>, %arg8: memref<8000x128xf32, #tpu.memory_space<vmem>>) attributes {dimension_semantics = [#tpu.dimension_semantics<arbitrary>], iteration_bounds = array<i64: 8>, scalar_prefetch = 0 : i64, scratch_operands = 0 : i64, tpu.core_type = #tpu.core_type<tc>, window_params = [{}, {transform_indices = @transform_1, window_bounds = array<i64: 8000, 128>}, {transform_indices = @transform_2, window_bounds = array<i64: 8000, 16>}, {pipeline_mode = #tpu.pipeline_mode<synchronous>, transform_indices = @transform_3, window_bounds = array<i64: 16, 128>}, {pipeline_mode = #tpu.pipeline_mode<synchronous>, transform_indices = @transform_4, window_bounds = array<i64: 1, 128>}, {pipeline_mode = #tpu.pipeline_mode<synchronous>, transform_indices = @transform_5, window_bounds = array<i64: 128, 128>}, {pipeline_mode = #tpu.pipeline_mode<synchronous>, transform_indices = @transform_6, window_bounds = array<i64: 1, 128>}, {transform_indices = @transform_7, window_bounds = array<i64: 8000, 128>}]} {
    %get3A = arith.constant 0 : index
    %get3A_0 = arith.constant 0 : index
    %get3A_1 = vector.load %arg3[%get3A, %get3A_0] : memref<8000x16xf32, #tpu.memory_space<vmem>>, vector<8000x16xf32>
    %get3A_2 = arith.constant 0 : index
    %get3A_3 = arith.constant 0 : index
    %get3A_4 = vector.load %arg4[%get3A_2, %get3A_3] : memref<16x128xf32, #tpu.memory_space<vmem>>, vector<16x128xf32>
    %dot_general3A = arith.constant dense<0.000000e+00> : vector<8000x128xf32>
    %dot_general3A_5 = tpu.matmul %get3A_1, %get3A_4, %dot_general3A {dimension_numbers = #tpu.dot_dimension_numbers<[1], [0], [0], [1], [0, 0, 1, 1], [], []>, transpose_lhs_hint = false} : vector<8000x16xf32>, vector<16x128xf32>, vector<8000x128xf32> -> vector<8000x128xf32>
    %get3A_6 = arith.constant 0 : index
    %get3A_7 = arith.constant 0 : index
    %get3A_8 = vector.load %arg2[%get3A_6, %get3A_7] : memref<8000x128xf32, #tpu.memory_space<vmem>>, vector<8000x128xf32>
    %add3A = arith.addf %dot_general3A_5, %get3A_8 : vector<8000x128xf32>
    %get3A_9 = arith.constant 0 : index
    %get3A_10 = arith.constant 0 : index
    %get3A_11 = vector.load %arg5[%get3A_9, %get3A_10] : memref<1x128xf32, #tpu.memory_space<vmem>>, vector<1x128xf32>
    %add3A_12 = vector.broadcast %get3A_11 : vector<1x128xf32> to vector<8000x128xf32>
    %add3A_13 = arith.addf %add3A, %add3A_12 : vector<8000x128xf32>
    %max3A = arith.constant 0.000000e+00 : f32
    %max3A_14 = vector.broadcast %max3A : f32 to vector<8000x128xf32>
    %max3A_15 = arith.maximumf %add3A_13, %max3A_14 : vector<8000x128xf32>
    %get3A_16 = arith.constant 0 : index
    %get3A_17 = arith.constant 0 : index
    %get3A_18 = vector.load %arg6[%get3A_16, %get3A_17] : memref<128x128xf32, #tpu.memory_space<vmem>>, vector<128x128xf32>
    %dot_general3A_19 = arith.constant dense<0.000000e+00> : vector<8000x128xf32>
    %dot_general3A_20 = tpu.matmul %max3A_15, %get3A_18, %dot_general3A_19 {dimension_numbers = #tpu.dot_dimension_numbers<[1], [0], [0], [1], [0, 0, 1, 1], [], []>, transpose_lhs_hint = false} : vector<8000x128xf32>, vector<128x128xf32>, vector<8000x128xf32> -> vector<8000x128xf32>
    %get3A_21 = arith.constant 0 : index
    %get3A_22 = arith.constant 0 : index
    %get3A_23 = vector.load %arg7[%get3A_21, %get3A_22] : memref<1x128xf32, #tpu.memory_space<vmem>>, vector<1x128xf32>
    %add3A_24 = vector.broadcast %get3A_23 : vector<1x128xf32> to vector<8000x128xf32>
    %add3A_25 = arith.addf %dot_general3A_20, %add3A_24 : vector<8000x128xf32>
    %swap3A = arith.constant 0 : index
    %swap3A_26 = arith.constant 0 : index
    %swap3A_27 = vector.load %arg8[%swap3A, %swap3A_26] : memref<8000x128xf32, #tpu.memory_space<vmem>>, vector<8000x128xf32>
    tpu.vector_store %arg8[%swap3A, %swap3A_26], %add3A_25 {strides = array<i32>} : memref<8000x128xf32, #tpu.memory_space<vmem>>, vector<8000x128xf32>,
    return
  }
  func.func @transform_1(%arg0: i32) -> (i32, i32) {
    %c0_i32 = arith.constant 0 : i32
    %c0_i32_0 = arith.constant 0 : i32
    return %arg0, %c0_i32 : i32, i32
  }
  func.func @transform_2(%arg0: i32) -> (i32, i32) {
    %add3A = arith.constant 16 : i32
    %add3A_0 = arith.addi %add3A, %arg0 : i32
    %c0_i32 = arith.constant 0 : i32
    %c0_i32_1 = arith.constant 0 : i32
    return %add3A_0, %c0_i32 : i32, i32
  }
  func.func @transform_3(%arg0: i32) -> (i32, i32) {
    %c0_i32 = arith.constant 0 : i32
    %c0_i32_0 = arith.constant 0 : i32
    %c0_i32_1 = arith.constant 0 : i32
    return %c0_i32, %c0_i32_0 : i32, i32
  }
  func.func @transform_4(%arg0: i32) -> (i32, i32) {
    %c0_i32 = arith.constant 0 : i32
    %c0_i32_0 = arith.constant 0 : i32
    %c0_i32_1 = arith.constant 0 : i32
    return %c0_i32, %c0_i32_0 : i32, i32
  }
  func.func @transform_5(%arg0: i32) -> (i32, i32) {
    %c0_i32 = arith.constant 0 : i32
    %c0_i32_0 = arith.constant 0 : i32
    %c0_i32_1 = arith.constant 0 : i32
    return %c0_i32, %c0_i32_0 : i32, i32
  }
  func.func @transform_6(%arg0: i32) -> (i32, i32) {
    %c0_i32 = arith.constant 0 : i32
    %c0_i32_0 = arith.constant 0 : i32
    %c0_i32_1 = arith.constant 0 : i32
    return %c0_i32, %c0_i32_0 : i32, i32
  }
  func.func @transform_7(%arg0: i32) -> (i32, i32) {
    %add3A = arith.constant 16 : i32
    %add3A_0 = arith.addi %add3A, %arg0 : i32
    %c0_i32 = arith.constant 0 : i32
    %c0_i32_1 = arith.constant 0 : i32
    return %add3A_0, %c0_i32 : i32, i32
  }
}

module attributes {stable_mosaic.version = 14 : i64} {
  func.func @_mlp_body(%arg0: i32, %arg1: memref<320000x128xf32, #tpu.memory_space<any>>, %arg2: memref<8000x128xf32, #tpu.memory_space<vmem>>, %arg3: memref<8000x16xf32, #tpu.memory_space<vmem>>, %arg4: memref<16x128xf32, #tpu.memory_space<vmem>>, %arg5: memref<1x128xf32, #tpu.memory_space<vmem>>, %arg6: memref<128x128xf32, #tpu.memory_space<vmem>>, %arg7: memref<1x128xf32, #tpu.memory_space<vmem>>, %arg8: memref<8000x128xf32, #tpu.memory_space<vmem>>) attributes {dimension_semantics = [#tpu.dimension_semantics<arbitrary>], iteration_bounds = array<i64: 8>, scalar_prefetch = 0 : i64, scratch_operands = 0 : i64, tpu.core_type = #tpu.core_type<tc>, window_params = [{}, {transform_indices = @transform_1, window_bounds = array<i64: 8000, 128>}, {transform_indices = @transform_2, window_bounds = array<i64: 8000, 16>}, {pipeline_mode = #tpu.pipeline_mode<synchronous>, transform_indices = @transform_3, window_bounds = array<i64: 16, 128>}, {pipeline_mode = #tpu.pipeline_mode<synchronous>, transform_indices = @transform_4, window_bounds = array<i64: 1, 128>}, {pipeline_mode = #tpu.pipeline_mode<synchronous>, transform_indices = @transform_5, window_bounds = array<i64: 128, 128>}, {pipeline_mode = #tpu.pipeline_mode<synchronous>, transform_indices = @transform_6, window_bounds = array<i64: 1, 128>}, {transform_indices = @transform_7, window_bounds = array<i64: 8000, 128>}]} {
    %get3A = arith.constant 0 : index
    %get3A_0 = arith.constant 0 : index
    %get3A_1 = vector.load %arg3[%get3A, %get3A_0] : memref<8000x16xf32, #tpu.memory_space<vmem>>, vector<8000x16xf32>
    %get3A_2 = arith.constant 0 : index
    %get3A_3 = arith.constant 0 : index
    %get3A_4 = vector.load %arg4[%get3A_2, %get3A_3] : memref<16x128xf32, #tpu.memory_space<vmem>>, vector<16x128xf32>
    %dot_general3A = arith.constant dense<0.000000e+00> : vector<8000x128xf32>
    %dot_general3A_5 = tpu.matmul %get3A_1, %get3A_4, %dot_general3A {dimension_numbers = #tpu.dot_dimension_numbers<[1], [0], [0], [1], [0, 0, 1, 1], [], []>, transpose_lhs_hint = false} : vector<8000x16xf32>, vector<16x128xf32>, vector<8000x128xf32> -> vector<8000x128xf32>
    %get3A_6 = arith.constant 0 : index
    %get3A_7 = arith.constant 0 : index
    %get3A_8 = vector.load %arg2[%get3A_6, %get3A_7] : memref<8000x128xf32, #tpu.memory_space<vmem>>, vector<8000x128xf32>
    %add3A = arith.addf %dot_general3A_5, %get3A_8 : vector<8000x128xf32>
    %get3A_9 = arith.constant 0 : index
    %get3A_10 = arith.constant 0 : index
    %get3A_11 = vector.load %arg5[%get3A_9, %get3A_10] : memref<1x128xf32, #tpu.memory_space<vmem>>, vector<1x128xf32>
    %add3A_12 = vector.broadcast %get3A_11 : vector<1x128xf32> to vector<8000x128xf32>
    %add3A_13 = arith.addf %add3A, %add3A_12 : vector<8000x128xf32>
    %max3A = arith.constant 0.000000e+00 : f32
    %max3A_14 = vector.broadcast %max3A : f32 to vector<8000x128xf32>
    %max3A_15 = arith.maximumf %add3A_13, %max3A_14 : vector<8000x128xf32>
    %get3A_16 = arith.constant 0 : index
    %get3A_17 = arith.constant 0 : index
    %get3A_18 = vector.load %arg6[%get3A_16, %get3A_17] : memref<128x128xf32, #tpu.memory_space<vmem>>, vector<128x128xf32>
    %dot_general3A_19 = arith.constant dense<0.000000e+00> : vector<8000x128xf32>
    %dot_general3A_20 = tpu.matmul %max3A_15, %get3A_18, %dot_general3A_19 {dimension_numbers = #tpu.dot_dimension_numbers<[1], [0], [0], [1], [0, 0, 1, 1], [], []>, transpose_lhs_hint = false} : vector<8000x128xf32>, vector<128x128xf32>, vector<8000x128xf32> -> vector<8000x128xf32>
    %get3A_21 = arith.constant 0 : index
    %get3A_22 = arith.constant 0 : index
    %get3A_23 = vector.load %arg7[%get3A_21, %get3A_22] : memref<1x128xf32, #tpu.memory_space<vmem>>, vector<1x128xf32>
    %add3A_24 = vector.broadcast %get3A_23 : vector<1x128xf32> to vector<8000x128xf32>
    %add3A_25 = arith.addf %dot_general3A_20, %add3A_24 : vector<8000x128xf32>
    %swap3A = arith.constant 0 : index
    %swap3A_26 = arith.constant 0 : index
    %swap3A_27 = vector.load %arg8[%swap3A, %swap3A_26] : memref<8000x128xf32, #tpu.memory_space<vmem>>, vector<8000x128xf32>
    tpu.vector_store %arg8[%swap3A, %swap3A_26], %add3A_25 {strides = array<i32>} : memref<8000x128xf32, #tpu.memory_space<vmem>>, vector<8000x128xf32>,
    return
  }
  func.func @transform_1(%arg0: i32) -> (i32, i32) {
    %c0_i32 = arith.constant 0 : i32
    %c0_i32_0 = arith.constant 0 : i32
    return %arg0, %c0_i32 : i32, i32
  }
  func.func @transform_2(%arg0: i32) -> (i32, i32) {
    %add3A = arith.constant 24 : i32
    %add3A_0 = arith.addi %add3A, %arg0 : i32
    %c0_i32 = arith.constant 0 : i32
    %c0_i32_1 = arith.constant 0 : i32
    return %add3A_0, %c0_i32 : i32, i32
  }
  func.func @transform_3(%arg0: i32) -> (i32, i32) {
    %c0_i32 = arith.constant 0 : i32
    %c0_i32_0 = arith.constant 0 : i32
    %c0_i32_1 = arith.constant 0 : i32
    return %c0_i32, %c0_i32_0 : i32, i32
  }
  func.func @transform_4(%arg0: i32) -> (i32, i32) {
    %c0_i32 = arith.constant 0 : i32
    %c0_i32_0 = arith.constant 0 : i32
    %c0_i32_1 = arith.constant 0 : i32
    return %c0_i32, %c0_i32_0 : i32, i32
  }
  func.func @transform_5(%arg0: i32) -> (i32, i32) {
    %c0_i32 = arith.constant 0 : i32
    %c0_i32_0 = arith.constant 0 : i32
    %c0_i32_1 = arith.constant 0 : i32
    return %c0_i32, %c0_i32_0 : i32, i32
  }
  func.func @transform_6(%arg0: i32) -> (i32, i32) {
    %c0_i32 = arith.constant 0 : i32
    %c0_i32_0 = arith.constant 0 : i32
    %c0_i32_1 = arith.constant 0 : i32
    return %c0_i32, %c0_i32_0 : i32, i32
  }
  func.func @transform_7(%arg0: i32) -> (i32, i32) {
    %add3A = arith.constant 24 : i32
    %add3A_0 = arith.addi %add3A, %arg0 : i32
    %c0_i32 = arith.constant 0 : i32
    %c0_i32_1 = arith.constant 0 : i32
    return %add3A_0, %c0_i32 : i32, i32
  }
}

module attributes {stable_mosaic.version = 14 : i64} {
  func.func @_mlp_body(%arg0: i32, %arg1: memref<320000x128xf32, #tpu.memory_space<any>>, %arg2: memref<8000x128xf32, #tpu.memory_space<vmem>>, %arg3: memref<8000x16xf32, #tpu.memory_space<vmem>>, %arg4: memref<16x128xf32, #tpu.memory_space<vmem>>, %arg5: memref<1x128xf32, #tpu.memory_space<vmem>>, %arg6: memref<128x128xf32, #tpu.memory_space<vmem>>, %arg7: memref<1x128xf32, #tpu.memory_space<vmem>>, %arg8: memref<8000x128xf32, #tpu.memory_space<vmem>>) attributes {dimension_semantics = [#tpu.dimension_semantics<arbitrary>], iteration_bounds = array<i64: 8>, scalar_prefetch = 0 : i64, scratch_operands = 0 : i64, tpu.core_type = #tpu.core_type<tc>, window_params = [{}, {transform_indices = @transform_1, window_bounds = array<i64: 8000, 128>}, {transform_indices = @transform_2, window_bounds = array<i64: 8000, 16>}, {pipeline_mode = #tpu.pipeline_mode<synchronous>, transform_indices = @transform_3, window_bounds = array<i64: 16, 128>}, {pipeline_mode = #tpu.pipeline_mode<synchronous>, transform_indices = @transform_4, window_bounds = array<i64: 1, 128>}, {pipeline_mode = #tpu.pipeline_mode<synchronous>, transform_indices = @transform_5, window_bounds = array<i64: 128, 128>}, {pipeline_mode = #tpu.pipeline_mode<synchronous>, transform_indices = @transform_6, window_bounds = array<i64: 1, 128>}, {transform_indices = @transform_7, window_bounds = array<i64: 8000, 128>}]} {
    %get3A = arith.constant 0 : index
    %get3A_0 = arith.constant 0 : index
    %get3A_1 = vector.load %arg3[%get3A, %get3A_0] : memref<8000x16xf32, #tpu.memory_space<vmem>>, vector<8000x16xf32>
    %get3A_2 = arith.constant 0 : index
    %get3A_3 = arith.constant 0 : index
    %get3A_4 = vector.load %arg4[%get3A_2, %get3A_3] : memref<16x128xf32, #tpu.memory_space<vmem>>, vector<16x128xf32>
    %dot_general3A = arith.constant dense<0.000000e+00> : vector<8000x128xf32>
    %dot_general3A_5 = tpu.matmul %get3A_1, %get3A_4, %dot_general3A {dimension_numbers = #tpu.dot_dimension_numbers<[1], [0], [0], [1], [0, 0, 1, 1], [], []>, transpose_lhs_hint = false} : vector<8000x16xf32>, vector<16x128xf32>, vector<8000x128xf32> -> vector<8000x128xf32>
    %get3A_6 = arith.constant 0 : index
    %get3A_7 = arith.constant 0 : index
    %get3A_8 = vector.load %arg2[%get3A_6, %get3A_7] : memref<8000x128xf32, #tpu.memory_space<vmem>>, vector<8000x128xf32>
    %add3A = arith.addf %dot_general3A_5, %get3A_8 : vector<8000x128xf32>
    %get3A_9 = arith.constant 0 : index
    %get3A_10 = arith.constant 0 : index
    %get3A_11 = vector.load %arg5[%get3A_9, %get3A_10] : memref<1x128xf32, #tpu.memory_space<vmem>>, vector<1x128xf32>
    %add3A_12 = vector.broadcast %get3A_11 : vector<1x128xf32> to vector<8000x128xf32>
    %add3A_13 = arith.addf %add3A, %add3A_12 : vector<8000x128xf32>
    %max3A = arith.constant 0.000000e+00 : f32
    %max3A_14 = vector.broadcast %max3A : f32 to vector<8000x128xf32>
    %max3A_15 = arith.maximumf %add3A_13, %max3A_14 : vector<8000x128xf32>
    %get3A_16 = arith.constant 0 : index
    %get3A_17 = arith.constant 0 : index
    %get3A_18 = vector.load %arg6[%get3A_16, %get3A_17] : memref<128x128xf32, #tpu.memory_space<vmem>>, vector<128x128xf32>
    %dot_general3A_19 = arith.constant dense<0.000000e+00> : vector<8000x128xf32>
    %dot_general3A_20 = tpu.matmul %max3A_15, %get3A_18, %dot_general3A_19 {dimension_numbers = #tpu.dot_dimension_numbers<[1], [0], [0], [1], [0, 0, 1, 1], [], []>, transpose_lhs_hint = false} : vector<8000x128xf32>, vector<128x128xf32>, vector<8000x128xf32> -> vector<8000x128xf32>
    %get3A_21 = arith.constant 0 : index
    %get3A_22 = arith.constant 0 : index
    %get3A_23 = vector.load %arg7[%get3A_21, %get3A_22] : memref<1x128xf32, #tpu.memory_space<vmem>>, vector<1x128xf32>
    %add3A_24 = vector.broadcast %get3A_23 : vector<1x128xf32> to vector<8000x128xf32>
    %add3A_25 = arith.addf %dot_general3A_20, %add3A_24 : vector<8000x128xf32>
    %swap3A = arith.constant 0 : index
    %swap3A_26 = arith.constant 0 : index
    %swap3A_27 = vector.load %arg8[%swap3A, %swap3A_26] : memref<8000x128xf32, #tpu.memory_space<vmem>>, vector<8000x128xf32>
    tpu.vector_store %arg8[%swap3A, %swap3A_26], %add3A_25 {strides = array<i32>} : memref<8000x128xf32, #tpu.memory_space<vmem>>, vector<8000x128xf32>,
    return
  }
  func.func @transform_1(%arg0: i32) -> (i32, i32) {
    %c0_i32 = arith.constant 0 : i32
    %c0_i32_0 = arith.constant 0 : i32
    return %arg0, %c0_i32 : i32, i32
  }
  func.func @transform_2(%arg0: i32) -> (i32, i32) {
    %add3A = arith.constant 32 : i32
    %add3A_0 = arith.addi %add3A, %arg0 : i32
    %c0_i32 = arith.constant 0 : i32
    %c0_i32_1 = arith.constant 0 : i32
    return %add3A_0, %c0_i32 : i32, i32
  }
  func.func @transform_3(%arg0: i32) -> (i32, i32) {
    %c0_i32 = arith.constant 0 : i32
    %c0_i32_0 = arith.constant 0 : i32
    %c0_i32_1 = arith.constant 0 : i32
    return %c0_i32, %c0_i32_0 : i32, i32
  }
  func.func @transform_4(%arg0: i32) -> (i32, i32) {
    %c0_i32 = arith.constant 0 : i32
    %c0_i32_0 = arith.constant 0 : i32
    %c0_i32_1 = arith.constant 0 : i32
    return %c0_i32, %c0_i32_0 : i32, i32
  }
  func.func @transform_5(%arg0: i32) -> (i32, i32) {
    %c0_i32 = arith.constant 0 : i32
    %c0_i32_0 = arith.constant 0 : i32
    %c0_i32_1 = arith.constant 0 : i32
    return %c0_i32, %c0_i32_0 : i32, i32
  }
  func.func @transform_6(%arg0: i32) -> (i32, i32) {
    %c0_i32 = arith.constant 0 : i32
    %c0_i32_0 = arith.constant 0 : i32
    %c0_i32_1 = arith.constant 0 : i32
    return %c0_i32, %c0_i32_0 : i32, i32
  }
  func.func @transform_7(%arg0: i32) -> (i32, i32) {
    %add3A = arith.constant 32 : i32
    %add3A_0 = arith.addi %add3A, %arg0 : i32
    %c0_i32 = arith.constant 0 : i32
    %c0_i32_1 = arith.constant 0 : i32
    return %add3A_0, %c0_i32 : i32, i32
  }
}

</mosaic_0001>

<sc_bundles>
// kernel: kernel.14.cloned.1.call-start
scs
__scs_entry_jumppad:
0x0: {  	(pc) =	sbr.rel $0x88, $3  }
0x1: {  	(tag) =	ssettag $0x0;
	lr =	simm.s32 $0x1  }
0x2: {  	[smem:$0x3F9A] =	sst lr;
	_ =	strace $0xD0000000  }
0x3: {  	_ = 	snop  }
0x4: {  	_ = 	snop  }
0x5: {  	_ = 	snop  }
0x6: {  	_ = 	snop  }
0x7: {  	_ = 	snop  }
__scs_overlays_trampoline_lowered:
0x8: {  	[smem:$0x3FA9] =	sst s0  }
0x9: {  	[smem:$0x3FAA] =	sst s1  }
0xa: {  	[smem:$0x3FAB] =	sst s2  }
0xb: {  	[smem:$0x3FAC] =	sst s3  }
0xc: {  	[smem:$0x3FAD] =	sst s4  }
0xd: {  	[smem:$0x3FAE] =	sst s5  }
0xe: {  	[smem:$0x3FAF] =	sst s6  }
0xf: {  	[smem:$0x3FB0] =	sst s7  }
0x10: {  	[smem:$0x3FB1] =	sst s8  }
0x11: {  	[smem:$0x3FB2] =	sst s9;
	s0 =	simm.s32 @!p0 $0x0  }
0x12: {  	s1 =	sld [smem:$0x3F98];
	s0 =	simm.s32 @p0 $0x1  }
0x13: {  	[smem:$0x3FB3] =	sst s0;
	s0 =	simm.s32 @!p1 $0x0  }
0x14: {  	s2 =	sld [smem:$0x3F97];
	s0 =	simm.s32 @p1 $0x1  }
0x15: {  	[smem:$0x3FB4] =	sst s0;
	s0 =	simm.s32 @!p2 $0x0  }
0x16: {  	s3 =	sld [smem:$0x3FDB];
	s0 =	simm.s32 @p2 $0x1  }
0x17: {  	s4 =	simm.s32 $0x1BF5;
	[smem:$0x3FB6] =	sst s0  }
0x18: {  	s0 =	sld [smem:$0x3F99];
	_ =	swait.ge [sflag:s4], $0x0  }
0x19: {  	s7 =	sld [smem:$0x3F9A]  }
0x1a: {  	s8 =	sadd.s32 $0xFFFFE003, lr  }
0x1b: {  	s9 =	sadd.s32 $0xFFFFFEF7, lr;
	s5 =	simm.s32 $0xFFFFFFFF;
	p2 =	slt.u32 s8, $0xFFFFF086  }
0x1c: {  	p1 =	slt.u32 s9, $0xF7A;
	s5 =	simm.s32 @!p2 $0x0  }
0x1d: {  	s5 =	simm.s32 @p1 $0x1;
	p0 =	seq.s32 s7, s2  }
0x1e: {  	s7 =	smul.u32 @!p0 $0xF7A, s2;
	p2 =	seq.s32 @!p0 s5, $0x0  }
0x1f: {  	s9 =	smul.u32 $0xF7A, s1;
	s8 =	simm.s32 @!p0 $0x1BF5;
	p2 =	por !p2, p0  }
0x20: {  	[sflag:s8] =	ssyncset.s32 @!p0 $0xFFFFF086;
	s6 =	sadd.s32 @!p0 s3, s7;
	s7 =	simm.s32 @!p0 $0x108  }
0x21: {  	s3 =	sadd.s32 s3, s9;
	s6 =	sadd.s32 @!p0 $0x88, s6;
	s7 =	simm.s32 @p2 $0x1082  }
0x22: {  	[simem:s7], [sflag:s8] =	dma.local @!p0 [hbm:s6], $0xF7A  }
0x23: {  	s9 =	sor.u32 $0xD0000000, s2;
	s6 =	simm.s32 $0x108;
	_ =	swait.ge @!p0 [sflag:s8], $0x0  }
0x24: {  	s3 =	sadd.s32 $0x88, s3;
	s6 =	simm.s32 @!p1 $0x1082;
	[sflag:s4] =	ssyncset.s32 $0xFFFFF086  }
0x25: {  	[simem:s6], [sflag:s4] =	dma.local [hbm:s3], $0xF7A  }
0x26: {  	[smem:$0x3F9A] =	sst s1;
	(tag) =	ssettag s2;
	_ =	strace s9  }
0x27: {  	s1 =	sld [smem:$0x3FAA]  }
0x28: {  	s2 =	sld [smem:$0x3FAB]  }
0x29: {  	s4 =	sld [smem:$0x3FAD]  }
0x2a: {  	p0 =	seq.s32 s5, $0x0;
	s5 =	sld [smem:$0x3FAE]  }
0x2b: {  	s6 =	sld [smem:$0x3FAF]  }
0x2c: {  	s7 =	sld [smem:$0x3FB0]  }
0x2d: {  	s3 =	simm.s32 $0x108;
	s8 =	sld [smem:$0x3FB1]  }
0x2e: {  	s3 =	simm.s32 @!p0 $0x1082;
	s9 =	sld [smem:$0x3FB2]  }
0x2f: {  	lr =	sadd.s32 s0, s3;
	s0 =	sld [smem:$0x3FA9]  }
0x30: {  	s3 =	sld [smem:$0x3FAC]  }
0x31: {  	[smem:$0x3FB5] =	sst s10  }
0x32: {  	s10 =	sld [smem:$0x3FB3];
	_ =	sdelay $0x3  }
0x33: {  	p0 =	seq.s32 s10, $0x1;
	s10 =	sld [smem:$0x3FB5];
	_ =	sdelay $0x3  }
0x34: {  	[smem:$0x3FB5] =	sst s10  }
0x35: {  	s10 =	sld [smem:$0x3FB4];
	_ =	sdelay $0x3  }
0x36: {  	p1 =	seq.s32 s10, $0x1;
	s10 =	sld [smem:$0x3FB5];
	_ =	sdelay $0x3  }
0x37: {  	[smem:$0x3FB5] =	sst s10  }
0x38: {  	s10 =	sld [smem:$0x3FB6]  }
0x39: {  	_ = 	snop;
	(pc) =	sbr.ind lr, $3  }
0x3a: {  	_ = 	snop  }
0x3b: {  	_ = 	snop  }
0x3c: {  	p2 =	seq.s32 s10, $0x1;
	s10 =	sld [smem:$0x3FB5]  }
0x3d: {  	_ =	shalt  }
0x3e: {  	_ =	shalt  }
0x3f: {  	_ =	shalt  }
0x40: {  	_ =	shalt  }
0x41: {  	_ =	shalt  }
0x42: {  	_ =	shalt  }
0x43: {  	_ =	shalt  }
0x44: {  	_ =	shalt  }
0x45: {  	_ =	shalt  }
0x46: {  	_ =	shalt  }
0x47: {  	_ =	shalt  }
0x48: {  	_ =	shalt  }
0x49: {  	_ =	shalt  }
0x4a: {  	_ =	shalt  }
0x4b: {  	_ =	shalt  }
0x4c: {  	_ =	shalt  }
0x4d: {  	_ =	shalt  }
0x4e: {  	_ =	shalt  }
0x4f: {  	_ =	shalt  }
0x50: {  	_ =	shalt  }
0x51: {  	_ =	shalt  }
0x52: {  	_ =	shalt  }
0x53: {  	_ =	shalt  }
0x54: {  	_ =	shalt  }
0x55: {  	_ =	shalt  }
0x56: {  	_ =	shalt  }
0x57: {  	_ =	shalt  }
0x58: {  	_ =	shalt  }
0x59: {  	_ =	shalt  }
0x5a: {  	_ =	shalt  }
0x5b: {  	_ =	shalt  }
0x5c: {  	_ =	shalt  }
0x5d: {  	_ =	shalt  }
0x5e: {  	_ =	shalt  }
0x5f: {  	_ =	shalt  }
0x60: {  	_ =	shalt  }
0x61: {  	_ =	shalt  }
0x62: {  	_ =	shalt  }
0x63: {  	_ =	shalt  }
0x64: {  	_ =	shalt  }
0x65: {  	_ =	shalt  }
0x66: {  	_ =	shalt  }
0x67: {  	_ =	shalt  }
0x68: {  	_ =	shalt  }
0x69: {  	_ =	shalt  }
0x6a: {  	_ =	shalt  }
0x6b: {  	_ =	shalt  }
0x6c: {  	_ =	shalt  }
0x6d: {  	_ =	shalt  }
0x6e: {  	_ =	shalt  }
0x6f: {  	_ =	shalt  }
0x70: {  	_ =	shalt  }
0x71: {  	_ =	shalt  }
0x72: {  	_ =	shalt  }
0x73: {  	_ =	shalt  }
0x74: {  	_ =	shalt  }
0x75: {  	_ =	shalt  }
0x76: {  	_ =	shalt  }
0x77: {  	_ =	shalt  }
0x78: {  	_ =	shalt  }
0x79: {  	_ =	shalt  }
0x7a: {  	_ =	shalt  }
0x7b: {  	_ =	shalt  }
0x7c: {  	_ =	shalt  }
0x7d: {  	_ =	shalt  }
0x7e: {  	_ =	shalt  }
0x7f: {  	_ =	shalt  }
0x80: {  	_ =	shalt  }
0x81: {  	_ =	shalt  }
0x82: {  	_ =	shalt  }
0x83: {  	_ =	shalt  }
0x84: {  	_ =	shalt  }
0x85: {  	_ =	shalt  }
0x86: {  	_ =	shalt  }
0x87: {  	_ =	shalt  }
.Lfunc_end0:
.L_simem_size_0:
called_computation_lowered:
.L_overlay_start_0:
0x88: {  	s2 =	sld [smem:$0x3FD9]  }
0x89: {  	s3 =	sld [smem:$0x3FFE];
	_ =	sdelay $0x1  }
0x8a: {  	s1 =	srdreg.scid  }
0x8b: {  	s0 =	sand.u32 $0x1, s1  }
0x8c: {  	s16 =	sshll.u32 s0, $0xA;
	s2 =	sadd.s32 s3, s2  }
0x8d: {  	s2 =	sadd.s32 s2, s16  }
0x8e: {  	[smem:$0x3FC1] =	sst s2  }
0x8f: {  	_ = 	snop  }
0x90: {  	(tm) =	ssettm $0x1  }
0x91: {  	s17 =	sld [smem:$0x3FFB];
	_ =	sdelay $0x3  }
0x92: {  	_ =	strace s17  }
0x93: {  	s2 =	sld [smem:$0x3FFC];
	_ =	sdelay $0x3  }
0x94: {  	_ =	strace s2  }
0x95: {  	s2 =	sld [smem:$0x3FFD];
	_ =	sdelay $0x3  }
0x96: {  	_ =	strace s2  }
0x97: {  	_ =	strace $0x8FFFFFFF  }
0x98: {  	s18 =	sld [smem:$0x3FDB];
	_ =	sdelay $0x1  }
0x99: {  	s19 =	simm.s32 $_scs_section_size  }
0x9a: {  	s4 =	simm.s32 $_size__tile_overlayer_lowered;
	s5 =	simm.s32 $_tile_overlayer_lowered  }
0x9b: {  	s22 =	simm.s32 $0x1BFF;
	s21 =	sshll.u32 s5, $0x1;
	s2 =	sadd.s32 s19, s18  }
0x9c: {  	s6 =	simm.s32 $0x0;
	s20 =	sshll.u32 s4, $0x1;
	s4 =	sadd.s32 s21, s2  }
0x9d: {  	[timem:s6], [sflag:s22] =	dma.local [hbm:s4], s20  }
0x9e: {  	_ =	swait.ge [sflag:s22], s20  }
0x9f: {  	s3 =	ssub.s32 $0x0, s20;
	[sflag:s22] =	ssyncset.done $0x0  }
0xa0: {  	[sflag:s22] =	ssyncadd.s32 s3;
	_ =	sdelay $0x1  }
0xa1: {  	s23 =	simm.s32 $0x1B8B  }
0xa2: {  	_ =	swait.ge [sflag:s23], $0x1  }
0xa3: {  	[sflag:s23] =	ssyncset.done $0x0  }
0xa4: {  	s25 =	simm.s32 $0x1B8E;
	s24 =	sld [smem:$0x3FFE];
	[sflag:s23] =	ssyncadd.s32 $0xFFFFFFFF  }
0xa5: {  	s26 =	simm.s32 $execute0_lowered;
	[smem:$0x3FD2] =	sst s25  }
0xa6: {  	s4 =	sshll.u32 s26, $0x1;
	_ =	strace $0x80000046;
	[dreg:$0x1] =	wrdreg $0xFFFFFFFF  }
0xa7: {  	s28 =	simm.s32 $_size_execute0_lowered;
	s2 =	sadd.s32 s2, s4;
	[dreg:$0x0] =	wrdreg $0x0  }
0xa8: {  	s4 =	sshll.u32 s28, $0x1;
	[dreg:$0x2] =	wrdreg s2  }
0xa9: {  	[dreg:$0x3] =	wrdreg s4  }
0xaa: {  	[dreg:$0x4] =	wrdreg $0xC0  }
0xab: {  	_ =	task [dreg:s6], $0x5FFFF  }
0xac: {  	[dreg:$0x1] =	wrdreg $0xFFFFFFFF  }
0xad: {  	[dreg:$0x0] =	wrdreg $0x60  }
0xae: {  	[dreg:$0x2] =	wrdreg s24  }
0xaf: {  	[dreg:$0x3] =	wrdreg $0x9  }
0xb0: {  	_ =	task.clear_ibuf [dreg:s6], $0x4FFFF;
	_ =	strace $0x90000046  }
0xb1: {  	s29 =	simm.s32 $0x9;
	_ =	strace $0x80000048  }
0xb2: {  	_ =	swait.ge [sflag:s29], $0x1  }
0xb3: {  	[sflag:s29] =	ssyncadd.s32 $0xFFFFFFFF  }
0xb4: {  	_ =	strace $0x90000048  }
0xb5: {  	_ =	sfence  }
0xb6: {  	s30 =	sld [smem:$0x0];
	_ =	sdelay $0x2  }
0xb7: {  	s31 =	sshll.u32 s1, $0xD;
	s1 =	sshrl.u32 s1, $0x2  }
0xb8: {  	s3 =	sand.u32 $0x4000, s31;
	s1 =	sadd.s32 s1, s30  }
0xb9: {  	s0 =	sor.u32 s3, s0;
	s1 =	sshll.u32 s1, $0x11  }
0xba: {  	s0 =	sor.u32 s1, s0  }
0xbb: {  	s0 =	sadd.s32 $0x8F2B, s0  }
0xbc: {  	[sflag:s0] =	ssyncadd.remote.s32 $0x1  }
0xbd: {  	_ =	sfence.sel $0xFFFF  }
0xbe: {  	[dreg:$0x0] =	wrdreg $0xFFFFFFFF;
	(pc) =	sbr.abs _section_cstart, $3  }
0xbf: {  	[dreg:$0x1] =	wrdreg $0xFFFFFFFF  }
0xc0: {  	_ =	task.clear_ibuf [dreg:s6], $0x2FFFF;
	_ =	strace $0x9FFFFFFF  }
0xc1: {  	(tm) =	ssettm $0x7FFFFFFF  }
tec
execute0_lowered:
.L_overlay_start_1:
0x0: {  	(tag) =	ssettag $0x1  }
0x1: {  	s0 =	rddreg [dreg:$0x0];
	s2 =	simm.s32 $0x0  }
0x2: {  	s1 =	srdreg.scid;
	s3 =	stileid.u32;
	s15 =	simm.s32 $0x100  }
0x3: {  	s16 =	simm.s32 $0x3;
	s17 =	simm.s32 $0xC8;
	s18 =	simm.s32 $0x400  }
0x4: {  	s20 =	simm.s32 $0x200;
	s21 =	simm.s32 $0x300;
	s22 =	simm.s32 $0x1  }
0x5: {  	s23 =	simm.s32 $0x4;
	s28 =	simm.s32 $0x5;
	s29 =	simm.s32 $0x6  }
0x6: {  	s30 =	simm.s32 $0x0;
	[smem:$0x7FF] =	sst s2;
	s1 =	sand.u32 $0x1, s1  }
0x7: {  	s3 =	sshll.u32 s3, $0x1;
	s4 =	sadd.s32 $0xC800, s0;
	s6 =	sadd.s32 $0x2A00, s0  }
0x8: {  	s7 =	sadd.s32 $0x64800, s0;
	s5 =	sor.u32 s1, s3;
	s24 =	ssub.s32 $0x2, s1  }
0x9: {  	_ =	strace $0x80000047;
	s5 =	smul.u32 $0x7D0, s5;
	s1 =	sshrl.u32 s24, $0x1  }
0xa: {  	s3 =	sadd.s32 $0x16600, s0;
	s0 =	ssub.s32 s24, s1;
	s24 =	simm.s32 $0xCC00  }
0xb: {  	s8 =	sshrl.u32 s5, $0x3;
	s9 =	sadd.s32 $0xC8, s5;
	s12 =	sadd.s32 $0x190, s5  }
0xc: {  	s13 =	sadd.s32 $0x258, s5;
	s14 =	smax.u32 s0, $0x1;
	s25 =	sadd.s32 s4, s8  }
0xd: {  	s26 =	sshrl.u32 s9, $0x3;
	s8 =	sadd.s32 s6, s8;
	[dreg:$0x2] =	wrdreg s25  }
0xe: {  	[dreg:$0x3] =	wrdreg s8;
	s31 =	sadd.s32 s4, s26;
	s11 =	sadd.s32 s6, s26  }
0xf: {  	s25 =	simm.s32 $0x13000;
	s26 =	simm.s32 $0x2;
	[dreg:$0x4] =	wrdreg s31  }
.LBB2_1:
0x10: {  	s0 =	rddreg [dreg:$0x2]  }
0x11: {  	[tilespmem:s2], [sflag:$0x3] =	stream.linear.gather [hbm4b:s0+s2], $0xC8, $0x38;
	[tilespmem:$0x19400] =	vst v63  }
0x12: {  	s9 =	rddreg [dreg:$0x3]  }
0x13: {  	[tilespmem:s15], [sflag:$0x3] =	stream.linear.gather [hbm4b:s9+s2], $0xC8, $0x38;
	[tilespmem:$0x19400] =	vst v63  }
0x14: {  	_ =	swait.ge [sflag:s16], $0xC8  }
0x15: {  	[sflag:s16] =	ssyncset.done $0x0  }
0x16: {  	[sflag:s16] =	ssyncadd.s32 $0xFFFFFF38  }
0x17: {  	_ =	swait.ge [sflag:s16], $0xC8  }
0x18: {  	[sflag:s16] =	ssyncset.done $0x0  }
0x19: {  	[sflag:s16] =	ssyncadd.s32 $0xFFFFFF38  }
0x1a: {  	[tilespmem:s18], [sflag:$0x1] =	stream.indirect.gather [hbm4b:s3+s17], $0x80, s2, s17, $0xb8;
	[tilespmem:$0x19400] =	vst v63  }
0x1b: {  	s10 =	simm.s32 $0x6800  }
0x1c: {  	[tilespmem:s10], [sflag:$0x1] =	stream.indirect.gather [hbm4b:s3+s17], $0x80, s15, s17, $0xb8;
	[tilespmem:$0x19400] =	vst v63  }
0x1d: {  	s19 =	rddreg [dreg:$0x4]  }
0x1e: {  	[tilespmem:s20], [sflag:$0x4] =	stream.linear.gather [hbm4b:s19+s2], $0xC8, $0x38;
	[tilespmem:$0x19400] =	vst v63  }
0x1f: {  	s31 =	simm.s32 $0x0  }
0x20: {  	[tilespmem:s21], [sflag:$0x4] =	stream.linear.gather [hbm4b:s11+s2], $0xC8, $0x38;
	[tilespmem:$0x19400] =	vst v63  }
.LBB2_2:
0x21: {  	_ =	swait.ge [sflag:s22], $0x6400  }
0x22: {  	[sflag:s22] =	ssyncset.done $0x0  }
0x23: {  	[sflag:s22] =	ssyncadd.s32 $0xFFFF9C00  }
0x24: {  	_ =	swait.ge [sflag:s22], $0x6400  }
0x25: {  	[sflag:s22] =	ssyncset.done $0x0  }
0x26: {  	[sflag:s22] =	ssyncadd.s32 $0xFFFF9C00  }
0x27: {  	p0 =	sne.s32 s31, $0x0;
	_ =	swait.ge [sflag:s23], $0xC8  }
.Ltmp0:
0x28: {  	[sflag:s23] =	ssyncset.done $0x0;
	(pc) =	sbr.rel @!p0 .LBB2_3-.Ltmp0, $4  }
0x29: {  	[sflag:s23] =	ssyncadd.s32 $0xFFFFFF38  }
0x2a: {  	_ =	swait.ge [sflag:s23], $0xC8  }
0x2b: {  	[sflag:s23] =	ssyncset.done $0x0  }
0x2c: {  	[sflag:s23] =	ssyncadd.s32 $0xFFFFFF38  }
0x2d: {  	_ =	swait.ge [sflag:s29], $0x6400;
	p0 =	seq.s32 s31, $0x4  }
.Ltmp1:
0x2e: {  	[sflag:s29] =	ssyncset.done $0x0;
	(pc) =	sbr.rel @p0 .LBB2_6-.Ltmp1, $4  }
.Ltmp2:
0x2f: {  	[sflag:s29] =	ssyncadd.s32 $0xFFFF9C00;
	(pc) =	sbr.rel @!p0 .LBB2_5-.Ltmp2, $4  }
0x30: {  	[tilespmem:s24], [sflag:$0x2] =	stream.indirect.gather [hbm4b:s3+s17], $0x80, s20, s17, $0xb8;
	[tilespmem:$0x19400] =	vst v63  }
0x31: {  	_ = 	snop  }
0x32: {  	[tilespmem:s25], [sflag:$0x2] =	stream.indirect.gather [hbm4b:s3+s17], $0x80, s21, s17, $0xb8;
	[tilespmem:$0x19400] =	vst v63  }
0x33: {  	_ = 	snop  }
.LBB2_3:
0x34: {  	[tilespmem:s24], [sflag:$0x2] =	stream.indirect.gather [hbm4b:s3+s17], $0x80, s20, s17, $0xb8;
	[tilespmem:$0x19400] =	vst v63  }
0x35: {  	_ = 	snop  }
0x36: {  	[tilespmem:s25], [sflag:$0x2] =	stream.indirect.gather [hbm4b:s3+s17], $0x80, s21, s17, $0xb8;
	[tilespmem:$0x19400] =	vst v63  }
.LBB2_5:
0x37: {  	s0 =	smul.u32 $0x190, s31;
	_ =	sdelay $0x1  }
0x38: {  	s0 =	sadd.s32 s0, s12  }
0x39: {  	s0 =	sshrl.u32 s0, $0x3  }
0x3a: {  	s1 =	sadd.s32 s4, s0  }
0x3b: {  	[tilespmem:s2], [sflag:$0x3] =	stream.linear.gather [hbm4b:s1+s2], $0xC8, $0x38;
	[tilespmem:$0x19400] =	vst v63  }
0x3c: {  	s0 =	sadd.s32 s6, s0  }
0x3d: {  	[tilespmem:s15], [sflag:$0x3] =	stream.linear.gather [hbm4b:s0+s2], $0xC8, $0x38;
	[tilespmem:$0x19400] =	vst v63  }
.LBB2_6:
0x3e: {  	s0 =	simm.s32 $0x500  }
0x3f: {  	s1 =	simm.s32 $0x6900;
	v0 =	vld [tilespmem:s0+$0x80]  }
0x40: {  	v1 =	vld [tilespmem:s1+$0x80]  }
0x41: {  	v2 =	vld [tilespmem:s0+$0xFFFFFF80]  }
0x42: {  	v3 =	vld [tilespmem:s1+$0xFFFFFF80]  }
0x43: {  	v4 =	vld [tilespmem:s0+$0x0]  }
0x44: {  	v5 =	vld [tilespmem:s1+$0x0]  }
0x45: {  	v6 =	vld [tilespmem:s0+$0xFFFFFF00];
	v0 =	vadd.f32 v1, v0  }
0x46: {  	v1 =	vld [tilespmem:s1+$0xFFFFFF00]  }
0x47: {  	[tilespmem:s0+$0x80] =	vst v0;
	v0 =	vld [tilespmem:s0+$0x90]  }
0x48: {  	v2 =	vadd.f32 v3, v2;
	v3 =	vld [tilespmem:s1+$0x90]  }
0x49: {  	v7 =	vld [tilespmem:s0+$0xFFFFFF10]  }
0x4a: {  	[tilespmem:s0+$0xFFFFFF80] =	vst v2;
	v2 =	vadd.f32 v5, v4;
	v4 =	vld [tilespmem:s0+$0xFFFFFF90]  }
0x4b: {  	v5 =	vld [tilespmem:s1+$0xFFFFFF90];
	v1 =	vadd.f32 v1, v6  }
0x4c: {  	[tilespmem:s0+$0x0] =	vst v2;
	v2 =	vld [tilespmem:s0+$0x10]  }
0x4d: {  	v6 =	vld [tilespmem:s1+$0x10];
	[tilespmem:s0+$0xFFFFFF00] =	vst v1;
	v0 =	vadd.f32 v3, v0  }
0x4e: {  	v1 =	vld [tilespmem:s1+$0xFFFFFF10]  }
0x4f: {  	[tilespmem:s0+$0x90] =	vst v0;
	v0 =	vld [tilespmem:s0+$0xA0]  }
0x50: {  	v3 =	vadd.f32 v5, v4;
	v4 =	vld [tilespmem:s1+$0xA0]  }
0x51: {  	v5 =	vld [tilespmem:s0+$0xFFFFFF20]  }
0x52: {  	[tilespmem:s0+$0xFFFFFF90] =	vst v3;
	v2 =	vadd.f32 v6, v2;
	v3 =	vld [tilespmem:s0+$0xFFFFFFA0]  }
0x53: {  	v6 =	vld [tilespmem:s1+$0xFFFFFFA0];
	v1 =	vadd.f32 v1, v7  }
0x54: {  	[tilespmem:s0+$0x10] =	vst v2;
	v2 =	vld [tilespmem:s0+$0x20]  }
0x55: {  	v7 =	vld [tilespmem:s1+$0x20];
	[tilespmem:s0+$0xFFFFFF10] =	vst v1;
	v0 =	vadd.f32 v4, v0  }
0x56: {  	v1 =	vld [tilespmem:s1+$0xFFFFFF20]  }
0x57: {  	[tilespmem:s0+$0xA0] =	vst v0;
	v0 =	vld [tilespmem:s0+$0xB0]  }
0x58: {  	v3 =	vadd.f32 v6, v3;
	v4 =	vld [tilespmem:s1+$0xB0]  }
0x59: {  	v6 =	vld [tilespmem:s0+$0xFFFFFF30]  }
0x5a: {  	[tilespmem:s0+$0xFFFFFFA0] =	vst v3;
	v2 =	vadd.f32 v7, v2;
	v3 =	vld [tilespmem:s0+$0xFFFFFFB0]  }
0x5b: {  	v7 =	vld [tilespmem:s1+$0xFFFFFFB0];
	v1 =	vadd.f32 v1, v5  }
0x5c: {  	[tilespmem:s0+$0x20] =	vst v2;
	v2 =	vld [tilespmem:s0+$0x30]  }
0x5d: {  	v5 =	vld [tilespmem:s1+$0x30];
	[tilespmem:s0+$0xFFFFFF20] =	vst v1;
	v0 =	vadd.f32 v4, v0  }
0x5e: {  	v1 =	vld [tilespmem:s1+$0xFFFFFF30]  }
0x5f: {  	[tilespmem:s0+$0xB0] =	vst v0;
	v0 =	vld [tilespmem:s0+$0xC0]  }
0x60: {  	v3 =	vadd.f32 v7, v3;
	v4 =	vld [tilespmem:s1+$0xC0]  }
0x61: {  	v7 =	vld [tilespmem:s0+$0xFFFFFF40]  }
0x62: {  	[tilespmem:s0+$0xFFFFFFB0] =	vst v3;
	v2 =	vadd.f32 v5, v2;
	v3 =	vld [tilespmem:s0+$0xFFFFFFC0]  }
0x63: {  	v5 =	vld [tilespmem:s1+$0xFFFFFFC0];
	v1 =	vadd.f32 v1, v6  }
0x64: {  	[tilespmem:s0+$0x30] =	vst v2;
	v2 =	vld [tilespmem:s0+$0x40]  }
0x65: {  	v6 =	vld [tilespmem:s1+$0x40];
	[tilespmem:s0+$0xFFFFFF30] =	vst v1;
	v0 =	vadd.f32 v4, v0  }
0x66: {  	v1 =	vld [tilespmem:s1+$0xFFFFFF40]  }
0x67: {  	[tilespmem:s0+$0xC0] =	vst v0;
	v0 =	vld [tilespmem:s0+$0xD0]  }
0x68: {  	v3 =	vadd.f32 v5, v3;
	v4 =	vld [tilespmem:s1+$0xD0]  }
0x69: {  	v5 =	vld [tilespmem:s0+$0xFFFFFF50]  }
0x6a: {  	[tilespmem:s0+$0xFFFFFFC0] =	vst v3;
	v2 =	vadd.f32 v6, v2;
	v3 =	vld [tilespmem:s0+$0xFFFFFFD0]  }
0x6b: {  	v6 =	vld [tilespmem:s1+$0xFFFFFFD0];
	v1 =	vadd.f32 v1, v7  }
0x6c: {  	[tilespmem:s0+$0x40] =	vst v2;
	v2 =	vld [tilespmem:s0+$0x50]  }
0x6d: {  	v7 =	vld [tilespmem:s1+$0x50];
	[tilespmem:s0+$0xFFFFFF40] =	vst v1;
	v0 =	vadd.f32 v4, v0  }
0x6e: {  	v1 =	vld [tilespmem:s1+$0xFFFFFF50]  }
0x6f: {  	[tilespmem:s0+$0xD0] =	vst v0;
	v0 =	vld [tilespmem:s0+$0xE0]  }
0x70: {  	v3 =	vadd.f32 v6, v3;
	v4 =	vld [tilespmem:s1+$0xE0]  }
0x71: {  	v6 =	vld [tilespmem:s0+$0xFFFFFF60]  }
0x72: {  	[tilespmem:s0+$0xFFFFFFD0] =	vst v3;
	v2 =	vadd.f32 v7, v2;
	v3 =	vld [tilespmem:s0+$0xFFFFFFE0]  }
0x73: {  	v7 =	vld [tilespmem:s1+$0xFFFFFFE0];
	v1 =	vadd.f32 v1, v5  }
0x74: {  	[tilespmem:s0+$0x50] =	vst v2;
	v2 =	vld [tilespmem:s0+$0x60]  }
0x75: {  	v5 =	vld [tilespmem:s1+$0x60];
	[tilespmem:s0+$0xFFFFFF50] =	vst v1;
	v0 =	vadd.f32 v4, v0  }
0x76: {  	v4 =	vld [tilespmem:s1+$0xFFFFFF60]  }
0x77: {  	v8 =	vld [tilespmem:s0+$0xF0];
	[tilespmem:s0+$0xE0] =	vst v0  }
0x78: {  	v1 =	vadd.f32 v7, v3;
	v7 =	vld [tilespmem:s1+$0xF0]  }
0x79: {  	v0 =	vld [tilespmem:s0+$0xFFFFFF70]  }
0x7a: {  	[tilespmem:s0+$0xFFFFFFE0] =	vst v1;
	v2 =	vadd.f32 v5, v2;
	v1 =	vld [tilespmem:s0+$0xFFFFFFF0]  }
0x7b: {  	v3 =	vld [tilespmem:s1+$0xFFFFFFF0];
	v4 =	vadd.f32 v4, v6  }
0x7c: {  	[tilespmem:s0+$0x60] =	vst v2;
	v2 =	vld [tilespmem:s0+$0x70]  }
0x7d: {  	[tilespmem:s0+$0xFFFFFF60] =	vst v4;
	v4 =	vld [tilespmem:s1+$0x70];
	v6 =	vadd.f32 v7, v8  }
0x7e: {  	s19 =	sshll.u32 s31, $0x1;
	s8 =	simm.s32 $0x0;
	s9 =	simm.s32 $0x700;
	v5 =	vld [tilespmem:s1+$0xFFFFFF70]  }
.LBB2_7:
0x7f: {  	v7 =	vld [tilespmem:s9+$0x80];
	[tilespmem:s0+$0xF0] =	vst v6;
	s1 =	sadd.s32 $0x200, s1  }
0x80: {  	s8 =	sadd.s32 $0x4, s8;
	v6 =	vld [tilespmem:s1+$0x80];
	v1 =	vadd.f32 v3, v1  }
0x81: {  	p0 =	slt.u32 s8, $0xC4;
	v3 =	vld [tilespmem:s1+$0xFFFFFF00]  }
0x82: {  	v8 =	vld [tilespmem:s9+$0xFFFFFF80];
	[tilespmem:s0+$0xFFFFFFF0] =	vst v1;
	v1 =	vadd.f32 v4, v2  }
0x83: {  	v2 =	vld [tilespmem:s1+$0xFFFFFF80];
	v0 =	vadd.f32 v5, v0  }
0x84: {  	v4 =	vld [tilespmem:s9+$0x0];
	[tilespmem:s0+$0x70] =	vst v1  }
0x85: {  	v1 =	vld [tilespmem:s1+$0x0];
	v5 =	vadd.f32 v6, v7;
	[tilespmem:s0+$0xFFFFFF70] =	vst v0;
	s0 =	smov.u32 s9  }
0x86: {  	v0 =	vld [tilespmem:s9+$0xFFFFFF00]  }
0x87: {  	[tilespmem:s9+$0x80] =	vst v5;
	v5 =	vld [tilespmem:s9+$0x90]  }
0x88: {  	v2 =	vadd.f32 v2, v8;
	v6 =	vld [tilespmem:s1+$0x90]  }
0x89: {  	v7 =	vld [tilespmem:s9+$0xFFFFFF10]  }
0x8a: {  	[tilespmem:s9+$0xFFFFFF80] =	vst v2;
	v2 =	vld [tilespmem:s9+$0xFFFFFF90];
	v1 =	vadd.f32 v1, v4  }
0x8b: {  	v0 =	vadd.f32 v3, v0;
	v3 =	vld [tilespmem:s1+$0xFFFFFF90]  }
0x8c: {  	[tilespmem:s9+$0x0] =	vst v1;
	v1 =	vld [tilespmem:s9+$0x10]  }
0x8d: {  	[tilespmem:s9+$0xFFFFFF00] =	vst v0;
	v0 =	vld [tilespmem:s1+$0x10];
	v4 =	vadd.f32 v6, v5  }
0x8e: {  	v5 =	vld [tilespmem:s1+$0xFFFFFF10]  }
0x8f: {  	[tilespmem:s9+$0x90] =	vst v4;
	v4 =	vld [tilespmem:s9+$0xA0]  }
0x90: {  	v2 =	vadd.f32 v3, v2;
	v3 =	vld [tilespmem:s1+$0xA0]  }
0x91: {  	v6 =	vld [tilespmem:s9+$0xFFFFFF20]  }
0x92: {  	[tilespmem:s9+$0xFFFFFF90] =	vst v2;
	v2 =	vld [tilespmem:s9+$0xFFFFFFA0];
	v0 =	vadd.f32 v0, v1  }
0x93: {  	v1 =	vadd.f32 v5, v7;
	v5 =	vld [tilespmem:s1+$0xFFFFFFA0]  }
0x94: {  	[tilespmem:s9+$0x10] =	vst v0;
	v0 =	vld [tilespmem:s9+$0x20]  }
0x95: {  	[tilespmem:s9+$0xFFFFFF10] =	vst v1;
	v1 =	vld [tilespmem:s1+$0x20];
	v3 =	vadd.f32 v3, v4  }
0x96: {  	v4 =	vld [tilespmem:s1+$0xFFFFFF20]  }
0x97: {  	[tilespmem:s9+$0xA0] =	vst v3;
	v3 =	vld [tilespmem:s9+$0xB0]  }
0x98: {  	v2 =	vadd.f32 v5, v2;
	v5 =	vld [tilespmem:s1+$0xB0]  }
0x99: {  	v7 =	vld [tilespmem:s9+$0xFFFFFF30]  }
0x9a: {  	[tilespmem:s9+$0xFFFFFFA0] =	vst v2;
	v2 =	vld [tilespmem:s9+$0xFFFFFFB0];
	v0 =	vadd.f32 v1, v0  }
0x9b: {  	v1 =	vadd.f32 v4, v6;
	v4 =	vld [tilespmem:s1+$0xFFFFFFB0]  }
0x9c: {  	[tilespmem:s9+$0x20] =	vst v0;
	v0 =	vld [tilespmem:s9+$0x30]  }
0x9d: {  	[tilespmem:s9+$0xFFFFFF20] =	vst v1;
	v1 =	vld [tilespmem:s1+$0x30];
	v3 =	vadd.f32 v5, v3  }
0x9e: {  	v5 =	vld [tilespmem:s1+$0xFFFFFF30]  }
0x9f: {  	[tilespmem:s9+$0xB0] =	vst v3;
	v3 =	vld [tilespmem:s9+$0xC0]  }
0xa0: {  	v2 =	vadd.f32 v4, v2;
	v4 =	vld [tilespmem:s1+$0xC0]  }
0xa1: {  	v6 =	vld [tilespmem:s9+$0xFFFFFF40]  }
0xa2: {  	[tilespmem:s9+$0xFFFFFFB0] =	vst v2;
	v2 =	vld [tilespmem:s9+$0xFFFFFFC0];
	v0 =	vadd.f32 v1, v0  }
0xa3: {  	v1 =	vadd.f32 v5, v7;
	v5 =	vld [tilespmem:s1+$0xFFFFFFC0]  }
0xa4: {  	[tilespmem:s9+$0x30] =	vst v0;
	v0 =	vld [tilespmem:s9+$0x40]  }
0xa5: {  	[tilespmem:s9+$0xFFFFFF30] =	vst v1;
	v1 =	vld [tilespmem:s1+$0x40];
	v3 =	vadd.f32 v4, v3  }
0xa6: {  	v4 =	vld [tilespmem:s1+$0xFFFFFF40]  }
0xa7: {  	[tilespmem:s9+$0xC0] =	vst v3;
	v3 =	vld [tilespmem:s9+$0xD0]  }
0xa8: {  	v2 =	vadd.f32 v5, v2;
	v5 =	vld [tilespmem:s1+$0xD0]  }
0xa9: {  	v7 =	vld [tilespmem:s9+$0xFFFFFF50]  }
0xaa: {  	[tilespmem:s9+$0xFFFFFFC0] =	vst v2;
	v2 =	vld [tilespmem:s9+$0xFFFFFFD0];
	v0 =	vadd.f32 v1, v0  }
0xab: {  	v1 =	vadd.f32 v4, v6;
	v4 =	vld [tilespmem:s1+$0xFFFFFFD0]  }
0xac: {  	[tilespmem:s9+$0x40] =	vst v0;
	v0 =	vld [tilespmem:s9+$0x50]  }
0xad: {  	[tilespmem:s9+$0xFFFFFF40] =	vst v1;
	v1 =	vld [tilespmem:s1+$0x50];
	v3 =	vadd.f32 v5, v3  }
0xae: {  	v5 =	vld [tilespmem:s1+$0xFFFFFF50]  }
0xaf: {  	[tilespmem:s9+$0xD0] =	vst v3;
	v3 =	vld [tilespmem:s9+$0xE0]  }
0xb0: {  	v2 =	vadd.f32 v4, v2;
	v4 =	vld [tilespmem:s1+$0xE0]  }
0xb1: {  	v6 =	vld [tilespmem:s9+$0xFFFFFF60]  }
0xb2: {  	[tilespmem:s9+$0xFFFFFFD0] =	vst v2;
	v2 =	vld [tilespmem:s9+$0xFFFFFFE0];
	v0 =	vadd.f32 v1, v0  }
0xb3: {  	v1 =	vadd.f32 v5, v7;
	v5 =	vld [tilespmem:s1+$0xFFFFFFE0]  }
0xb4: {  	[tilespmem:s9+$0x50] =	vst v0;
	v7 =	vld [tilespmem:s9+$0x60]  }
0xb5: {  	[tilespmem:s9+$0xFFFFFF50] =	vst v1;
	v8 =	vld [tilespmem:s1+$0x60];
	v0 =	vadd.f32 v4, v3  }
0xb6: {  	v3 =	vld [tilespmem:s1+$0xFFFFFF60]  }
0xb7: {  	[tilespmem:s9+$0xE0] =	vst v0;
	v9 =	vld [tilespmem:s9+$0xF0]  }
0xb8: {  	v1 =	vadd.f32 v5, v2;
	v5 =	vld [tilespmem:s1+$0xF0]  }
0xb9: {  	v0 =	vld [tilespmem:s9+$0xFFFFFF70]  }
.Ltmp3:
0xba: {  	[tilespmem:s9+$0xFFFFFFE0] =	vst v1;
	v1 =	vld [tilespmem:s9+$0xFFFFFFF0];
	v2 =	vadd.f32 v8, v7;
	(pc) =	sbr.rel @p0 .LBB2_7-.Ltmp3, $4  }
0xbb: {  	v4 =	vadd.f32 v3, v6;
	v3 =	vld [tilespmem:s1+$0xFFFFFFF0]  }
0xbc: {  	[tilespmem:s9+$0x60] =	vst v2;
	v2 =	vld [tilespmem:s9+$0x70]  }
0xbd: {  	[tilespmem:s9+$0xFFFFFF60] =	vst v4;
	v4 =	vld [tilespmem:s1+$0x70];
	v6 =	vadd.f32 v5, v9  }
0xbe: {  	s9 =	sadd.s32 $0x200, s9;
	v5 =	vld [tilespmem:s1+$0xFFFFFF70]  }
0xbf: {  	_ =	sdelay $0x1  }
0xc0: {  	s1 =	smul.u32 $0x190, s31;
	v1 =	vadd.f32 v3, v1  }
0xc1: {  	[tilespmem:s0+$0xF0] =	vst v6;
	v2 =	vadd.f32 v4, v2  }
0xc2: {  	s8 =	sadd.s32 s5, s1;
	[tilespmem:s0+$0xFFFFFFF0] =	vst v1;
	v0 =	vadd.f32 v5, v0  }
0xc3: {  	s8 =	sshll.u32 s8, $0x4;
	[tilespmem:s0+$0x70] =	vst v2  }
0xc4: {  	s10 =	sadd.s32 s7, s8;
	[tilespmem:s0+$0xFFFFFF70] =	vst v0  }
0xc5: {  	[hbm4b:s10+s2] =	stream.linear.scatter [tilespmem:s18], [sflag:$0x5], $0x6400, $0x38;
	[tilespmem:$0x19400] =	vst v63  }
0xc6: {  	_ =	swait.ge [sflag:s26], $0x6400  }
0xc7: {  	[sflag:s26] =	ssyncset.done $0x0  }
0xc8: {  	[sflag:s26] =	ssyncadd.s32 $0xFFFF9C00  }
0xc9: {  	s0 =	sor.u32 $0x1, s19;
	_ =	swait.ge [sflag:s26], $0x6400  }
0xca: {  	p0 =	sgt.u32 s0, $0x8;
	[sflag:s26] =	ssyncset.done $0x0  }
0xcb: {  	s8 =	simm.s32 @!p0 $0x3;
	[sflag:s26] =	ssyncadd.s32 $0xFFFF9C00  }
0xcc: {  	_ =	swait.ge @!p0 [sflag:s8], $0xC8  }
0xcd: {  	[sflag:s8] =	ssyncset.done @!p0 $0x0  }
0xce: {  	[sflag:s8] =	ssyncadd.s32 @!p0 $0xFFFFFF38  }
0xcf: {  	_ =	swait.ge @!p0 [sflag:s8], $0xC8  }
0xd0: {  	[sflag:s8] =	ssyncset.done @!p0 $0x0  }
0xd1: {  	[sflag:s8] =	ssyncadd.s32 @!p0 $0xFFFFFF38;
	s8 =	simm.s32 @!p0 $0x5  }
0xd2: {  	_ =	swait.ge @!p0 [sflag:s8], $0x6400  }
0xd3: {  	s9 =	simm.s32 @!p0 $0x0;
	s19 =	simm.s32 @!p0 $0x400;
	[sflag:s8] =	ssyncset.done @!p0 $0x0  }
0xd4: {  	s1 =	sadd.s32 @!p0 s1, s13;
	[sflag:s8] =	ssyncadd.s32 @!p0 $0xFFFF9C00;
	s8 =	simm.s32 @!p0 $0xC8  }
0xd5: {  	[tilespmem:s19], [sflag:$0x1] =	stream.indirect.gather @!p0 [hbm4b:s3+s8], $0x80, s9, s8, $0xb8;
	[tilespmem:$0x19400] =	vst v63  }
0xd6: {  	s10 =	simm.s32 @!p0 $0x6800;
	s1 =	sshrl.u32 @!p0 s1, $0x3;
	s19 =	simm.s32 @!p0 $0x100  }
0xd7: {  	[tilespmem:s10], [sflag:$0x1] =	stream.indirect.gather @!p0 [hbm4b:s3+s8], $0x80, s19, s8, $0xb8;
	[tilespmem:$0x19400] =	vst v63  }
0xd8: {  	s8 =	sadd.s32 @!p0 s4, s1;
	s10 =	simm.s32 @!p0 $0x200  }
0xd9: {  	[tilespmem:s10], [sflag:$0x4] =	stream.linear.gather @!p0 [hbm4b:s8+s9], $0xC8, $0x38;
	[tilespmem:$0x19400] =	vst v63  }
0xda: {  	s1 =	sadd.s32 @!p0 s6, s1;
	s8 =	simm.s32 @!p0 $0x300  }
0xdb: {  	[tilespmem:s8], [sflag:$0x4] =	stream.linear.gather @!p0 [hbm4b:s1+s9], $0xC8, $0x38;
	[tilespmem:$0x19400] =	vst v63  }
0xdc: {  	s1 =	simm.s32 $0xCD00  }
0xdd: {  	s19 =	simm.s32 $0x13100;
	v0 =	vld [tilespmem:s1+$0x80]  }
0xde: {  	v1 =	vld [tilespmem:s19+$0x80]  }
0xdf: {  	v2 =	vld [tilespmem:s1+$0xFFFFFF80]  }
0xe0: {  	v3 =	vld [tilespmem:s19+$0xFFFFFF80]  }
0xe1: {  	v4 =	vld [tilespmem:s1+$0x0]  }
0xe2: {  	v5 =	vld [tilespmem:s19+$0x0]  }
0xe3: {  	v6 =	vld [tilespmem:s1+$0xFFFFFF00];
	v0 =	vadd.f32 v1, v0  }
0xe4: {  	v1 =	vld [tilespmem:s19+$0xFFFFFF00]  }
0xe5: {  	[tilespmem:s1+$0x80] =	vst v0;
	v0 =	vld [tilespmem:s1+$0x90]  }
0xe6: {  	v2 =	vadd.f32 v3, v2;
	v3 =	vld [tilespmem:s19+$0x90]  }
0xe7: {  	v7 =	vld [tilespmem:s1+$0xFFFFFF10]  }
0xe8: {  	[tilespmem:s1+$0xFFFFFF80] =	vst v2;
	v2 =	vadd.f32 v5, v4;
	v4 =	vld [tilespmem:s1+$0xFFFFFF90]  }
0xe9: {  	v5 =	vld [tilespmem:s19+$0xFFFFFF90];
	v1 =	vadd.f32 v1, v6  }
0xea: {  	[tilespmem:s1+$0x0] =	vst v2;
	v2 =	vld [tilespmem:s1+$0x10]  }
0xeb: {  	v6 =	vld [tilespmem:s19+$0x10];
	[tilespmem:s1+$0xFFFFFF00] =	vst v1;
	v0 =	vadd.f32 v3, v0  }
0xec: {  	v1 =	vld [tilespmem:s19+$0xFFFFFF10]  }
0xed: {  	[tilespmem:s1+$0x90] =	vst v0;
	v0 =	vld [tilespmem:s1+$0xA0]  }
0xee: {  	v3 =	vadd.f32 v5, v4;
	v4 =	vld [tilespmem:s19+$0xA0]  }
0xef: {  	v5 =	vld [tilespmem:s1+$0xFFFFFF20]  }
0xf0: {  	[tilespmem:s1+$0xFFFFFF90] =	vst v3;
	v2 =	vadd.f32 v6, v2;
	v3 =	vld [tilespmem:s1+$0xFFFFFFA0]  }
0xf1: {  	v6 =	vld [tilespmem:s19+$0xFFFFFFA0];
	v1 =	vadd.f32 v1, v7  }
0xf2: {  	[tilespmem:s1+$0x10] =	vst v2;
	v2 =	vld [tilespmem:s1+$0x20]  }
0xf3: {  	v7 =	vld [tilespmem:s19+$0x20];
	[tilespmem:s1+$0xFFFFFF10] =	vst v1;
	v0 =	vadd.f32 v4, v0  }
0xf4: {  	v1 =	vld [tilespmem:s19+$0xFFFFFF20]  }
0xf5: {  	[tilespmem:s1+$0xA0] =	vst v0;
	v0 =	vld [tilespmem:s1+$0xB0]  }
0xf6: {  	v3 =	vadd.f32 v6, v3;
	v4 =	vld [tilespmem:s19+$0xB0]  }
0xf7: {  	v6 =	vld [tilespmem:s1+$0xFFFFFF30]  }
0xf8: {  	[tilespmem:s1+$0xFFFFFFA0] =	vst v3;
	v2 =	vadd.f32 v7, v2;
	v3 =	vld [tilespmem:s1+$0xFFFFFFB0]  }
0xf9: {  	v7 =	vld [tilespmem:s19+$0xFFFFFFB0];
	v1 =	vadd.f32 v1, v5  }
0xfa: {  	[tilespmem:s1+$0x20] =	vst v2;
	v2 =	vld [tilespmem:s1+$0x30]  }
0xfb: {  	v5 =	vld [tilespmem:s19+$0x30];
	[tilespmem:s1+$0xFFFFFF20] =	vst v1;
	v0 =	vadd.f32 v4, v0  }
0xfc: {  	v1 =	vld [tilespmem:s19+$0xFFFFFF30]  }
0xfd: {  	[tilespmem:s1+$0xB0] =	vst v0;
	v0 =	vld [tilespmem:s1+$0xC0]  }
0xfe: {  	v3 =	vadd.f32 v7, v3;
	v4 =	vld [tilespmem:s19+$0xC0]  }
0xff: {  	v7 =	vld [tilespmem:s1+$0xFFFFFF40]  }
0x100: {  	[tilespmem:s1+$0xFFFFFFB0] =	vst v3;
	v2 =	vadd.f32 v5, v2;
	v3 =	vld [tilespmem:s1+$0xFFFFFFC0]  }
0x101: {  	v5 =	vld [tilespmem:s19+$0xFFFFFFC0];
	v1 =	vadd.f32 v1, v6  }
0x102: {  	[tilespmem:s1+$0x30] =	vst v2;
	v2 =	vld [tilespmem:s1+$0x40]  }
0x103: {  	v6 =	vld [tilespmem:s19+$0x40];
	[tilespmem:s1+$0xFFFFFF30] =	vst v1;
	v0 =	vadd.f32 v4, v0  }
0x104: {  	v1 =	vld [tilespmem:s19+$0xFFFFFF40]  }
0x105: {  	[tilespmem:s1+$0xC0] =	vst v0;
	v0 =	vld [tilespmem:s1+$0xD0]  }
0x106: {  	v3 =	vadd.f32 v5, v3;
	v4 =	vld [tilespmem:s19+$0xD0]  }
0x107: {  	v5 =	vld [tilespmem:s1+$0xFFFFFF50]  }
0x108: {  	[tilespmem:s1+$0xFFFFFFC0] =	vst v3;
	v2 =	vadd.f32 v6, v2;
	v3 =	vld [tilespmem:s1+$0xFFFFFFD0]  }
0x109: {  	v6 =	vld [tilespmem:s19+$0xFFFFFFD0];
	v1 =	vadd.f32 v1, v7  }
0x10a: {  	[tilespmem:s1+$0x40] =	vst v2;
	v2 =	vld [tilespmem:s1+$0x50]  }
0x10b: {  	v7 =	vld [tilespmem:s19+$0x50];
	[tilespmem:s1+$0xFFFFFF40] =	vst v1;
	v0 =	vadd.f32 v4, v0  }
0x10c: {  	v1 =	vld [tilespmem:s19+$0xFFFFFF50]  }
0x10d: {  	[tilespmem:s1+$0xD0] =	vst v0;
	v0 =	vld [tilespmem:s1+$0xE0]  }
0x10e: {  	v3 =	vadd.f32 v6, v3;
	v4 =	vld [tilespmem:s19+$0xE0]  }
0x10f: {  	v6 =	vld [tilespmem:s1+$0xFFFFFF60]  }
0x110: {  	[tilespmem:s1+$0xFFFFFFD0] =	vst v3;
	v2 =	vadd.f32 v7, v2;
	v3 =	vld [tilespmem:s1+$0xFFFFFFE0]  }
0x111: {  	v7 =	vld [tilespmem:s19+$0xFFFFFFE0];
	v1 =	vadd.f32 v1, v5  }
0x112: {  	[tilespmem:s1+$0x50] =	vst v2;
	v2 =	vld [tilespmem:s1+$0x60]  }
0x113: {  	v5 =	vld [tilespmem:s19+$0x60];
	[tilespmem:s1+$0xFFFFFF50] =	vst v1;
	v0 =	vadd.f32 v4, v0  }
0x114: {  	v4 =	vld [tilespmem:s19+$0xFFFFFF60]  }
0x115: {  	v8 =	vld [tilespmem:s1+$0xF0];
	[tilespmem:s1+$0xE0] =	vst v0  }
0x116: {  	v1 =	vadd.f32 v7, v3;
	v7 =	vld [tilespmem:s19+$0xF0]  }
0x117: {  	v0 =	vld [tilespmem:s1+$0xFFFFFF70]  }
0x118: {  	[tilespmem:s1+$0xFFFFFFE0] =	vst v1;
	v2 =	vadd.f32 v5, v2;
	v1 =	vld [tilespmem:s1+$0xFFFFFFF0]  }
0x119: {  	v3 =	vld [tilespmem:s19+$0xFFFFFFF0];
	v4 =	vadd.f32 v4, v6  }
0x11a: {  	[tilespmem:s1+$0x60] =	vst v2;
	v2 =	vld [tilespmem:s1+$0x70]  }
0x11b: {  	[tilespmem:s1+$0xFFFFFF60] =	vst v4;
	v4 =	vld [tilespmem:s19+$0x70];
	v6 =	vadd.f32 v7, v8  }
0x11c: {  	s8 =	simm.s32 $0x0;
	s9 =	simm.s32 $0xCF00;
	v5 =	vld [tilespmem:s19+$0xFFFFFF70]  }
.LBB2_9:
0x11d: {  	v7 =	vld [tilespmem:s9+$0x80];
	[tilespmem:s1+$0xF0] =	vst v6;
	s19 =	sadd.s32 $0x200, s19  }
0x11e: {  	s8 =	sadd.s32 $0x4, s8;
	v6 =	vld [tilespmem:s19+$0x80];
	v1 =	vadd.f32 v3, v1  }
0x11f: {  	p0 =	slt.u32 s8, $0xC4;
	v3 =	vld [tilespmem:s19+$0xFFFFFF00]  }
0x120: {  	v8 =	vld [tilespmem:s9+$0xFFFFFF80];
	[tilespmem:s1+$0xFFFFFFF0] =	vst v1;
	v1 =	vadd.f32 v4, v2  }
0x121: {  	v2 =	vld [tilespmem:s19+$0xFFFFFF80];
	v0 =	vadd.f32 v5, v0  }
0x122: {  	v4 =	vld [tilespmem:s9+$0x0];
	[tilespmem:s1+$0x70] =	vst v1  }
0x123: {  	v1 =	vld [tilespmem:s19+$0x0];
	v5 =	vadd.f32 v6, v7;
	[tilespmem:s1+$0xFFFFFF70] =	vst v0;
	s1 =	smov.u32 s9  }
0x124: {  	v0 =	vld [tilespmem:s9+$0xFFFFFF00]  }
0x125: {  	[tilespmem:s9+$0x80] =	vst v5;
	v5 =	vld [tilespmem:s9+$0x90]  }
0x126: {  	v2 =	vadd.f32 v2, v8;
	v6 =	vld [tilespmem:s19+$0x90]  }
0x127: {  	v7 =	vld [tilespmem:s9+$0xFFFFFF10]  }
0x128: {  	[tilespmem:s9+$0xFFFFFF80] =	vst v2;
	v2 =	vld [tilespmem:s9+$0xFFFFFF90];
	v1 =	vadd.f32 v1, v4  }
0x129: {  	v0 =	vadd.f32 v3, v0;
	v3 =	vld [tilespmem:s19+$0xFFFFFF90]  }
0x12a: {  	[tilespmem:s9+$0x0] =	vst v1;
	v1 =	vld [tilespmem:s9+$0x10]  }
0x12b: {  	[tilespmem:s9+$0xFFFFFF00] =	vst v0;
	v0 =	vld [tilespmem:s19+$0x10];
	v4 =	vadd.f32 v6, v5  }
0x12c: {  	v5 =	vld [tilespmem:s19+$0xFFFFFF10]  }
0x12d: {  	[tilespmem:s9+$0x90] =	vst v4;
	v4 =	vld [tilespmem:s9+$0xA0]  }
0x12e: {  	v2 =	vadd.f32 v3, v2;
	v3 =	vld [tilespmem:s19+$0xA0]  }
0x12f: {  	v6 =	vld [tilespmem:s9+$0xFFFFFF20]  }
0x130: {  	[tilespmem:s9+$0xFFFFFF90] =	vst v2;
	v2 =	vld [tilespmem:s9+$0xFFFFFFA0];
	v0 =	vadd.f32 v0, v1  }
0x131: {  	v1 =	vadd.f32 v5, v7;
	v5 =	vld [tilespmem:s19+$0xFFFFFFA0]  }
0x132: {  	[tilespmem:s9+$0x10] =	vst v0;
	v0 =	vld [tilespmem:s9+$0x20]  }
0x133: {  	[tilespmem:s9+$0xFFFFFF10] =	vst v1;
	v1 =	vld [tilespmem:s19+$0x20];
	v3 =	vadd.f32 v3, v4  }
0x134: {  	v4 =	vld [tilespmem:s19+$0xFFFFFF20]  }
0x135: {  	[tilespmem:s9+$0xA0] =	vst v3;
	v3 =	vld [tilespmem:s9+$0xB0]  }
0x136: {  	v2 =	vadd.f32 v5, v2;
	v5 =	vld [tilespmem:s19+$0xB0]  }
0x137: {  	v7 =	vld [tilespmem:s9+$0xFFFFFF30]  }
0x138: {  	[tilespmem:s9+$0xFFFFFFA0] =	vst v2;
	v2 =	vld [tilespmem:s9+$0xFFFFFFB0];
	v0 =	vadd.f32 v1, v0  }
0x139: {  	v1 =	vadd.f32 v4, v6;
	v4 =	vld [tilespmem:s19+$0xFFFFFFB0]  }
0x13a: {  	[tilespmem:s9+$0x20] =	vst v0;
	v0 =	vld [tilespmem:s9+$0x30]  }
0x13b: {  	[tilespmem:s9+$0xFFFFFF20] =	vst v1;
	v1 =	vld [tilespmem:s19+$0x30];
	v3 =	vadd.f32 v5, v3  }
0x13c: {  	v5 =	vld [tilespmem:s19+$0xFFFFFF30]  }
0x13d: {  	[tilespmem:s9+$0xB0] =	vst v3;
	v3 =	vld [tilespmem:s9+$0xC0]  }
0x13e: {  	v2 =	vadd.f32 v4, v2;
	v4 =	vld [tilespmem:s19+$0xC0]  }
0x13f: {  	v6 =	vld [tilespmem:s9+$0xFFFFFF40]  }
0x140: {  	[tilespmem:s9+$0xFFFFFFB0] =	vst v2;
	v2 =	vld [tilespmem:s9+$0xFFFFFFC0];
	v0 =	vadd.f32 v1, v0  }
0x141: {  	v1 =	vadd.f32 v5, v7;
	v5 =	vld [tilespmem:s19+$0xFFFFFFC0]  }
0x142: {  	[tilespmem:s9+$0x30] =	vst v0;
	v0 =	vld [tilespmem:s9+$0x40]  }
0x143: {  	[tilespmem:s9+$0xFFFFFF30] =	vst v1;
	v1 =	vld [tilespmem:s19+$0x40];
	v3 =	vadd.f32 v4, v3  }
0x144: {  	v4 =	vld [tilespmem:s19+$0xFFFFFF40]  }
0x145: {  	[tilespmem:s9+$0xC0] =	vst v3;
	v3 =	vld [tilespmem:s9+$0xD0]  }
0x146: {  	v2 =	vadd.f32 v5, v2;
	v5 =	vld [tilespmem:s19+$0xD0]  }
0x147: {  	v7 =	vld [tilespmem:s9+$0xFFFFFF50]  }
0x148: {  	[tilespmem:s9+$0xFFFFFFC0] =	vst v2;
	v2 =	vld [tilespmem:s9+$0xFFFFFFD0];
	v0 =	vadd.f32 v1, v0  }
0x149: {  	v1 =	vadd.f32 v4, v6;
	v4 =	vld [tilespmem:s19+$0xFFFFFFD0]  }
0x14a: {  	[tilespmem:s9+$0x40] =	vst v0;
	v0 =	vld [tilespmem:s9+$0x50]  }
0x14b: {  	[tilespmem:s9+$0xFFFFFF40] =	vst v1;
	v1 =	vld [tilespmem:s19+$0x50];
	v3 =	vadd.f32 v5, v3  }
0x14c: {  	v5 =	vld [tilespmem:s19+$0xFFFFFF50]  }
0x14d: {  	[tilespmem:s9+$0xD0] =	vst v3;
	v3 =	vld [tilespmem:s9+$0xE0]  }
0x14e: {  	v2 =	vadd.f32 v4, v2;
	v4 =	vld [tilespmem:s19+$0xE0]  }
0x14f: {  	v6 =	vld [tilespmem:s9+$0xFFFFFF60]  }
0x150: {  	[tilespmem:s9+$0xFFFFFFD0] =	vst v2;
	v2 =	vld [tilespmem:s9+$0xFFFFFFE0];
	v0 =	vadd.f32 v1, v0  }
0x151: {  	v1 =	vadd.f32 v5, v7;
	v5 =	vld [tilespmem:s19+$0xFFFFFFE0]  }
0x152: {  	[tilespmem:s9+$0x50] =	vst v0;
	v7 =	vld [tilespmem:s9+$0x60]  }
0x153: {  	[tilespmem:s9+$0xFFFFFF50] =	vst v1;
	v8 =	vld [tilespmem:s19+$0x60];
	v0 =	vadd.f32 v4, v3  }
0x154: {  	v3 =	vld [tilespmem:s19+$0xFFFFFF60]  }
0x155: {  	[tilespmem:s9+$0xE0] =	vst v0;
	v9 =	vld [tilespmem:s9+$0xF0]  }
0x156: {  	v1 =	vadd.f32 v5, v2;
	v5 =	vld [tilespmem:s19+$0xF0]  }
0x157: {  	v0 =	vld [tilespmem:s9+$0xFFFFFF70]  }
.Ltmp4:
0x158: {  	[tilespmem:s9+$0xFFFFFFE0] =	vst v1;
	v1 =	vld [tilespmem:s9+$0xFFFFFFF0];
	v2 =	vadd.f32 v8, v7;
	(pc) =	sbr.rel @p0 .LBB2_9-.Ltmp4, $4  }
0x159: {  	v4 =	vadd.f32 v3, v6;
	v3 =	vld [tilespmem:s19+$0xFFFFFFF0]  }
0x15a: {  	[tilespmem:s9+$0x60] =	vst v2;
	v2 =	vld [tilespmem:s9+$0x70]  }
0x15b: {  	[tilespmem:s9+$0xFFFFFF60] =	vst v4;
	v4 =	vld [tilespmem:s19+$0x70];
	v6 =	vadd.f32 v5, v9  }
0x15c: {  	s9 =	sadd.s32 $0x200, s9;
	v5 =	vld [tilespmem:s19+$0xFFFFFF70]  }
0x15d: {  	_ = 	snop  }
0x15e: {  	s31 =	sadd.s32 $0x1, s31  }
0x15f: {  	s0 =	smul.u32 $0xC8, s0;
	v1 =	vadd.f32 v3, v1;
	p0 =	sne.s32 s31, $0x5  }
.Ltmp5:
0x160: {  	[tilespmem:s1+$0xF0] =	vst v6;
	v2 =	vadd.f32 v4, v2;
	(pc) =	sbr.rel @p0 .LBB2_2-.Ltmp5, $4  }
0x161: {  	s0 =	sadd.s32 s5, s0;
	[tilespmem:s1+$0xFFFFFFF0] =	vst v1;
	v0 =	vadd.f32 v5, v0  }
0x162: {  	s0 =	sshll.u32 s0, $0x4;
	[tilespmem:s1+$0x70] =	vst v2  }
0x163: {  	s0 =	sadd.s32 s7, s0;
	[tilespmem:s1+$0xFFFFFF70] =	vst v0  }
0x164: {  	[hbm4b:s0+s2] =	stream.linear.scatter [tilespmem:s24], [sflag:$0x6], $0x6400, $0x38;
	[tilespmem:$0x19400] =	vst v63  }
0x165: {  	s30 =	sadd.s32 $0x1, s30  }
0x166: {  	_ =	swait.ge [sflag:s28], $0x6400;
	p0 =	sne.s32 s30, s14  }
.Ltmp6:
0x167: {  	[sflag:s28] =	ssyncset.done $0x0;
	(pc) =	sbr.rel @p0 .LBB2_1-.Ltmp6, $4  }
0x168: {  	[sflag:s28] =	ssyncadd.s32 $0xFFFF9C00  }
0x169: {  	_ =	swait.ge [sflag:s29], $0x6400  }
0x16a: {  	[sflag:s29] =	ssyncset.done $0x0  }
0x16b: {  	[sflag:s29] =	ssyncadd.s32 $0xFFFF9C00  }
0x16c: {  	_ =	sfence.sel $0x180000  }
0x16d: {  	[bflag:$0x0] =	sbarrier.arrive $0xFFFF  }
0x16e: {  	_ =	strace $0x90000047  }
0x16f: {  	s0 =	stileid.u32;
	[bflag:$0x2] =	sbarrier.arrive $0xFFFF  }
0x170: {  	p0 =	sne.s32 s0, $0x0;
	s0 =	rddreg [dreg:$0x1]  }
0x171: {  	s0 =	sadd.s32 @!p0 $0x100000, s0  }
0x172: {  	[sflag:s0] =	ssyncadd.tile.s32 @!p0 $0x1;
	_ =	shalt  }
.Lfunc_end2:
_tile_overlayer_lowered:
.L_overlay_start_2:
0x173: {  	(tag) =	ssettag $0x2  }
0x174: {  	s0 =	rddreg [dreg:$0x0];
	s2 =	stileid.u32  }
0x175: {  	s1 =	rddreg [dreg:$0x1];
	p0 =	sne.s32 s2, $0x0  }
0x176: {  	s3 =	rddreg [dreg:$0x2];
	[bflag:$0x3] =	sbarrier.arrive $0xFFFF;
	s2 =	simm.s32 @!p0 $0x1C07  }
0x177: {  	[timem:s3], [sflag:s2] =	dma.local @!p0 [hbm:s0], s1  }
0x178: {  	s0 =	simm.s32 @!p0 $0x7  }
0x179: {  	_ =	swait.ge @!p0 [sflag:s0], s1  }
0x17a: {  	s1 =	ssub.s32 @!p0 $0x0, s1;
	[sflag:s0] =	ssyncset.done @!p0 $0x0  }
0x17b: {  	[sflag:s0] =	ssyncadd.s32 @!p0 s1  }
0x17c: {  	[bflag:$0x3] =	sbarrier.arrive $0xFFFF  }
0x17d: {  	_ =	shalt  }

// kernel: kernel.17.cloned.1.call-start
scs
__scs_entry_jumppad:
0x0: {  	(pc) =	sbr.rel $0x88, $3  }
0x1: {  	(tag) =	ssettag $0x0;
	lr =	simm.s32 $0x1  }
0x2: {  	[smem:$0x3F9A] =	sst lr;
	_ =	strace $0xD0000000  }
0x3: {  	_ = 	snop  }
0x4: {  	_ = 	snop  }
0x5: {  	_ = 	snop  }
0x6: {  	_ = 	snop  }
0x7: {  	_ = 	snop  }
__scs_overlays_trampoline_lowered:
0x8: {  	[smem:$0x3FA9] =	sst s0  }
0x9: {  	[smem:$0x3FAA] =	sst s1  }
0xa: {  	[smem:$0x3FAB] =	sst s2  }
0xb: {  	[smem:$0x3FAC] =	sst s3  }
0xc: {  	[smem:$0x3FAD] =	sst s4  }
0xd: {  	[smem:$0x3FAE] =	sst s5  }
0xe: {  	[smem:$0x3FAF] =	sst s6  }
0xf: {  	[smem:$0x3FB0] =	sst s7  }
0x10: {  	[smem:$0x3FB1] =	sst s8  }
0x11: {  	[smem:$0x3FB2] =	sst s9;
	s0 =	simm.s32 @!p0 $0x0  }
0x12: {  	s1 =	sld [smem:$0x3F98];
	s0 =	simm.s32 @p0 $0x1  }
0x13: {  	[smem:$0x3FB3] =	sst s0;
	s0 =	simm.s32 @!p1 $0x0  }
0x14: {  	s2 =	sld [smem:$0x3F97];
	s0 =	simm.s32 @p1 $0x1  }
0x15: {  	[smem:$0x3FB4] =	sst s0;
	s0 =	simm.s32 @!p2 $0x0  }
0x16: {  	s3 =	sld [smem:$0x3FDB];
	s0 =	simm.s32 @p2 $0x1  }
0x17: {  	s4 =	simm.s32 $0x1BF5;
	[smem:$0x3FB6] =	sst s0  }
0x18: {  	s0 =	sld [smem:$0x3F99];
	_ =	swait.ge [sflag:s4], $0x0  }
0x19: {  	s7 =	sld [smem:$0x3F9A]  }
0x1a: {  	s8 =	sadd.s32 $0xFFFFE003, lr  }
0x1b: {  	s9 =	sadd.s32 $0xFFFFFEF7, lr;
	s5 =	simm.s32 $0xFFFFFFFF;
	p2 =	slt.u32 s8, $0xFFFFF086  }
0x1c: {  	p1 =	slt.u32 s9, $0xF7A;
	s5 =	simm.s32 @!p2 $0x0  }
0x1d: {  	s5 =	simm.s32 @p1 $0x1;
	p0 =	seq.s32 s7, s2  }
0x1e: {  	s7 =	smul.u32 @!p0 $0xF7A, s2;
	p2 =	seq.s32 @!p0 s5, $0x0  }
0x1f: {  	s9 =	smul.u32 $0xF7A, s1;
	s8 =	simm.s32 @!p0 $0x1BF5;
	p2 =	por !p2, p0  }
0x20: {  	[sflag:s8] =	ssyncset.s32 @!p0 $0xFFFFF086;
	s6 =	sadd.s32 @!p0 s3, s7;
	s7 =	simm.s32 @!p0 $0x108  }
0x21: {  	s3 =	sadd.s32 s3, s9;
	s6 =	sadd.s32 @!p0 $0x88, s6;
	s7 =	simm.s32 @p2 $0x1082  }
0x22: {  	[simem:s7], [sflag:s8] =	dma.local @!p0 [hbm:s6], $0xF7A  }
0x23: {  	s9 =	sor.u32 $0xD0000000, s2;
	s6 =	simm.s32 $0x108;
	_ =	swait.ge @!p0 [sflag:s8], $0x0  }
0x24: {  	s3 =	sadd.s32 $0x88, s3;
	s6 =	simm.s32 @!p1 $0x1082;
	[sflag:s4] =	ssyncset.s32 $0xFFFFF086  }
0x25: {  	[simem:s6], [sflag:s4] =	dma.local [hbm:s3], $0xF7A  }
0x26: {  	[smem:$0x3F9A] =	sst s1;
	(tag) =	ssettag s2;
	_ =	strace s9  }
0x27: {  	s1 =	sld [smem:$0x3FAA]  }
0x28: {  	s2 =	sld [smem:$0x3FAB]  }
0x29: {  	s4 =	sld [smem:$0x3FAD]  }
0x2a: {  	p0 =	seq.s32 s5, $0x0;
	s5 =	sld [smem:$0x3FAE]  }
0x2b: {  	s6 =	sld [smem:$0x3FAF]  }
0x2c: {  	s7 =	sld [smem:$0x3FB0]  }
0x2d: {  	s3 =	simm.s32 $0x108;
	s8 =	sld [smem:$0x3FB1]  }
0x2e: {  	s3 =	simm.s32 @!p0 $0x1082;
	s9 =	sld [smem:$0x3FB2]  }
0x2f: {  	lr =	sadd.s32 s0, s3;
	s0 =	sld [smem:$0x3FA9]  }
0x30: {  	s3 =	sld [smem:$0x3FAC]  }
0x31: {  	[smem:$0x3FB5] =	sst s10  }
0x32: {  	s10 =	sld [smem:$0x3FB3];
	_ =	sdelay $0x3  }
0x33: {  	p0 =	seq.s32 s10, $0x1;
	s10 =	sld [smem:$0x3FB5];
	_ =	sdelay $0x3  }
0x34: {  	[smem:$0x3FB5] =	sst s10  }
0x35: {  	s10 =	sld [smem:$0x3FB4];
	_ =	sdelay $0x3  }
0x36: {  	p1 =	seq.s32 s10, $0x1;
	s10 =	sld [smem:$0x3FB5];
	_ =	sdelay $0x3  }
0x37: {  	[smem:$0x3FB5] =	sst s10  }
0x38: {  	s10 =	sld [smem:$0x3FB6]  }
0x39: {  	_ = 	snop;
	(pc) =	sbr.ind lr, $3  }
0x3a: {  	_ = 	snop  }
0x3b: {  	_ = 	snop  }
0x3c: {  	p2 =	seq.s32 s10, $0x1;
	s10 =	sld [smem:$0x3FB5]  }
0x3d: {  	_ =	shalt  }
0x3e: {  	_ =	shalt  }
0x3f: {  	_ =	shalt  }
0x40: {  	_ =	shalt  }
0x41: {  	_ =	shalt  }
0x42: {  	_ =	shalt  }
0x43: {  	_ =	shalt  }
0x44: {  	_ =	shalt  }
0x45: {  	_ =	shalt  }
0x46: {  	_ =	shalt  }
0x47: {  	_ =	shalt  }
0x48: {  	_ =	shalt  }
0x49: {  	_ =	shalt  }
0x4a: {  	_ =	shalt  }
0x4b: {  	_ =	shalt  }
0x4c: {  	_ =	shalt  }
0x4d: {  	_ =	shalt  }
0x4e: {  	_ =	shalt  }
0x4f: {  	_ =	shalt  }
0x50: {  	_ =	shalt  }
0x51: {  	_ =	shalt  }
0x52: {  	_ =	shalt  }
0x53: {  	_ =	shalt  }
0x54: {  	_ =	shalt  }
0x55: {  	_ =	shalt  }
0x56: {  	_ =	shalt  }
0x57: {  	_ =	shalt  }
0x58: {  	_ =	shalt  }
0x59: {  	_ =	shalt  }
0x5a: {  	_ =	shalt  }
0x5b: {  	_ =	shalt  }
0x5c: {  	_ =	shalt  }
0x5d: {  	_ =	shalt  }
0x5e: {  	_ =	shalt  }
0x5f: {  	_ =	shalt  }
0x60: {  	_ =	shalt  }
0x61: {  	_ =	shalt  }
0x62: {  	_ =	shalt  }
0x63: {  	_ =	shalt  }
0x64: {  	_ =	shalt  }
0x65: {  	_ =	shalt  }
0x66: {  	_ =	shalt  }
0x67: {  	_ =	shalt  }
0x68: {  	_ =	shalt  }
0x69: {  	_ =	shalt  }
0x6a: {  	_ =	shalt  }
0x6b: {  	_ =	shalt  }
0x6c: {  	_ =	shalt  }
0x6d: {  	_ =	shalt  }
0x6e: {  	_ =	shalt  }
0x6f: {  	_ =	shalt  }
0x70: {  	_ =	shalt  }
0x71: {  	_ =	shalt  }
0x72: {  	_ =	shalt  }
0x73: {  	_ =	shalt  }
0x74: {  	_ =	shalt  }
0x75: {  	_ =	shalt  }
0x76: {  	_ =	shalt  }
0x77: {  	_ =	shalt  }
0x78: {  	_ =	shalt  }
0x79: {  	_ =	shalt  }
0x7a: {  	_ =	shalt  }
0x7b: {  	_ =	shalt  }
0x7c: {  	_ =	shalt  }
0x7d: {  	_ =	shalt  }
0x7e: {  	_ =	shalt  }
0x7f: {  	_ =	shalt  }
0x80: {  	_ =	shalt  }
0x81: {  	_ =	shalt  }
0x82: {  	_ =	shalt  }
0x83: {  	_ =	shalt  }
0x84: {  	_ =	shalt  }
0x85: {  	_ =	shalt  }
0x86: {  	_ =	shalt  }
0x87: {  	_ =	shalt  }
.Lfunc_end0:
.L_simem_size_0:
called_computation.1_lowered:
.L_overlay_start_0:
0x88: {  	s2 =	sld [smem:$0x3FD9]  }
0x89: {  	s3 =	sld [smem:$0x3FFE];
	_ =	sdelay $0x1  }
0x8a: {  	s1 =	srdreg.scid  }
0x8b: {  	s0 =	sand.u32 $0x1, s1  }
0x8c: {  	s17 =	sshll.u32 s0, $0xA;
	s2 =	sadd.s32 s3, s2  }
0x8d: {  	s2 =	sadd.s32 s2, s17  }
0x8e: {  	[smem:$0x3FC1] =	sst s2  }
0x8f: {  	_ = 	snop  }
0x90: {  	(tm) =	ssettm $0x1  }
0x91: {  	s18 =	sld [smem:$0x3FFB];
	_ =	sdelay $0x3  }
0x92: {  	_ =	strace s18  }
0x93: {  	s2 =	sld [smem:$0x3FFC];
	_ =	sdelay $0x3  }
0x94: {  	_ =	strace s2  }
0x95: {  	s2 =	sld [smem:$0x3FFD];
	_ =	sdelay $0x3  }
0x96: {  	_ =	strace s2  }
0x97: {  	_ =	strace $0x8FFFFFFF  }
0x98: {  	s19 =	sld [smem:$0x3FDB];
	_ =	sdelay $0x1  }
0x99: {  	s20 =	simm.s32 $_scs_section_size  }
0x9a: {  	s4 =	simm.s32 $_size__tile_overlayer_lowered;
	s5 =	simm.s32 $_tile_overlayer_lowered  }
0x9b: {  	s6 =	simm.s32 $0x1BFF;
	s21 =	sshll.u32 s5, $0x1;
	s3 =	sadd.s32 s20, s19  }
0x9c: {  	s22 =	simm.s32 $0x0;
	s4 =	sshll.u32 s4, $0x1;
	s5 =	sadd.s32 s21, s3  }
0x9d: {  	[timem:s22], [sflag:s6] =	dma.local [hbm:s5], s4  }
0x9e: {  	_ =	swait.ge [sflag:s6], s4  }
0x9f: {  	s4 =	ssub.s32 $0x0, s4;
	[sflag:s6] =	ssyncset.done $0x0  }
0xa0: {  	[sflag:s6] =	ssyncadd.s32 s4;
	_ =	sdelay $0x1  }
0xa1: {  	s23 =	simm.s32 $0x1B8B  }
0xa2: {  	_ =	swait.ge [sflag:s23], $0x1  }
0xa3: {  	[sflag:s23] =	ssyncset.done $0x0  }
0xa4: {  	[sflag:s23] =	ssyncadd.s32 $0xFFFFFFFF  }
0xa5: {  	s4 =	sld [smem:$0x0]  }
0xa6: {  	s5 =	sand.u32 $0xFFFFFFFE, s1  }
0xa7: {  	p0 =	sne.s32 s1, s5  }
0xa8: {  	s5 =	sshll.u32 @p0 s5, $0xE  }
0xa9: {  	s5 =	sadd.s32 @p0 $0x11B8D, s5;
	s6 =	sshll.u32 @p0 s4, $0x11  }
0xaa: {  	s5 =	sor.u32 @p0 s6, s5  }
0xab: {  	[sflag:s5] =	ssyncadd.remote.s32 @p0 $0x1;
	_ =	sdelay $0x1  }
0xac: {  	s5 =	simm.s32 @p0 $0x1B8D  }
0xad: {  	_ =	swait.eq @p0 [sflag:s5], $0x1  }
0xae: {  	[sflag:s5] =	ssyncadd.s32 @p0 $0xFFFFFFFF  }
0xaf: {  	s6 =	sshll.u32 @!p0 s1, $0xE  }
0xb0: {  	s6 =	sor.u32 @!p0 $0x4000, s6;
	s5 =	simm.s32 @!p0 $0x1B8D  }
0xb1: {  	s4 =	sshll.u32 @!p0 s4, $0x11;
	s6 =	sadd.s32 @!p0 $0x11B8D, s6;
	_ =	swait.eq @!p0 [sflag:s5], $0x1  }
0xb2: {  	s4 =	sor.u32 @!p0 s4, s6;
	[sflag:s5] =	ssyncadd.s32 @!p0 $0xFFFFFFFF  }
0xb3: {  	s25 =	simm.s32 $0x1B8E;
	s24 =	sld [smem:$0x3FFE];
	[sflag:s4] =	ssyncadd.remote.s32 @!p0 $0x1  }
0xb4: {  	s26 =	simm.s32 $execute0_lowered;
	[smem:$0x3FD2] =	sst s25  }
0xb5: {  	s5 =	sshll.u32 s26, $0x1;
	_ =	strace $0x80000049;
	[dreg:$0x1] =	wrdreg $0xFFFFFFFF  }
0xb6: {  	s28 =	simm.s32 $_size_execute0_lowered;
	s3 =	sadd.s32 s3, s5;
	[dreg:$0x0] =	wrdreg $0x0  }
0xb7: {  	s5 =	sshll.u32 s28, $0x1;
	[dreg:$0x2] =	wrdreg s3  }
0xb8: {  	[dreg:$0x3] =	wrdreg s5  }
0xb9: {  	[dreg:$0x4] =	wrdreg $0xC0  }
0xba: {  	_ =	task [dreg:s22], $0x5FFFF  }
0xbb: {  	[dreg:$0x1] =	wrdreg $0xFFFFFFFF  }
0xbc: {  	[dreg:$0x0] =	wrdreg $0x60  }
0xbd: {  	[dreg:$0x2] =	wrdreg s24  }
0xbe: {  	[dreg:$0x3] =	wrdreg $0xA  }
0xbf: {  	_ =	task.clear_ibuf [dreg:s22], $0x4FFFF;
	_ =	strace $0x90000049  }
0xc0: {  	s29 =	simm.s32 $0xA;
	_ =	strace $0x8000004B  }
0xc1: {  	_ =	swait.ge [sflag:s29], $0x1  }
0xc2: {  	[sflag:s29] =	ssyncadd.s32 $0xFFFFFFFF  }
0xc3: {  	_ =	strace $0x9000004B  }
0xc4: {  	_ =	sfence  }
0xc5: {  	s30 =	sld [smem:$0x0];
	_ =	sdelay $0x2  }
0xc6: {  	s31 =	sshll.u32 s1, $0xD;
	s1 =	sshrl.u32 s1, $0x2  }
0xc7: {  	s4 =	sand.u32 $0x4000, s31;
	s1 =	sadd.s32 s1, s30  }
0xc8: {  	s0 =	sor.u32 s4, s0;
	s1 =	sshll.u32 s1, $0x11  }
0xc9: {  	s0 =	sor.u32 s1, s0  }
0xca: {  	s0 =	sadd.s32 $0x8F2B, s0  }
0xcb: {  	[sflag:s0] =	ssyncadd.remote.s32 $0x1  }
0xcc: {  	_ =	sfence.sel $0xFFFF  }
0xcd: {  	[dreg:$0x0] =	wrdreg $0xFFFFFFFF;
	(pc) =	sbr.abs _section_cstart, $3  }
0xce: {  	[dreg:$0x1] =	wrdreg $0xFFFFFFFF  }
0xcf: {  	_ =	task.clear_ibuf [dreg:s22], $0x2FFFF;
	_ =	strace $0x9FFFFFFF  }
0xd0: {  	(tm) =	ssettm $0x7FFFFFFF  }
0xd1: {  	_ =	shalt  }
tec
execute0_lowered:
.L_overlay_start_1:
0x0: {  	(tag) =	ssettag $0x1  }
0x1: {  	s0 =	rddreg [dreg:$0x0]  }
0x2: {  	s1 =	srdreg.scid;
	s3 =	stileid.u32  }
0x3: {  	s2 =	simm.s32 $0x0;
	s15 =	simm.s32 $0x100;
	s16 =	simm.s32 $0x3  }
0x4: {  	s17 =	simm.s32 $0xC8;
	s18 =	simm.s32 $0x400;
	s20 =	simm.s32 $0x200  }
0x5: {  	s21 =	simm.s32 $0x300;
	s22 =	simm.s32 $0x1;
	s28 =	simm.s32 $0x5  }
0x6: {  	s29 =	simm.s32 $0x6;
	s30 =	simm.s32 $0x0;
	s1 =	sand.u32 $0x1, s1  }
0x7: {  	s3 =	sshll.u32 s3, $0x1;
	[smem:$0x7FF] =	sst s2;
	s4 =	sadd.s32 $0x16600, s0  }
0x8: {  	s5 =	sadd.s32 $0xC800, s0;
	s3 =	sor.u32 s1, s3;
	s23 =	ssub.s32 $0x2, s1  }
0x9: {  	s6 =	sadd.s32 $0x2A00, s0;
	s3 =	smul.u32 $0x7D0, s3;
	s8 =	sshrl.u32 s23, $0x1  }
0xa: {  	s7 =	sadd.s32 $0x15E800, s0;
	_ =	strace $0x8000004A;
	s0 =	ssub.s32 s23, s8  }
0xb: {  	s23 =	simm.s32 $0x4;
	s24 =	sshrl.u32 s3, $0x3;
	s9 =	sadd.s32 $0xFAC8, s3  }
0xc: {  	s12 =	sadd.s32 $0xFB90, s3;
	s13 =	sadd.s32 $0xFC58, s3;
	s1 =	sadd.s32 $0x1F40, s24  }
0xd: {  	s14 =	smax.u32 s0, $0x1;
	s26 =	sshrl.u32 s9, $0x3;
	s25 =	sadd.s32 s5, s1  }
0xe: {  	s24 =	simm.s32 $0xCC00;
	s1 =	sadd.s32 s6, s1;
	[dreg:$0x2] =	wrdreg s25  }
0xf: {  	s31 =	sadd.s32 s5, s26;
	s11 =	sadd.s32 s6, s26;
	[dreg:$0x3] =	wrdreg s1  }
0x10: {  	s26 =	simm.s32 $0x2;
	[dreg:$0x4] =	wrdreg s31;
	s25 =	simm.s32 $0x13000  }
.LBB2_1:
0x11: {  	s0 =	rddreg [dreg:$0x2]  }
0x12: {  	[tilespmem:s2], [sflag:$0x3] =	stream.linear.gather [hbm4b:s0+s2], $0xC8, $0x38;
	[tilespmem:$0x19400] =	vst v63  }
0x13: {  	s9 =	rddreg [dreg:$0x3]  }
0x14: {  	[tilespmem:s15], [sflag:$0x3] =	stream.linear.gather [hbm4b:s9+s2], $0xC8, $0x38;
	[tilespmem:$0x19400] =	vst v63  }
0x15: {  	_ =	swait.ge [sflag:s16], $0xC8  }
0x16: {  	[sflag:s16] =	ssyncset.done $0x0  }
0x17: {  	[sflag:s16] =	ssyncadd.s32 $0xFFFFFF38  }
0x18: {  	_ =	swait.ge [sflag:s16], $0xC8  }
0x19: {  	[sflag:s16] =	ssyncset.done $0x0  }
0x1a: {  	[sflag:s16] =	ssyncadd.s32 $0xFFFFFF38  }
0x1b: {  	[tilespmem:s18], [sflag:$0x1] =	stream.indirect.gather [hbm4b:s4+s17], $0x80, s2, s17, $0xb8;
	[tilespmem:$0x19400] =	vst v63  }
0x1c: {  	s10 =	simm.s32 $0x6800  }
0x1d: {  	[tilespmem:s10], [sflag:$0x1] =	stream.indirect.gather [hbm4b:s4+s17], $0x80, s15, s17, $0xb8;
	[tilespmem:$0x19400] =	vst v63  }
0x1e: {  	s19 =	rddreg [dreg:$0x4]  }
0x1f: {  	[tilespmem:s20], [sflag:$0x4] =	stream.linear.gather [hbm4b:s19+s2], $0xC8, $0x38;
	[tilespmem:$0x19400] =	vst v63  }
0x20: {  	s31 =	simm.s32 $0x0  }
0x21: {  	[tilespmem:s21], [sflag:$0x4] =	stream.linear.gather [hbm4b:s11+s2], $0xC8, $0x38;
	[tilespmem:$0x19400] =	vst v63  }
.LBB2_2:
0x22: {  	_ =	swait.ge [sflag:s22], $0x6400  }
0x23: {  	[sflag:s22] =	ssyncset.done $0x0  }
0x24: {  	[sflag:s22] =	ssyncadd.s32 $0xFFFF9C00  }
0x25: {  	_ =	swait.ge [sflag:s22], $0x6400  }
0x26: {  	[sflag:s22] =	ssyncset.done $0x0  }
0x27: {  	[sflag:s22] =	ssyncadd.s32 $0xFFFF9C00  }
0x28: {  	p0 =	sne.s32 s31, $0x0;
	_ =	swait.ge [sflag:s23], $0xC8  }
.Ltmp0:
0x29: {  	[sflag:s23] =	ssyncset.done $0x0;
	(pc) =	sbr.rel @!p0 .LBB2_3-.Ltmp0, $4  }
0x2a: {  	[sflag:s23] =	ssyncadd.s32 $0xFFFFFF38  }
0x2b: {  	_ =	swait.ge [sflag:s23], $0xC8  }
0x2c: {  	[sflag:s23] =	ssyncset.done $0x0  }
0x2d: {  	[sflag:s23] =	ssyncadd.s32 $0xFFFFFF38  }
0x2e: {  	_ =	swait.ge [sflag:s29], $0x6400;
	p0 =	seq.s32 s31, $0x4  }
.Ltmp1:
0x2f: {  	[sflag:s29] =	ssyncset.done $0x0;
	(pc) =	sbr.rel @p0 .LBB2_6-.Ltmp1, $4  }
.Ltmp2:
0x30: {  	[sflag:s29] =	ssyncadd.s32 $0xFFFF9C00;
	(pc) =	sbr.rel @!p0 .LBB2_5-.Ltmp2, $4  }
0x31: {  	[tilespmem:s24], [sflag:$0x2] =	stream.indirect.gather [hbm4b:s4+s17], $0x80, s20, s17, $0xb8;
	[tilespmem:$0x19400] =	vst v63  }
0x32: {  	_ = 	snop  }
0x33: {  	[tilespmem:s25], [sflag:$0x2] =	stream.indirect.gather [hbm4b:s4+s17], $0x80, s21, s17, $0xb8;
	[tilespmem:$0x19400] =	vst v63  }
0x34: {  	_ = 	snop  }
.LBB2_3:
0x35: {  	[tilespmem:s24], [sflag:$0x2] =	stream.indirect.gather [hbm4b:s4+s17], $0x80, s20, s17, $0xb8;
	[tilespmem:$0x19400] =	vst v63  }
0x36: {  	_ = 	snop  }
0x37: {  	[tilespmem:s25], [sflag:$0x2] =	stream.indirect.gather [hbm4b:s4+s17], $0x80, s21, s17, $0xb8;
	[tilespmem:$0x19400] =	vst v63  }
.LBB2_5:
0x38: {  	s0 =	smul.u32 $0x190, s31;
	_ =	sdelay $0x1  }
0x39: {  	s0 =	sadd.s32 s0, s12  }
0x3a: {  	s0 =	sshrl.u32 s0, $0x3  }
0x3b: {  	s1 =	sadd.s32 s5, s0  }
0x3c: {  	[tilespmem:s2], [sflag:$0x3] =	stream.linear.gather [hbm4b:s1+s2], $0xC8, $0x38;
	[tilespmem:$0x19400] =	vst v63  }
0x3d: {  	s0 =	sadd.s32 s6, s0  }
0x3e: {  	[tilespmem:s15], [sflag:$0x3] =	stream.linear.gather [hbm4b:s0+s2], $0xC8, $0x38;
	[tilespmem:$0x19400] =	vst v63  }
.LBB2_6:
0x3f: {  	s0 =	simm.s32 $0x500  }
0x40: {  	s1 =	simm.s32 $0x6900;
	v0 =	vld [tilespmem:s0+$0x80]  }
0x41: {  	v1 =	vld [tilespmem:s1+$0x80]  }
0x42: {  	v2 =	vld [tilespmem:s0+$0xFFFFFF80]  }
0x43: {  	v3 =	vld [tilespmem:s1+$0xFFFFFF80]  }
0x44: {  	v4 =	vld [tilespmem:s0+$0x0]  }
0x45: {  	v5 =	vld [tilespmem:s1+$0x0]  }
0x46: {  	v6 =	vld [tilespmem:s0+$0xFFFFFF00];
	v0 =	vadd.f32 v1, v0  }
0x47: {  	v1 =	vld [tilespmem:s1+$0xFFFFFF00]  }
0x48: {  	[tilespmem:s0+$0x80] =	vst v0;
	v0 =	vld [tilespmem:s0+$0x90]  }
0x49: {  	v2 =	vadd.f32 v3, v2;
	v3 =	vld [tilespmem:s1+$0x90]  }
0x4a: {  	v7 =	vld [tilespmem:s0+$0xFFFFFF10]  }
0x4b: {  	[tilespmem:s0+$0xFFFFFF80] =	vst v2;
	v2 =	vadd.f32 v5, v4;
	v4 =	vld [tilespmem:s0+$0xFFFFFF90]  }
0x4c: {  	v5 =	vld [tilespmem:s1+$0xFFFFFF90];
	v1 =	vadd.f32 v1, v6  }
0x4d: {  	[tilespmem:s0+$0x0] =	vst v2;
	v2 =	vld [tilespmem:s0+$0x10]  }
0x4e: {  	v6 =	vld [tilespmem:s1+$0x10];
	[tilespmem:s0+$0xFFFFFF00] =	vst v1;
	v0 =	vadd.f32 v3, v0  }
0x4f: {  	v1 =	vld [tilespmem:s1+$0xFFFFFF10]  }
0x50: {  	[tilespmem:s0+$0x90] =	vst v0;
	v0 =	vld [tilespmem:s0+$0xA0]  }
0x51: {  	v3 =	vadd.f32 v5, v4;
	v4 =	vld [tilespmem:s1+$0xA0]  }
0x52: {  	v5 =	vld [tilespmem:s0+$0xFFFFFF20]  }
0x53: {  	[tilespmem:s0+$0xFFFFFF90] =	vst v3;
	v2 =	vadd.f32 v6, v2;
	v3 =	vld [tilespmem:s0+$0xFFFFFFA0]  }
0x54: {  	v6 =	vld [tilespmem:s1+$0xFFFFFFA0];
	v1 =	vadd.f32 v1, v7  }
0x55: {  	[tilespmem:s0+$0x10] =	vst v2;
	v2 =	vld [tilespmem:s0+$0x20]  }
0x56: {  	v7 =	vld [tilespmem:s1+$0x20];
	[tilespmem:s0+$0xFFFFFF10] =	vst v1;
	v0 =	vadd.f32 v4, v0  }
0x57: {  	v1 =	vld [tilespmem:s1+$0xFFFFFF20]  }
0x58: {  	[tilespmem:s0+$0xA0] =	vst v0;
	v0 =	vld [tilespmem:s0+$0xB0]  }
0x59: {  	v3 =	vadd.f32 v6, v3;
	v4 =	vld [tilespmem:s1+$0xB0]  }
0x5a: {  	v6 =	vld [tilespmem:s0+$0xFFFFFF30]  }
0x5b: {  	[tilespmem:s0+$0xFFFFFFA0] =	vst v3;
	v2 =	vadd.f32 v7, v2;
	v3 =	vld [tilespmem:s0+$0xFFFFFFB0]  }
0x5c: {  	v7 =	vld [tilespmem:s1+$0xFFFFFFB0];
	v1 =	vadd.f32 v1, v5  }
0x5d: {  	[tilespmem:s0+$0x20] =	vst v2;
	v2 =	vld [tilespmem:s0+$0x30]  }
0x5e: {  	v5 =	vld [tilespmem:s1+$0x30];
	[tilespmem:s0+$0xFFFFFF20] =	vst v1;
	v0 =	vadd.f32 v4, v0  }
0x5f: {  	v1 =	vld [tilespmem:s1+$0xFFFFFF30]  }
0x60: {  	[tilespmem:s0+$0xB0] =	vst v0;
	v0 =	vld [tilespmem:s0+$0xC0]  }
0x61: {  	v3 =	vadd.f32 v7, v3;
	v4 =	vld [tilespmem:s1+$0xC0]  }
0x62: {  	v7 =	vld [tilespmem:s0+$0xFFFFFF40]  }
0x63: {  	[tilespmem:s0+$0xFFFFFFB0] =	vst v3;
	v2 =	vadd.f32 v5, v2;
	v3 =	vld [tilespmem:s0+$0xFFFFFFC0]  }
0x64: {  	v5 =	vld [tilespmem:s1+$0xFFFFFFC0];
	v1 =	vadd.f32 v1, v6  }
0x65: {  	[tilespmem:s0+$0x30] =	vst v2;
	v2 =	vld [tilespmem:s0+$0x40]  }
0x66: {  	v6 =	vld [tilespmem:s1+$0x40];
	[tilespmem:s0+$0xFFFFFF30] =	vst v1;
	v0 =	vadd.f32 v4, v0  }
0x67: {  	v1 =	vld [tilespmem:s1+$0xFFFFFF40]  }
0x68: {  	[tilespmem:s0+$0xC0] =	vst v0;
	v0 =	vld [tilespmem:s0+$0xD0]  }
0x69: {  	v3 =	vadd.f32 v5, v3;
	v4 =	vld [tilespmem:s1+$0xD0]  }
0x6a: {  	v5 =	vld [tilespmem:s0+$0xFFFFFF50]  }
0x6b: {  	[tilespmem:s0+$0xFFFFFFC0] =	vst v3;
	v2 =	vadd.f32 v6, v2;
	v3 =	vld [tilespmem:s0+$0xFFFFFFD0]  }
0x6c: {  	v6 =	vld [tilespmem:s1+$0xFFFFFFD0];
	v1 =	vadd.f32 v1, v7  }
0x6d: {  	[tilespmem:s0+$0x40] =	vst v2;
	v2 =	vld [tilespmem:s0+$0x50]  }
0x6e: {  	v7 =	vld [tilespmem:s1+$0x50];
	[tilespmem:s0+$0xFFFFFF40] =	vst v1;
	v0 =	vadd.f32 v4, v0  }
0x6f: {  	v1 =	vld [tilespmem:s1+$0xFFFFFF50]  }
0x70: {  	[tilespmem:s0+$0xD0] =	vst v0;
	v0 =	vld [tilespmem:s0+$0xE0]  }
0x71: {  	v3 =	vadd.f32 v6, v3;
	v4 =	vld [tilespmem:s1+$0xE0]  }
0x72: {  	v6 =	vld [tilespmem:s0+$0xFFFFFF60]  }
0x73: {  	[tilespmem:s0+$0xFFFFFFD0] =	vst v3;
	v2 =	vadd.f32 v7, v2;
	v3 =	vld [tilespmem:s0+$0xFFFFFFE0]  }
0x74: {  	v7 =	vld [tilespmem:s1+$0xFFFFFFE0];
	v1 =	vadd.f32 v1, v5  }
0x75: {  	[tilespmem:s0+$0x50] =	vst v2;
	v2 =	vld [tilespmem:s0+$0x60]  }
0x76: {  	v5 =	vld [tilespmem:s1+$0x60];
	[tilespmem:s0+$0xFFFFFF50] =	vst v1;
	v0 =	vadd.f32 v4, v0  }
0x77: {  	v4 =	vld [tilespmem:s1+$0xFFFFFF60]  }
0x78: {  	v8 =	vld [tilespmem:s0+$0xF0];
	[tilespmem:s0+$0xE0] =	vst v0  }
0x79: {  	v1 =	vadd.f32 v7, v3;
	v7 =	vld [tilespmem:s1+$0xF0]  }
0x7a: {  	v0 =	vld [tilespmem:s0+$0xFFFFFF70]  }
0x7b: {  	[tilespmem:s0+$0xFFFFFFE0] =	vst v1;
	v2 =	vadd.f32 v5, v2;
	v1 =	vld [tilespmem:s0+$0xFFFFFFF0]  }
0x7c: {  	v3 =	vld [tilespmem:s1+$0xFFFFFFF0];
	v4 =	vadd.f32 v4, v6  }
0x7d: {  	[tilespmem:s0+$0x60] =	vst v2;
	v2 =	vld [tilespmem:s0+$0x70]  }
0x7e: {  	[tilespmem:s0+$0xFFFFFF60] =	vst v4;
	v4 =	vld [tilespmem:s1+$0x70];
	v6 =	vadd.f32 v7, v8  }
0x7f: {  	s19 =	sshll.u32 s31, $0x1;
	s8 =	simm.s32 $0x0;
	s9 =	simm.s32 $0x700;
	v5 =	vld [tilespmem:s1+$0xFFFFFF70]  }
.LBB2_7:
0x80: {  	v7 =	vld [tilespmem:s9+$0x80];
	[tilespmem:s0+$0xF0] =	vst v6;
	s1 =	sadd.s32 $0x200, s1  }
0x81: {  	s8 =	sadd.s32 $0x4, s8;
	v6 =	vld [tilespmem:s1+$0x80];
	v1 =	vadd.f32 v3, v1  }
0x82: {  	p0 =	slt.u32 s8, $0xC4;
	v3 =	vld [tilespmem:s1+$0xFFFFFF00]  }
0x83: {  	v8 =	vld [tilespmem:s9+$0xFFFFFF80];
	[tilespmem:s0+$0xFFFFFFF0] =	vst v1;
	v1 =	vadd.f32 v4, v2  }
0x84: {  	v2 =	vld [tilespmem:s1+$0xFFFFFF80];
	v0 =	vadd.f32 v5, v0  }
0x85: {  	v4 =	vld [tilespmem:s9+$0x0];
	[tilespmem:s0+$0x70] =	vst v1  }
0x86: {  	v1 =	vld [tilespmem:s1+$0x0];
	v5 =	vadd.f32 v6, v7;
	[tilespmem:s0+$0xFFFFFF70] =	vst v0;
	s0 =	smov.u32 s9  }
0x87: {  	v0 =	vld [tilespmem:s9+$0xFFFFFF00]  }
0x88: {  	[tilespmem:s9+$0x80] =	vst v5;
	v5 =	vld [tilespmem:s9+$0x90]  }
0x89: {  	v2 =	vadd.f32 v2, v8;
	v6 =	vld [tilespmem:s1+$0x90]  }
0x8a: {  	v7 =	vld [tilespmem:s9+$0xFFFFFF10]  }
0x8b: {  	[tilespmem:s9+$0xFFFFFF80] =	vst v2;
	v2 =	vld [tilespmem:s9+$0xFFFFFF90];
	v1 =	vadd.f32 v1, v4  }
0x8c: {  	v0 =	vadd.f32 v3, v0;
	v3 =	vld [tilespmem:s1+$0xFFFFFF90]  }
0x8d: {  	[tilespmem:s9+$0x0] =	vst v1;
	v1 =	vld [tilespmem:s9+$0x10]  }
0x8e: {  	[tilespmem:s9+$0xFFFFFF00] =	vst v0;
	v0 =	vld [tilespmem:s1+$0x10];
	v4 =	vadd.f32 v6, v5  }
0x8f: {  	v5 =	vld [tilespmem:s1+$0xFFFFFF10]  }
0x90: {  	[tilespmem:s9+$0x90] =	vst v4;
	v4 =	vld [tilespmem:s9+$0xA0]  }
0x91: {  	v2 =	vadd.f32 v3, v2;
	v3 =	vld [tilespmem:s1+$0xA0]  }
0x92: {  	v6 =	vld [tilespmem:s9+$0xFFFFFF20]  }
0x93: {  	[tilespmem:s9+$0xFFFFFF90] =	vst v2;
	v2 =	vld [tilespmem:s9+$0xFFFFFFA0];
	v0 =	vadd.f32 v0, v1  }
0x94: {  	v1 =	vadd.f32 v5, v7;
	v5 =	vld [tilespmem:s1+$0xFFFFFFA0]  }
0x95: {  	[tilespmem:s9+$0x10] =	vst v0;
	v0 =	vld [tilespmem:s9+$0x20]  }
0x96: {  	[tilespmem:s9+$0xFFFFFF10] =	vst v1;
	v1 =	vld [tilespmem:s1+$0x20];
	v3 =	vadd.f32 v3, v4  }
0x97: {  	v4 =	vld [tilespmem:s1+$0xFFFFFF20]  }
0x98: {  	[tilespmem:s9+$0xA0] =	vst v3;
	v3 =	vld [tilespmem:s9+$0xB0]  }
0x99: {  	v2 =	vadd.f32 v5, v2;
	v5 =	vld [tilespmem:s1+$0xB0]  }
0x9a: {  	v7 =	vld [tilespmem:s9+$0xFFFFFF30]  }
0x9b: {  	[tilespmem:s9+$0xFFFFFFA0] =	vst v2;
	v2 =	vld [tilespmem:s9+$0xFFFFFFB0];
	v0 =	vadd.f32 v1, v0  }
0x9c: {  	v1 =	vadd.f32 v4, v6;
	v4 =	vld [tilespmem:s1+$0xFFFFFFB0]  }
0x9d: {  	[tilespmem:s9+$0x20] =	vst v0;
	v0 =	vld [tilespmem:s9+$0x30]  }
0x9e: {  	[tilespmem:s9+$0xFFFFFF20] =	vst v1;
	v1 =	vld [tilespmem:s1+$0x30];
	v3 =	vadd.f32 v5, v3  }
0x9f: {  	v5 =	vld [tilespmem:s1+$0xFFFFFF30]  }
0xa0: {  	[tilespmem:s9+$0xB0] =	vst v3;
	v3 =	vld [tilespmem:s9+$0xC0]  }
0xa1: {  	v2 =	vadd.f32 v4, v2;
	v4 =	vld [tilespmem:s1+$0xC0]  }
0xa2: {  	v6 =	vld [tilespmem:s9+$0xFFFFFF40]  }
0xa3: {  	[tilespmem:s9+$0xFFFFFFB0] =	vst v2;
	v2 =	vld [tilespmem:s9+$0xFFFFFFC0];
	v0 =	vadd.f32 v1, v0  }
0xa4: {  	v1 =	vadd.f32 v5, v7;
	v5 =	vld [tilespmem:s1+$0xFFFFFFC0]  }
0xa5: {  	[tilespmem:s9+$0x30] =	vst v0;
	v0 =	vld [tilespmem:s9+$0x40]  }
0xa6: {  	[tilespmem:s9+$0xFFFFFF30] =	vst v1;
	v1 =	vld [tilespmem:s1+$0x40];
	v3 =	vadd.f32 v4, v3  }
0xa7: {  	v4 =	vld [tilespmem:s1+$0xFFFFFF40]  }
0xa8: {  	[tilespmem:s9+$0xC0] =	vst v3;
	v3 =	vld [tilespmem:s9+$0xD0]  }
0xa9: {  	v2 =	vadd.f32 v5, v2;
	v5 =	vld [tilespmem:s1+$0xD0]  }
0xaa: {  	v7 =	vld [tilespmem:s9+$0xFFFFFF50]  }
0xab: {  	[tilespmem:s9+$0xFFFFFFC0] =	vst v2;
	v2 =	vld [tilespmem:s9+$0xFFFFFFD0];
	v0 =	vadd.f32 v1, v0  }
0xac: {  	v1 =	vadd.f32 v4, v6;
	v4 =	vld [tilespmem:s1+$0xFFFFFFD0]  }
0xad: {  	[tilespmem:s9+$0x40] =	vst v0;
	v0 =	vld [tilespmem:s9+$0x50]  }
0xae: {  	[tilespmem:s9+$0xFFFFFF40] =	vst v1;
	v1 =	vld [tilespmem:s1+$0x50];
	v3 =	vadd.f32 v5, v3  }
0xaf: {  	v5 =	vld [tilespmem:s1+$0xFFFFFF50]  }
0xb0: {  	[tilespmem:s9+$0xD0] =	vst v3;
	v3 =	vld [tilespmem:s9+$0xE0]  }
0xb1: {  	v2 =	vadd.f32 v4, v2;
	v4 =	vld [tilespmem:s1+$0xE0]  }
0xb2: {  	v6 =	vld [tilespmem:s9+$0xFFFFFF60]  }
0xb3: {  	[tilespmem:s9+$0xFFFFFFD0] =	vst v2;
	v2 =	vld [tilespmem:s9+$0xFFFFFFE0];
	v0 =	vadd.f32 v1, v0  }
0xb4: {  	v1 =	vadd.f32 v5, v7;
	v5 =	vld [tilespmem:s1+$0xFFFFFFE0]  }
0xb5: {  	[tilespmem:s9+$0x50] =	vst v0;
	v7 =	vld [tilespmem:s9+$0x60]  }
0xb6: {  	[tilespmem:s9+$0xFFFFFF50] =	vst v1;
	v8 =	vld [tilespmem:s1+$0x60];
	v0 =	vadd.f32 v4, v3  }
0xb7: {  	v3 =	vld [tilespmem:s1+$0xFFFFFF60]  }
0xb8: {  	[tilespmem:s9+$0xE0] =	vst v0;
	v9 =	vld [tilespmem:s9+$0xF0]  }
0xb9: {  	v1 =	vadd.f32 v5, v2;
	v5 =	vld [tilespmem:s1+$0xF0]  }
0xba: {  	v0 =	vld [tilespmem:s9+$0xFFFFFF70]  }
.Ltmp3:
0xbb: {  	[tilespmem:s9+$0xFFFFFFE0] =	vst v1;
	v1 =	vld [tilespmem:s9+$0xFFFFFFF0];
	v2 =	vadd.f32 v8, v7;
	(pc) =	sbr.rel @p0 .LBB2_7-.Ltmp3, $4  }
0xbc: {  	v4 =	vadd.f32 v3, v6;
	v3 =	vld [tilespmem:s1+$0xFFFFFFF0]  }
0xbd: {  	[tilespmem:s9+$0x60] =	vst v2;
	v2 =	vld [tilespmem:s9+$0x70]  }
0xbe: {  	[tilespmem:s9+$0xFFFFFF60] =	vst v4;
	v4 =	vld [tilespmem:s1+$0x70];
	v6 =	vadd.f32 v5, v9  }
0xbf: {  	s9 =	sadd.s32 $0x200, s9;
	v5 =	vld [tilespmem:s1+$0xFFFFFF70]  }
0xc0: {  	_ =	sdelay $0x1  }
0xc1: {  	s1 =	smul.u32 $0x190, s31;
	v1 =	vadd.f32 v3, v1  }
0xc2: {  	[tilespmem:s0+$0xF0] =	vst v6;
	v2 =	vadd.f32 v4, v2  }
0xc3: {  	s8 =	sadd.s32 s3, s1;
	[tilespmem:s0+$0xFFFFFFF0] =	vst v1;
	v0 =	vadd.f32 v5, v0  }
0xc4: {  	s8 =	sshll.u32 s8, $0x4;
	[tilespmem:s0+$0x70] =	vst v2  }
0xc5: {  	s10 =	sadd.s32 s7, s8;
	[tilespmem:s0+$0xFFFFFF70] =	vst v0  }
0xc6: {  	[hbm4b:s10+s2] =	stream.linear.scatter [tilespmem:s18], [sflag:$0x5], $0x6400, $0x38;
	[tilespmem:$0x19400] =	vst v63  }
0xc7: {  	_ =	swait.ge [sflag:s26], $0x6400  }
0xc8: {  	[sflag:s26] =	ssyncset.done $0x0  }
0xc9: {  	[sflag:s26] =	ssyncadd.s32 $0xFFFF9C00  }
0xca: {  	s0 =	sor.u32 $0x1, s19;
	_ =	swait.ge [sflag:s26], $0x6400  }
0xcb: {  	p0 =	sgt.u32 s0, $0x8;
	[sflag:s26] =	ssyncset.done $0x0  }
0xcc: {  	s8 =	simm.s32 @!p0 $0x3;
	[sflag:s26] =	ssyncadd.s32 $0xFFFF9C00  }
0xcd: {  	_ =	swait.ge @!p0 [sflag:s8], $0xC8  }
0xce: {  	[sflag:s8] =	ssyncset.done @!p0 $0x0  }
0xcf: {  	[sflag:s8] =	ssyncadd.s32 @!p0 $0xFFFFFF38  }
0xd0: {  	_ =	swait.ge @!p0 [sflag:s8], $0xC8  }
0xd1: {  	[sflag:s8] =	ssyncset.done @!p0 $0x0  }
0xd2: {  	[sflag:s8] =	ssyncadd.s32 @!p0 $0xFFFFFF38;
	s8 =	simm.s32 @!p0 $0x5  }
0xd3: {  	_ =	swait.ge @!p0 [sflag:s8], $0x6400  }
0xd4: {  	s9 =	simm.s32 @!p0 $0x0;
	s19 =	simm.s32 @!p0 $0x400;
	[sflag:s8] =	ssyncset.done @!p0 $0x0  }
0xd5: {  	s1 =	sadd.s32 @!p0 s1, s13;
	[sflag:s8] =	ssyncadd.s32 @!p0 $0xFFFF9C00;
	s8 =	simm.s32 @!p0 $0xC8  }
0xd6: {  	[tilespmem:s19], [sflag:$0x1] =	stream.indirect.gather @!p0 [hbm4b:s4+s8], $0x80, s9, s8, $0xb8;
	[tilespmem:$0x19400] =	vst v63  }
0xd7: {  	s10 =	simm.s32 @!p0 $0x6800;
	s1 =	sshrl.u32 @!p0 s1, $0x3;
	s19 =	simm.s32 @!p0 $0x100  }
0xd8: {  	[tilespmem:s10], [sflag:$0x1] =	stream.indirect.gather @!p0 [hbm4b:s4+s8], $0x80, s19, s8, $0xb8;
	[tilespmem:$0x19400] =	vst v63  }
0xd9: {  	s8 =	sadd.s32 @!p0 s5, s1;
	s10 =	simm.s32 @!p0 $0x200  }
0xda: {  	[tilespmem:s10], [sflag:$0x4] =	stream.linear.gather @!p0 [hbm4b:s8+s9], $0xC8, $0x38;
	[tilespmem:$0x19400] =	vst v63  }
0xdb: {  	s1 =	sadd.s32 @!p0 s6, s1;
	s8 =	simm.s32 @!p0 $0x300  }
0xdc: {  	[tilespmem:s8], [sflag:$0x4] =	stream.linear.gather @!p0 [hbm4b:s1+s9], $0xC8, $0x38;
	[tilespmem:$0x19400] =	vst v63  }
0xdd: {  	s1 =	simm.s32 $0xCD00  }
0xde: {  	s19 =	simm.s32 $0x13100;
	v0 =	vld [tilespmem:s1+$0x80]  }
0xdf: {  	v1 =	vld [tilespmem:s19+$0x80]  }
0xe0: {  	v2 =	vld [tilespmem:s1+$0xFFFFFF80]  }
0xe1: {  	v3 =	vld [tilespmem:s19+$0xFFFFFF80]  }
0xe2: {  	v4 =	vld [tilespmem:s1+$0x0]  }
0xe3: {  	v5 =	vld [tilespmem:s19+$0x0]  }
0xe4: {  	v6 =	vld [tilespmem:s1+$0xFFFFFF00];
	v0 =	vadd.f32 v1, v0  }
0xe5: {  	v1 =	vld [tilespmem:s19+$0xFFFFFF00]  }
0xe6: {  	[tilespmem:s1+$0x80] =	vst v0;
	v0 =	vld [tilespmem:s1+$0x90]  }
0xe7: {  	v2 =	vadd.f32 v3, v2;
	v3 =	vld [tilespmem:s19+$0x90]  }
0xe8: {  	v7 =	vld [tilespmem:s1+$0xFFFFFF10]  }
0xe9: {  	[tilespmem:s1+$0xFFFFFF80] =	vst v2;
	v2 =	vadd.f32 v5, v4;
	v4 =	vld [tilespmem:s1+$0xFFFFFF90]  }
0xea: {  	v5 =	vld [tilespmem:s19+$0xFFFFFF90];
	v1 =	vadd.f32 v1, v6  }
0xeb: {  	[tilespmem:s1+$0x0] =	vst v2;
	v2 =	vld [tilespmem:s1+$0x10]  }
0xec: {  	v6 =	vld [tilespmem:s19+$0x10];
	[tilespmem:s1+$0xFFFFFF00] =	vst v1;
	v0 =	vadd.f32 v3, v0  }
0xed: {  	v1 =	vld [tilespmem:s19+$0xFFFFFF10]  }
0xee: {  	[tilespmem:s1+$0x90] =	vst v0;
	v0 =	vld [tilespmem:s1+$0xA0]  }
0xef: {  	v3 =	vadd.f32 v5, v4;
	v4 =	vld [tilespmem:s19+$0xA0]  }
0xf0: {  	v5 =	vld [tilespmem:s1+$0xFFFFFF20]  }
0xf1: {  	[tilespmem:s1+$0xFFFFFF90] =	vst v3;
	v2 =	vadd.f32 v6, v2;
	v3 =	vld [tilespmem:s1+$0xFFFFFFA0]  }
0xf2: {  	v6 =	vld [tilespmem:s19+$0xFFFFFFA0];
	v1 =	vadd.f32 v1, v7  }
0xf3: {  	[tilespmem:s1+$0x10] =	vst v2;
	v2 =	vld [tilespmem:s1+$0x20]  }
0xf4: {  	v7 =	vld [tilespmem:s19+$0x20];
	[tilespmem:s1+$0xFFFFFF10] =	vst v1;
	v0 =	vadd.f32 v4, v0  }
0xf5: {  	v1 =	vld [tilespmem:s19+$0xFFFFFF20]  }
0xf6: {  	[tilespmem:s1+$0xA0] =	vst v0;
	v0 =	vld [tilespmem:s1+$0xB0]  }
0xf7: {  	v3 =	vadd.f32 v6, v3;
	v4 =	vld [tilespmem:s19+$0xB0]  }
0xf8: {  	v6 =	vld [tilespmem:s1+$0xFFFFFF30]  }
0xf9: {  	[tilespmem:s1+$0xFFFFFFA0] =	vst v3;
	v2 =	vadd.f32 v7, v2;
	v3 =	vld [tilespmem:s1+$0xFFFFFFB0]  }
0xfa: {  	v7 =	vld [tilespmem:s19+$0xFFFFFFB0];
	v1 =	vadd.f32 v1, v5  }
0xfb: {  	[tilespmem:s1+$0x20] =	vst v2;
	v2 =	vld [tilespmem:s1+$0x30]  }
0xfc: {  	v5 =	vld [tilespmem:s19+$0x30];
	[tilespmem:s1+$0xFFFFFF20] =	vst v1;
	v0 =	vadd.f32 v4, v0  }
0xfd: {  	v1 =	vld [tilespmem:s19+$0xFFFFFF30]  }
0xfe: {  	[tilespmem:s1+$0xB0] =	vst v0;
	v0 =	vld [tilespmem:s1+$0xC0]  }
0xff: {  	v3 =	vadd.f32 v7, v3;
	v4 =	vld [tilespmem:s19+$0xC0]  }
0x100: {  	v7 =	vld [tilespmem:s1+$0xFFFFFF40]  }
0x101: {  	[tilespmem:s1+$0xFFFFFFB0] =	vst v3;
	v2 =	vadd.f32 v5, v2;
	v3 =	vld [tilespmem:s1+$0xFFFFFFC0]  }
0x102: {  	v5 =	vld [tilespmem:s19+$0xFFFFFFC0];
	v1 =	vadd.f32 v1, v6  }
0x103: {  	[tilespmem:s1+$0x30] =	vst v2;
	v2 =	vld [tilespmem:s1+$0x40]  }
0x104: {  	v6 =	vld [tilespmem:s19+$0x40];
	[tilespmem:s1+$0xFFFFFF30] =	vst v1;
	v0 =	vadd.f32 v4, v0  }
0x105: {  	v1 =	vld [tilespmem:s19+$0xFFFFFF40]  }
0x106: {  	[tilespmem:s1+$0xC0] =	vst v0;
	v0 =	vld [tilespmem:s1+$0xD0]  }
0x107: {  	v3 =	vadd.f32 v5, v3;
	v4 =	vld [tilespmem:s19+$0xD0]  }
0x108: {  	v5 =	vld [tilespmem:s1+$0xFFFFFF50]  }
0x109: {  	[tilespmem:s1+$0xFFFFFFC0] =	vst v3;
	v2 =	vadd.f32 v6, v2;
	v3 =	vld [tilespmem:s1+$0xFFFFFFD0]  }
0x10a: {  	v6 =	vld [tilespmem:s19+$0xFFFFFFD0];
	v1 =	vadd.f32 v1, v7  }
0x10b: {  	[tilespmem:s1+$0x40] =	vst v2;
	v2 =	vld [tilespmem:s1+$0x50]  }
0x10c: {  	v7 =	vld [tilespmem:s19+$0x50];
	[tilespmem:s1+$0xFFFFFF40] =	vst v1;
	v0 =	vadd.f32 v4, v0  }
0x10d: {  	v1 =	vld [tilespmem:s19+$0xFFFFFF50]  }
0x10e: {  	[tilespmem:s1+$0xD0] =	vst v0;
	v0 =	vld [tilespmem:s1+$0xE0]  }
0x10f: {  	v3 =	vadd.f32 v6, v3;
	v4 =	vld [tilespmem:s19+$0xE0]  }
0x110: {  	v6 =	vld [tilespmem:s1+$0xFFFFFF60]  }
0x111: {  	[tilespmem:s1+$0xFFFFFFD0] =	vst v3;
	v2 =	vadd.f32 v7, v2;
	v3 =	vld [tilespmem:s1+$0xFFFFFFE0]  }
0x112: {  	v7 =	vld [tilespmem:s19+$0xFFFFFFE0];
	v1 =	vadd.f32 v1, v5  }
0x113: {  	[tilespmem:s1+$0x50] =	vst v2;
	v2 =	vld [tilespmem:s1+$0x60]  }
0x114: {  	v5 =	vld [tilespmem:s19+$0x60];
	[tilespmem:s1+$0xFFFFFF50] =	vst v1;
	v0 =	vadd.f32 v4, v0  }
0x115: {  	v4 =	vld [tilespmem:s19+$0xFFFFFF60]  }
0x116: {  	v8 =	vld [tilespmem:s1+$0xF0];
	[tilespmem:s1+$0xE0] =	vst v0  }
0x117: {  	v1 =	vadd.f32 v7, v3;
	v7 =	vld [tilespmem:s19+$0xF0]  }
0x118: {  	v0 =	vld [tilespmem:s1+$0xFFFFFF70]  }
0x119: {  	[tilespmem:s1+$0xFFFFFFE0] =	vst v1;
	v2 =	vadd.f32 v5, v2;
	v1 =	vld [tilespmem:s1+$0xFFFFFFF0]  }
0x11a: {  	v3 =	vld [tilespmem:s19+$0xFFFFFFF0];
	v4 =	vadd.f32 v4, v6  }
0x11b: {  	[tilespmem:s1+$0x60] =	vst v2;
	v2 =	vld [tilespmem:s1+$0x70]  }
0x11c: {  	[tilespmem:s1+$0xFFFFFF60] =	vst v4;
	v4 =	vld [tilespmem:s19+$0x70];
	v6 =	vadd.f32 v7, v8  }
0x11d: {  	s8 =	simm.s32 $0x0;
	s9 =	simm.s32 $0xCF00;
	v5 =	vld [tilespmem:s19+$0xFFFFFF70]  }
.LBB2_9:
0x11e: {  	v7 =	vld [tilespmem:s9+$0x80];
	[tilespmem:s1+$0xF0] =	vst v6;
	s19 =	sadd.s32 $0x200, s19  }
0x11f: {  	s8 =	sadd.s32 $0x4, s8;
	v6 =	vld [tilespmem:s19+$0x80];
	v1 =	vadd.f32 v3, v1  }
0x120: {  	p0 =	slt.u32 s8, $0xC4;
	v3 =	vld [tilespmem:s19+$0xFFFFFF00]  }
0x121: {  	v8 =	vld [tilespmem:s9+$0xFFFFFF80];
	[tilespmem:s1+$0xFFFFFFF0] =	vst v1;
	v1 =	vadd.f32 v4, v2  }
0x122: {  	v2 =	vld [tilespmem:s19+$0xFFFFFF80];
	v0 =	vadd.f32 v5, v0  }
0x123: {  	v4 =	vld [tilespmem:s9+$0x0];
	[tilespmem:s1+$0x70] =	vst v1  }
0x124: {  	v1 =	vld [tilespmem:s19+$0x0];
	v5 =	vadd.f32 v6, v7;
	[tilespmem:s1+$0xFFFFFF70] =	vst v0;
	s1 =	smov.u32 s9  }
0x125: {  	v0 =	vld [tilespmem:s9+$0xFFFFFF00]  }
0x126: {  	[tilespmem:s9+$0x80] =	vst v5;
	v5 =	vld [tilespmem:s9+$0x90]  }
0x127: {  	v2 =	vadd.f32 v2, v8;
	v6 =	vld [tilespmem:s19+$0x90]  }
0x128: {  	v7 =	vld [tilespmem:s9+$0xFFFFFF10]  }
0x129: {  	[tilespmem:s9+$0xFFFFFF80] =	vst v2;
	v2 =	vld [tilespmem:s9+$0xFFFFFF90];
	v1 =	vadd.f32 v1, v4  }
0x12a: {  	v0 =	vadd.f32 v3, v0;
	v3 =	vld [tilespmem:s19+$0xFFFFFF90]  }
0x12b: {  	[tilespmem:s9+$0x0] =	vst v1;
	v1 =	vld [tilespmem:s9+$0x10]  }
0x12c: {  	[tilespmem:s9+$0xFFFFFF00] =	vst v0;
	v0 =	vld [tilespmem:s19+$0x10];
	v4 =	vadd.f32 v6, v5  }
0x12d: {  	v5 =	vld [tilespmem:s19+$0xFFFFFF10]  }
0x12e: {  	[tilespmem:s9+$0x90] =	vst v4;
	v4 =	vld [tilespmem:s9+$0xA0]  }
0x12f: {  	v2 =	vadd.f32 v3, v2;
	v3 =	vld [tilespmem:s19+$0xA0]  }
0x130: {  	v6 =	vld [tilespmem:s9+$0xFFFFFF20]  }
0x131: {  	[tilespmem:s9+$0xFFFFFF90] =	vst v2;
	v2 =	vld [tilespmem:s9+$0xFFFFFFA0];
	v0 =	vadd.f32 v0, v1  }
0x132: {  	v1 =	vadd.f32 v5, v7;
	v5 =	vld [tilespmem:s19+$0xFFFFFFA0]  }
0x133: {  	[tilespmem:s9+$0x10] =	vst v0;
	v0 =	vld [tilespmem:s9+$0x20]  }
0x134: {  	[tilespmem:s9+$0xFFFFFF10] =	vst v1;
	v1 =	vld [tilespmem:s19+$0x20];
	v3 =	vadd.f32 v3, v4  }
0x135: {  	v4 =	vld [tilespmem:s19+$0xFFFFFF20]  }
0x136: {  	[tilespmem:s9+$0xA0] =	vst v3;
	v3 =	vld [tilespmem:s9+$0xB0]  }
0x137: {  	v2 =	vadd.f32 v5, v2;
	v5 =	vld [tilespmem:s19+$0xB0]  }
0x138: {  	v7 =	vld [tilespmem:s9+$0xFFFFFF30]  }
0x139: {  	[tilespmem:s9+$0xFFFFFFA0] =	vst v2;
	v2 =	vld [tilespmem:s9+$0xFFFFFFB0];
	v0 =	vadd.f32 v1, v0  }
0x13a: {  	v1 =	vadd.f32 v4, v6;
	v4 =	vld [tilespmem:s19+$0xFFFFFFB0]  }
0x13b: {  	[tilespmem:s9+$0x20] =	vst v0;
	v0 =	vld [tilespmem:s9+$0x30]  }
0x13c: {  	[tilespmem:s9+$0xFFFFFF20] =	vst v1;
	v1 =	vld [tilespmem:s19+$0x30];
	v3 =	vadd.f32 v5, v3  }
0x13d: {  	v5 =	vld [tilespmem:s19+$0xFFFFFF30]  }
0x13e: {  	[tilespmem:s9+$0xB0] =	vst v3;
	v3 =	vld [tilespmem:s9+$0xC0]  }
0x13f: {  	v2 =	vadd.f32 v4, v2;
	v4 =	vld [tilespmem:s19+$0xC0]  }
0x140: {  	v6 =	vld [tilespmem:s9+$0xFFFFFF40]  }
0x141: {  	[tilespmem:s9+$0xFFFFFFB0] =	vst v2;
	v2 =	vld [tilespmem:s9+$0xFFFFFFC0];
	v0 =	vadd.f32 v1, v0  }
0x142: {  	v1 =	vadd.f32 v5, v7;
	v5 =	vld [tilespmem:s19+$0xFFFFFFC0]  }
0x143: {  	[tilespmem:s9+$0x30] =	vst v0;
	v0 =	vld [tilespmem:s9+$0x40]  }
0x144: {  	[tilespmem:s9+$0xFFFFFF30] =	vst v1;
	v1 =	vld [tilespmem:s19+$0x40];
	v3 =	vadd.f32 v4, v3  }
0x145: {  	v4 =	vld [tilespmem:s19+$0xFFFFFF40]  }
0x146: {  	[tilespmem:s9+$0xC0] =	vst v3;
	v3 =	vld [tilespmem:s9+$0xD0]  }
0x147: {  	v2 =	vadd.f32 v5, v2;
	v5 =	vld [tilespmem:s19+$0xD0]  }
0x148: {  	v7 =	vld [tilespmem:s9+$0xFFFFFF50]  }
0x149: {  	[tilespmem:s9+$0xFFFFFFC0] =	vst v2;
	v2 =	vld [tilespmem:s9+$0xFFFFFFD0];
	v0 =	vadd.f32 v1, v0  }
0x14a: {  	v1 =	vadd.f32 v4, v6;
	v4 =	vld [tilespmem:s19+$0xFFFFFFD0]  }
0x14b: {  	[tilespmem:s9+$0x40] =	vst v0;
	v0 =	vld [tilespmem:s9+$0x50]  }
0x14c: {  	[tilespmem:s9+$0xFFFFFF40] =	vst v1;
	v1 =	vld [tilespmem:s19+$0x50];
	v3 =	vadd.f32 v5, v3  }
0x14d: {  	v5 =	vld [tilespmem:s19+$0xFFFFFF50]  }
0x14e: {  	[tilespmem:s9+$0xD0] =	vst v3;
	v3 =	vld [tilespmem:s9+$0xE0]  }
0x14f: {  	v2 =	vadd.f32 v4, v2;
	v4 =	vld [tilespmem:s19+$0xE0]  }
0x150: {  	v6 =	vld [tilespmem:s9+$0xFFFFFF60]  }
0x151: {  	[tilespmem:s9+$0xFFFFFFD0] =	vst v2;
	v2 =	vld [tilespmem:s9+$0xFFFFFFE0];
	v0 =	vadd.f32 v1, v0  }
0x152: {  	v1 =	vadd.f32 v5, v7;
	v5 =	vld [tilespmem:s19+$0xFFFFFFE0]  }
0x153: {  	[tilespmem:s9+$0x50] =	vst v0;
	v7 =	vld [tilespmem:s9+$0x60]  }
0x154: {  	[tilespmem:s9+$0xFFFFFF50] =	vst v1;
	v8 =	vld [tilespmem:s19+$0x60];
	v0 =	vadd.f32 v4, v3  }
0x155: {  	v3 =	vld [tilespmem:s19+$0xFFFFFF60]  }
0x156: {  	[tilespmem:s9+$0xE0] =	vst v0;
	v9 =	vld [tilespmem:s9+$0xF0]  }
0x157: {  	v1 =	vadd.f32 v5, v2;
	v5 =	vld [tilespmem:s19+$0xF0]  }
0x158: {  	v0 =	vld [tilespmem:s9+$0xFFFFFF70]  }
.Ltmp4:
0x159: {  	[tilespmem:s9+$0xFFFFFFE0] =	vst v1;
	v1 =	vld [tilespmem:s9+$0xFFFFFFF0];
	v2 =	vadd.f32 v8, v7;
	(pc) =	sbr.rel @p0 .LBB2_9-.Ltmp4, $4  }
0x15a: {  	v4 =	vadd.f32 v3, v6;
	v3 =	vld [tilespmem:s19+$0xFFFFFFF0]  }
0x15b: {  	[tilespmem:s9+$0x60] =	vst v2;
	v2 =	vld [tilespmem:s9+$0x70]  }
0x15c: {  	[tilespmem:s9+$0xFFFFFF60] =	vst v4;
	v4 =	vld [tilespmem:s19+$0x70];
	v6 =	vadd.f32 v5, v9  }
0x15d: {  	s9 =	sadd.s32 $0x200, s9;
	v5 =	vld [tilespmem:s19+$0xFFFFFF70]  }
0x15e: {  	_ = 	snop  }
0x15f: {  	s31 =	sadd.s32 $0x1, s31  }
0x160: {  	s0 =	smul.u32 $0xC8, s0;
	v1 =	vadd.f32 v3, v1;
	p0 =	sne.s32 s31, $0x5  }
.Ltmp5:
0x161: {  	[tilespmem:s1+$0xF0] =	vst v6;
	v2 =	vadd.f32 v4, v2;
	(pc) =	sbr.rel @p0 .LBB2_2-.Ltmp5, $4  }
0x162: {  	s0 =	sadd.s32 s3, s0;
	[tilespmem:s1+$0xFFFFFFF0] =	vst v1;
	v0 =	vadd.f32 v5, v0  }
0x163: {  	s0 =	sshll.u32 s0, $0x4;
	[tilespmem:s1+$0x70] =	vst v2  }
0x164: {  	s0 =	sadd.s32 s7, s0;
	[tilespmem:s1+$0xFFFFFF70] =	vst v0  }
0x165: {  	[hbm4b:s0+s2] =	stream.linear.scatter [tilespmem:s24], [sflag:$0x6], $0x6400, $0x38;
	[tilespmem:$0x19400] =	vst v63  }
0x166: {  	s30 =	sadd.s32 $0x1, s30  }
0x167: {  	_ =	swait.ge [sflag:s28], $0x6400;
	p0 =	sne.s32 s30, s14  }
.Ltmp6:
0x168: {  	[sflag:s28] =	ssyncset.done $0x0;
	(pc) =	sbr.rel @p0 .LBB2_1-.Ltmp6, $4  }
0x169: {  	[sflag:s28] =	ssyncadd.s32 $0xFFFF9C00  }
0x16a: {  	_ =	swait.ge [sflag:s29], $0x6400  }
0x16b: {  	[sflag:s29] =	ssyncset.done $0x0  }
0x16c: {  	[sflag:s29] =	ssyncadd.s32 $0xFFFF9C00  }
0x16d: {  	_ =	sfence.sel $0x180000  }
0x16e: {  	[bflag:$0x0] =	sbarrier.arrive $0xFFFF  }
0x16f: {  	_ =	strace $0x9000004A  }
0x170: {  	s0 =	stileid.u32;
	[bflag:$0x2] =	sbarrier.arrive $0xFFFF  }
0x171: {  	p0 =	sne.s32 s0, $0x0;
	s0 =	rddreg [dreg:$0x1]  }
0x172: {  	s0 =	sadd.s32 @!p0 $0x100000, s0  }
0x173: {  	[sflag:s0] =	ssyncadd.tile.s32 @!p0 $0x1;
	_ =	shalt  }
.Lfunc_end2:
_tile_overlayer_lowered:
.L_overlay_start_2:
0x174: {  	(tag) =	ssettag $0x2  }
0x175: {  	s0 =	rddreg [dreg:$0x0];
	s2 =	stileid.u32  }
0x176: {  	s1 =	rddreg [dreg:$0x1];
	p0 =	sne.s32 s2, $0x0  }
0x177: {  	s3 =	rddreg [dreg:$0x2];
	[bflag:$0x3] =	sbarrier.arrive $0xFFFF;
	s2 =	simm.s32 @!p0 $0x1C07  }
0x178: {  	[timem:s3], [sflag:s2] =	dma.local @!p0 [hbm:s0], s1  }
0x179: {  	s0 =	simm.s32 @!p0 $0x7  }
0x17a: {  	_ =	swait.ge @!p0 [sflag:s0], s1  }
0x17b: {  	s1 =	ssub.s32 @!p0 $0x0, s1;
	[sflag:s0] =	ssyncset.done @!p0 $0x0  }
0x17c: {  	[sflag:s0] =	ssyncadd.s32 @!p0 s1  }
0x17d: {  	[bflag:$0x3] =	sbarrier.arrive $0xFFFF  }
0x17e: {  	_ =	shalt  }

// kernel: kernel.20.cloned.1.call-start
scs
__scs_entry_jumppad:
0x0: {  	(pc) =	sbr.rel $0x88, $3  }
0x1: {  	(tag) =	ssettag $0x0;
	lr =	simm.s32 $0x1  }
0x2: {  	[smem:$0x3F9A] =	sst lr;
	_ =	strace $0xD0000000  }
0x3: {  	_ = 	snop  }
0x4: {  	_ = 	snop  }
0x5: {  	_ = 	snop  }
0x6: {  	_ = 	snop  }
0x7: {  	_ = 	snop  }
__scs_overlays_trampoline_lowered:
0x8: {  	[smem:$0x3FA9] =	sst s0  }
0x9: {  	[smem:$0x3FAA] =	sst s1  }
0xa: {  	[smem:$0x3FAB] =	sst s2  }
0xb: {  	[smem:$0x3FAC] =	sst s3  }
0xc: {  	[smem:$0x3FAD] =	sst s4  }
0xd: {  	[smem:$0x3FAE] =	sst s5  }
0xe: {  	[smem:$0x3FAF] =	sst s6  }
0xf: {  	[smem:$0x3FB0] =	sst s7  }
0x10: {  	[smem:$0x3FB1] =	sst s8  }
0x11: {  	[smem:$0x3FB2] =	sst s9;
	s0 =	simm.s32 @!p0 $0x0  }
0x12: {  	s1 =	sld [smem:$0x3F98];
	s0 =	simm.s32 @p0 $0x1  }
0x13: {  	[smem:$0x3FB3] =	sst s0;
	s0 =	simm.s32 @!p1 $0x0  }
0x14: {  	s2 =	sld [smem:$0x3F97];
	s0 =	simm.s32 @p1 $0x1  }
0x15: {  	[smem:$0x3FB4] =	sst s0;
	s0 =	simm.s32 @!p2 $0x0  }
0x16: {  	s3 =	sld [smem:$0x3FDB];
	s0 =	simm.s32 @p2 $0x1  }
0x17: {  	s4 =	simm.s32 $0x1BF5;
	[smem:$0x3FB6] =	sst s0  }
0x18: {  	s0 =	sld [smem:$0x3F99];
	_ =	swait.ge [sflag:s4], $0x0  }
0x19: {  	s7 =	sld [smem:$0x3F9A]  }
0x1a: {  	s8 =	sadd.s32 $0xFFFFE003, lr  }
0x1b: {  	s9 =	sadd.s32 $0xFFFFFEF7, lr;
	s5 =	simm.s32 $0xFFFFFFFF;
	p2 =	slt.u32 s8, $0xFFFFF086  }
0x1c: {  	p1 =	slt.u32 s9, $0xF7A;
	s5 =	simm.s32 @!p2 $0x0  }
0x1d: {  	s5 =	simm.s32 @p1 $0x1;
	p0 =	seq.s32 s7, s2  }
0x1e: {  	s7 =	smul.u32 @!p0 $0xF7A, s2;
	p2 =	seq.s32 @!p0 s5, $0x0  }
0x1f: {  	s9 =	smul.u32 $0xF7A, s1;
	s8 =	simm.s32 @!p0 $0x1BF5;
	p2 =	por !p2, p0  }
0x20: {  	[sflag:s8] =	ssyncset.s32 @!p0 $0xFFFFF086;
	s6 =	sadd.s32 @!p0 s3, s7;
	s7 =	simm.s32 @!p0 $0x108  }
0x21: {  	s3 =	sadd.s32 s3, s9;
	s6 =	sadd.s32 @!p0 $0x88, s6;
	s7 =	simm.s32 @p2 $0x1082  }
0x22: {  	[simem:s7], [sflag:s8] =	dma.local @!p0 [hbm:s6], $0xF7A  }
0x23: {  	s9 =	sor.u32 $0xD0000000, s2;
	s6 =	simm.s32 $0x108;
	_ =	swait.ge @!p0 [sflag:s8], $0x0  }
0x24: {  	s3 =	sadd.s32 $0x88, s3;
	s6 =	simm.s32 @!p1 $0x1082;
	[sflag:s4] =	ssyncset.s32 $0xFFFFF086  }
0x25: {  	[simem:s6], [sflag:s4] =	dma.local [hbm:s3], $0xF7A  }
0x26: {  	[smem:$0x3F9A] =	sst s1;
	(tag) =	ssettag s2;
	_ =	strace s9  }
0x27: {  	s1 =	sld [smem:$0x3FAA]  }
0x28: {  	s2 =	sld [smem:$0x3FAB]  }
0x29: {  	s4 =	sld [smem:$0x3FAD]  }
0x2a: {  	p0 =	seq.s32 s5, $0x0;
	s5 =	sld [smem:$0x3FAE]  }
0x2b: {  	s6 =	sld [smem:$0x3FAF]  }
0x2c: {  	s7 =	sld [smem:$0x3FB0]  }
0x2d: {  	s3 =	simm.s32 $0x108;
	s8 =	sld [smem:$0x3FB1]  }
0x2e: {  	s3 =	simm.s32 @!p0 $0x1082;
	s9 =	sld [smem:$0x3FB2]  }
0x2f: {  	lr =	sadd.s32 s0, s3;
	s0 =	sld [smem:$0x3FA9]  }
0x30: {  	s3 =	sld [smem:$0x3FAC]  }
0x31: {  	[smem:$0x3FB5] =	sst s10  }
0x32: {  	s10 =	sld [smem:$0x3FB3];
	_ =	sdelay $0x3  }
0x33: {  	p0 =	seq.s32 s10, $0x1;
	s10 =	sld [smem:$0x3FB5];
	_ =	sdelay $0x3  }
0x34: {  	[smem:$0x3FB5] =	sst s10  }
0x35: {  	s10 =	sld [smem:$0x3FB4];
	_ =	sdelay $0x3  }
0x36: {  	p1 =	seq.s32 s10, $0x1;
	s10 =	sld [smem:$0x3FB5];
	_ =	sdelay $0x3  }
0x37: {  	[smem:$0x3FB5] =	sst s10  }
0x38: {  	s10 =	sld [smem:$0x3FB6]  }
0x39: {  	_ = 	snop;
	(pc) =	sbr.ind lr, $3  }
0x3a: {  	_ = 	snop  }
0x3b: {  	_ = 	snop  }
0x3c: {  	p2 =	seq.s32 s10, $0x1;
	s10 =	sld [smem:$0x3FB5]  }
0x3d: {  	_ =	shalt  }
0x3e: {  	_ =	shalt  }
0x3f: {  	_ =	shalt  }
0x40: {  	_ =	shalt  }
0x41: {  	_ =	shalt  }
0x42: {  	_ =	shalt  }
0x43: {  	_ =	shalt  }
0x44: {  	_ =	shalt  }
0x45: {  	_ =	shalt  }
0x46: {  	_ =	shalt  }
0x47: {  	_ =	shalt  }
0x48: {  	_ =	shalt  }
0x49: {  	_ =	shalt  }
0x4a: {  	_ =	shalt  }
0x4b: {  	_ =	shalt  }
0x4c: {  	_ =	shalt  }
0x4d: {  	_ =	shalt  }
0x4e: {  	_ =	shalt  }
0x4f: {  	_ =	shalt  }
0x50: {  	_ =	shalt  }
0x51: {  	_ =	shalt  }
0x52: {  	_ =	shalt  }
0x53: {  	_ =	shalt  }
0x54: {  	_ =	shalt  }
0x55: {  	_ =	shalt  }
0x56: {  	_ =	shalt  }
0x57: {  	_ =	shalt  }
0x58: {  	_ =	shalt  }
0x59: {  	_ =	shalt  }
0x5a: {  	_ =	shalt  }
0x5b: {  	_ =	shalt  }
0x5c: {  	_ =	shalt  }
0x5d: {  	_ =	shalt  }
0x5e: {  	_ =	shalt  }
0x5f: {  	_ =	shalt  }
0x60: {  	_ =	shalt  }
0x61: {  	_ =	shalt  }
0x62: {  	_ =	shalt  }
0x63: {  	_ =	shalt  }
0x64: {  	_ =	shalt  }
0x65: {  	_ =	shalt  }
0x66: {  	_ =	shalt  }
0x67: {  	_ =	shalt  }
0x68: {  	_ =	shalt  }
0x69: {  	_ =	shalt  }
0x6a: {  	_ =	shalt  }
0x6b: {  	_ =	shalt  }
0x6c: {  	_ =	shalt  }
0x6d: {  	_ =	shalt  }
0x6e: {  	_ =	shalt  }
0x6f: {  	_ =	shalt  }
0x70: {  	_ =	shalt  }
0x71: {  	_ =	shalt  }
0x72: {  	_ =	shalt  }
0x73: {  	_ =	shalt  }
0x74: {  	_ =	shalt  }
0x75: {  	_ =	shalt  }
0x76: {  	_ =	shalt  }
0x77: {  	_ =	shalt  }
0x78: {  	_ =	shalt  }
0x79: {  	_ =	shalt  }
0x7a: {  	_ =	shalt  }
0x7b: {  	_ =	shalt  }
0x7c: {  	_ =	shalt  }
0x7d: {  	_ =	shalt  }
0x7e: {  	_ =	shalt  }
0x7f: {  	_ =	shalt  }
0x80: {  	_ =	shalt  }
0x81: {  	_ =	shalt  }
0x82: {  	_ =	shalt  }
0x83: {  	_ =	shalt  }
0x84: {  	_ =	shalt  }
0x85: {  	_ =	shalt  }
0x86: {  	_ =	shalt  }
0x87: {  	_ =	shalt  }
.Lfunc_end0:
.L_simem_size_0:
called_computation.2_lowered:
.L_overlay_start_0:
0x88: {  	s2 =	sld [smem:$0x3FD9]  }
0x89: {  	s3 =	sld [smem:$0x3FFE];
	_ =	sdelay $0x1  }
0x8a: {  	s1 =	srdreg.scid  }
0x8b: {  	s0 =	sand.u32 $0x1, s1  }
0x8c: {  	s17 =	sshll.u32 s0, $0xA;
	s2 =	sadd.s32 s3, s2  }
0x8d: {  	s2 =	sadd.s32 s2, s17  }
0x8e: {  	[smem:$0x3FC1] =	sst s2  }
0x8f: {  	_ = 	snop  }
0x90: {  	(tm) =	ssettm $0x1  }
0x91: {  	s18 =	sld [smem:$0x3FFB];
	_ =	sdelay $0x3  }
0x92: {  	_ =	strace s18  }
0x93: {  	s2 =	sld [smem:$0x3FFC];
	_ =	sdelay $0x3  }
0x94: {  	_ =	strace s2  }
0x95: {  	s2 =	sld [smem:$0x3FFD];
	_ =	sdelay $0x3  }
0x96: {  	_ =	strace s2  }
0x97: {  	_ =	strace $0x8FFFFFFF  }
0x98: {  	s19 =	sld [smem:$0x3FDB];
	_ =	sdelay $0x1  }
0x99: {  	s20 =	simm.s32 $_scs_section_size  }
0x9a: {  	s4 =	simm.s32 $_size__tile_overlayer_lowered;
	s5 =	simm.s32 $_tile_overlayer_lowered  }
0x9b: {  	s6 =	simm.s32 $0x1BFF;
	s21 =	sshll.u32 s5, $0x1;
	s3 =	sadd.s32 s20, s19  }
0x9c: {  	s22 =	simm.s32 $0x0;
	s4 =	sshll.u32 s4, $0x1;
	s5 =	sadd.s32 s21, s3  }
0x9d: {  	[timem:s22], [sflag:s6] =	dma.local [hbm:s5], s4  }
0x9e: {  	_ =	swait.ge [sflag:s6], s4  }
0x9f: {  	s4 =	ssub.s32 $0x0, s4;
	[sflag:s6] =	ssyncset.done $0x0  }
0xa0: {  	[sflag:s6] =	ssyncadd.s32 s4;
	_ =	sdelay $0x1  }
0xa1: {  	s23 =	simm.s32 $0x1B8B  }
0xa2: {  	_ =	swait.ge [sflag:s23], $0x1  }
0xa3: {  	[sflag:s23] =	ssyncset.done $0x0  }
0xa4: {  	[sflag:s23] =	ssyncadd.s32 $0xFFFFFFFF  }
0xa5: {  	s4 =	sld [smem:$0x0]  }
0xa6: {  	s5 =	sand.u32 $0xFFFFFFFE, s1  }
0xa7: {  	p0 =	sne.s32 s1, s5  }
0xa8: {  	s5 =	sshll.u32 @p0 s5, $0xE  }
0xa9: {  	s5 =	sadd.s32 @p0 $0x11B8D, s5;
	s6 =	sshll.u32 @p0 s4, $0x11  }
0xaa: {  	s5 =	sor.u32 @p0 s6, s5  }
0xab: {  	[sflag:s5] =	ssyncadd.remote.s32 @p0 $0x1;
	_ =	sdelay $0x1  }
0xac: {  	s5 =	simm.s32 @p0 $0x1B8D  }
0xad: {  	_ =	swait.eq @p0 [sflag:s5], $0x1  }
0xae: {  	[sflag:s5] =	ssyncadd.s32 @p0 $0xFFFFFFFF  }
0xaf: {  	s6 =	sshll.u32 @!p0 s1, $0xE  }
0xb0: {  	s6 =	sor.u32 @!p0 $0x4000, s6;
	s5 =	simm.s32 @!p0 $0x1B8D  }
0xb1: {  	s4 =	sshll.u32 @!p0 s4, $0x11;
	s6 =	sadd.s32 @!p0 $0x11B8D, s6;
	_ =	swait.eq @!p0 [sflag:s5], $0x1  }
0xb2: {  	s4 =	sor.u32 @!p0 s4, s6;
	[sflag:s5] =	ssyncadd.s32 @!p0 $0xFFFFFFFF  }
0xb3: {  	s25 =	simm.s32 $0x1B8E;
	s24 =	sld [smem:$0x3FFE];
	[sflag:s4] =	ssyncadd.remote.s32 @!p0 $0x1  }
0xb4: {  	s26 =	simm.s32 $execute0_lowered;
	[smem:$0x3FD2] =	sst s25  }
0xb5: {  	s5 =	sshll.u32 s26, $0x1;
	_ =	strace $0x8000004C;
	[dreg:$0x1] =	wrdreg $0xFFFFFFFF  }
0xb6: {  	s28 =	simm.s32 $_size_execute0_lowered;
	s3 =	sadd.s32 s3, s5;
	[dreg:$0x0] =	wrdreg $0x0  }
0xb7: {  	s5 =	sshll.u32 s28, $0x1;
	[dreg:$0x2] =	wrdreg s3  }
0xb8: {  	[dreg:$0x3] =	wrdreg s5  }
0xb9: {  	[dreg:$0x4] =	wrdreg $0xC0  }
0xba: {  	_ =	task [dreg:s22], $0x5FFFF  }
0xbb: {  	[dreg:$0x1] =	wrdreg $0xFFFFFFFF  }
0xbc: {  	[dreg:$0x0] =	wrdreg $0x60  }
0xbd: {  	[dreg:$0x2] =	wrdreg s24  }
0xbe: {  	[dreg:$0x3] =	wrdreg $0xB  }
0xbf: {  	_ =	task.clear_ibuf [dreg:s22], $0x4FFFF;
	_ =	strace $0x9000004C  }
0xc0: {  	s29 =	simm.s32 $0xB;
	_ =	strace $0x8000004E  }
0xc1: {  	_ =	swait.ge [sflag:s29], $0x1  }
0xc2: {  	[sflag:s29] =	ssyncadd.s32 $0xFFFFFFFF  }
0xc3: {  	_ =	strace $0x9000004E  }
0xc4: {  	_ =	sfence  }
0xc5: {  	s30 =	sld [smem:$0x0];
	_ =	sdelay $0x2  }
0xc6: {  	s31 =	sshll.u32 s1, $0xD;
	s1 =	sshrl.u32 s1, $0x2  }
0xc7: {  	s4 =	sand.u32 $0x4000, s31;
	s1 =	sadd.s32 s1, s30  }
0xc8: {  	s0 =	sor.u32 s4, s0;
	s1 =	sshll.u32 s1, $0x11  }
0xc9: {  	s0 =	sor.u32 s1, s0  }
0xca: {  	s0 =	sadd.s32 $0x8F2B, s0  }
0xcb: {  	[sflag:s0] =	ssyncadd.remote.s32 $0x1  }
0xcc: {  	_ =	sfence.sel $0xFFFF  }
0xcd: {  	[dreg:$0x0] =	wrdreg $0xFFFFFFFF;
	(pc) =	sbr.abs _section_cstart, $3  }
0xce: {  	[dreg:$0x1] =	wrdreg $0xFFFFFFFF  }
0xcf: {  	_ =	task.clear_ibuf [dreg:s22], $0x2FFFF;
	_ =	strace $0x9FFFFFFF  }
0xd0: {  	(tm) =	ssettm $0x7FFFFFFF  }
0xd1: {  	_ =	shalt  }
tec
execute0_lowered:
.L_overlay_start_1:
0x0: {  	(tag) =	ssettag $0x1  }
0x1: {  	s0 =	rddreg [dreg:$0x0]  }
0x2: {  	s1 =	srdreg.scid;
	s3 =	stileid.u32  }
0x3: {  	s2 =	simm.s32 $0x0;
	s15 =	simm.s32 $0x100;
	s16 =	simm.s32 $0x3  }
0x4: {  	s17 =	simm.s32 $0xC8;
	s18 =	simm.s32 $0x400;
	s20 =	simm.s32 $0x200  }
0x5: {  	s21 =	simm.s32 $0x300;
	s22 =	simm.s32 $0x1;
	s28 =	simm.s32 $0x5  }
0x6: {  	s29 =	simm.s32 $0x6;
	s30 =	simm.s32 $0x0;
	s1 =	sand.u32 $0x1, s1  }
0x7: {  	s3 =	sshll.u32 s3, $0x1;
	[smem:$0x7FF] =	sst s2;
	s4 =	sadd.s32 $0x16600, s0  }
0x8: {  	s5 =	sadd.s32 $0xC800, s0;
	s3 =	sor.u32 s1, s3;
	s23 =	ssub.s32 $0x2, s1  }
0x9: {  	s6 =	sadd.s32 $0x2A00, s0;
	s3 =	smul.u32 $0x7D0, s3;
	s8 =	sshrl.u32 s23, $0x1  }
0xa: {  	s7 =	sadd.s32 $0x258800, s0;
	_ =	strace $0x8000004D;
	s0 =	ssub.s32 s23, s8  }
0xb: {  	s23 =	simm.s32 $0x4;
	s24 =	sshrl.u32 s3, $0x3;
	s9 =	sadd.s32 $0x1F4C8, s3  }
0xc: {  	s12 =	sadd.s32 $0x1F590, s3;
	s13 =	sadd.s32 $0x1F658, s3;
	s1 =	sadd.s32 $0x3E80, s24  }
0xd: {  	s14 =	smax.u32 s0, $0x1;
	s26 =	sshrl.u32 s9, $0x3;
	s25 =	sadd.s32 s5, s1  }
0xe: {  	s24 =	simm.s32 $0xCC00;
	s1 =	sadd.s32 s6, s1;
	[dreg:$0x2] =	wrdreg s25  }
0xf: {  	s31 =	sadd.s32 s5, s26;
	s11 =	sadd.s32 s6, s26;
	[dreg:$0x3] =	wrdreg s1  }
0x10: {  	s26 =	simm.s32 $0x2;
	[dreg:$0x4] =	wrdreg s31;
	s25 =	simm.s32 $0x13000  }
.LBB2_1:
0x11: {  	s0 =	rddreg [dreg:$0x2]  }
0x12: {  	[tilespmem:s2], [sflag:$0x3] =	stream.linear.gather [hbm4b:s0+s2], $0xC8, $0x38;
	[tilespmem:$0x19400] =	vst v63  }
0x13: {  	s9 =	rddreg [dreg:$0x3]  }
0x14: {  	[tilespmem:s15], [sflag:$0x3] =	stream.linear.gather [hbm4b:s9+s2], $0xC8, $0x38;
	[tilespmem:$0x19400] =	vst v63  }
0x15: {  	_ =	swait.ge [sflag:s16], $0xC8  }
0x16: {  	[sflag:s16] =	ssyncset.done $0x0  }
0x17: {  	[sflag:s16] =	ssyncadd.s32 $0xFFFFFF38  }
0x18: {  	_ =	swait.ge [sflag:s16], $0xC8  }
0x19: {  	[sflag:s16] =	ssyncset.done $0x0  }
0x1a: {  	[sflag:s16] =	ssyncadd.s32 $0xFFFFFF38  }
0x1b: {  	[tilespmem:s18], [sflag:$0x1] =	stream.indirect.gather [hbm4b:s4+s17], $0x80, s2, s17, $0xb8;
	[tilespmem:$0x19400] =	vst v63  }
0x1c: {  	s10 =	simm.s32 $0x6800  }
0x1d: {  	[tilespmem:s10], [sflag:$0x1] =	stream.indirect.gather [hbm4b:s4+s17], $0x80, s15, s17, $0xb8;
	[tilespmem:$0x19400] =	vst v63  }
0x1e: {  	s19 =	rddreg [dreg:$0x4]  }
0x1f: {  	[tilespmem:s20], [sflag:$0x4] =	stream.linear.gather [hbm4b:s19+s2], $0xC8, $0x38;
	[tilespmem:$0x19400] =	vst v63  }
0x20: {  	s31 =	simm.s32 $0x0  }
0x21: {  	[tilespmem:s21], [sflag:$0x4] =	stream.linear.gather [hbm4b:s11+s2], $0xC8, $0x38;
	[tilespmem:$0x19400] =	vst v63  }
.LBB2_2:
0x22: {  	_ =	swait.ge [sflag:s22], $0x6400  }
0x23: {  	[sflag:s22] =	ssyncset.done $0x0  }
0x24: {  	[sflag:s22] =	ssyncadd.s32 $0xFFFF9C00  }
0x25: {  	_ =	swait.ge [sflag:s22], $0x6400  }
0x26: {  	[sflag:s22] =	ssyncset.done $0x0  }
0x27: {  	[sflag:s22] =	ssyncadd.s32 $0xFFFF9C00  }
0x28: {  	p0 =	sne.s32 s31, $0x0;
	_ =	swait.ge [sflag:s23], $0xC8  }
.Ltmp0:
0x29: {  	[sflag:s23] =	ssyncset.done $0x0;
	(pc) =	sbr.rel @!p0 .LBB2_3-.Ltmp0, $4  }
0x2a: {  	[sflag:s23] =	ssyncadd.s32 $0xFFFFFF38  }
0x2b: {  	_ =	swait.ge [sflag:s23], $0xC8  }
0x2c: {  	[sflag:s23] =	ssyncset.done $0x0  }
0x2d: {  	[sflag:s23] =	ssyncadd.s32 $0xFFFFFF38  }
0x2e: {  	_ =	swait.ge [sflag:s29], $0x6400;
	p0 =	seq.s32 s31, $0x4  }
.Ltmp1:
0x2f: {  	[sflag:s29] =	ssyncset.done $0x0;
	(pc) =	sbr.rel @p0 .LBB2_6-.Ltmp1, $4  }
.Ltmp2:
0x30: {  	[sflag:s29] =	ssyncadd.s32 $0xFFFF9C00;
	(pc) =	sbr.rel @!p0 .LBB2_5-.Ltmp2, $4  }
0x31: {  	[tilespmem:s24], [sflag:$0x2] =	stream.indirect.gather [hbm4b:s4+s17], $0x80, s20, s17, $0xb8;
	[tilespmem:$0x19400] =	vst v63  }
0x32: {  	_ = 	snop  }
0x33: {  	[tilespmem:s25], [sflag:$0x2] =	stream.indirect.gather [hbm4b:s4+s17], $0x80, s21, s17, $0xb8;
	[tilespmem:$0x19400] =	vst v63  }
0x34: {  	_ = 	snop  }
.LBB2_3:
0x35: {  	[tilespmem:s24], [sflag:$0x2] =	stream.indirect.gather [hbm4b:s4+s17], $0x80, s20, s17, $0xb8;
	[tilespmem:$0x19400] =	vst v63  }
0x36: {  	_ = 	snop  }
0x37: {  	[tilespmem:s25], [sflag:$0x2] =	stream.indirect.gather [hbm4b:s4+s17], $0x80, s21, s17, $0xb8;
	[tilespmem:$0x19400] =	vst v63  }
.LBB2_5:
0x38: {  	s0 =	smul.u32 $0x190, s31;
	_ =	sdelay $0x1  }
0x39: {  	s0 =	sadd.s32 s0, s12  }
0x3a: {  	s0 =	sshrl.u32 s0, $0x3  }
0x3b: {  	s1 =	sadd.s32 s5, s0  }
0x3c: {  	[tilespmem:s2], [sflag:$0x3] =	stream.linear.gather [hbm4b:s1+s2], $0xC8, $0x38;
	[tilespmem:$0x19400] =	vst v63  }
0x3d: {  	s0 =	sadd.s32 s6, s0  }
0x3e: {  	[tilespmem:s15], [sflag:$0x3] =	stream.linear.gather [hbm4b:s0+s2], $0xC8, $0x38;
	[tilespmem:$0x19400] =	vst v63  }
.LBB2_6:
0x3f: {  	s0 =	simm.s32 $0x500  }
0x40: {  	s1 =	simm.s32 $0x6900;
	v0 =	vld [tilespmem:s0+$0x80]  }
0x41: {  	v1 =	vld [tilespmem:s1+$0x80]  }
0x42: {  	v2 =	vld [tilespmem:s0+$0xFFFFFF80]  }
0x43: {  	v3 =	vld [tilespmem:s1+$0xFFFFFF80]  }
0x44: {  	v4 =	vld [tilespmem:s0+$0x0]  }
0x45: {  	v5 =	vld [tilespmem:s1+$0x0]  }
0x46: {  	v6 =	vld [tilespmem:s0+$0xFFFFFF00];
	v0 =	vadd.f32 v1, v0  }
0x47: {  	v1 =	vld [tilespmem:s1+$0xFFFFFF00]  }
0x48: {  	[tilespmem:s0+$0x80] =	vst v0;
	v0 =	vld [tilespmem:s0+$0x90]  }
0x49: {  	v2 =	vadd.f32 v3, v2;
	v3 =	vld [tilespmem:s1+$0x90]  }
0x4a: {  	v7 =	vld [tilespmem:s0+$0xFFFFFF10]  }
0x4b: {  	[tilespmem:s0+$0xFFFFFF80] =	vst v2;
	v2 =	vadd.f32 v5, v4;
	v4 =	vld [tilespmem:s0+$0xFFFFFF90]  }
0x4c: {  	v5 =	vld [tilespmem:s1+$0xFFFFFF90];
	v1 =	vadd.f32 v1, v6  }
0x4d: {  	[tilespmem:s0+$0x0] =	vst v2;
	v2 =	vld [tilespmem:s0+$0x10]  }
0x4e: {  	v6 =	vld [tilespmem:s1+$0x10];
	[tilespmem:s0+$0xFFFFFF00] =	vst v1;
	v0 =	vadd.f32 v3, v0  }
0x4f: {  	v1 =	vld [tilespmem:s1+$0xFFFFFF10]  }
0x50: {  	[tilespmem:s0+$0x90] =	vst v0;
	v0 =	vld [tilespmem:s0+$0xA0]  }
0x51: {  	v3 =	vadd.f32 v5, v4;
	v4 =	vld [tilespmem:s1+$0xA0]  }
0x52: {  	v5 =	vld [tilespmem:s0+$0xFFFFFF20]  }
0x53: {  	[tilespmem:s0+$0xFFFFFF90] =	vst v3;
	v2 =	vadd.f32 v6, v2;
	v3 =	vld [tilespmem:s0+$0xFFFFFFA0]  }
0x54: {  	v6 =	vld [tilespmem:s1+$0xFFFFFFA0];
	v1 =	vadd.f32 v1, v7  }
0x55: {  	[tilespmem:s0+$0x10] =	vst v2;
	v2 =	vld [tilespmem:s0+$0x20]  }
0x56: {  	v7 =	vld [tilespmem:s1+$0x20];
	[tilespmem:s0+$0xFFFFFF10] =	vst v1;
	v0 =	vadd.f32 v4, v0  }
0x57: {  	v1 =	vld [tilespmem:s1+$0xFFFFFF20]  }
0x58: {  	[tilespmem:s0+$0xA0] =	vst v0;
	v0 =	vld [tilespmem:s0+$0xB0]  }
0x59: {  	v3 =	vadd.f32 v6, v3;
	v4 =	vld [tilespmem:s1+$0xB0]  }
0x5a: {  	v6 =	vld [tilespmem:s0+$0xFFFFFF30]  }
0x5b: {  	[tilespmem:s0+$0xFFFFFFA0] =	vst v3;
	v2 =	vadd.f32 v7, v2;
	v3 =	vld [tilespmem:s0+$0xFFFFFFB0]  }
0x5c: {  	v7 =	vld [tilespmem:s1+$0xFFFFFFB0];
	v1 =	vadd.f32 v1, v5  }
0x5d: {  	[tilespmem:s0+$0x20] =	vst v2;
	v2 =	vld [tilespmem:s0+$0x30]  }
0x5e: {  	v5 =	vld [tilespmem:s1+$0x30];
	[tilespmem:s0+$0xFFFFFF20] =	vst v1;
	v0 =	vadd.f32 v4, v0  }
0x5f: {  	v1 =	vld [tilespmem:s1+$0xFFFFFF30]  }
0x60: {  	[tilespmem:s0+$0xB0] =	vst v0;
	v0 =	vld [tilespmem:s0+$0xC0]  }
0x61: {  	v3 =	vadd.f32 v7, v3;
	v4 =	vld [tilespmem:s1+$0xC0]  }
0x62: {  	v7 =	vld [tilespmem:s0+$0xFFFFFF40]  }
0x63: {  	[tilespmem:s0+$0xFFFFFFB0] =	vst v3;
	v2 =	vadd.f32 v5, v2;
	v3 =	vld [tilespmem:s0+$0xFFFFFFC0]  }
0x64: {  	v5 =	vld [tilespmem:s1+$0xFFFFFFC0];
	v1 =	vadd.f32 v1, v6  }
0x65: {  	[tilespmem:s0+$0x30] =	vst v2;
	v2 =	vld [tilespmem:s0+$0x40]  }
0x66: {  	v6 =	vld [tilespmem:s1+$0x40];
	[tilespmem:s0+$0xFFFFFF30] =	vst v1;
	v0 =	vadd.f32 v4, v0  }
0x67: {  	v1 =	vld [tilespmem:s1+$0xFFFFFF40]  }
0x68: {  	[tilespmem:s0+$0xC0] =	vst v0;
	v0 =	vld [tilespmem:s0+$0xD0]  }
0x69: {  	v3 =	vadd.f32 v5, v3;
	v4 =	vld [tilespmem:s1+$0xD0]  }
0x6a: {  	v5 =	vld [tilespmem:s0+$0xFFFFFF50]  }
0x6b: {  	[tilespmem:s0+$0xFFFFFFC0] =	vst v3;
	v2 =	vadd.f32 v6, v2;
	v3 =	vld [tilespmem:s0+$0xFFFFFFD0]  }
0x6c: {  	v6 =	vld [tilespmem:s1+$0xFFFFFFD0];
	v1 =	vadd.f32 v1, v7  }
0x6d: {  	[tilespmem:s0+$0x40] =	vst v2;
	v2 =	vld [tilespmem:s0+$0x50]  }
0x6e: {  	v7 =	vld [tilespmem:s1+$0x50];
	[tilespmem:s0+$0xFFFFFF40] =	vst v1;
	v0 =	vadd.f32 v4, v0  }
0x6f: {  	v1 =	vld [tilespmem:s1+$0xFFFFFF50]  }
0x70: {  	[tilespmem:s0+$0xD0] =	vst v0;
	v0 =	vld [tilespmem:s0+$0xE0]  }
0x71: {  	v3 =	vadd.f32 v6, v3;
	v4 =	vld [tilespmem:s1+$0xE0]  }
0x72: {  	v6 =	vld [tilespmem:s0+$0xFFFFFF60]  }
0x73: {  	[tilespmem:s0+$0xFFFFFFD0] =	vst v3;
	v2 =	vadd.f32 v7, v2;
	v3 =	vld [tilespmem:s0+$0xFFFFFFE0]  }
0x74: {  	v7 =	vld [tilespmem:s1+$0xFFFFFFE0];
	v1 =	vadd.f32 v1, v5  }
0x75: {  	[tilespmem:s0+$0x50] =	vst v2;
	v2 =	vld [tilespmem:s0+$0x60]  }
0x76: {  	v5 =	vld [tilespmem:s1+$0x60];
	[tilespmem:s0+$0xFFFFFF50] =	vst v1;
	v0 =	vadd.f32 v4, v0  }
0x77: {  	v4 =	vld [tilespmem:s1+$0xFFFFFF60]  }
0x78: {  	v8 =	vld [tilespmem:s0+$0xF0];
	[tilespmem:s0+$0xE0] =	vst v0  }
0x79: {  	v1 =	vadd.f32 v7, v3;
	v7 =	vld [tilespmem:s1+$0xF0]  }
0x7a: {  	v0 =	vld [tilespmem:s0+$0xFFFFFF70]  }
0x7b: {  	[tilespmem:s0+$0xFFFFFFE0] =	vst v1;
	v2 =	vadd.f32 v5, v2;
	v1 =	vld [tilespmem:s0+$0xFFFFFFF0]  }
0x7c: {  	v3 =	vld [tilespmem:s1+$0xFFFFFFF0];
	v4 =	vadd.f32 v4, v6  }
0x7d: {  	[tilespmem:s0+$0x60] =	vst v2;
	v2 =	vld [tilespmem:s0+$0x70]  }
0x7e: {  	[tilespmem:s0+$0xFFFFFF60] =	vst v4;
	v4 =	vld [tilespmem:s1+$0x70];
	v6 =	vadd.f32 v7, v8  }
0x7f: {  	s19 =	sshll.u32 s31, $0x1;
	s8 =	simm.s32 $0x0;
	s9 =	simm.s32 $0x700;
	v5 =	vld [tilespmem:s1+$0xFFFFFF70]  }
.LBB2_7:
0x80: {  	v7 =	vld [tilespmem:s9+$0x80];
	[tilespmem:s0+$0xF0] =	vst v6;
	s1 =	sadd.s32 $0x200, s1  }
0x81: {  	s8 =	sadd.s32 $0x4, s8;
	v6 =	vld [tilespmem:s1+$0x80];
	v1 =	vadd.f32 v3, v1  }
0x82: {  	p0 =	slt.u32 s8, $0xC4;
	v3 =	vld [tilespmem:s1+$0xFFFFFF00]  }
0x83: {  	v8 =	vld [tilespmem:s9+$0xFFFFFF80];
	[tilespmem:s0+$0xFFFFFFF0] =	vst v1;
	v1 =	vadd.f32 v4, v2  }
0x84: {  	v2 =	vld [tilespmem:s1+$0xFFFFFF80];
	v0 =	vadd.f32 v5, v0  }
0x85: {  	v4 =	vld [tilespmem:s9+$0x0];
	[tilespmem:s0+$0x70] =	vst v1  }
0x86: {  	v1 =	vld [tilespmem:s1+$0x0];
	v5 =	vadd.f32 v6, v7;
	[tilespmem:s0+$0xFFFFFF70] =	vst v0;
	s0 =	smov.u32 s9  }
0x87: {  	v0 =	vld [tilespmem:s9+$0xFFFFFF00]  }
0x88: {  	[tilespmem:s9+$0x80] =	vst v5;
	v5 =	vld [tilespmem:s9+$0x90]  }
0x89: {  	v2 =	vadd.f32 v2, v8;
	v6 =	vld [tilespmem:s1+$0x90]  }
0x8a: {  	v7 =	vld [tilespmem:s9+$0xFFFFFF10]  }
0x8b: {  	[tilespmem:s9+$0xFFFFFF80] =	vst v2;
	v2 =	vld [tilespmem:s9+$0xFFFFFF90];
	v1 =	vadd.f32 v1, v4  }
0x8c: {  	v0 =	vadd.f32 v3, v0;
	v3 =	vld [tilespmem:s1+$0xFFFFFF90]  }
0x8d: {  	[tilespmem:s9+$0x0] =	vst v1;
	v1 =	vld [tilespmem:s9+$0x10]  }
0x8e: {  	[tilespmem:s9+$0xFFFFFF00] =	vst v0;
	v0 =	vld [tilespmem:s1+$0x10];
	v4 =	vadd.f32 v6, v5  }
0x8f: {  	v5 =	vld [tilespmem:s1+$0xFFFFFF10]  }
0x90: {  	[tilespmem:s9+$0x90] =	vst v4;
	v4 =	vld [tilespmem:s9+$0xA0]  }
0x91: {  	v2 =	vadd.f32 v3, v2;
	v3 =	vld [tilespmem:s1+$0xA0]  }
0x92: {  	v6 =	vld [tilespmem:s9+$0xFFFFFF20]  }
0x93: {  	[tilespmem:s9+$0xFFFFFF90] =	vst v2;
	v2 =	vld [tilespmem:s9+$0xFFFFFFA0];
	v0 =	vadd.f32 v0, v1  }
0x94: {  	v1 =	vadd.f32 v5, v7;
	v5 =	vld [tilespmem:s1+$0xFFFFFFA0]  }
0x95: {  	[tilespmem:s9+$0x10] =	vst v0;
	v0 =	vld [tilespmem:s9+$0x20]  }
0x96: {  	[tilespmem:s9+$0xFFFFFF10] =	vst v1;
	v1 =	vld [tilespmem:s1+$0x20];
	v3 =	vadd.f32 v3, v4  }
0x97: {  	v4 =	vld [tilespmem:s1+$0xFFFFFF20]  }
0x98: {  	[tilespmem:s9+$0xA0] =	vst v3;
	v3 =	vld [tilespmem:s9+$0xB0]  }
0x99: {  	v2 =	vadd.f32 v5, v2;
	v5 =	vld [tilespmem:s1+$0xB0]  }
0x9a: {  	v7 =	vld [tilespmem:s9+$0xFFFFFF30]  }
0x9b: {  	[tilespmem:s9+$0xFFFFFFA0] =	vst v2;
	v2 =	vld [tilespmem:s9+$0xFFFFFFB0];
	v0 =	vadd.f32 v1, v0  }
0x9c: {  	v1 =	vadd.f32 v4, v6;
	v4 =	vld [tilespmem:s1+$0xFFFFFFB0]  }
0x9d: {  	[tilespmem:s9+$0x20] =	vst v0;
	v0 =	vld [tilespmem:s9+$0x30]  }
0x9e: {  	[tilespmem:s9+$0xFFFFFF20] =	vst v1;
	v1 =	vld [tilespmem:s1+$0x30];
	v3 =	vadd.f32 v5, v3  }
0x9f: {  	v5 =	vld [tilespmem:s1+$0xFFFFFF30]  }
0xa0: {  	[tilespmem:s9+$0xB0] =	vst v3;
	v3 =	vld [tilespmem:s9+$0xC0]  }
0xa1: {  	v2 =	vadd.f32 v4, v2;
	v4 =	vld [tilespmem:s1+$0xC0]  }
0xa2: {  	v6 =	vld [tilespmem:s9+$0xFFFFFF40]  }
0xa3: {  	[tilespmem:s9+$0xFFFFFFB0] =	vst v2;
	v2 =	vld [tilespmem:s9+$0xFFFFFFC0];
	v0 =	vadd.f32 v1, v0  }
0xa4: {  	v1 =	vadd.f32 v5, v7;
	v5 =	vld [tilespmem:s1+$0xFFFFFFC0]  }
0xa5: {  	[tilespmem:s9+$0x30] =	vst v0;
	v0 =	vld [tilespmem:s9+$0x40]  }
0xa6: {  	[tilespmem:s9+$0xFFFFFF30] =	vst v1;
	v1 =	vld [tilespmem:s1+$0x40];
	v3 =	vadd.f32 v4, v3  }
0xa7: {  	v4 =	vld [tilespmem:s1+$0xFFFFFF40]  }
0xa8: {  	[tilespmem:s9+$0xC0] =	vst v3;
	v3 =	vld [tilespmem:s9+$0xD0]  }
0xa9: {  	v2 =	vadd.f32 v5, v2;
	v5 =	vld [tilespmem:s1+$0xD0]  }
0xaa: {  	v7 =	vld [tilespmem:s9+$0xFFFFFF50]  }
0xab: {  	[tilespmem:s9+$0xFFFFFFC0] =	vst v2;
	v2 =	vld [tilespmem:s9+$0xFFFFFFD0];
	v0 =	vadd.f32 v1, v0  }
0xac: {  	v1 =	vadd.f32 v4, v6;
	v4 =	vld [tilespmem:s1+$0xFFFFFFD0]  }
0xad: {  	[tilespmem:s9+$0x40] =	vst v0;
	v0 =	vld [tilespmem:s9+$0x50]  }
0xae: {  	[tilespmem:s9+$0xFFFFFF40] =	vst v1;
	v1 =	vld [tilespmem:s1+$0x50];
	v3 =	vadd.f32 v5, v3  }
0xaf: {  	v5 =	vld [tilespmem:s1+$0xFFFFFF50]  }
0xb0: {  	[tilespmem:s9+$0xD0] =	vst v3;
	v3 =	vld [tilespmem:s9+$0xE0]  }
0xb1: {  	v2 =	vadd.f32 v4, v2;
	v4 =	vld [tilespmem:s1+$0xE0]  }
0xb2: {  	v6 =	vld [tilespmem:s9+$0xFFFFFF60]  }
0xb3: {  	[tilespmem:s9+$0xFFFFFFD0] =	vst v2;
	v2 =	vld [tilespmem:s9+$0xFFFFFFE0];
	v0 =	vadd.f32 v1, v0  }
0xb4: {  	v1 =	vadd.f32 v5, v7;
	v5 =	vld [tilespmem:s1+$0xFFFFFFE0]  }
0xb5: {  	[tilespmem:s9+$0x50] =	vst v0;
	v7 =	vld [tilespmem:s9+$0x60]  }
0xb6: {  	[tilespmem:s9+$0xFFFFFF50] =	vst v1;
	v8 =	vld [tilespmem:s1+$0x60];
	v0 =	vadd.f32 v4, v3  }
0xb7: {  	v3 =	vld [tilespmem:s1+$0xFFFFFF60]  }
0xb8: {  	[tilespmem:s9+$0xE0] =	vst v0;
	v9 =	vld [tilespmem:s9+$0xF0]  }
0xb9: {  	v1 =	vadd.f32 v5, v2;
	v5 =	vld [tilespmem:s1+$0xF0]  }
0xba: {  	v0 =	vld [tilespmem:s9+$0xFFFFFF70]  }
.Ltmp3:
0xbb: {  	[tilespmem:s9+$0xFFFFFFE0] =	vst v1;
	v1 =	vld [tilespmem:s9+$0xFFFFFFF0];
	v2 =	vadd.f32 v8, v7;
	(pc) =	sbr.rel @p0 .LBB2_7-.Ltmp3, $4  }
0xbc: {  	v4 =	vadd.f32 v3, v6;
	v3 =	vld [tilespmem:s1+$0xFFFFFFF0]  }
0xbd: {  	[tilespmem:s9+$0x60] =	vst v2;
	v2 =	vld [tilespmem:s9+$0x70]  }
0xbe: {  	[tilespmem:s9+$0xFFFFFF60] =	vst v4;
	v4 =	vld [tilespmem:s1+$0x70];
	v6 =	vadd.f32 v5, v9  }
0xbf: {  	s9 =	sadd.s32 $0x200, s9;
	v5 =	vld [tilespmem:s1+$0xFFFFFF70]  }
0xc0: {  	_ =	sdelay $0x1  }
0xc1: {  	s1 =	smul.u32 $0x190, s31;
	v1 =	vadd.f32 v3, v1  }
0xc2: {  	[tilespmem:s0+$0xF0] =	vst v6;
	v2 =	vadd.f32 v4, v2  }
0xc3: {  	s8 =	sadd.s32 s3, s1;
	[tilespmem:s0+$0xFFFFFFF0] =	vst v1;
	v0 =	vadd.f32 v5, v0  }
0xc4: {  	s8 =	sshll.u32 s8, $0x4;
	[tilespmem:s0+$0x70] =	vst v2  }
0xc5: {  	s10 =	sadd.s32 s7, s8;
	[tilespmem:s0+$0xFFFFFF70] =	vst v0  }
0xc6: {  	[hbm4b:s10+s2] =	stream.linear.scatter [tilespmem:s18], [sflag:$0x5], $0x6400, $0x38;
	[tilespmem:$0x19400] =	vst v63  }
0xc7: {  	_ =	swait.ge [sflag:s26], $0x6400  }
0xc8: {  	[sflag:s26] =	ssyncset.done $0x0  }
0xc9: {  	[sflag:s26] =	ssyncadd.s32 $0xFFFF9C00  }
0xca: {  	s0 =	sor.u32 $0x1, s19;
	_ =	swait.ge [sflag:s26], $0x6400  }
0xcb: {  	p0 =	sgt.u32 s0, $0x8;
	[sflag:s26] =	ssyncset.done $0x0  }
0xcc: {  	s8 =	simm.s32 @!p0 $0x3;
	[sflag:s26] =	ssyncadd.s32 $0xFFFF9C00  }
0xcd: {  	_ =	swait.ge @!p0 [sflag:s8], $0xC8  }
0xce: {  	[sflag:s8] =	ssyncset.done @!p0 $0x0  }
0xcf: {  	[sflag:s8] =	ssyncadd.s32 @!p0 $0xFFFFFF38  }
0xd0: {  	_ =	swait.ge @!p0 [sflag:s8], $0xC8  }
0xd1: {  	[sflag:s8] =	ssyncset.done @!p0 $0x0  }
0xd2: {  	[sflag:s8] =	ssyncadd.s32 @!p0 $0xFFFFFF38;
	s8 =	simm.s32 @!p0 $0x5  }
0xd3: {  	_ =	swait.ge @!p0 [sflag:s8], $0x6400  }
0xd4: {  	s9 =	simm.s32 @!p0 $0x0;
	s19 =	simm.s32 @!p0 $0x400;
	[sflag:s8] =	ssyncset.done @!p0 $0x0  }
0xd5: {  	s1 =	sadd.s32 @!p0 s1, s13;
	[sflag:s8] =	ssyncadd.s32 @!p0 $0xFFFF9C00;
	s8 =	simm.s32 @!p0 $0xC8  }
0xd6: {  	[tilespmem:s19], [sflag:$0x1] =	stream.indirect.gather @!p0 [hbm4b:s4+s8], $0x80, s9, s8, $0xb8;
	[tilespmem:$0x19400] =	vst v63  }
0xd7: {  	s10 =	simm.s32 @!p0 $0x6800;
	s1 =	sshrl.u32 @!p0 s1, $0x3;
	s19 =	simm.s32 @!p0 $0x100  }
0xd8: {  	[tilespmem:s10], [sflag:$0x1] =	stream.indirect.gather @!p0 [hbm4b:s4+s8], $0x80, s19, s8, $0xb8;
	[tilespmem:$0x19400] =	vst v63  }
0xd9: {  	s8 =	sadd.s32 @!p0 s5, s1;
	s10 =	simm.s32 @!p0 $0x200  }
0xda: {  	[tilespmem:s10], [sflag:$0x4] =	stream.linear.gather @!p0 [hbm4b:s8+s9], $0xC8, $0x38;
	[tilespmem:$0x19400] =	vst v63  }
0xdb: {  	s1 =	sadd.s32 @!p0 s6, s1;
	s8 =	simm.s32 @!p0 $0x300  }
0xdc: {  	[tilespmem:s8], [sflag:$0x4] =	stream.linear.gather @!p0 [hbm4b:s1+s9], $0xC8, $0x38;
	[tilespmem:$0x19400] =	vst v63  }
0xdd: {  	s1 =	simm.s32 $0xCD00  }
0xde: {  	s19 =	simm.s32 $0x13100;
	v0 =	vld [tilespmem:s1+$0x80]  }
0xdf: {  	v1 =	vld [tilespmem:s19+$0x80]  }
0xe0: {  	v2 =	vld [tilespmem:s1+$0xFFFFFF80]  }
0xe1: {  	v3 =	vld [tilespmem:s19+$0xFFFFFF80]  }
0xe2: {  	v4 =	vld [tilespmem:s1+$0x0]  }
0xe3: {  	v5 =	vld [tilespmem:s19+$0x0]  }
0xe4: {  	v6 =	vld [tilespmem:s1+$0xFFFFFF00];
	v0 =	vadd.f32 v1, v0  }
0xe5: {  	v1 =	vld [tilespmem:s19+$0xFFFFFF00]  }
0xe6: {  	[tilespmem:s1+$0x80] =	vst v0;
	v0 =	vld [tilespmem:s1+$0x90]  }
0xe7: {  	v2 =	vadd.f32 v3, v2;
	v3 =	vld [tilespmem:s19+$0x90]  }
0xe8: {  	v7 =	vld [tilespmem:s1+$0xFFFFFF10]  }
0xe9: {  	[tilespmem:s1+$0xFFFFFF80] =	vst v2;
	v2 =	vadd.f32 v5, v4;
	v4 =	vld [tilespmem:s1+$0xFFFFFF90]  }
0xea: {  	v5 =	vld [tilespmem:s19+$0xFFFFFF90];
	v1 =	vadd.f32 v1, v6  }
0xeb: {  	[tilespmem:s1+$0x0] =	vst v2;
	v2 =	vld [tilespmem:s1+$0x10]  }
0xec: {  	v6 =	vld [tilespmem:s19+$0x10];
	[tilespmem:s1+$0xFFFFFF00] =	vst v1;
	v0 =	vadd.f32 v3, v0  }
0xed: {  	v1 =	vld [tilespmem:s19+$0xFFFFFF10]  }
0xee: {  	[tilespmem:s1+$0x90] =	vst v0;
	v0 =	vld [tilespmem:s1+$0xA0]  }
0xef: {  	v3 =	vadd.f32 v5, v4;
	v4 =	vld [tilespmem:s19+$0xA0]  }
0xf0: {  	v5 =	vld [tilespmem:s1+$0xFFFFFF20]  }
0xf1: {  	[tilespmem:s1+$0xFFFFFF90] =	vst v3;
	v2 =	vadd.f32 v6, v2;
	v3 =	vld [tilespmem:s1+$0xFFFFFFA0]  }
0xf2: {  	v6 =	vld [tilespmem:s19+$0xFFFFFFA0];
	v1 =	vadd.f32 v1, v7  }
0xf3: {  	[tilespmem:s1+$0x10] =	vst v2;
	v2 =	vld [tilespmem:s1+$0x20]  }
0xf4: {  	v7 =	vld [tilespmem:s19+$0x20];
	[tilespmem:s1+$0xFFFFFF10] =	vst v1;
	v0 =	vadd.f32 v4, v0  }
0xf5: {  	v1 =	vld [tilespmem:s19+$0xFFFFFF20]  }
0xf6: {  	[tilespmem:s1+$0xA0] =	vst v0;
	v0 =	vld [tilespmem:s1+$0xB0]  }
0xf7: {  	v3 =	vadd.f32 v6, v3;
	v4 =	vld [tilespmem:s19+$0xB0]  }
0xf8: {  	v6 =	vld [tilespmem:s1+$0xFFFFFF30]  }
0xf9: {  	[tilespmem:s1+$0xFFFFFFA0] =	vst v3;
	v2 =	vadd.f32 v7, v2;
	v3 =	vld [tilespmem:s1+$0xFFFFFFB0]  }
0xfa: {  	v7 =	vld [tilespmem:s19+$0xFFFFFFB0];
	v1 =	vadd.f32 v1, v5  }
0xfb: {  	[tilespmem:s1+$0x20] =	vst v2;
	v2 =	vld [tilespmem:s1+$0x30]  }
0xfc: {  	v5 =	vld [tilespmem:s19+$0x30];
	[tilespmem:s1+$0xFFFFFF20] =	vst v1;
	v0 =	vadd.f32 v4, v0  }
0xfd: {  	v1 =	vld [tilespmem:s19+$0xFFFFFF30]  }
0xfe: {  	[tilespmem:s1+$0xB0] =	vst v0;
	v0 =	vld [tilespmem:s1+$0xC0]  }
0xff: {  	v3 =	vadd.f32 v7, v3;
	v4 =	vld [tilespmem:s19+$0xC0]  }
0x100: {  	v7 =	vld [tilespmem:s1+$0xFFFFFF40]  }
0x101: {  	[tilespmem:s1+$0xFFFFFFB0] =	vst v3;
	v2 =	vadd.f32 v5, v2;
	v3 =	vld [tilespmem:s1+$0xFFFFFFC0]  }
0x102: {  	v5 =	vld [tilespmem:s19+$0xFFFFFFC0];
	v1 =	vadd.f32 v1, v6  }
0x103: {  	[tilespmem:s1+$0x30] =	vst v2;
	v2 =	vld [tilespmem:s1+$0x40]  }
0x104: {  	v6 =	vld [tilespmem:s19+$0x40];
	[tilespmem:s1+$0xFFFFFF30] =	vst v1;
	v0 =	vadd.f32 v4, v0  }
0x105: {  	v1 =	vld [tilespmem:s19+$0xFFFFFF40]  }
0x106: {  	[tilespmem:s1+$0xC0] =	vst v0;
	v0 =	vld [tilespmem:s1+$0xD0]  }
0x107: {  	v3 =	vadd.f32 v5, v3;
	v4 =	vld [tilespmem:s19+$0xD0]  }
0x108: {  	v5 =	vld [tilespmem:s1+$0xFFFFFF50]  }
0x109: {  	[tilespmem:s1+$0xFFFFFFC0] =	vst v3;
	v2 =	vadd.f32 v6, v2;
	v3 =	vld [tilespmem:s1+$0xFFFFFFD0]  }
0x10a: {  	v6 =	vld [tilespmem:s19+$0xFFFFFFD0];
	v1 =	vadd.f32 v1, v7  }
0x10b: {  	[tilespmem:s1+$0x40] =	vst v2;
	v2 =	vld [tilespmem:s1+$0x50]  }
0x10c: {  	v7 =	vld [tilespmem:s19+$0x50];
	[tilespmem:s1+$0xFFFFFF40] =	vst v1;
	v0 =	vadd.f32 v4, v0  }
0x10d: {  	v1 =	vld [tilespmem:s19+$0xFFFFFF50]  }
0x10e: {  	[tilespmem:s1+$0xD0] =	vst v0;
	v0 =	vld [tilespmem:s1+$0xE0]  }
0x10f: {  	v3 =	vadd.f32 v6, v3;
	v4 =	vld [tilespmem:s19+$0xE0]  }
0x110: {  	v6 =	vld [tilespmem:s1+$0xFFFFFF60]  }
0x111: {  	[tilespmem:s1+$0xFFFFFFD0] =	vst v3;
	v2 =	vadd.f32 v7, v2;
	v3 =	vld [tilespmem:s1+$0xFFFFFFE0]  }
0x112: {  	v7 =	vld [tilespmem:s19+$0xFFFFFFE0];
	v1 =	vadd.f32 v1, v5  }
0x113: {  	[tilespmem:s1+$0x50] =	vst v2;
	v2 =	vld [tilespmem:s1+$0x60]  }
0x114: {  	v5 =	vld [tilespmem:s19+$0x60];
	[tilespmem:s1+$0xFFFFFF50] =	vst v1;
	v0 =	vadd.f32 v4, v0  }
0x115: {  	v4 =	vld [tilespmem:s19+$0xFFFFFF60]  }
0x116: {  	v8 =	vld [tilespmem:s1+$0xF0];
	[tilespmem:s1+$0xE0] =	vst v0  }
0x117: {  	v1 =	vadd.f32 v7, v3;
	v7 =	vld [tilespmem:s19+$0xF0]  }
0x118: {  	v0 =	vld [tilespmem:s1+$0xFFFFFF70]  }
0x119: {  	[tilespmem:s1+$0xFFFFFFE0] =	vst v1;
	v2 =	vadd.f32 v5, v2;
	v1 =	vld [tilespmem:s1+$0xFFFFFFF0]  }
0x11a: {  	v3 =	vld [tilespmem:s19+$0xFFFFFFF0];
	v4 =	vadd.f32 v4, v6  }
0x11b: {  	[tilespmem:s1+$0x60] =	vst v2;
	v2 =	vld [tilespmem:s1+$0x70]  }
0x11c: {  	[tilespmem:s1+$0xFFFFFF60] =	vst v4;
	v4 =	vld [tilespmem:s19+$0x70];
	v6 =	vadd.f32 v7, v8  }
0x11d: {  	s8 =	simm.s32 $0x0;
	s9 =	simm.s32 $0xCF00;
	v5 =	vld [tilespmem:s19+$0xFFFFFF70]  }
.LBB2_9:
0x11e: {  	v7 =	vld [tilespmem:s9+$0x80];
	[tilespmem:s1+$0xF0] =	vst v6;
	s19 =	sadd.s32 $0x200, s19  }
0x11f: {  	s8 =	sadd.s32 $0x4, s8;
	v6 =	vld [tilespmem:s19+$0x80];
	v1 =	vadd.f32 v3, v1  }
0x120: {  	p0 =	slt.u32 s8, $0xC4;
	v3 =	vld [tilespmem:s19+$0xFFFFFF00]  }
0x121: {  	v8 =	vld [tilespmem:s9+$0xFFFFFF80];
	[tilespmem:s1+$0xFFFFFFF0] =	vst v1;
	v1 =	vadd.f32 v4, v2  }
0x122: {  	v2 =	vld [tilespmem:s19+$0xFFFFFF80];
	v0 =	vadd.f32 v5, v0  }
0x123: {  	v4 =	vld [tilespmem:s9+$0x0];
	[tilespmem:s1+$0x70] =	vst v1  }
0x124: {  	v1 =	vld [tilespmem:s19+$0x0];
	v5 =	vadd.f32 v6, v7;
	[tilespmem:s1+$0xFFFFFF70] =	vst v0;
	s1 =	smov.u32 s9  }
0x125: {  	v0 =	vld [tilespmem:s9+$0xFFFFFF00]  }
0x126: {  	[tilespmem:s9+$0x80] =	vst v5;
	v5 =	vld [tilespmem:s9+$0x90]  }
0x127: {  	v2 =	vadd.f32 v2, v8;
	v6 =	vld [tilespmem:s19+$0x90]  }
0x128: {  	v7 =	vld [tilespmem:s9+$0xFFFFFF10]  }
0x129: {  	[tilespmem:s9+$0xFFFFFF80] =	vst v2;
	v2 =	vld [tilespmem:s9+$0xFFFFFF90];
	v1 =	vadd.f32 v1, v4  }
0x12a: {  	v0 =	vadd.f32 v3, v0;
	v3 =	vld [tilespmem:s19+$0xFFFFFF90]  }
0x12b: {  	[tilespmem:s9+$0x0] =	vst v1;
	v1 =	vld [tilespmem:s9+$0x10]  }
0x12c: {  	[tilespmem:s9+$0xFFFFFF00] =	vst v0;
	v0 =	vld [tilespmem:s19+$0x10];
	v4 =	vadd.f32 v6, v5  }
0x12d: {  	v5 =	vld [tilespmem:s19+$0xFFFFFF10]  }
0x12e: {  	[tilespmem:s9+$0x90] =	vst v4;
	v4 =	vld [tilespmem:s9+$0xA0]  }
0x12f: {  	v2 =	vadd.f32 v3, v2;
	v3 =	vld [tilespmem:s19+$0xA0]  }
0x130: {  	v6 =	vld [tilespmem:s9+$0xFFFFFF20]  }
0x131: {  	[tilespmem:s9+$0xFFFFFF90] =	vst v2;
	v2 =	vld [tilespmem:s9+$0xFFFFFFA0];
	v0 =	vadd.f32 v0, v1  }
0x132: {  	v1 =	vadd.f32 v5, v7;
	v5 =	vld [tilespmem:s19+$0xFFFFFFA0]  }
0x133: {  	[tilespmem:s9+$0x10] =	vst v0;
	v0 =	vld [tilespmem:s9+$0x20]  }
0x134: {  	[tilespmem:s9+$0xFFFFFF10] =	vst v1;
	v1 =	vld [tilespmem:s19+$0x20];
	v3 =	vadd.f32 v3, v4  }
0x135: {  	v4 =	vld [tilespmem:s19+$0xFFFFFF20]  }
0x136: {  	[tilespmem:s9+$0xA0] =	vst v3;
	v3 =	vld [tilespmem:s9+$0xB0]  }
0x137: {  	v2 =	vadd.f32 v5, v2;
	v5 =	vld [tilespmem:s19+$0xB0]  }
0x138: {  	v7 =	vld [tilespmem:s9+$0xFFFFFF30]  }
0x139: {  	[tilespmem:s9+$0xFFFFFFA0] =	vst v2;
	v2 =	vld [tilespmem:s9+$0xFFFFFFB0];
	v0 =	vadd.f32 v1, v0  }
0x13a: {  	v1 =	vadd.f32 v4, v6;
	v4 =	vld [tilespmem:s19+$0xFFFFFFB0]  }
0x13b: {  	[tilespmem:s9+$0x20] =	vst v0;
	v0 =	vld [tilespmem:s9+$0x30]  }
0x13c: {  	[tilespmem:s9+$0xFFFFFF20] =	vst v1;
	v1 =	vld [tilespmem:s19+$0x30];
	v3 =	vadd.f32 v5, v3  }
0x13d: {  	v5 =	vld [tilespmem:s19+$0xFFFFFF30]  }
0x13e: {  	[tilespmem:s9+$0xB0] =	vst v3;
	v3 =	vld [tilespmem:s9+$0xC0]  }
0x13f: {  	v2 =	vadd.f32 v4, v2;
	v4 =	vld [tilespmem:s19+$0xC0]  }
0x140: {  	v6 =	vld [tilespmem:s9+$0xFFFFFF40]  }
0x141: {  	[tilespmem:s9+$0xFFFFFFB0] =	vst v2;
	v2 =	vld [tilespmem:s9+$0xFFFFFFC0];
	v0 =	vadd.f32 v1, v0  }
0x142: {  	v1 =	vadd.f32 v5, v7;
	v5 =	vld [tilespmem:s19+$0xFFFFFFC0]  }
0x143: {  	[tilespmem:s9+$0x30] =	vst v0;
	v0 =	vld [tilespmem:s9+$0x40]  }
0x144: {  	[tilespmem:s9+$0xFFFFFF30] =	vst v1;
	v1 =	vld [tilespmem:s19+$0x40];
	v3 =	vadd.f32 v4, v3  }
0x145: {  	v4 =	vld [tilespmem:s19+$0xFFFFFF40]  }
0x146: {  	[tilespmem:s9+$0xC0] =	vst v3;
	v3 =	vld [tilespmem:s9+$0xD0]  }
0x147: {  	v2 =	vadd.f32 v5, v2;
	v5 =	vld [tilespmem:s19+$0xD0]  }
0x148: {  	v7 =	vld [tilespmem:s9+$0xFFFFFF50]  }
0x149: {  	[tilespmem:s9+$0xFFFFFFC0] =	vst v2;
	v2 =	vld [tilespmem:s9+$0xFFFFFFD0];
	v0 =	vadd.f32 v1, v0  }
0x14a: {  	v1 =	vadd.f32 v4, v6;
	v4 =	vld [tilespmem:s19+$0xFFFFFFD0]  }
0x14b: {  	[tilespmem:s9+$0x40] =	vst v0;
	v0 =	vld [tilespmem:s9+$0x50]  }
0x14c: {  	[tilespmem:s9+$0xFFFFFF40] =	vst v1;
	v1 =	vld [tilespmem:s19+$0x50];
	v3 =	vadd.f32 v5, v3  }
0x14d: {  	v5 =	vld [tilespmem:s19+$0xFFFFFF50]  }
0x14e: {  	[tilespmem:s9+$0xD0] =	vst v3;
	v3 =	vld [tilespmem:s9+$0xE0]  }
0x14f: {  	v2 =	vadd.f32 v4, v2;
	v4 =	vld [tilespmem:s19+$0xE0]  }
0x150: {  	v6 =	vld [tilespmem:s9+$0xFFFFFF60]  }
0x151: {  	[tilespmem:s9+$0xFFFFFFD0] =	vst v2;
	v2 =	vld [tilespmem:s9+$0xFFFFFFE0];
	v0 =	vadd.f32 v1, v0  }
0x152: {  	v1 =	vadd.f32 v5, v7;
	v5 =	vld [tilespmem:s19+$0xFFFFFFE0]  }
0x153: {  	[tilespmem:s9+$0x50] =	vst v0;
	v7 =	vld [tilespmem:s9+$0x60]  }
0x154: {  	[tilespmem:s9+$0xFFFFFF50] =	vst v1;
	v8 =	vld [tilespmem:s19+$0x60];
	v0 =	vadd.f32 v4, v3  }
0x155: {  	v3 =	vld [tilespmem:s19+$0xFFFFFF60]  }
0x156: {  	[tilespmem:s9+$0xE0] =	vst v0;
	v9 =	vld [tilespmem:s9+$0xF0]  }
0x157: {  	v1 =	vadd.f32 v5, v2;
	v5 =	vld [tilespmem:s19+$0xF0]  }
0x158: {  	v0 =	vld [tilespmem:s9+$0xFFFFFF70]  }
.Ltmp4:
0x159: {  	[tilespmem:s9+$0xFFFFFFE0] =	vst v1;
	v1 =	vld [tilespmem:s9+$0xFFFFFFF0];
	v2 =	vadd.f32 v8, v7;
	(pc) =	sbr.rel @p0 .LBB2_9-.Ltmp4, $4  }
0x15a: {  	v4 =	vadd.f32 v3, v6;
	v3 =	vld [tilespmem:s19+$0xFFFFFFF0]  }
0x15b: {  	[tilespmem:s9+$0x60] =	vst v2;
	v2 =	vld [tilespmem:s9+$0x70]  }
0x15c: {  	[tilespmem:s9+$0xFFFFFF60] =	vst v4;
	v4 =	vld [tilespmem:s19+$0x70];
	v6 =	vadd.f32 v5, v9  }
0x15d: {  	s9 =	sadd.s32 $0x200, s9;
	v5 =	vld [tilespmem:s19+$0xFFFFFF70]  }
0x15e: {  	_ = 	snop  }
0x15f: {  	s31 =	sadd.s32 $0x1, s31  }
0x160: {  	s0 =	smul.u32 $0xC8, s0;
	v1 =	vadd.f32 v3, v1;
	p0 =	sne.s32 s31, $0x5  }
.Ltmp5:
0x161: {  	[tilespmem:s1+$0xF0] =	vst v6;
	v2 =	vadd.f32 v4, v2;
	(pc) =	sbr.rel @p0 .LBB2_2-.Ltmp5, $4  }
0x162: {  	s0 =	sadd.s32 s3, s0;
	[tilespmem:s1+$0xFFFFFFF0] =	vst v1;
	v0 =	vadd.f32 v5, v0  }
0x163: {  	s0 =	sshll.u32 s0, $0x4;
	[tilespmem:s1+$0x70] =	vst v2  }
0x164: {  	s0 =	sadd.s32 s7, s0;
	[tilespmem:s1+$0xFFFFFF70] =	vst v0  }
0x165: {  	[hbm4b:s0+s2] =	stream.linear.scatter [tilespmem:s24], [sflag:$0x6], $0x6400, $0x38;
	[tilespmem:$0x19400] =	vst v63  }
0x166: {  	s30 =	sadd.s32 $0x1, s30  }
0x167: {  	_ =	swait.ge [sflag:s28], $0x6400;
	p0 =	sne.s32 s30, s14  }
.Ltmp6:
0x168: {  	[sflag:s28] =	ssyncset.done $0x0;
	(pc) =	sbr.rel @p0 .LBB2_1-.Ltmp6, $4  }
0x169: {  	[sflag:s28] =	ssyncadd.s32 $0xFFFF9C00  }
0x16a: {  	_ =	swait.ge [sflag:s29], $0x6400  }
0x16b: {  	[sflag:s29] =	ssyncset.done $0x0  }
0x16c: {  	[sflag:s29] =	ssyncadd.s32 $0xFFFF9C00  }
0x16d: {  	_ =	sfence.sel $0x180000  }
0x16e: {  	[bflag:$0x0] =	sbarrier.arrive $0xFFFF  }
0x16f: {  	_ =	strace $0x9000004D  }
0x170: {  	s0 =	stileid.u32;
	[bflag:$0x2] =	sbarrier.arrive $0xFFFF  }
0x171: {  	p0 =	sne.s32 s0, $0x0;
	s0 =	rddreg [dreg:$0x1]  }
0x172: {  	s0 =	sadd.s32 @!p0 $0x100000, s0  }
0x173: {  	[sflag:s0] =	ssyncadd.tile.s32 @!p0 $0x1;
	_ =	shalt  }
.Lfunc_end2:
_tile_overlayer_lowered:
.L_overlay_start_2:
0x174: {  	(tag) =	ssettag $0x2  }
0x175: {  	s0 =	rddreg [dreg:$0x0];
	s2 =	stileid.u32  }
0x176: {  	s1 =	rddreg [dreg:$0x1];
	p0 =	sne.s32 s2, $0x0  }
0x177: {  	s3 =	rddreg [dreg:$0x2];
	[bflag:$0x3] =	sbarrier.arrive $0xFFFF;
	s2 =	simm.s32 @!p0 $0x1C07  }
0x178: {  	[timem:s3], [sflag:s2] =	dma.local @!p0 [hbm:s0], s1  }
0x179: {  	s0 =	simm.s32 @!p0 $0x7  }
0x17a: {  	_ =	swait.ge @!p0 [sflag:s0], s1  }
0x17b: {  	s1 =	ssub.s32 @!p0 $0x0, s1;
	[sflag:s0] =	ssyncset.done @!p0 $0x0  }
0x17c: {  	[sflag:s0] =	ssyncadd.s32 @!p0 s1  }
0x17d: {  	[bflag:$0x3] =	sbarrier.arrive $0xFFFF  }
0x17e: {  	_ =	shalt  }

// kernel: kernel.23.cloned.1.call-start
scs
__scs_entry_jumppad:
0x0: {  	(pc) =	sbr.rel $0x88, $3  }
0x1: {  	(tag) =	ssettag $0x0;
	lr =	simm.s32 $0x1  }
0x2: {  	[smem:$0x3F9A] =	sst lr;
	_ =	strace $0xD0000000  }
0x3: {  	_ = 	snop  }
0x4: {  	_ = 	snop  }
0x5: {  	_ = 	snop  }
0x6: {  	_ = 	snop  }
0x7: {  	_ = 	snop  }
__scs_overlays_trampoline_lowered:
0x8: {  	[smem:$0x3FA9] =	sst s0  }
0x9: {  	[smem:$0x3FAA] =	sst s1  }
0xa: {  	[smem:$0x3FAB] =	sst s2  }
0xb: {  	[smem:$0x3FAC] =	sst s3  }
0xc: {  	[smem:$0x3FAD] =	sst s4  }
0xd: {  	[smem:$0x3FAE] =	sst s5  }
0xe: {  	[smem:$0x3FAF] =	sst s6  }
0xf: {  	[smem:$0x3FB0] =	sst s7  }
0x10: {  	[smem:$0x3FB1] =	sst s8  }
0x11: {  	[smem:$0x3FB2] =	sst s9;
	s0 =	simm.s32 @!p0 $0x0  }
0x12: {  	s1 =	sld [smem:$0x3F98];
	s0 =	simm.s32 @p0 $0x1  }
0x13: {  	[smem:$0x3FB3] =	sst s0;
	s0 =	simm.s32 @!p1 $0x0  }
0x14: {  	s2 =	sld [smem:$0x3F97];
	s0 =	simm.s32 @p1 $0x1  }
0x15: {  	[smem:$0x3FB4] =	sst s0;
	s0 =	simm.s32 @!p2 $0x0  }
0x16: {  	s3 =	sld [smem:$0x3FDB];
	s0 =	simm.s32 @p2 $0x1  }
0x17: {  	s4 =	simm.s32 $0x1BF5;
	[smem:$0x3FB6] =	sst s0  }
0x18: {  	s0 =	sld [smem:$0x3F99];
	_ =	swait.ge [sflag:s4], $0x0  }
0x19: {  	s7 =	sld [smem:$0x3F9A]  }
0x1a: {  	s8 =	sadd.s32 $0xFFFFE003, lr  }
0x1b: {  	s9 =	sadd.s32 $0xFFFFFEF7, lr;
	s5 =	simm.s32 $0xFFFFFFFF;
	p2 =	slt.u32 s8, $0xFFFFF086  }
0x1c: {  	p1 =	slt.u32 s9, $0xF7A;
	s5 =	simm.s32 @!p2 $0x0  }
0x1d: {  	s5 =	simm.s32 @p1 $0x1;
	p0 =	seq.s32 s7, s2  }
0x1e: {  	s7 =	smul.u32 @!p0 $0xF7A, s2;
	p2 =	seq.s32 @!p0 s5, $0x0  }
0x1f: {  	s9 =	smul.u32 $0xF7A, s1;
	s8 =	simm.s32 @!p0 $0x1BF5;
	p2 =	por !p2, p0  }
0x20: {  	[sflag:s8] =	ssyncset.s32 @!p0 $0xFFFFF086;
	s6 =	sadd.s32 @!p0 s3, s7;
	s7 =	simm.s32 @!p0 $0x108  }
0x21: {  	s3 =	sadd.s32 s3, s9;
	s6 =	sadd.s32 @!p0 $0x88, s6;
	s7 =	simm.s32 @p2 $0x1082  }
0x22: {  	[simem:s7], [sflag:s8] =	dma.local @!p0 [hbm:s6], $0xF7A  }
0x23: {  	s9 =	sor.u32 $0xD0000000, s2;
	s6 =	simm.s32 $0x108;
	_ =	swait.ge @!p0 [sflag:s8], $0x0  }
0x24: {  	s3 =	sadd.s32 $0x88, s3;
	s6 =	simm.s32 @!p1 $0x1082;
	[sflag:s4] =	ssyncset.s32 $0xFFFFF086  }
0x25: {  	[simem:s6], [sflag:s4] =	dma.local [hbm:s3], $0xF7A  }
0x26: {  	[smem:$0x3F9A] =	sst s1;
	(tag) =	ssettag s2;
	_ =	strace s9  }
0x27: {  	s1 =	sld [smem:$0x3FAA]  }
0x28: {  	s2 =	sld [smem:$0x3FAB]  }
0x29: {  	s4 =	sld [smem:$0x3FAD]  }
0x2a: {  	p0 =	seq.s32 s5, $0x0;
	s5 =	sld [smem:$0x3FAE]  }
0x2b: {  	s6 =	sld [smem:$0x3FAF]  }
0x2c: {  	s7 =	sld [smem:$0x3FB0]  }
0x2d: {  	s3 =	simm.s32 $0x108;
	s8 =	sld [smem:$0x3FB1]  }
0x2e: {  	s3 =	simm.s32 @!p0 $0x1082;
	s9 =	sld [smem:$0x3FB2]  }
0x2f: {  	lr =	sadd.s32 s0, s3;
	s0 =	sld [smem:$0x3FA9]  }
0x30: {  	s3 =	sld [smem:$0x3FAC]  }
0x31: {  	[smem:$0x3FB5] =	sst s10  }
0x32: {  	s10 =	sld [smem:$0x3FB3];
	_ =	sdelay $0x3  }
0x33: {  	p0 =	seq.s32 s10, $0x1;
	s10 =	sld [smem:$0x3FB5];
	_ =	sdelay $0x3  }
0x34: {  	[smem:$0x3FB5] =	sst s10  }
0x35: {  	s10 =	sld [smem:$0x3FB4];
	_ =	sdelay $0x3  }
0x36: {  	p1 =	seq.s32 s10, $0x1;
	s10 =	sld [smem:$0x3FB5];
	_ =	sdelay $0x3  }
0x37: {  	[smem:$0x3FB5] =	sst s10  }
0x38: {  	s10 =	sld [smem:$0x3FB6]  }
0x39: {  	_ = 	snop;
	(pc) =	sbr.ind lr, $3  }
0x3a: {  	_ = 	snop  }
0x3b: {  	_ = 	snop  }
0x3c: {  	p2 =	seq.s32 s10, $0x1;
	s10 =	sld [smem:$0x3FB5]  }
0x3d: {  	_ =	shalt  }
0x3e: {  	_ =	shalt  }
0x3f: {  	_ =	shalt  }
0x40: {  	_ =	shalt  }
0x41: {  	_ =	shalt  }
0x42: {  	_ =	shalt  }
0x43: {  	_ =	shalt  }
0x44: {  	_ =	shalt  }
0x45: {  	_ =	shalt  }
0x46: {  	_ =	shalt  }
0x47: {  	_ =	shalt  }
0x48: {  	_ =	shalt  }
0x49: {  	_ =	shalt  }
0x4a: {  	_ =	shalt  }
0x4b: {  	_ =	shalt  }
0x4c: {  	_ =	shalt  }
0x4d: {  	_ =	shalt  }
0x4e: {  	_ =	shalt  }
0x4f: {  	_ =	shalt  }
0x50: {  	_ =	shalt  }
0x51: {  	_ =	shalt  }
0x52: {  	_ =	shalt  }
0x53: {  	_ =	shalt  }
0x54: {  	_ =	shalt  }
0x55: {  	_ =	shalt  }
0x56: {  	_ =	shalt  }
0x57: {  	_ =	shalt  }
0x58: {  	_ =	shalt  }
0x59: {  	_ =	shalt  }
0x5a: {  	_ =	shalt  }
0x5b: {  	_ =	shalt  }
0x5c: {  	_ =	shalt  }
0x5d: {  	_ =	shalt  }
0x5e: {  	_ =	shalt  }
0x5f: {  	_ =	shalt  }
0x60: {  	_ =	shalt  }
0x61: {  	_ =	shalt  }
0x62: {  	_ =	shalt  }
0x63: {  	_ =	shalt  }
0x64: {  	_ =	shalt  }
0x65: {  	_ =	shalt  }
0x66: {  	_ =	shalt  }
0x67: {  	_ =	shalt  }
0x68: {  	_ =	shalt  }
0x69: {  	_ =	shalt  }
0x6a: {  	_ =	shalt  }
0x6b: {  	_ =	shalt  }
0x6c: {  	_ =	shalt  }
0x6d: {  	_ =	shalt  }
0x6e: {  	_ =	shalt  }
0x6f: {  	_ =	shalt  }
0x70: {  	_ =	shalt  }
0x71: {  	_ =	shalt  }
0x72: {  	_ =	shalt  }
0x73: {  	_ =	shalt  }
0x74: {  	_ =	shalt  }
0x75: {  	_ =	shalt  }
0x76: {  	_ =	shalt  }
0x77: {  	_ =	shalt  }
0x78: {  	_ =	shalt  }
0x79: {  	_ =	shalt  }
0x7a: {  	_ =	shalt  }
0x7b: {  	_ =	shalt  }
0x7c: {  	_ =	shalt  }
0x7d: {  	_ =	shalt  }
0x7e: {  	_ =	shalt  }
0x7f: {  	_ =	shalt  }
0x80: {  	_ =	shalt  }
0x81: {  	_ =	shalt  }
0x82: {  	_ =	shalt  }
0x83: {  	_ =	shalt  }
0x84: {  	_ =	shalt  }
0x85: {  	_ =	shalt  }
0x86: {  	_ =	shalt  }
0x87: {  	_ =	shalt  }
.Lfunc_end0:
.L_simem_size_0:
called_computation.3_lowered:
.L_overlay_start_0:
0x88: {  	s2 =	sld [smem:$0x3FD9]  }
0x89: {  	s3 =	sld [smem:$0x3FFE];
	_ =	sdelay $0x1  }
0x8a: {  	s1 =	srdreg.scid  }
0x8b: {  	s0 =	sand.u32 $0x1, s1  }
0x8c: {  	s17 =	sshll.u32 s0, $0xA;
	s2 =	sadd.s32 s3, s2  }
0x8d: {  	s2 =	sadd.s32 s2, s17  }
0x8e: {  	[smem:$0x3FC1] =	sst s2  }
0x8f: {  	_ = 	snop  }
0x90: {  	(tm) =	ssettm $0x1  }
0x91: {  	s18 =	sld [smem:$0x3FFB];
	_ =	sdelay $0x3  }
0x92: {  	_ =	strace s18  }
0x93: {  	s2 =	sld [smem:$0x3FFC];
	_ =	sdelay $0x3  }
0x94: {  	_ =	strace s2  }
0x95: {  	s2 =	sld [smem:$0x3FFD];
	_ =	sdelay $0x3  }
0x96: {  	_ =	strace s2  }
0x97: {  	_ =	strace $0x8FFFFFFF  }
0x98: {  	s19 =	sld [smem:$0x3FDB];
	_ =	sdelay $0x1  }
0x99: {  	s20 =	simm.s32 $_scs_section_size  }
0x9a: {  	s4 =	simm.s32 $_size__tile_overlayer_lowered;
	s5 =	simm.s32 $_tile_overlayer_lowered  }
0x9b: {  	s6 =	simm.s32 $0x1BFF;
	s21 =	sshll.u32 s5, $0x1;
	s3 =	sadd.s32 s20, s19  }
0x9c: {  	s22 =	simm.s32 $0x0;
	s4 =	sshll.u32 s4, $0x1;
	s5 =	sadd.s32 s21, s3  }
0x9d: {  	[timem:s22], [sflag:s6] =	dma.local [hbm:s5], s4  }
0x9e: {  	_ =	swait.ge [sflag:s6], s4  }
0x9f: {  	s4 =	ssub.s32 $0x0, s4;
	[sflag:s6] =	ssyncset.done $0x0  }
0xa0: {  	[sflag:s6] =	ssyncadd.s32 s4;
	_ =	sdelay $0x1  }
0xa1: {  	s23 =	simm.s32 $0x1B8B  }
0xa2: {  	_ =	swait.ge [sflag:s23], $0x1  }
0xa3: {  	[sflag:s23] =	ssyncset.done $0x0  }
0xa4: {  	[sflag:s23] =	ssyncadd.s32 $0xFFFFFFFF  }
0xa5: {  	s4 =	sld [smem:$0x0]  }
0xa6: {  	s5 =	sand.u32 $0xFFFFFFFE, s1  }
0xa7: {  	p0 =	sne.s32 s1, s5  }
0xa8: {  	s5 =	sshll.u32 @p0 s5, $0xE  }
0xa9: {  	s5 =	sadd.s32 @p0 $0x11B8D, s5;
	s6 =	sshll.u32 @p0 s4, $0x11  }
0xaa: {  	s5 =	sor.u32 @p0 s6, s5  }
0xab: {  	[sflag:s5] =	ssyncadd.remote.s32 @p0 $0x1;
	_ =	sdelay $0x1  }
0xac: {  	s5 =	simm.s32 @p0 $0x1B8D  }
0xad: {  	_ =	swait.eq @p0 [sflag:s5], $0x1  }
0xae: {  	[sflag:s5] =	ssyncadd.s32 @p0 $0xFFFFFFFF  }
0xaf: {  	s6 =	sshll.u32 @!p0 s1, $0xE  }
0xb0: {  	s6 =	sor.u32 @!p0 $0x4000, s6;
	s5 =	simm.s32 @!p0 $0x1B8D  }
0xb1: {  	s4 =	sshll.u32 @!p0 s4, $0x11;
	s6 =	sadd.s32 @!p0 $0x11B8D, s6;
	_ =	swait.eq @!p0 [sflag:s5], $0x1  }
0xb2: {  	s4 =	sor.u32 @!p0 s4, s6;
	[sflag:s5] =	ssyncadd.s32 @!p0 $0xFFFFFFFF  }
0xb3: {  	s25 =	simm.s32 $0x1B8E;
	s24 =	sld [smem:$0x3FFE];
	[sflag:s4] =	ssyncadd.remote.s32 @!p0 $0x1  }
0xb4: {  	s26 =	simm.s32 $execute0_lowered;
	[smem:$0x3FD2] =	sst s25  }
0xb5: {  	s5 =	sshll.u32 s26, $0x1;
	_ =	strace $0x8000004F;
	[dreg:$0x1] =	wrdreg $0xFFFFFFFF  }
0xb6: {  	s28 =	simm.s32 $_size_execute0_lowered;
	s3 =	sadd.s32 s3, s5;
	[dreg:$0x0] =	wrdreg $0x0  }
0xb7: {  	s5 =	sshll.u32 s28, $0x1;
	[dreg:$0x2] =	wrdreg s3  }
0xb8: {  	[dreg:$0x3] =	wrdreg s5  }
0xb9: {  	[dreg:$0x4] =	wrdreg $0xC0  }
0xba: {  	_ =	task [dreg:s22], $0x5FFFF  }
0xbb: {  	[dreg:$0x1] =	wrdreg $0xFFFFFFFF  }
0xbc: {  	[dreg:$0x0] =	wrdreg $0x60  }
0xbd: {  	[dreg:$0x2] =	wrdreg s24  }
0xbe: {  	[dreg:$0x3] =	wrdreg $0xC  }
0xbf: {  	_ =	task.clear_ibuf [dreg:s22], $0x4FFFF;
	_ =	strace $0x9000004F  }
0xc0: {  	s29 =	simm.s32 $0xC;
	_ =	strace $0x80000051  }
0xc1: {  	_ =	swait.ge [sflag:s29], $0x1  }
0xc2: {  	[sflag:s29] =	ssyncadd.s32 $0xFFFFFFFF  }
0xc3: {  	_ =	strace $0x90000051  }
0xc4: {  	_ =	sfence  }
0xc5: {  	s30 =	sld [smem:$0x0];
	_ =	sdelay $0x2  }
0xc6: {  	s31 =	sshll.u32 s1, $0xD;
	s1 =	sshrl.u32 s1, $0x2  }
0xc7: {  	s4 =	sand.u32 $0x4000, s31;
	s1 =	sadd.s32 s1, s30  }
0xc8: {  	s0 =	sor.u32 s4, s0;
	s1 =	sshll.u32 s1, $0x11  }
0xc9: {  	s0 =	sor.u32 s1, s0  }
0xca: {  	s0 =	sadd.s32 $0x8F2B, s0  }
0xcb: {  	[sflag:s0] =	ssyncadd.remote.s32 $0x1  }
0xcc: {  	_ =	sfence.sel $0xFFFF  }
0xcd: {  	[dreg:$0x0] =	wrdreg $0xFFFFFFFF;
	(pc) =	sbr.abs _section_cstart, $3  }
0xce: {  	[dreg:$0x1] =	wrdreg $0xFFFFFFFF  }
0xcf: {  	_ =	task.clear_ibuf [dreg:s22], $0x2FFFF;
	_ =	strace $0x9FFFFFFF  }
0xd0: {  	(tm) =	ssettm $0x7FFFFFFF  }
0xd1: {  	_ =	shalt  }
tec
execute0_lowered:
.L_overlay_start_1:
0x0: {  	(tag) =	ssettag $0x1  }
0x1: {  	s0 =	rddreg [dreg:$0x0]  }
0x2: {  	s1 =	srdreg.scid;
	s3 =	stileid.u32  }
0x3: {  	s2 =	simm.s32 $0x0;
	s15 =	simm.s32 $0x100;
	s16 =	simm.s32 $0x3  }
0x4: {  	s17 =	simm.s32 $0xC8;
	s18 =	simm.s32 $0x400;
	s20 =	simm.s32 $0x200  }
0x5: {  	s21 =	simm.s32 $0x300;
	s22 =	simm.s32 $0x1;
	s28 =	simm.s32 $0x5  }
0x6: {  	s29 =	simm.s32 $0x6;
	s30 =	simm.s32 $0x0;
	s1 =	sand.u32 $0x1, s1  }
0x7: {  	s3 =	sshll.u32 s3, $0x1;
	[smem:$0x7FF] =	sst s2;
	s4 =	sadd.s32 $0x16600, s0  }
0x8: {  	s5 =	sadd.s32 $0xC800, s0;
	s3 =	sor.u32 s1, s3;
	s23 =	ssub.s32 $0x2, s1  }
0x9: {  	s6 =	sadd.s32 $0x2A00, s0;
	s3 =	smul.u32 $0x7D0, s3;
	s8 =	sshrl.u32 s23, $0x1  }
0xa: {  	s7 =	sadd.s32 $0x352800, s0;
	_ =	strace $0x80000050;
	s0 =	ssub.s32 s23, s8  }
0xb: {  	s23 =	simm.s32 $0x4;
	s24 =	sshrl.u32 s3, $0x3;
	s9 =	sadd.s32 $0x2EEC8, s3  }
0xc: {  	s12 =	sadd.s32 $0x2EF90, s3;
	s13 =	sadd.s32 $0x2F058, s3;
	s1 =	sadd.s32 $0x5DC0, s24  }
0xd: {  	s14 =	smax.u32 s0, $0x1;
	s26 =	sshrl.u32 s9, $0x3;
	s25 =	sadd.s32 s5, s1  }
0xe: {  	s24 =	simm.s32 $0xCC00;
	s1 =	sadd.s32 s6, s1;
	[dreg:$0x2] =	wrdreg s25  }
0xf: {  	s31 =	sadd.s32 s5, s26;
	s11 =	sadd.s32 s6, s26;
	[dreg:$0x3] =	wrdreg s1  }
0x10: {  	s26 =	simm.s32 $0x2;
	[dreg:$0x4] =	wrdreg s31;
	s25 =	simm.s32 $0x13000  }
.LBB2_1:
0x11: {  	s0 =	rddreg [dreg:$0x2]  }
0x12: {  	[tilespmem:s2], [sflag:$0x3] =	stream.linear.gather [hbm4b:s0+s2], $0xC8, $0x38;
	[tilespmem:$0x19400] =	vst v63  }
0x13: {  	s9 =	rddreg [dreg:$0x3]  }
0x14: {  	[tilespmem:s15], [sflag:$0x3] =	stream.linear.gather [hbm4b:s9+s2], $0xC8, $0x38;
	[tilespmem:$0x19400] =	vst v63  }
0x15: {  	_ =	swait.ge [sflag:s16], $0xC8  }
0x16: {  	[sflag:s16] =	ssyncset.done $0x0  }
0x17: {  	[sflag:s16] =	ssyncadd.s32 $0xFFFFFF38  }
0x18: {  	_ =	swait.ge [sflag:s16], $0xC8  }
0x19: {  	[sflag:s16] =	ssyncset.done $0x0  }
0x1a: {  	[sflag:s16] =	ssyncadd.s32 $0xFFFFFF38  }
0x1b: {  	[tilespmem:s18], [sflag:$0x1] =	stream.indirect.gather [hbm4b:s4+s17], $0x80, s2, s17, $0xb8;
	[tilespmem:$0x19400] =	vst v63  }
0x1c: {  	s10 =	simm.s32 $0x6800  }
0x1d: {  	[tilespmem:s10], [sflag:$0x1] =	stream.indirect.gather [hbm4b:s4+s17], $0x80, s15, s17, $0xb8;
	[tilespmem:$0x19400] =	vst v63  }
0x1e: {  	s19 =	rddreg [dreg:$0x4]  }
0x1f: {  	[tilespmem:s20], [sflag:$0x4] =	stream.linear.gather [hbm4b:s19+s2], $0xC8, $0x38;
	[tilespmem:$0x19400] =	vst v63  }
0x20: {  	s31 =	simm.s32 $0x0  }
0x21: {  	[tilespmem:s21], [sflag:$0x4] =	stream.linear.gather [hbm4b:s11+s2], $0xC8, $0x38;
	[tilespmem:$0x19400] =	vst v63  }
.LBB2_2:
0x22: {  	_ =	swait.ge [sflag:s22], $0x6400  }
0x23: {  	[sflag:s22] =	ssyncset.done $0x0  }
0x24: {  	[sflag:s22] =	ssyncadd.s32 $0xFFFF9C00  }
0x25: {  	_ =	swait.ge [sflag:s22], $0x6400  }
0x26: {  	[sflag:s22] =	ssyncset.done $0x0  }
0x27: {  	[sflag:s22] =	ssyncadd.s32 $0xFFFF9C00  }
0x28: {  	p0 =	sne.s32 s31, $0x0;
	_ =	swait.ge [sflag:s23], $0xC8  }
.Ltmp0:
0x29: {  	[sflag:s23] =	ssyncset.done $0x0;
	(pc) =	sbr.rel @!p0 .LBB2_3-.Ltmp0, $4  }
0x2a: {  	[sflag:s23] =	ssyncadd.s32 $0xFFFFFF38  }
0x2b: {  	_ =	swait.ge [sflag:s23], $0xC8  }
0x2c: {  	[sflag:s23] =	ssyncset.done $0x0  }
0x2d: {  	[sflag:s23] =	ssyncadd.s32 $0xFFFFFF38  }
0x2e: {  	_ =	swait.ge [sflag:s29], $0x6400;
	p0 =	seq.s32 s31, $0x4  }
.Ltmp1:
0x2f: {  	[sflag:s29] =	ssyncset.done $0x0;
	(pc) =	sbr.rel @p0 .LBB2_6-.Ltmp1, $4  }
.Ltmp2:
0x30: {  	[sflag:s29] =	ssyncadd.s32 $0xFFFF9C00;
	(pc) =	sbr.rel @!p0 .LBB2_5-.Ltmp2, $4  }
0x31: {  	[tilespmem:s24], [sflag:$0x2] =	stream.indirect.gather [hbm4b:s4+s17], $0x80, s20, s17, $0xb8;
	[tilespmem:$0x19400] =	vst v63  }
0x32: {  	_ = 	snop  }
0x33: {  	[tilespmem:s25], [sflag:$0x2] =	stream.indirect.gather [hbm4b:s4+s17], $0x80, s21, s17, $0xb8;
	[tilespmem:$0x19400] =	vst v63  }
0x34: {  	_ = 	snop  }
.LBB2_3:
0x35: {  	[tilespmem:s24], [sflag:$0x2] =	stream.indirect.gather [hbm4b:s4+s17], $0x80, s20, s17, $0xb8;
	[tilespmem:$0x19400] =	vst v63  }
0x36: {  	_ = 	snop  }
0x37: {  	[tilespmem:s25], [sflag:$0x2] =	stream.indirect.gather [hbm4b:s4+s17], $0x80, s21, s17, $0xb8;
	[tilespmem:$0x19400] =	vst v63  }
.LBB2_5:
0x38: {  	s0 =	smul.u32 $0x190, s31;
	_ =	sdelay $0x1  }
0x39: {  	s0 =	sadd.s32 s0, s12  }
0x3a: {  	s0 =	sshrl.u32 s0, $0x3  }
0x3b: {  	s1 =	sadd.s32 s5, s0  }
0x3c: {  	[tilespmem:s2], [sflag:$0x3] =	stream.linear.gather [hbm4b:s1+s2], $0xC8, $0x38;
	[tilespmem:$0x19400] =	vst v63  }
0x3d: {  	s0 =	sadd.s32 s6, s0  }
0x3e: {  	[tilespmem:s15], [sflag:$0x3] =	stream.linear.gather [hbm4b:s0+s2], $0xC8, $0x38;
	[tilespmem:$0x19400] =	vst v63  }
.LBB2_6:
0x3f: {  	s0 =	simm.s32 $0x500  }
0x40: {  	s1 =	simm.s32 $0x6900;
	v0 =	vld [tilespmem:s0+$0x80]  }
0x41: {  	v1 =	vld [tilespmem:s1+$0x80]  }
0x42: {  	v2 =	vld [tilespmem:s0+$0xFFFFFF80]  }
0x43: {  	v3 =	vld [tilespmem:s1+$0xFFFFFF80]  }
0x44: {  	v4 =	vld [tilespmem:s0+$0x0]  }
0x45: {  	v5 =	vld [tilespmem:s1+$0x0]  }
0x46: {  	v6 =	vld [tilespmem:s0+$0xFFFFFF00];
	v0 =	vadd.f32 v1, v0  }
0x47: {  	v1 =	vld [tilespmem:s1+$0xFFFFFF00]  }
0x48: {  	[tilespmem:s0+$0x80] =	vst v0;
	v0 =	vld [tilespmem:s0+$0x90]  }
0x49: {  	v2 =	vadd.f32 v3, v2;
	v3 =	vld [tilespmem:s1+$0x90]  }
0x4a: {  	v7 =	vld [tilespmem:s0+$0xFFFFFF10]  }
0x4b: {  	[tilespmem:s0+$0xFFFFFF80] =	vst v2;
	v2 =	vadd.f32 v5, v4;
	v4 =	vld [tilespmem:s0+$0xFFFFFF90]  }
0x4c: {  	v5 =	vld [tilespmem:s1+$0xFFFFFF90];
	v1 =	vadd.f32 v1, v6  }
0x4d: {  	[tilespmem:s0+$0x0] =	vst v2;
	v2 =	vld [tilespmem:s0+$0x10]  }
0x4e: {  	v6 =	vld [tilespmem:s1+$0x10];
	[tilespmem:s0+$0xFFFFFF00] =	vst v1;
	v0 =	vadd.f32 v3, v0  }
0x4f: {  	v1 =	vld [tilespmem:s1+$0xFFFFFF10]  }
0x50: {  	[tilespmem:s0+$0x90] =	vst v0;
	v0 =	vld [tilespmem:s0+$0xA0]  }
0x51: {  	v3 =	vadd.f32 v5, v4;
	v4 =	vld [tilespmem:s1+$0xA0]  }
0x52: {  	v5 =	vld [tilespmem:s0+$0xFFFFFF20]  }
0x53: {  	[tilespmem:s0+$0xFFFFFF90] =	vst v3;
	v2 =	vadd.f32 v6, v2;
	v3 =	vld [tilespmem:s0+$0xFFFFFFA0]  }
0x54: {  	v6 =	vld [tilespmem:s1+$0xFFFFFFA0];
	v1 =	vadd.f32 v1, v7  }
0x55: {  	[tilespmem:s0+$0x10] =	vst v2;
	v2 =	vld [tilespmem:s0+$0x20]  }
0x56: {  	v7 =	vld [tilespmem:s1+$0x20];
	[tilespmem:s0+$0xFFFFFF10] =	vst v1;
	v0 =	vadd.f32 v4, v0  }
0x57: {  	v1 =	vld [tilespmem:s1+$0xFFFFFF20]  }
0x58: {  	[tilespmem:s0+$0xA0] =	vst v0;
	v0 =	vld [tilespmem:s0+$0xB0]  }
0x59: {  	v3 =	vadd.f32 v6, v3;
	v4 =	vld [tilespmem:s1+$0xB0]  }
0x5a: {  	v6 =	vld [tilespmem:s0+$0xFFFFFF30]  }
0x5b: {  	[tilespmem:s0+$0xFFFFFFA0] =	vst v3;
	v2 =	vadd.f32 v7, v2;
	v3 =	vld [tilespmem:s0+$0xFFFFFFB0]  }
0x5c: {  	v7 =	vld [tilespmem:s1+$0xFFFFFFB0];
	v1 =	vadd.f32 v1, v5  }
0x5d: {  	[tilespmem:s0+$0x20] =	vst v2;
	v2 =	vld [tilespmem:s0+$0x30]  }
0x5e: {  	v5 =	vld [tilespmem:s1+$0x30];
	[tilespmem:s0+$0xFFFFFF20] =	vst v1;
	v0 =	vadd.f32 v4, v0  }
0x5f: {  	v1 =	vld [tilespmem:s1+$0xFFFFFF30]  }
0x60: {  	[tilespmem:s0+$0xB0] =	vst v0;
	v0 =	vld [tilespmem:s0+$0xC0]  }
0x61: {  	v3 =	vadd.f32 v7, v3;
	v4 =	vld [tilespmem:s1+$0xC0]  }
0x62: {  	v7 =	vld [tilespmem:s0+$0xFFFFFF40]  }
0x63: {  	[tilespmem:s0+$0xFFFFFFB0] =	vst v3;
	v2 =	vadd.f32 v5, v2;
	v3 =	vld [tilespmem:s0+$0xFFFFFFC0]  }
0x64: {  	v5 =	vld [tilespmem:s1+$0xFFFFFFC0];
	v1 =	vadd.f32 v1, v6  }
0x65: {  	[tilespmem:s0+$0x30] =	vst v2;
	v2 =	vld [tilespmem:s0+$0x40]  }
0x66: {  	v6 =	vld [tilespmem:s1+$0x40];
	[tilespmem:s0+$0xFFFFFF30] =	vst v1;
	v0 =	vadd.f32 v4, v0  }
0x67: {  	v1 =	vld [tilespmem:s1+$0xFFFFFF40]  }
0x68: {  	[tilespmem:s0+$0xC0] =	vst v0;
	v0 =	vld [tilespmem:s0+$0xD0]  }
0x69: {  	v3 =	vadd.f32 v5, v3;
	v4 =	vld [tilespmem:s1+$0xD0]  }
0x6a: {  	v5 =	vld [tilespmem:s0+$0xFFFFFF50]  }
0x6b: {  	[tilespmem:s0+$0xFFFFFFC0] =	vst v3;
	v2 =	vadd.f32 v6, v2;
	v3 =	vld [tilespmem:s0+$0xFFFFFFD0]  }
0x6c: {  	v6 =	vld [tilespmem:s1+$0xFFFFFFD0];
	v1 =	vadd.f32 v1, v7  }
0x6d: {  	[tilespmem:s0+$0x40] =	vst v2;
	v2 =	vld [tilespmem:s0+$0x50]  }
0x6e: {  	v7 =	vld [tilespmem:s1+$0x50];
	[tilespmem:s0+$0xFFFFFF40] =	vst v1;
	v0 =	vadd.f32 v4, v0  }
0x6f: {  	v1 =	vld [tilespmem:s1+$0xFFFFFF50]  }
0x70: {  	[tilespmem:s0+$0xD0] =	vst v0;
	v0 =	vld [tilespmem:s0+$0xE0]  }
0x71: {  	v3 =	vadd.f32 v6, v3;
	v4 =	vld [tilespmem:s1+$0xE0]  }
0x72: {  	v6 =	vld [tilespmem:s0+$0xFFFFFF60]  }
0x73: {  	[tilespmem:s0+$0xFFFFFFD0] =	vst v3;
	v2 =	vadd.f32 v7, v2;
	v3 =	vld [tilespmem:s0+$0xFFFFFFE0]  }
0x74: {  	v7 =	vld [tilespmem:s1+$0xFFFFFFE0];
	v1 =	vadd.f32 v1, v5  }
0x75: {  	[tilespmem:s0+$0x50] =	vst v2;
	v2 =	vld [tilespmem:s0+$0x60]  }
0x76: {  	v5 =	vld [tilespmem:s1+$0x60];
	[tilespmem:s0+$0xFFFFFF50] =	vst v1;
	v0 =	vadd.f32 v4, v0  }
0x77: {  	v4 =	vld [tilespmem:s1+$0xFFFFFF60]  }
0x78: {  	v8 =	vld [tilespmem:s0+$0xF0];
	[tilespmem:s0+$0xE0] =	vst v0  }
0x79: {  	v1 =	vadd.f32 v7, v3;
	v7 =	vld [tilespmem:s1+$0xF0]  }
0x7a: {  	v0 =	vld [tilespmem:s0+$0xFFFFFF70]  }
0x7b: {  	[tilespmem:s0+$0xFFFFFFE0] =	vst v1;
	v2 =	vadd.f32 v5, v2;
	v1 =	vld [tilespmem:s0+$0xFFFFFFF0]  }
0x7c: {  	v3 =	vld [tilespmem:s1+$0xFFFFFFF0];
	v4 =	vadd.f32 v4, v6  }
0x7d: {  	[tilespmem:s0+$0x60] =	vst v2;
	v2 =	vld [tilespmem:s0+$0x70]  }
0x7e: {  	[tilespmem:s0+$0xFFFFFF60] =	vst v4;
	v4 =	vld [tilespmem:s1+$0x70];
	v6 =	vadd.f32 v7, v8  }
0x7f: {  	s19 =	sshll.u32 s31, $0x1;
	s8 =	simm.s32 $0x0;
	s9 =	simm.s32 $0x700;
	v5 =	vld [tilespmem:s1+$0xFFFFFF70]  }
.LBB2_7:
0x80: {  	v7 =	vld [tilespmem:s9+$0x80];
	[tilespmem:s0+$0xF0] =	vst v6;
	s1 =	sadd.s32 $0x200, s1  }
0x81: {  	s8 =	sadd.s32 $0x4, s8;
	v6 =	vld [tilespmem:s1+$0x80];
	v1 =	vadd.f32 v3, v1  }
0x82: {  	p0 =	slt.u32 s8, $0xC4;
	v3 =	vld [tilespmem:s1+$0xFFFFFF00]  }
0x83: {  	v8 =	vld [tilespmem:s9+$0xFFFFFF80];
	[tilespmem:s0+$0xFFFFFFF0] =	vst v1;
	v1 =	vadd.f32 v4, v2  }
0x84: {  	v2 =	vld [tilespmem:s1+$0xFFFFFF80];
	v0 =	vadd.f32 v5, v0  }
0x85: {  	v4 =	vld [tilespmem:s9+$0x0];
	[tilespmem:s0+$0x70] =	vst v1  }
0x86: {  	v1 =	vld [tilespmem:s1+$0x0];
	v5 =	vadd.f32 v6, v7;
	[tilespmem:s0+$0xFFFFFF70] =	vst v0;
	s0 =	smov.u32 s9  }
0x87: {  	v0 =	vld [tilespmem:s9+$0xFFFFFF00]  }
0x88: {  	[tilespmem:s9+$0x80] =	vst v5;
	v5 =	vld [tilespmem:s9+$0x90]  }
0x89: {  	v2 =	vadd.f32 v2, v8;
	v6 =	vld [tilespmem:s1+$0x90]  }
0x8a: {  	v7 =	vld [tilespmem:s9+$0xFFFFFF10]  }
0x8b: {  	[tilespmem:s9+$0xFFFFFF80] =	vst v2;
	v2 =	vld [tilespmem:s9+$0xFFFFFF90];
	v1 =	vadd.f32 v1, v4  }
0x8c: {  	v0 =	vadd.f32 v3, v0;
	v3 =	vld [tilespmem:s1+$0xFFFFFF90]  }
0x8d: {  	[tilespmem:s9+$0x0] =	vst v1;
	v1 =	vld [tilespmem:s9+$0x10]  }
0x8e: {  	[tilespmem:s9+$0xFFFFFF00] =	vst v0;
	v0 =	vld [tilespmem:s1+$0x10];
	v4 =	vadd.f32 v6, v5  }
0x8f: {  	v5 =	vld [tilespmem:s1+$0xFFFFFF10]  }
0x90: {  	[tilespmem:s9+$0x90] =	vst v4;
	v4 =	vld [tilespmem:s9+$0xA0]  }
0x91: {  	v2 =	vadd.f32 v3, v2;
	v3 =	vld [tilespmem:s1+$0xA0]  }
0x92: {  	v6 =	vld [tilespmem:s9+$0xFFFFFF20]  }
0x93: {  	[tilespmem:s9+$0xFFFFFF90] =	vst v2;
	v2 =	vld [tilespmem:s9+$0xFFFFFFA0];
	v0 =	vadd.f32 v0, v1  }
0x94: {  	v1 =	vadd.f32 v5, v7;
	v5 =	vld [tilespmem:s1+$0xFFFFFFA0]  }
0x95: {  	[tilespmem:s9+$0x10] =	vst v0;
	v0 =	vld [tilespmem:s9+$0x20]  }
0x96: {  	[tilespmem:s9+$0xFFFFFF10] =	vst v1;
	v1 =	vld [tilespmem:s1+$0x20];
	v3 =	vadd.f32 v3, v4  }
0x97: {  	v4 =	vld [tilespmem:s1+$0xFFFFFF20]  }
0x98: {  	[tilespmem:s9+$0xA0] =	vst v3;
	v3 =	vld [tilespmem:s9+$0xB0]  }
0x99: {  	v2 =	vadd.f32 v5, v2;
	v5 =	vld [tilespmem:s1+$0xB0]  }
0x9a: {  	v7 =	vld [tilespmem:s9+$0xFFFFFF30]  }
0x9b: {  	[tilespmem:s9+$0xFFFFFFA0] =	vst v2;
	v2 =	vld [tilespmem:s9+$0xFFFFFFB0];
	v0 =	vadd.f32 v1, v0  }
0x9c: {  	v1 =	vadd.f32 v4, v6;
	v4 =	vld [tilespmem:s1+$0xFFFFFFB0]  }
0x9d: {  	[tilespmem:s9+$0x20] =	vst v0;
	v0 =	vld [tilespmem:s9+$0x30]  }
0x9e: {  	[tilespmem:s9+$0xFFFFFF20] =	vst v1;
	v1 =	vld [tilespmem:s1+$0x30];
	v3 =	vadd.f32 v5, v3  }
0x9f: {  	v5 =	vld [tilespmem:s1+$0xFFFFFF30]  }
0xa0: {  	[tilespmem:s9+$0xB0] =	vst v3;
	v3 =	vld [tilespmem:s9+$0xC0]  }
0xa1: {  	v2 =	vadd.f32 v4, v2;
	v4 =	vld [tilespmem:s1+$0xC0]  }
0xa2: {  	v6 =	vld [tilespmem:s9+$0xFFFFFF40]  }
0xa3: {  	[tilespmem:s9+$0xFFFFFFB0] =	vst v2;
	v2 =	vld [tilespmem:s9+$0xFFFFFFC0];
	v0 =	vadd.f32 v1, v0  }
0xa4: {  	v1 =	vadd.f32 v5, v7;
	v5 =	vld [tilespmem:s1+$0xFFFFFFC0]  }
0xa5: {  	[tilespmem:s9+$0x30] =	vst v0;
	v0 =	vld [tilespmem:s9+$0x40]  }
0xa6: {  	[tilespmem:s9+$0xFFFFFF30] =	vst v1;
	v1 =	vld [tilespmem:s1+$0x40];
	v3 =	vadd.f32 v4, v3  }
0xa7: {  	v4 =	vld [tilespmem:s1+$0xFFFFFF40]  }
0xa8: {  	[tilespmem:s9+$0xC0] =	vst v3;
	v3 =	vld [tilespmem:s9+$0xD0]  }
0xa9: {  	v2 =	vadd.f32 v5, v2;
	v5 =	vld [tilespmem:s1+$0xD0]  }
0xaa: {  	v7 =	vld [tilespmem:s9+$0xFFFFFF50]  }
0xab: {  	[tilespmem:s9+$0xFFFFFFC0] =	vst v2;
	v2 =	vld [tilespmem:s9+$0xFFFFFFD0];
	v0 =	vadd.f32 v1, v0  }
0xac: {  	v1 =	vadd.f32 v4, v6;
	v4 =	vld [tilespmem:s1+$0xFFFFFFD0]  }
0xad: {  	[tilespmem:s9+$0x40] =	vst v0;
	v0 =	vld [tilespmem:s9+$0x50]  }
0xae: {  	[tilespmem:s9+$0xFFFFFF40] =	vst v1;
	v1 =	vld [tilespmem:s1+$0x50];
	v3 =	vadd.f32 v5, v3  }
0xaf: {  	v5 =	vld [tilespmem:s1+$0xFFFFFF50]  }
0xb0: {  	[tilespmem:s9+$0xD0] =	vst v3;
	v3 =	vld [tilespmem:s9+$0xE0]  }
0xb1: {  	v2 =	vadd.f32 v4, v2;
	v4 =	vld [tilespmem:s1+$0xE0]  }
0xb2: {  	v6 =	vld [tilespmem:s9+$0xFFFFFF60]  }
0xb3: {  	[tilespmem:s9+$0xFFFFFFD0] =	vst v2;
	v2 =	vld [tilespmem:s9+$0xFFFFFFE0];
	v0 =	vadd.f32 v1, v0  }
0xb4: {  	v1 =	vadd.f32 v5, v7;
	v5 =	vld [tilespmem:s1+$0xFFFFFFE0]  }
0xb5: {  	[tilespmem:s9+$0x50] =	vst v0;
	v7 =	vld [tilespmem:s9+$0x60]  }
0xb6: {  	[tilespmem:s9+$0xFFFFFF50] =	vst v1;
	v8 =	vld [tilespmem:s1+$0x60];
	v0 =	vadd.f32 v4, v3  }
0xb7: {  	v3 =	vld [tilespmem:s1+$0xFFFFFF60]  }
0xb8: {  	[tilespmem:s9+$0xE0] =	vst v0;
	v9 =	vld [tilespmem:s9+$0xF0]  }
0xb9: {  	v1 =	vadd.f32 v5, v2;
	v5 =	vld [tilespmem:s1+$0xF0]  }
0xba: {  	v0 =	vld [tilespmem:s9+$0xFFFFFF70]  }
.Ltmp3:
0xbb: {  	[tilespmem:s9+$0xFFFFFFE0] =	vst v1;
	v1 =	vld [tilespmem:s9+$0xFFFFFFF0];
	v2 =	vadd.f32 v8, v7;
	(pc) =	sbr.rel @p0 .LBB2_7-.Ltmp3, $4  }
0xbc: {  	v4 =	vadd.f32 v3, v6;
	v3 =	vld [tilespmem:s1+$0xFFFFFFF0]  }
0xbd: {  	[tilespmem:s9+$0x60] =	vst v2;
	v2 =	vld [tilespmem:s9+$0x70]  }
0xbe: {  	[tilespmem:s9+$0xFFFFFF60] =	vst v4;
	v4 =	vld [tilespmem:s1+$0x70];
	v6 =	vadd.f32 v5, v9  }
0xbf: {  	s9 =	sadd.s32 $0x200, s9;
	v5 =	vld [tilespmem:s1+$0xFFFFFF70]  }
0xc0: {  	_ =	sdelay $0x1  }
0xc1: {  	s1 =	smul.u32 $0x190, s31;
	v1 =	vadd.f32 v3, v1  }
0xc2: {  	[tilespmem:s0+$0xF0] =	vst v6;
	v2 =	vadd.f32 v4, v2  }
0xc3: {  	s8 =	sadd.s32 s3, s1;
	[tilespmem:s0+$0xFFFFFFF0] =	vst v1;
	v0 =	vadd.f32 v5, v0  }
0xc4: {  	s8 =	sshll.u32 s8, $0x4;
	[tilespmem:s0+$0x70] =	vst v2  }
0xc5: {  	s10 =	sadd.s32 s7, s8;
	[tilespmem:s0+$0xFFFFFF70] =	vst v0  }
0xc6: {  	[hbm4b:s10+s2] =	stream.linear.scatter [tilespmem:s18], [sflag:$0x5], $0x6400, $0x38;
	[tilespmem:$0x19400] =	vst v63  }
0xc7: {  	_ =	swait.ge [sflag:s26], $0x6400  }
0xc8: {  	[sflag:s26] =	ssyncset.done $0x0  }
0xc9: {  	[sflag:s26] =	ssyncadd.s32 $0xFFFF9C00  }
0xca: {  	s0 =	sor.u32 $0x1, s19;
	_ =	swait.ge [sflag:s26], $0x6400  }
0xcb: {  	p0 =	sgt.u32 s0, $0x8;
	[sflag:s26] =	ssyncset.done $0x0  }
0xcc: {  	s8 =	simm.s32 @!p0 $0x3;
	[sflag:s26] =	ssyncadd.s32 $0xFFFF9C00  }
0xcd: {  	_ =	swait.ge @!p0 [sflag:s8], $0xC8  }
0xce: {  	[sflag:s8] =	ssyncset.done @!p0 $0x0  }
0xcf: {  	[sflag:s8] =	ssyncadd.s32 @!p0 $0xFFFFFF38  }
0xd0: {  	_ =	swait.ge @!p0 [sflag:s8], $0xC8  }
0xd1: {  	[sflag:s8] =	ssyncset.done @!p0 $0x0  }
0xd2: {  	[sflag:s8] =	ssyncadd.s32 @!p0 $0xFFFFFF38;
	s8 =	simm.s32 @!p0 $0x5  }
0xd3: {  	_ =	swait.ge @!p0 [sflag:s8], $0x6400  }
0xd4: {  	s9 =	simm.s32 @!p0 $0x0;
	s19 =	simm.s32 @!p0 $0x400;
	[sflag:s8] =	ssyncset.done @!p0 $0x0  }
0xd5: {  	s1 =	sadd.s32 @!p0 s1, s13;
	[sflag:s8] =	ssyncadd.s32 @!p0 $0xFFFF9C00;
	s8 =	simm.s32 @!p0 $0xC8  }
0xd6: {  	[tilespmem:s19], [sflag:$0x1] =	stream.indirect.gather @!p0 [hbm4b:s4+s8], $0x80, s9, s8, $0xb8;
	[tilespmem:$0x19400] =	vst v63  }
0xd7: {  	s10 =	simm.s32 @!p0 $0x6800;
	s1 =	sshrl.u32 @!p0 s1, $0x3;
	s19 =	simm.s32 @!p0 $0x100  }
0xd8: {  	[tilespmem:s10], [sflag:$0x1] =	stream.indirect.gather @!p0 [hbm4b:s4+s8], $0x80, s19, s8, $0xb8;
	[tilespmem:$0x19400] =	vst v63  }
0xd9: {  	s8 =	sadd.s32 @!p0 s5, s1;
	s10 =	simm.s32 @!p0 $0x200  }
0xda: {  	[tilespmem:s10], [sflag:$0x4] =	stream.linear.gather @!p0 [hbm4b:s8+s9], $0xC8, $0x38;
	[tilespmem:$0x19400] =	vst v63  }
0xdb: {  	s1 =	sadd.s32 @!p0 s6, s1;
	s8 =	simm.s32 @!p0 $0x300  }
0xdc: {  	[tilespmem:s8], [sflag:$0x4] =	stream.linear.gather @!p0 [hbm4b:s1+s9], $0xC8, $0x38;
	[tilespmem:$0x19400] =	vst v63  }
0xdd: {  	s1 =	simm.s32 $0xCD00  }
0xde: {  	s19 =	simm.s32 $0x13100;
	v0 =	vld [tilespmem:s1+$0x80]  }
0xdf: {  	v1 =	vld [tilespmem:s19+$0x80]  }
0xe0: {  	v2 =	vld [tilespmem:s1+$0xFFFFFF80]  }
0xe1: {  	v3 =	vld [tilespmem:s19+$0xFFFFFF80]  }
0xe2: {  	v4 =	vld [tilespmem:s1+$0x0]  }
0xe3: {  	v5 =	vld [tilespmem:s19+$0x0]  }
0xe4: {  	v6 =	vld [tilespmem:s1+$0xFFFFFF00];
	v0 =	vadd.f32 v1, v0  }
0xe5: {  	v1 =	vld [tilespmem:s19+$0xFFFFFF00]  }
0xe6: {  	[tilespmem:s1+$0x80] =	vst v0;
	v0 =	vld [tilespmem:s1+$0x90]  }
0xe7: {  	v2 =	vadd.f32 v3, v2;
	v3 =	vld [tilespmem:s19+$0x90]  }
0xe8: {  	v7 =	vld [tilespmem:s1+$0xFFFFFF10]  }
0xe9: {  	[tilespmem:s1+$0xFFFFFF80] =	vst v2;
	v2 =	vadd.f32 v5, v4;
	v4 =	vld [tilespmem:s1+$0xFFFFFF90]  }
0xea: {  	v5 =	vld [tilespmem:s19+$0xFFFFFF90];
	v1 =	vadd.f32 v1, v6  }
0xeb: {  	[tilespmem:s1+$0x0] =	vst v2;
	v2 =	vld [tilespmem:s1+$0x10]  }
0xec: {  	v6 =	vld [tilespmem:s19+$0x10];
	[tilespmem:s1+$0xFFFFFF00] =	vst v1;
	v0 =	vadd.f32 v3, v0  }
0xed: {  	v1 =	vld [tilespmem:s19+$0xFFFFFF10]  }
0xee: {  	[tilespmem:s1+$0x90] =	vst v0;
	v0 =	vld [tilespmem:s1+$0xA0]  }
0xef: {  	v3 =	vadd.f32 v5, v4;
	v4 =	vld [tilespmem:s19+$0xA0]  }
0xf0: {  	v5 =	vld [tilespmem:s1+$0xFFFFFF20]  }
0xf1: {  	[tilespmem:s1+$0xFFFFFF90] =	vst v3;
	v2 =	vadd.f32 v6, v2;
	v3 =	vld [tilespmem:s1+$0xFFFFFFA0]  }
0xf2: {  	v6 =	vld [tilespmem:s19+$0xFFFFFFA0];
	v1 =	vadd.f32 v1, v7  }
0xf3: {  	[tilespmem:s1+$0x10] =	vst v2;
	v2 =	vld [tilespmem:s1+$0x20]  }
0xf4: {  	v7 =	vld [tilespmem:s19+$0x20];
	[tilespmem:s1+$0xFFFFFF10] =	vst v1;
	v0 =	vadd.f32 v4, v0  }
0xf5: {  	v1 =	vld [tilespmem:s19+$0xFFFFFF20]  }
0xf6: {  	[tilespmem:s1+$0xA0] =	vst v0;
	v0 =	vld [tilespmem:s1+$0xB0]  }
0xf7: {  	v3 =	vadd.f32 v6, v3;
	v4 =	vld [tilespmem:s19+$0xB0]  }
0xf8: {  	v6 =	vld [tilespmem:s1+$0xFFFFFF30]  }
0xf9: {  	[tilespmem:s1+$0xFFFFFFA0] =	vst v3;
	v2 =	vadd.f32 v7, v2;
	v3 =	vld [tilespmem:s1+$0xFFFFFFB0]  }
0xfa: {  	v7 =	vld [tilespmem:s19+$0xFFFFFFB0];
	v1 =	vadd.f32 v1, v5  }
0xfb: {  	[tilespmem:s1+$0x20] =	vst v2;
	v2 =	vld [tilespmem:s1+$0x30]  }
0xfc: {  	v5 =	vld [tilespmem:s19+$0x30];
	[tilespmem:s1+$0xFFFFFF20] =	vst v1;
	v0 =	vadd.f32 v4, v0  }
0xfd: {  	v1 =	vld [tilespmem:s19+$0xFFFFFF30]  }
0xfe: {  	[tilespmem:s1+$0xB0] =	vst v0;
	v0 =	vld [tilespmem:s1+$0xC0]  }
0xff: {  	v3 =	vadd.f32 v7, v3;
	v4 =	vld [tilespmem:s19+$0xC0]  }
0x100: {  	v7 =	vld [tilespmem:s1+$0xFFFFFF40]  }
0x101: {  	[tilespmem:s1+$0xFFFFFFB0] =	vst v3;
	v2 =	vadd.f32 v5, v2;
	v3 =	vld [tilespmem:s1+$0xFFFFFFC0]  }
0x102: {  	v5 =	vld [tilespmem:s19+$0xFFFFFFC0];
	v1 =	vadd.f32 v1, v6  }
0x103: {  	[tilespmem:s1+$0x30] =	vst v2;
	v2 =	vld [tilespmem:s1+$0x40]  }
0x104: {  	v6 =	vld [tilespmem:s19+$0x40];
	[tilespmem:s1+$0xFFFFFF30] =	vst v1;
	v0 =	vadd.f32 v4, v0  }
0x105: {  	v1 =	vld [tilespmem:s19+$0xFFFFFF40]  }
0x106: {  	[tilespmem:s1+$0xC0] =	vst v0;
	v0 =	vld [tilespmem:s1+$0xD0]  }
0x107: {  	v3 =	vadd.f32 v5, v3;
	v4 =	vld [tilespmem:s19+$0xD0]  }
0x108: {  	v5 =	vld [tilespmem:s1+$0xFFFFFF50]  }
0x109: {  	[tilespmem:s1+$0xFFFFFFC0] =	vst v3;
	v2 =	vadd.f32 v6, v2;
	v3 =	vld [tilespmem:s1+$0xFFFFFFD0]  }
0x10a: {  	v6 =	vld [tilespmem:s19+$0xFFFFFFD0];
	v1 =	vadd.f32 v1, v7  }
0x10b: {  	[tilespmem:s1+$0x40] =	vst v2;
	v2 =	vld [tilespmem:s1+$0x50]  }
0x10c: {  	v7 =	vld [tilespmem:s19+$0x50];
	[tilespmem:s1+$0xFFFFFF40] =	vst v1;
	v0 =	vadd.f32 v4, v0  }
0x10d: {  	v1 =	vld [tilespmem:s19+$0xFFFFFF50]  }
0x10e: {  	[tilespmem:s1+$0xD0] =	vst v0;
	v0 =	vld [tilespmem:s1+$0xE0]  }
0x10f: {  	v3 =	vadd.f32 v6, v3;
	v4 =	vld [tilespmem:s19+$0xE0]  }
0x110: {  	v6 =	vld [tilespmem:s1+$0xFFFFFF60]  }
0x111: {  	[tilespmem:s1+$0xFFFFFFD0] =	vst v3;
	v2 =	vadd.f32 v7, v2;
	v3 =	vld [tilespmem:s1+$0xFFFFFFE0]  }
0x112: {  	v7 =	vld [tilespmem:s19+$0xFFFFFFE0];
	v1 =	vadd.f32 v1, v5  }
0x113: {  	[tilespmem:s1+$0x50] =	vst v2;
	v2 =	vld [tilespmem:s1+$0x60]  }
0x114: {  	v5 =	vld [tilespmem:s19+$0x60];
	[tilespmem:s1+$0xFFFFFF50] =	vst v1;
	v0 =	vadd.f32 v4, v0  }
0x115: {  	v4 =	vld [tilespmem:s19+$0xFFFFFF60]  }
0x116: {  	v8 =	vld [tilespmem:s1+$0xF0];
	[tilespmem:s1+$0xE0] =	vst v0  }
0x117: {  	v1 =	vadd.f32 v7, v3;
	v7 =	vld [tilespmem:s19+$0xF0]  }
0x118: {  	v0 =	vld [tilespmem:s1+$0xFFFFFF70]  }
0x119: {  	[tilespmem:s1+$0xFFFFFFE0] =	vst v1;
	v2 =	vadd.f32 v5, v2;
	v1 =	vld [tilespmem:s1+$0xFFFFFFF0]  }
0x11a: {  	v3 =	vld [tilespmem:s19+$0xFFFFFFF0];
	v4 =	vadd.f32 v4, v6  }
0x11b: {  	[tilespmem:s1+$0x60] =	vst v2;
	v2 =	vld [tilespmem:s1+$0x70]  }
0x11c: {  	[tilespmem:s1+$0xFFFFFF60] =	vst v4;
	v4 =	vld [tilespmem:s19+$0x70];
	v6 =	vadd.f32 v7, v8  }
0x11d: {  	s8 =	simm.s32 $0x0;
	s9 =	simm.s32 $0xCF00;
	v5 =	vld [tilespmem:s19+$0xFFFFFF70]  }
.LBB2_9:
0x11e: {  	v7 =	vld [tilespmem:s9+$0x80];
	[tilespmem:s1+$0xF0] =	vst v6;
	s19 =	sadd.s32 $0x200, s19  }
0x11f: {  	s8 =	sadd.s32 $0x4, s8;
	v6 =	vld [tilespmem:s19+$0x80];
	v1 =	vadd.f32 v3, v1  }
0x120: {  	p0 =	slt.u32 s8, $0xC4;
	v3 =	vld [tilespmem:s19+$0xFFFFFF00]  }
0x121: {  	v8 =	vld [tilespmem:s9+$0xFFFFFF80];
	[tilespmem:s1+$0xFFFFFFF0] =	vst v1;
	v1 =	vadd.f32 v4, v2  }
0x122: {  	v2 =	vld [tilespmem:s19+$0xFFFFFF80];
	v0 =	vadd.f32 v5, v0  }
0x123: {  	v4 =	vld [tilespmem:s9+$0x0];
	[tilespmem:s1+$0x70] =	vst v1  }
0x124: {  	v1 =	vld [tilespmem:s19+$0x0];
	v5 =	vadd.f32 v6, v7;
	[tilespmem:s1+$0xFFFFFF70] =	vst v0;
	s1 =	smov.u32 s9  }
0x125: {  	v0 =	vld [tilespmem:s9+$0xFFFFFF00]  }
0x126: {  	[tilespmem:s9+$0x80] =	vst v5;
	v5 =	vld [tilespmem:s9+$0x90]  }
0x127: {  	v2 =	vadd.f32 v2, v8;
	v6 =	vld [tilespmem:s19+$0x90]  }
0x128: {  	v7 =	vld [tilespmem:s9+$0xFFFFFF10]  }
0x129: {  	[tilespmem:s9+$0xFFFFFF80] =	vst v2;
	v2 =	vld [tilespmem:s9+$0xFFFFFF90];
	v1 =	vadd.f32 v1, v4  }
0x12a: {  	v0 =	vadd.f32 v3, v0;
	v3 =	vld [tilespmem:s19+$0xFFFFFF90]  }
0x12b: {  	[tilespmem:s9+$0x0] =	vst v1;
	v1 =	vld [tilespmem:s9+$0x10]  }
0x12c: {  	[tilespmem:s9+$0xFFFFFF00] =	vst v0;
	v0 =	vld [tilespmem:s19+$0x10];
	v4 =	vadd.f32 v6, v5  }
0x12d: {  	v5 =	vld [tilespmem:s19+$0xFFFFFF10]  }
0x12e: {  	[tilespmem:s9+$0x90] =	vst v4;
	v4 =	vld [tilespmem:s9+$0xA0]  }
0x12f: {  	v2 =	vadd.f32 v3, v2;
	v3 =	vld [tilespmem:s19+$0xA0]  }
0x130: {  	v6 =	vld [tilespmem:s9+$0xFFFFFF20]  }
0x131: {  	[tilespmem:s9+$0xFFFFFF90] =	vst v2;
	v2 =	vld [tilespmem:s9+$0xFFFFFFA0];
	v0 =	vadd.f32 v0, v1  }
0x132: {  	v1 =	vadd.f32 v5, v7;
	v5 =	vld [tilespmem:s19+$0xFFFFFFA0]  }
0x133: {  	[tilespmem:s9+$0x10] =	vst v0;
	v0 =	vld [tilespmem:s9+$0x20]  }
0x134: {  	[tilespmem:s9+$0xFFFFFF10] =	vst v1;
	v1 =	vld [tilespmem:s19+$0x20];
	v3 =	vadd.f32 v3, v4  }
0x135: {  	v4 =	vld [tilespmem:s19+$0xFFFFFF20]  }
0x136: {  	[tilespmem:s9+$0xA0] =	vst v3;
	v3 =	vld [tilespmem:s9+$0xB0]  }
0x137: {  	v2 =	vadd.f32 v5, v2;
	v5 =	vld [tilespmem:s19+$0xB0]  }
0x138: {  	v7 =	vld [tilespmem:s9+$0xFFFFFF30]  }
0x139: {  	[tilespmem:s9+$0xFFFFFFA0] =	vst v2;
	v2 =	vld [tilespmem:s9+$0xFFFFFFB0];
	v0 =	vadd.f32 v1, v0  }
0x13a: {  	v1 =	vadd.f32 v4, v6;
	v4 =	vld [tilespmem:s19+$0xFFFFFFB0]  }
0x13b: {  	[tilespmem:s9+$0x20] =	vst v0;
	v0 =	vld [tilespmem:s9+$0x30]  }
0x13c: {  	[tilespmem:s9+$0xFFFFFF20] =	vst v1;
	v1 =	vld [tilespmem:s19+$0x30];
	v3 =	vadd.f32 v5, v3  }
0x13d: {  	v5 =	vld [tilespmem:s19+$0xFFFFFF30]  }
0x13e: {  	[tilespmem:s9+$0xB0] =	vst v3;
	v3 =	vld [tilespmem:s9+$0xC0]  }
0x13f: {  	v2 =	vadd.f32 v4, v2;
	v4 =	vld [tilespmem:s19+$0xC0]  }
0x140: {  	v6 =	vld [tilespmem:s9+$0xFFFFFF40]  }
0x141: {  	[tilespmem:s9+$0xFFFFFFB0] =	vst v2;
	v2 =	vld [tilespmem:s9+$0xFFFFFFC0];
	v0 =	vadd.f32 v1, v0  }
0x142: {  	v1 =	vadd.f32 v5, v7;
	v5 =	vld [tilespmem:s19+$0xFFFFFFC0]  }
0x143: {  	[tilespmem:s9+$0x30] =	vst v0;
	v0 =	vld [tilespmem:s9+$0x40]  }
0x144: {  	[tilespmem:s9+$0xFFFFFF30] =	vst v1;
	v1 =	vld [tilespmem:s19+$0x40];
	v3 =	vadd.f32 v4, v3  }
0x145: {  	v4 =	vld [tilespmem:s19+$0xFFFFFF40]  }
0x146: {  	[tilespmem:s9+$0xC0] =	vst v3;
	v3 =	vld [tilespmem:s9+$0xD0]  }
0x147: {  	v2 =	vadd.f32 v5, v2;
	v5 =	vld [tilespmem:s19+$0xD0]  }
0x148: {  	v7 =	vld [tilespmem:s9+$0xFFFFFF50]  }
0x149: {  	[tilespmem:s9+$0xFFFFFFC0] =	vst v2;
	v2 =	vld [tilespmem:s9+$0xFFFFFFD0];
	v0 =	vadd.f32 v1, v0  }
0x14a: {  	v1 =	vadd.f32 v4, v6;
	v4 =	vld [tilespmem:s19+$0xFFFFFFD0]  }
0x14b: {  	[tilespmem:s9+$0x40] =	vst v0;
	v0 =	vld [tilespmem:s9+$0x50]  }
0x14c: {  	[tilespmem:s9+$0xFFFFFF40] =	vst v1;
	v1 =	vld [tilespmem:s19+$0x50];
	v3 =	vadd.f32 v5, v3  }
0x14d: {  	v5 =	vld [tilespmem:s19+$0xFFFFFF50]  }
0x14e: {  	[tilespmem:s9+$0xD0] =	vst v3;
	v3 =	vld [tilespmem:s9+$0xE0]  }
0x14f: {  	v2 =	vadd.f32 v4, v2;
	v4 =	vld [tilespmem:s19+$0xE0]  }
0x150: {  	v6 =	vld [tilespmem:s9+$0xFFFFFF60]  }
0x151: {  	[tilespmem:s9+$0xFFFFFFD0] =	vst v2;
	v2 =	vld [tilespmem:s9+$0xFFFFFFE0];
	v0 =	vadd.f32 v1, v0  }
0x152: {  	v1 =	vadd.f32 v5, v7;
	v5 =	vld [tilespmem:s19+$0xFFFFFFE0]  }
0x153: {  	[tilespmem:s9+$0x50] =	vst v0;
	v7 =	vld [tilespmem:s9+$0x60]  }
0x154: {  	[tilespmem:s9+$0xFFFFFF50] =	vst v1;
	v8 =	vld [tilespmem:s19+$0x60];
	v0 =	vadd.f32 v4, v3  }
0x155: {  	v3 =	vld [tilespmem:s19+$0xFFFFFF60]  }
0x156: {  	[tilespmem:s9+$0xE0] =	vst v0;
	v9 =	vld [tilespmem:s9+$0xF0]  }
0x157: {  	v1 =	vadd.f32 v5, v2;
	v5 =	vld [tilespmem:s19+$0xF0]  }
0x158: {  	v0 =	vld [tilespmem:s9+$0xFFFFFF70]  }
.Ltmp4:
0x159: {  	[tilespmem:s9+$0xFFFFFFE0] =	vst v1;
	v1 =	vld [tilespmem:s9+$0xFFFFFFF0];
	v2 =	vadd.f32 v8, v7;
	(pc) =	sbr.rel @p0 .LBB2_9-.Ltmp4, $4  }
0x15a: {  	v4 =	vadd.f32 v3, v6;
	v3 =	vld [tilespmem:s19+$0xFFFFFFF0]  }
0x15b: {  	[tilespmem:s9+$0x60] =	vst v2;
	v2 =	vld [tilespmem:s9+$0x70]  }
0x15c: {  	[tilespmem:s9+$0xFFFFFF60] =	vst v4;
	v4 =	vld [tilespmem:s19+$0x70];
	v6 =	vadd.f32 v5, v9  }
0x15d: {  	s9 =	sadd.s32 $0x200, s9;
	v5 =	vld [tilespmem:s19+$0xFFFFFF70]  }
0x15e: {  	_ = 	snop  }
0x15f: {  	s31 =	sadd.s32 $0x1, s31  }
0x160: {  	s0 =	smul.u32 $0xC8, s0;
	v1 =	vadd.f32 v3, v1;
	p0 =	sne.s32 s31, $0x5  }
.Ltmp5:
0x161: {  	[tilespmem:s1+$0xF0] =	vst v6;
	v2 =	vadd.f32 v4, v2;
	(pc) =	sbr.rel @p0 .LBB2_2-.Ltmp5, $4  }
0x162: {  	s0 =	sadd.s32 s3, s0;
	[tilespmem:s1+$0xFFFFFFF0] =	vst v1;
	v0 =	vadd.f32 v5, v0  }
0x163: {  	s0 =	sshll.u32 s0, $0x4;
	[tilespmem:s1+$0x70] =	vst v2  }
0x164: {  	s0 =	sadd.s32 s7, s0;
	[tilespmem:s1+$0xFFFFFF70] =	vst v0  }
0x165: {  	[hbm4b:s0+s2] =	stream.linear.scatter [tilespmem:s24], [sflag:$0x6], $0x6400, $0x38;
	[tilespmem:$0x19400] =	vst v63  }
0x166: {  	s30 =	sadd.s32 $0x1, s30  }
0x167: {  	_ =	swait.ge [sflag:s28], $0x6400;
	p0 =	sne.s32 s30, s14  }
.Ltmp6:
0x168: {  	[sflag:s28] =	ssyncset.done $0x0;
	(pc) =	sbr.rel @p0 .LBB2_1-.Ltmp6, $4  }
0x169: {  	[sflag:s28] =	ssyncadd.s32 $0xFFFF9C00  }
0x16a: {  	_ =	swait.ge [sflag:s29], $0x6400  }
0x16b: {  	[sflag:s29] =	ssyncset.done $0x0  }
0x16c: {  	[sflag:s29] =	ssyncadd.s32 $0xFFFF9C00  }
0x16d: {  	_ =	sfence.sel $0x180000  }
0x16e: {  	[bflag:$0x0] =	sbarrier.arrive $0xFFFF  }
0x16f: {  	_ =	strace $0x90000050  }
0x170: {  	s0 =	stileid.u32;
	[bflag:$0x2] =	sbarrier.arrive $0xFFFF  }
0x171: {  	p0 =	sne.s32 s0, $0x0;
	s0 =	rddreg [dreg:$0x1]  }
0x172: {  	s0 =	sadd.s32 @!p0 $0x100000, s0  }
0x173: {  	[sflag:s0] =	ssyncadd.tile.s32 @!p0 $0x1;
	_ =	shalt  }
.Lfunc_end2:
_tile_overlayer_lowered:
.L_overlay_start_2:
0x174: {  	(tag) =	ssettag $0x2  }
0x175: {  	s0 =	rddreg [dreg:$0x0];
	s2 =	stileid.u32  }
0x176: {  	s1 =	rddreg [dreg:$0x1];
	p0 =	sne.s32 s2, $0x0  }
0x177: {  	s3 =	rddreg [dreg:$0x2];
	[bflag:$0x3] =	sbarrier.arrive $0xFFFF;
	s2 =	simm.s32 @!p0 $0x1C07  }
0x178: {  	[timem:s3], [sflag:s2] =	dma.local @!p0 [hbm:s0], s1  }
0x179: {  	s0 =	simm.s32 @!p0 $0x7  }
0x17a: {  	_ =	swait.ge @!p0 [sflag:s0], s1  }
0x17b: {  	s1 =	ssub.s32 @!p0 $0x0, s1;
	[sflag:s0] =	ssyncset.done @!p0 $0x0  }
0x17c: {  	[sflag:s0] =	ssyncadd.s32 @!p0 s1  }
0x17d: {  	[bflag:$0x3] =	sbarrier.arrive $0xFFFF  }
0x17e: {  	_ =	shalt  }

// kernel: kernel.26.cloned.1.call-start
scs
__scs_entry_jumppad:
0x0: {  	(pc) =	sbr.rel $0x88, $3  }
0x1: {  	(tag) =	ssettag $0x0;
	lr =	simm.s32 $0x1  }
0x2: {  	[smem:$0x3F9A] =	sst lr;
	_ =	strace $0xD0000000  }
0x3: {  	_ = 	snop  }
0x4: {  	_ = 	snop  }
0x5: {  	_ = 	snop  }
0x6: {  	_ = 	snop  }
0x7: {  	_ = 	snop  }
__scs_overlays_trampoline_lowered:
0x8: {  	[smem:$0x3FA9] =	sst s0  }
0x9: {  	[smem:$0x3FAA] =	sst s1  }
0xa: {  	[smem:$0x3FAB] =	sst s2  }
0xb: {  	[smem:$0x3FAC] =	sst s3  }
0xc: {  	[smem:$0x3FAD] =	sst s4  }
0xd: {  	[smem:$0x3FAE] =	sst s5  }
0xe: {  	[smem:$0x3FAF] =	sst s6  }
0xf: {  	[smem:$0x3FB0] =	sst s7  }
0x10: {  	[smem:$0x3FB1] =	sst s8  }
0x11: {  	[smem:$0x3FB2] =	sst s9;
	s0 =	simm.s32 @!p0 $0x0  }
0x12: {  	s1 =	sld [smem:$0x3F98];
	s0 =	simm.s32 @p0 $0x1  }
0x13: {  	[smem:$0x3FB3] =	sst s0;
	s0 =	simm.s32 @!p1 $0x0  }
0x14: {  	s2 =	sld [smem:$0x3F97];
	s0 =	simm.s32 @p1 $0x1  }
0x15: {  	[smem:$0x3FB4] =	sst s0;
	s0 =	simm.s32 @!p2 $0x0  }
0x16: {  	s3 =	sld [smem:$0x3FDB];
	s0 =	simm.s32 @p2 $0x1  }
0x17: {  	s4 =	simm.s32 $0x1BF5;
	[smem:$0x3FB6] =	sst s0  }
0x18: {  	s0 =	sld [smem:$0x3F99];
	_ =	swait.ge [sflag:s4], $0x0  }
0x19: {  	s7 =	sld [smem:$0x3F9A]  }
0x1a: {  	s8 =	sadd.s32 $0xFFFFE003, lr  }
0x1b: {  	s9 =	sadd.s32 $0xFFFFFEF7, lr;
	s5 =	simm.s32 $0xFFFFFFFF;
	p2 =	slt.u32 s8, $0xFFFFF086  }
0x1c: {  	p1 =	slt.u32 s9, $0xF7A;
	s5 =	simm.s32 @!p2 $0x0  }
0x1d: {  	s5 =	simm.s32 @p1 $0x1;
	p0 =	seq.s32 s7, s2  }
0x1e: {  	s7 =	smul.u32 @!p0 $0xF7A, s2;
	p2 =	seq.s32 @!p0 s5, $0x0  }
0x1f: {  	s9 =	smul.u32 $0xF7A, s1;
	s8 =	simm.s32 @!p0 $0x1BF5;
	p2 =	por !p2, p0  }
0x20: {  	[sflag:s8] =	ssyncset.s32 @!p0 $0xFFFFF086;
	s6 =	sadd.s32 @!p0 s3, s7;
	s7 =	simm.s32 @!p0 $0x108  }
0x21: {  	s3 =	sadd.s32 s3, s9;
	s6 =	sadd.s32 @!p0 $0x88, s6;
	s7 =	simm.s32 @p2 $0x1082  }
0x22: {  	[simem:s7], [sflag:s8] =	dma.local @!p0 [hbm:s6], $0xF7A  }
0x23: {  	s9 =	sor.u32 $0xD0000000, s2;
	s6 =	simm.s32 $0x108;
	_ =	swait.ge @!p0 [sflag:s8], $0x0  }
0x24: {  	s3 =	sadd.s32 $0x88, s3;
	s6 =	simm.s32 @!p1 $0x1082;
	[sflag:s4] =	ssyncset.s32 $0xFFFFF086  }
0x25: {  	[simem:s6], [sflag:s4] =	dma.local [hbm:s3], $0xF7A  }
0x26: {  	[smem:$0x3F9A] =	sst s1;
	(tag) =	ssettag s2;
	_ =	strace s9  }
0x27: {  	s1 =	sld [smem:$0x3FAA]  }
0x28: {  	s2 =	sld [smem:$0x3FAB]  }
0x29: {  	s4 =	sld [smem:$0x3FAD]  }
0x2a: {  	p0 =	seq.s32 s5, $0x0;
	s5 =	sld [smem:$0x3FAE]  }
0x2b: {  	s6 =	sld [smem:$0x3FAF]  }
0x2c: {  	s7 =	sld [smem:$0x3FB0]  }
0x2d: {  	s3 =	simm.s32 $0x108;
	s8 =	sld [smem:$0x3FB1]  }
0x2e: {  	s3 =	simm.s32 @!p0 $0x1082;
	s9 =	sld [smem:$0x3FB2]  }
0x2f: {  	lr =	sadd.s32 s0, s3;
	s0 =	sld [smem:$0x3FA9]  }
0x30: {  	s3 =	sld [smem:$0x3FAC]  }
0x31: {  	[smem:$0x3FB5] =	sst s10  }
0x32: {  	s10 =	sld [smem:$0x3FB3];
	_ =	sdelay $0x3  }
0x33: {  	p0 =	seq.s32 s10, $0x1;
	s10 =	sld [smem:$0x3FB5];
	_ =	sdelay $0x3  }
0x34: {  	[smem:$0x3FB5] =	sst s10  }
0x35: {  	s10 =	sld [smem:$0x3FB4];
	_ =	sdelay $0x3  }
0x36: {  	p1 =	seq.s32 s10, $0x1;
	s10 =	sld [smem:$0x3FB5];
	_ =	sdelay $0x3  }
0x37: {  	[smem:$0x3FB5] =	sst s10  }
0x38: {  	s10 =	sld [smem:$0x3FB6]  }
0x39: {  	_ = 	snop;
	(pc) =	sbr.ind lr, $3  }
0x3a: {  	_ = 	snop  }
0x3b: {  	_ = 	snop  }
0x3c: {  	p2 =	seq.s32 s10, $0x1;
	s10 =	sld [smem:$0x3FB5]  }
0x3d: {  	_ =	shalt  }
0x3e: {  	_ =	shalt  }
0x3f: {  	_ =	shalt  }
0x40: {  	_ =	shalt  }
0x41: {  	_ =	shalt  }
0x42: {  	_ =	shalt  }
0x43: {  	_ =	shalt  }
0x44: {  	_ =	shalt  }
0x45: {  	_ =	shalt  }
0x46: {  	_ =	shalt  }
0x47: {  	_ =	shalt  }
0x48: {  	_ =	shalt  }
0x49: {  	_ =	shalt  }
0x4a: {  	_ =	shalt  }
0x4b: {  	_ =	shalt  }
0x4c: {  	_ =	shalt  }
0x4d: {  	_ =	shalt  }
0x4e: {  	_ =	shalt  }
0x4f: {  	_ =	shalt  }
0x50: {  	_ =	shalt  }
0x51: {  	_ =	shalt  }
0x52: {  	_ =	shalt  }
0x53: {  	_ =	shalt  }
0x54: {  	_ =	shalt  }
0x55: {  	_ =	shalt  }
0x56: {  	_ =	shalt  }
0x57: {  	_ =	shalt  }
0x58: {  	_ =	shalt  }
0x59: {  	_ =	shalt  }
0x5a: {  	_ =	shalt  }
0x5b: {  	_ =	shalt  }
0x5c: {  	_ =	shalt  }
0x5d: {  	_ =	shalt  }
0x5e: {  	_ =	shalt  }
0x5f: {  	_ =	shalt  }
0x60: {  	_ =	shalt  }
0x61: {  	_ =	shalt  }
0x62: {  	_ =	shalt  }
0x63: {  	_ =	shalt  }
0x64: {  	_ =	shalt  }
0x65: {  	_ =	shalt  }
0x66: {  	_ =	shalt  }
0x67: {  	_ =	shalt  }
0x68: {  	_ =	shalt  }
0x69: {  	_ =	shalt  }
0x6a: {  	_ =	shalt  }
0x6b: {  	_ =	shalt  }
0x6c: {  	_ =	shalt  }
0x6d: {  	_ =	shalt  }
0x6e: {  	_ =	shalt  }
0x6f: {  	_ =	shalt  }
0x70: {  	_ =	shalt  }
0x71: {  	_ =	shalt  }
0x72: {  	_ =	shalt  }
0x73: {  	_ =	shalt  }
0x74: {  	_ =	shalt  }
0x75: {  	_ =	shalt  }
0x76: {  	_ =	shalt  }
0x77: {  	_ =	shalt  }
0x78: {  	_ =	shalt  }
0x79: {  	_ =	shalt  }
0x7a: {  	_ =	shalt  }
0x7b: {  	_ =	shalt  }
0x7c: {  	_ =	shalt  }
0x7d: {  	_ =	shalt  }
0x7e: {  	_ =	shalt  }
0x7f: {  	_ =	shalt  }
0x80: {  	_ =	shalt  }
0x81: {  	_ =	shalt  }
0x82: {  	_ =	shalt  }
0x83: {  	_ =	shalt  }
0x84: {  	_ =	shalt  }
0x85: {  	_ =	shalt  }
0x86: {  	_ =	shalt  }
0x87: {  	_ =	shalt  }
.Lfunc_end0:
.L_simem_size_0:
called_computation.4_lowered:
.L_overlay_start_0:
0x88: {  	s2 =	sld [smem:$0x3FD9]  }
0x89: {  	s3 =	sld [smem:$0x3FFE];
	_ =	sdelay $0x1  }
0x8a: {  	s1 =	srdreg.scid  }
0x8b: {  	s0 =	sand.u32 $0x1, s1  }
0x8c: {  	s17 =	sshll.u32 s0, $0xA;
	s2 =	sadd.s32 s3, s2  }
0x8d: {  	s2 =	sadd.s32 s2, s17  }
0x8e: {  	[smem:$0x3FC1] =	sst s2  }
0x8f: {  	_ = 	snop  }
0x90: {  	(tm) =	ssettm $0x1  }
0x91: {  	s18 =	sld [smem:$0x3FFB];
	_ =	sdelay $0x3  }
0x92: {  	_ =	strace s18  }
0x93: {  	s2 =	sld [smem:$0x3FFC];
	_ =	sdelay $0x3  }
0x94: {  	_ =	strace s2  }
0x95: {  	s2 =	sld [smem:$0x3FFD];
	_ =	sdelay $0x3  }
0x96: {  	_ =	strace s2  }
0x97: {  	_ =	strace $0x8FFFFFFF  }
0x98: {  	s19 =	sld [smem:$0x3FDB];
	_ =	sdelay $0x1  }
0x99: {  	s20 =	simm.s32 $_scs_section_size  }
0x9a: {  	s4 =	simm.s32 $_size__tile_overlayer_lowered;
	s5 =	simm.s32 $_tile_overlayer_lowered  }
0x9b: {  	s6 =	simm.s32 $0x1BFF;
	s21 =	sshll.u32 s5, $0x1;
	s3 =	sadd.s32 s20, s19  }
0x9c: {  	s22 =	simm.s32 $0x0;
	s4 =	sshll.u32 s4, $0x1;
	s5 =	sadd.s32 s21, s3  }
0x9d: {  	[timem:s22], [sflag:s6] =	dma.local [hbm:s5], s4  }
0x9e: {  	_ =	swait.ge [sflag:s6], s4  }
0x9f: {  	s4 =	ssub.s32 $0x0, s4;
	[sflag:s6] =	ssyncset.done $0x0  }
0xa0: {  	[sflag:s6] =	ssyncadd.s32 s4;
	_ =	sdelay $0x1  }
0xa1: {  	s23 =	simm.s32 $0x1B8B  }
0xa2: {  	_ =	swait.ge [sflag:s23], $0x1  }
0xa3: {  	[sflag:s23] =	ssyncset.done $0x0  }
0xa4: {  	[sflag:s23] =	ssyncadd.s32 $0xFFFFFFFF  }
0xa5: {  	s4 =	sld [smem:$0x0]  }
0xa6: {  	s5 =	sand.u32 $0xFFFFFFFE, s1  }
0xa7: {  	p0 =	sne.s32 s1, s5  }
0xa8: {  	s5 =	sshll.u32 @p0 s5, $0xE  }
0xa9: {  	s5 =	sadd.s32 @p0 $0x11B8D, s5;
	s6 =	sshll.u32 @p0 s4, $0x11  }
0xaa: {  	s5 =	sor.u32 @p0 s6, s5  }
0xab: {  	[sflag:s5] =	ssyncadd.remote.s32 @p0 $0x1;
	_ =	sdelay $0x1  }
0xac: {  	s5 =	simm.s32 @p0 $0x1B8D  }
0xad: {  	_ =	swait.eq @p0 [sflag:s5], $0x1  }
0xae: {  	[sflag:s5] =	ssyncadd.s32 @p0 $0xFFFFFFFF  }
0xaf: {  	s6 =	sshll.u32 @!p0 s1, $0xE  }
0xb0: {  	s6 =	sor.u32 @!p0 $0x4000, s6;
	s5 =	simm.s32 @!p0 $0x1B8D  }
0xb1: {  	s4 =	sshll.u32 @!p0 s4, $0x11;
	s6 =	sadd.s32 @!p0 $0x11B8D, s6;
	_ =	swait.eq @!p0 [sflag:s5], $0x1  }
0xb2: {  	s4 =	sor.u32 @!p0 s4, s6;
	[sflag:s5] =	ssyncadd.s32 @!p0 $0xFFFFFFFF  }
0xb3: {  	s25 =	simm.s32 $0x1B8E;
	s24 =	sld [smem:$0x3FFE];
	[sflag:s4] =	ssyncadd.remote.s32 @!p0 $0x1  }
0xb4: {  	s26 =	simm.s32 $execute0_lowered;
	[smem:$0x3FD2] =	sst s25  }
0xb5: {  	s5 =	sshll.u32 s26, $0x1;
	_ =	strace $0x80000052;
	[dreg:$0x1] =	wrdreg $0xFFFFFFFF  }
0xb6: {  	s28 =	simm.s32 $_size_execute0_lowered;
	s3 =	sadd.s32 s3, s5;
	[dreg:$0x0] =	wrdreg $0x0  }
0xb7: {  	s5 =	sshll.u32 s28, $0x1;
	[dreg:$0x2] =	wrdreg s3  }
0xb8: {  	[dreg:$0x3] =	wrdreg s5  }
0xb9: {  	[dreg:$0x4] =	wrdreg $0xC0  }
0xba: {  	_ =	task [dreg:s22], $0x5FFFF  }
0xbb: {  	[dreg:$0x1] =	wrdreg $0xFFFFFFFF  }
0xbc: {  	[dreg:$0x0] =	wrdreg $0x60  }
0xbd: {  	[dreg:$0x2] =	wrdreg s24  }
0xbe: {  	[dreg:$0x3] =	wrdreg $0xD  }
0xbf: {  	_ =	task.clear_ibuf [dreg:s22], $0x4FFFF;
	_ =	strace $0x90000052  }
0xc0: {  	s29 =	simm.s32 $0xD;
	_ =	strace $0x80000054  }
0xc1: {  	_ =	swait.ge [sflag:s29], $0x1  }
0xc2: {  	[sflag:s29] =	ssyncadd.s32 $0xFFFFFFFF  }
0xc3: {  	_ =	strace $0x90000054  }
0xc4: {  	_ =	sfence  }
0xc5: {  	s30 =	sld [smem:$0x0];
	_ =	sdelay $0x2  }
0xc6: {  	s31 =	sshll.u32 s1, $0xD;
	s1 =	sshrl.u32 s1, $0x2  }
0xc7: {  	s4 =	sand.u32 $0x4000, s31;
	s1 =	sadd.s32 s1, s30  }
0xc8: {  	s0 =	sor.u32 s4, s0;
	s1 =	sshll.u32 s1, $0x11  }
0xc9: {  	s0 =	sor.u32 s1, s0  }
0xca: {  	s0 =	sadd.s32 $0x8F2B, s0  }
0xcb: {  	[sflag:s0] =	ssyncadd.remote.s32 $0x1  }
0xcc: {  	_ =	sfence.sel $0xFFFF  }
0xcd: {  	[dreg:$0x0] =	wrdreg $0xFFFFFFFF;
	(pc) =	sbr.abs _section_cstart, $3  }
0xce: {  	[dreg:$0x1] =	wrdreg $0xFFFFFFFF  }
0xcf: {  	_ =	task.clear_ibuf [dreg:s22], $0x2FFFF;
	_ =	strace $0x9FFFFFFF  }
0xd0: {  	(tm) =	ssettm $0x7FFFFFFF  }
0xd1: {  	_ =	shalt  }
tec
execute0_lowered:
.L_overlay_start_1:
0x0: {  	(tag) =	ssettag $0x1  }
0x1: {  	s0 =	rddreg [dreg:$0x0]  }
0x2: {  	s1 =	srdreg.scid;
	s3 =	stileid.u32  }
0x3: {  	s2 =	simm.s32 $0x0;
	s15 =	simm.s32 $0x100;
	s16 =	simm.s32 $0x3  }
0x4: {  	s17 =	simm.s32 $0xC8;
	s18 =	simm.s32 $0x400;
	s20 =	simm.s32 $0x200  }
0x5: {  	s21 =	simm.s32 $0x300;
	s22 =	simm.s32 $0x1;
	s28 =	simm.s32 $0x5  }
0x6: {  	s29 =	simm.s32 $0x6;
	s30 =	simm.s32 $0x0;
	s1 =	sand.u32 $0x1, s1  }
0x7: {  	s3 =	sshll.u32 s3, $0x1;
	[smem:$0x7FF] =	sst s2;
	s4 =	sadd.s32 $0x16600, s0  }
0x8: {  	s5 =	sadd.s32 $0xC800, s0;
	s3 =	sor.u32 s1, s3;
	s23 =	ssub.s32 $0x2, s1  }
0x9: {  	s6 =	sadd.s32 $0x2A00, s0;
	s3 =	smul.u32 $0x7D0, s3;
	s8 =	sshrl.u32 s23, $0x1  }
0xa: {  	s7 =	sadd.s32 $0x44C800, s0;
	_ =	strace $0x80000053;
	s0 =	ssub.s32 s23, s8  }
0xb: {  	s23 =	simm.s32 $0x4;
	s24 =	sshrl.u32 s3, $0x3;
	s9 =	sadd.s32 $0x3E8C8, s3  }
0xc: {  	s12 =	sadd.s32 $0x3E990, s3;
	s13 =	sadd.s32 $0x3EA58, s3;
	s1 =	sadd.s32 $0x7D00, s24  }
0xd: {  	s14 =	smax.u32 s0, $0x1;
	s26 =	sshrl.u32 s9, $0x3;
	s25 =	sadd.s32 s5, s1  }
0xe: {  	s24 =	simm.s32 $0xCC00;
	s1 =	sadd.s32 s6, s1;
	[dreg:$0x2] =	wrdreg s25  }
0xf: {  	s31 =	sadd.s32 s5, s26;
	s11 =	sadd.s32 s6, s26;
	[dreg:$0x3] =	wrdreg s1  }
0x10: {  	s26 =	simm.s32 $0x2;
	[dreg:$0x4] =	wrdreg s31;
	s25 =	simm.s32 $0x13000  }
.LBB2_1:
0x11: {  	s0 =	rddreg [dreg:$0x2]  }
0x12: {  	[tilespmem:s2], [sflag:$0x3] =	stream.linear.gather [hbm4b:s0+s2], $0xC8, $0x38;
	[tilespmem:$0x19400] =	vst v63  }
0x13: {  	s9 =	rddreg [dreg:$0x3]  }
0x14: {  	[tilespmem:s15], [sflag:$0x3] =	stream.linear.gather [hbm4b:s9+s2], $0xC8, $0x38;
	[tilespmem:$0x19400] =	vst v63  }
0x15: {  	_ =	swait.ge [sflag:s16], $0xC8  }
0x16: {  	[sflag:s16] =	ssyncset.done $0x0  }
0x17: {  	[sflag:s16] =	ssyncadd.s32 $0xFFFFFF38  }
0x18: {  	_ =	swait.ge [sflag:s16], $0xC8  }
0x19: {  	[sflag:s16] =	ssyncset.done $0x0  }
0x1a: {  	[sflag:s16] =	ssyncadd.s32 $0xFFFFFF38  }
0x1b: {  	[tilespmem:s18], [sflag:$0x1] =	stream.indirect.gather [hbm4b:s4+s17], $0x80, s2, s17, $0xb8;
	[tilespmem:$0x19400] =	vst v63  }
0x1c: {  	s10 =	simm.s32 $0x6800  }
0x1d: {  	[tilespmem:s10], [sflag:$0x1] =	stream.indirect.gather [hbm4b:s4+s17], $0x80, s15, s17, $0xb8;
	[tilespmem:$0x19400] =	vst v63  }
0x1e: {  	s19 =	rddreg [dreg:$0x4]  }
0x1f: {  	[tilespmem:s20], [sflag:$0x4] =	stream.linear.gather [hbm4b:s19+s2], $0xC8, $0x38;
	[tilespmem:$0x19400] =	vst v63  }
0x20: {  	s31 =	simm.s32 $0x0  }
0x21: {  	[tilespmem:s21], [sflag:$0x4] =	stream.linear.gather [hbm4b:s11+s2], $0xC8, $0x38;
	[tilespmem:$0x19400] =	vst v63  }
.LBB2_2:
0x22: {  	_ =	swait.ge [sflag:s22], $0x6400  }
0x23: {  	[sflag:s22] =	ssyncset.done $0x0  }
0x24: {  	[sflag:s22] =	ssyncadd.s32 $0xFFFF9C00  }
0x25: {  	_ =	swait.ge [sflag:s22], $0x6400  }
0x26: {  	[sflag:s22] =	ssyncset.done $0x0  }
0x27: {  	[sflag:s22] =	ssyncadd.s32 $0xFFFF9C00  }
0x28: {  	p0 =	sne.s32 s31, $0x0;
	_ =	swait.ge [sflag:s23], $0xC8  }
.Ltmp0:
0x29: {  	[sflag:s23] =	ssyncset.done $0x0;
	(pc) =	sbr.rel @!p0 .LBB2_3-.Ltmp0, $4  }
0x2a: {  	[sflag:s23] =	ssyncadd.s32 $0xFFFFFF38  }
0x2b: {  	_ =	swait.ge [sflag:s23], $0xC8  }
0x2c: {  	[sflag:s23] =	ssyncset.done $0x0  }
0x2d: {  	[sflag:s23] =	ssyncadd.s32 $0xFFFFFF38  }
0x2e: {  	_ =	swait.ge [sflag:s29], $0x6400;
	p0 =	seq.s32 s31, $0x4  }
.Ltmp1:
0x2f: {  	[sflag:s29] =	ssyncset.done $0x0;
	(pc) =	sbr.rel @p0 .LBB2_6-.Ltmp1, $4  }
.Ltmp2:
0x30: {  	[sflag:s29] =	ssyncadd.s32 $0xFFFF9C00;
	(pc) =	sbr.rel @!p0 .LBB2_5-.Ltmp2, $4  }
0x31: {  	[tilespmem:s24], [sflag:$0x2] =	stream.indirect.gather [hbm4b:s4+s17], $0x80, s20, s17, $0xb8;
	[tilespmem:$0x19400] =	vst v63  }
0x32: {  	_ = 	snop  }
0x33: {  	[tilespmem:s25], [sflag:$0x2] =	stream.indirect.gather [hbm4b:s4+s17], $0x80, s21, s17, $0xb8;
	[tilespmem:$0x19400] =	vst v63  }
0x34: {  	_ = 	snop  }
.LBB2_3:
0x35: {  	[tilespmem:s24], [sflag:$0x2] =	stream.indirect.gather [hbm4b:s4+s17], $0x80, s20, s17, $0xb8;
	[tilespmem:$0x19400] =	vst v63  }
0x36: {  	_ = 	snop  }
0x37: {  	[tilespmem:s25], [sflag:$0x2] =	stream.indirect.gather [hbm4b:s4+s17], $0x80, s21, s17, $0xb8;
	[tilespmem:$0x19400] =	vst v63  }
.LBB2_5:
0x38: {  	s0 =	smul.u32 $0x190, s31;
	_ =	sdelay $0x1  }
0x39: {  	s0 =	sadd.s32 s0, s12  }
0x3a: {  	s0 =	sshrl.u32 s0, $0x3  }
0x3b: {  	s1 =	sadd.s32 s5, s0  }
0x3c: {  	[tilespmem:s2], [sflag:$0x3] =	stream.linear.gather [hbm4b:s1+s2], $0xC8, $0x38;
	[tilespmem:$0x19400] =	vst v63  }
0x3d: {  	s0 =	sadd.s32 s6, s0  }
0x3e: {  	[tilespmem:s15], [sflag:$0x3] =	stream.linear.gather [hbm4b:s0+s2], $0xC8, $0x38;
	[tilespmem:$0x19400] =	vst v63  }
.LBB2_6:
0x3f: {  	s0 =	simm.s32 $0x500  }
0x40: {  	s1 =	simm.s32 $0x6900;
	v0 =	vld [tilespmem:s0+$0x80]  }
0x41: {  	v1 =	vld [tilespmem:s1+$0x80]  }
0x42: {  	v2 =	vld [tilespmem:s0+$0xFFFFFF80]  }
0x43: {  	v3 =	vld [tilespmem:s1+$0xFFFFFF80]  }
0x44: {  	v4 =	vld [tilespmem:s0+$0x0]  }
0x45: {  	v5 =	vld [tilespmem:s1+$0x0]  }
0x46: {  	v6 =	vld [tilespmem:s0+$0xFFFFFF00];
	v0 =	vadd.f32 v1, v0  }
0x47: {  	v1 =	vld [tilespmem:s1+$0xFFFFFF00]  }
0x48: {  	[tilespmem:s0+$0x80] =	vst v0;
	v0 =	vld [tilespmem:s0+$0x90]  }
0x49: {  	v2 =	vadd.f32 v3, v2;
	v3 =	vld [tilespmem:s1+$0x90]  }
0x4a: {  	v7 =	vld [tilespmem:s0+$0xFFFFFF10]  }
0x4b: {  	[tilespmem:s0+$0xFFFFFF80] =	vst v2;
	v2 =	vadd.f32 v5, v4;
	v4 =	vld [tilespmem:s0+$0xFFFFFF90]  }
0x4c: {  	v5 =	vld [tilespmem:s1+$0xFFFFFF90];
	v1 =	vadd.f32 v1, v6  }
0x4d: {  	[tilespmem:s0+$0x0] =	vst v2;
	v2 =	vld [tilespmem:s0+$0x10]  }
0x4e: {  	v6 =	vld [tilespmem:s1+$0x10];
	[tilespmem:s0+$0xFFFFFF00] =	vst v1;
	v0 =	vadd.f32 v3, v0  }
0x4f: {  	v1 =	vld [tilespmem:s1+$0xFFFFFF10]  }
0x50: {  	[tilespmem:s0+$0x90] =	vst v0;
	v0 =	vld [tilespmem:s0+$0xA0]  }
0x51: {  	v3 =	vadd.f32 v5, v4;
	v4 =	vld [tilespmem:s1+$0xA0]  }
0x52: {  	v5 =	vld [tilespmem:s0+$0xFFFFFF20]  }
0x53: {  	[tilespmem:s0+$0xFFFFFF90] =	vst v3;
	v2 =	vadd.f32 v6, v2;
	v3 =	vld [tilespmem:s0+$0xFFFFFFA0]  }
0x54: {  	v6 =	vld [tilespmem:s1+$0xFFFFFFA0];
	v1 =	vadd.f32 v1, v7  }
0x55: {  	[tilespmem:s0+$0x10] =	vst v2;
	v2 =	vld [tilespmem:s0+$0x20]  }
0x56: {  	v7 =	vld [tilespmem:s1+$0x20];
	[tilespmem:s0+$0xFFFFFF10] =	vst v1;
	v0 =	vadd.f32 v4, v0  }
0x57: {  	v1 =	vld [tilespmem:s1+$0xFFFFFF20]  }
0x58: {  	[tilespmem:s0+$0xA0] =	vst v0;
	v0 =	vld [tilespmem:s0+$0xB0]  }
0x59: {  	v3 =	vadd.f32 v6, v3;
	v4 =	vld [tilespmem:s1+$0xB0]  }
0x5a: {  	v6 =	vld [tilespmem:s0+$0xFFFFFF30]  }
0x5b: {  	[tilespmem:s0+$0xFFFFFFA0] =	vst v3;
	v2 =	vadd.f32 v7, v2;
	v3 =	vld [tilespmem:s0+$0xFFFFFFB0]  }
0x5c: {  	v7 =	vld [tilespmem:s1+$0xFFFFFFB0];
	v1 =	vadd.f32 v1, v5  }
0x5d: {  	[tilespmem:s0+$0x20] =	vst v2;
	v2 =	vld [tilespmem:s0+$0x30]  }
0x5e: {  	v5 =	vld [tilespmem:s1+$0x30];
	[tilespmem:s0+$0xFFFFFF20] =	vst v1;
	v0 =	vadd.f32 v4, v0  }
0x5f: {  	v1 =	vld [tilespmem:s1+$0xFFFFFF30]  }
0x60: {  	[tilespmem:s0+$0xB0] =	vst v0;
	v0 =	vld [tilespmem:s0+$0xC0]  }
0x61: {  	v3 =	vadd.f32 v7, v3;
	v4 =	vld [tilespmem:s1+$0xC0]  }
0x62: {  	v7 =	vld [tilespmem:s0+$0xFFFFFF40]  }
0x63: {  	[tilespmem:s0+$0xFFFFFFB0] =	vst v3;
	v2 =	vadd.f32 v5, v2;
	v3 =	vld [tilespmem:s0+$0xFFFFFFC0]  }
0x64: {  	v5 =	vld [tilespmem:s1+$0xFFFFFFC0];
	v1 =	vadd.f32 v1, v6  }
0x65: {  	[tilespmem:s0+$0x30] =	vst v2;
	v2 =	vld [tilespmem:s0+$0x40]  }
0x66: {  	v6 =	vld [tilespmem:s1+$0x40];
	[tilespmem:s0+$0xFFFFFF30] =	vst v1;
	v0 =	vadd.f32 v4, v0  }
0x67: {  	v1 =	vld [tilespmem:s1+$0xFFFFFF40]  }
0x68: {  	[tilespmem:s0+$0xC0] =	vst v0;
	v0 =	vld [tilespmem:s0+$0xD0]  }
0x69: {  	v3 =	vadd.f32 v5, v3;
	v4 =	vld [tilespmem:s1+$0xD0]  }
0x6a: {  	v5 =	vld [tilespmem:s0+$0xFFFFFF50]  }
0x6b: {  	[tilespmem:s0+$0xFFFFFFC0] =	vst v3;
	v2 =	vadd.f32 v6, v2;
	v3 =	vld [tilespmem:s0+$0xFFFFFFD0]  }
0x6c: {  	v6 =	vld [tilespmem:s1+$0xFFFFFFD0];
	v1 =	vadd.f32 v1, v7  }
0x6d: {  	[tilespmem:s0+$0x40] =	vst v2;
	v2 =	vld [tilespmem:s0+$0x50]  }
0x6e: {  	v7 =	vld [tilespmem:s1+$0x50];
	[tilespmem:s0+$0xFFFFFF40] =	vst v1;
	v0 =	vadd.f32 v4, v0  }
0x6f: {  	v1 =	vld [tilespmem:s1+$0xFFFFFF50]  }
0x70: {  	[tilespmem:s0+$0xD0] =	vst v0;
	v0 =	vld [tilespmem:s0+$0xE0]  }
0x71: {  	v3 =	vadd.f32 v6, v3;
	v4 =	vld [tilespmem:s1+$0xE0]  }
0x72: {  	v6 =	vld [tilespmem:s0+$0xFFFFFF60]  }
0x73: {  	[tilespmem:s0+$0xFFFFFFD0] =	vst v3;
	v2 =	vadd.f32 v7, v2;
	v3 =	vld [tilespmem:s0+$0xFFFFFFE0]  }
0x74: {  	v7 =	vld [tilespmem:s1+$0xFFFFFFE0];
	v1 =	vadd.f32 v1, v5  }
0x75: {  	[tilespmem:s0+$0x50] =	vst v2;
	v2 =	vld [tilespmem:s0+$0x60]  }
0x76: {  	v5 =	vld [tilespmem:s1+$0x60];
	[tilespmem:s0+$0xFFFFFF50] =	vst v1;
	v0 =	vadd.f32 v4, v0  }
0x77: {  	v4 =	vld [tilespmem:s1+$0xFFFFFF60]  }
0x78: {  	v8 =	vld [tilespmem:s0+$0xF0];
	[tilespmem:s0+$0xE0] =	vst v0  }
0x79: {  	v1 =	vadd.f32 v7, v3;
	v7 =	vld [tilespmem:s1+$0xF0]  }
0x7a: {  	v0 =	vld [tilespmem:s0+$0xFFFFFF70]  }
0x7b: {  	[tilespmem:s0+$0xFFFFFFE0] =	vst v1;
	v2 =	vadd.f32 v5, v2;
	v1 =	vld [tilespmem:s0+$0xFFFFFFF0]  }
0x7c: {  	v3 =	vld [tilespmem:s1+$0xFFFFFFF0];
	v4 =	vadd.f32 v4, v6  }
0x7d: {  	[tilespmem:s0+$0x60] =	vst v2;
	v2 =	vld [tilespmem:s0+$0x70]  }
0x7e: {  	[tilespmem:s0+$0xFFFFFF60] =	vst v4;
	v4 =	vld [tilespmem:s1+$0x70];
	v6 =	vadd.f32 v7, v8  }
0x7f: {  	s19 =	sshll.u32 s31, $0x1;
	s8 =	simm.s32 $0x0;
	s9 =	simm.s32 $0x700;
	v5 =	vld [tilespmem:s1+$0xFFFFFF70]  }
.LBB2_7:
0x80: {  	v7 =	vld [tilespmem:s9+$0x80];
	[tilespmem:s0+$0xF0] =	vst v6;
	s1 =	sadd.s32 $0x200, s1  }
0x81: {  	s8 =	sadd.s32 $0x4, s8;
	v6 =	vld [tilespmem:s1+$0x80];
	v1 =	vadd.f32 v3, v1  }
0x82: {  	p0 =	slt.u32 s8, $0xC4;
	v3 =	vld [tilespmem:s1+$0xFFFFFF00]  }
0x83: {  	v8 =	vld [tilespmem:s9+$0xFFFFFF80];
	[tilespmem:s0+$0xFFFFFFF0] =	vst v1;
	v1 =	vadd.f32 v4, v2  }
0x84: {  	v2 =	vld [tilespmem:s1+$0xFFFFFF80];
	v0 =	vadd.f32 v5, v0  }
0x85: {  	v4 =	vld [tilespmem:s9+$0x0];
	[tilespmem:s0+$0x70] =	vst v1  }
0x86: {  	v1 =	vld [tilespmem:s1+$0x0];
	v5 =	vadd.f32 v6, v7;
	[tilespmem:s0+$0xFFFFFF70] =	vst v0;
	s0 =	smov.u32 s9  }
0x87: {  	v0 =	vld [tilespmem:s9+$0xFFFFFF00]  }
0x88: {  	[tilespmem:s9+$0x80] =	vst v5;
	v5 =	vld [tilespmem:s9+$0x90]  }
0x89: {  	v2 =	vadd.f32 v2, v8;
	v6 =	vld [tilespmem:s1+$0x90]  }
0x8a: {  	v7 =	vld [tilespmem:s9+$0xFFFFFF10]  }
0x8b: {  	[tilespmem:s9+$0xFFFFFF80] =	vst v2;
	v2 =	vld [tilespmem:s9+$0xFFFFFF90];
	v1 =	vadd.f32 v1, v4  }
0x8c: {  	v0 =	vadd.f32 v3, v0;
	v3 =	vld [tilespmem:s1+$0xFFFFFF90]  }
0x8d: {  	[tilespmem:s9+$0x0] =	vst v1;
	v1 =	vld [tilespmem:s9+$0x10]  }
0x8e: {  	[tilespmem:s9+$0xFFFFFF00] =	vst v0;
	v0 =	vld [tilespmem:s1+$0x10];
	v4 =	vadd.f32 v6, v5  }
0x8f: {  	v5 =	vld [tilespmem:s1+$0xFFFFFF10]  }
0x90: {  	[tilespmem:s9+$0x90] =	vst v4;
	v4 =	vld [tilespmem:s9+$0xA0]  }
0x91: {  	v2 =	vadd.f32 v3, v2;
	v3 =	vld [tilespmem:s1+$0xA0]  }
0x92: {  	v6 =	vld [tilespmem:s9+$0xFFFFFF20]  }
0x93: {  	[tilespmem:s9+$0xFFFFFF90] =	vst v2;
	v2 =	vld [tilespmem:s9+$0xFFFFFFA0];
	v0 =	vadd.f32 v0, v1  }
0x94: {  	v1 =	vadd.f32 v5, v7;
	v5 =	vld [tilespmem:s1+$0xFFFFFFA0]  }
0x95: {  	[tilespmem:s9+$0x10] =	vst v0;
	v0 =	vld [tilespmem:s9+$0x20]  }
0x96: {  	[tilespmem:s9+$0xFFFFFF10] =	vst v1;
	v1 =	vld [tilespmem:s1+$0x20];
	v3 =	vadd.f32 v3, v4  }
0x97: {  	v4 =	vld [tilespmem:s1+$0xFFFFFF20]  }
0x98: {  	[tilespmem:s9+$0xA0] =	vst v3;
	v3 =	vld [tilespmem:s9+$0xB0]  }
0x99: {  	v2 =	vadd.f32 v5, v2;
	v5 =	vld [tilespmem:s1+$0xB0]  }
0x9a: {  	v7 =	vld [tilespmem:s9+$0xFFFFFF30]  }
0x9b: {  	[tilespmem:s9+$0xFFFFFFA0] =	vst v2;
	v2 =	vld [tilespmem:s9+$0xFFFFFFB0];
	v0 =	vadd.f32 v1, v0  }
0x9c: {  	v1 =	vadd.f32 v4, v6;
	v4 =	vld [tilespmem:s1+$0xFFFFFFB0]  }
0x9d: {  	[tilespmem:s9+$0x20] =	vst v0;
	v0 =	vld [tilespmem:s9+$0x30]  }
0x9e: {  	[tilespmem:s9+$0xFFFFFF20] =	vst v1;
	v1 =	vld [tilespmem:s1+$0x30];
	v3 =	vadd.f32 v5, v3  }
0x9f: {  	v5 =	vld [tilespmem:s1+$0xFFFFFF30]  }
0xa0: {  	[tilespmem:s9+$0xB0] =	vst v3;
	v3 =	vld [tilespmem:s9+$0xC0]  }
0xa1: {  	v2 =	vadd.f32 v4, v2;
	v4 =	vld [tilespmem:s1+$0xC0]  }
0xa2: {  	v6 =	vld [tilespmem:s9+$0xFFFFFF40]  }
0xa3: {  	[tilespmem:s9+$0xFFFFFFB0] =	vst v2;
	v2 =	vld [tilespmem:s9+$0xFFFFFFC0];
	v0 =	vadd.f32 v1, v0  }
0xa4: {  	v1 =	vadd.f32 v5, v7;
	v5 =	vld [tilespmem:s1+$0xFFFFFFC0]  }
0xa5: {  	[tilespmem:s9+$0x30] =	vst v0;
	v0 =	vld [tilespmem:s9+$0x40]  }
0xa6: {  	[tilespmem:s9+$0xFFFFFF30] =	vst v1;
	v1 =	vld [tilespmem:s1+$0x40];
	v3 =	vadd.f32 v4, v3  }
0xa7: {  	v4 =	vld [tilespmem:s1+$0xFFFFFF40]  }
0xa8: {  	[tilespmem:s9+$0xC0] =	vst v3;
	v3 =	vld [tilespmem:s9+$0xD0]  }
0xa9: {  	v2 =	vadd.f32 v5, v2;
	v5 =	vld [tilespmem:s1+$0xD0]  }
0xaa: {  	v7 =	vld [tilespmem:s9+$0xFFFFFF50]  }
0xab: {  	[tilespmem:s9+$0xFFFFFFC0] =	vst v2;
	v2 =	vld [tilespmem:s9+$0xFFFFFFD0];
	v0 =	vadd.f32 v1, v0  }
0xac: {  	v1 =	vadd.f32 v4, v6;
	v4 =	vld [tilespmem:s1+$0xFFFFFFD0]  }
0xad: {  	[tilespmem:s9+$0x40] =	vst v0;
	v0 =	vld [tilespmem:s9+$0x50]  }
0xae: {  	[tilespmem:s9+$0xFFFFFF40] =	vst v1;
	v1 =	vld [tilespmem:s1+$0x50];
	v3 =	vadd.f32 v5, v3  }
0xaf: {  	v5 =	vld [tilespmem:s1+$0xFFFFFF50]  }
0xb0: {  	[tilespmem:s9+$0xD0] =	vst v3;
	v3 =	vld [tilespmem:s9+$0xE0]  }
0xb1: {  	v2 =	vadd.f32 v4, v2;
	v4 =	vld [tilespmem:s1+$0xE0]  }
0xb2: {  	v6 =	vld [tilespmem:s9+$0xFFFFFF60]  }
0xb3: {  	[tilespmem:s9+$0xFFFFFFD0] =	vst v2;
	v2 =	vld [tilespmem:s9+$0xFFFFFFE0];
	v0 =	vadd.f32 v1, v0  }
0xb4: {  	v1 =	vadd.f32 v5, v7;
	v5 =	vld [tilespmem:s1+$0xFFFFFFE0]  }
0xb5: {  	[tilespmem:s9+$0x50] =	vst v0;
	v7 =	vld [tilespmem:s9+$0x60]  }
0xb6: {  	[tilespmem:s9+$0xFFFFFF50] =	vst v1;
	v8 =	vld [tilespmem:s1+$0x60];
	v0 =	vadd.f32 v4, v3  }
0xb7: {  	v3 =	vld [tilespmem:s1+$0xFFFFFF60]  }
0xb8: {  	[tilespmem:s9+$0xE0] =	vst v0;
	v9 =	vld [tilespmem:s9+$0xF0]  }
0xb9: {  	v1 =	vadd.f32 v5, v2;
	v5 =	vld [tilespmem:s1+$0xF0]  }
0xba: {  	v0 =	vld [tilespmem:s9+$0xFFFFFF70]  }
.Ltmp3:
0xbb: {  	[tilespmem:s9+$0xFFFFFFE0] =	vst v1;
	v1 =	vld [tilespmem:s9+$0xFFFFFFF0];
	v2 =	vadd.f32 v8, v7;
	(pc) =	sbr.rel @p0 .LBB2_7-.Ltmp3, $4  }
0xbc: {  	v4 =	vadd.f32 v3, v6;
	v3 =	vld [tilespmem:s1+$0xFFFFFFF0]  }
0xbd: {  	[tilespmem:s9+$0x60] =	vst v2;
	v2 =	vld [tilespmem:s9+$0x70]  }
0xbe: {  	[tilespmem:s9+$0xFFFFFF60] =	vst v4;
	v4 =	vld [tilespmem:s1+$0x70];
	v6 =	vadd.f32 v5, v9  }
0xbf: {  	s9 =	sadd.s32 $0x200, s9;
	v5 =	vld [tilespmem:s1+$0xFFFFFF70]  }
0xc0: {  	_ =	sdelay $0x1  }
0xc1: {  	s1 =	smul.u32 $0x190, s31;
	v1 =	vadd.f32 v3, v1  }
0xc2: {  	[tilespmem:s0+$0xF0] =	vst v6;
	v2 =	vadd.f32 v4, v2  }
0xc3: {  	s8 =	sadd.s32 s3, s1;
	[tilespmem:s0+$0xFFFFFFF0] =	vst v1;
	v0 =	vadd.f32 v5, v0  }
0xc4: {  	s8 =	sshll.u32 s8, $0x4;
	[tilespmem:s0+$0x70] =	vst v2  }
0xc5: {  	s10 =	sadd.s32 s7, s8;
	[tilespmem:s0+$0xFFFFFF70] =	vst v0  }
0xc6: {  	[hbm4b:s10+s2] =	stream.linear.scatter [tilespmem:s18], [sflag:$0x5], $0x6400, $0x38;
	[tilespmem:$0x19400] =	vst v63  }
0xc7: {  	_ =	swait.ge [sflag:s26], $0x6400  }
0xc8: {  	[sflag:s26] =	ssyncset.done $0x0  }
0xc9: {  	[sflag:s26] =	ssyncadd.s32 $0xFFFF9C00  }
0xca: {  	s0 =	sor.u32 $0x1, s19;
	_ =	swait.ge [sflag:s26], $0x6400  }
0xcb: {  	p0 =	sgt.u32 s0, $0x8;
	[sflag:s26] =	ssyncset.done $0x0  }
0xcc: {  	s8 =	simm.s32 @!p0 $0x3;
	[sflag:s26] =	ssyncadd.s32 $0xFFFF9C00  }
0xcd: {  	_ =	swait.ge @!p0 [sflag:s8], $0xC8  }
0xce: {  	[sflag:s8] =	ssyncset.done @!p0 $0x0  }
0xcf: {  	[sflag:s8] =	ssyncadd.s32 @!p0 $0xFFFFFF38  }
0xd0: {  	_ =	swait.ge @!p0 [sflag:s8], $0xC8  }
0xd1: {  	[sflag:s8] =	ssyncset.done @!p0 $0x0  }
0xd2: {  	[sflag:s8] =	ssyncadd.s32 @!p0 $0xFFFFFF38;
	s8 =	simm.s32 @!p0 $0x5  }
0xd3: {  	_ =	swait.ge @!p0 [sflag:s8], $0x6400  }
0xd4: {  	s9 =	simm.s32 @!p0 $0x0;
	s19 =	simm.s32 @!p0 $0x400;
	[sflag:s8] =	ssyncset.done @!p0 $0x0  }
0xd5: {  	s1 =	sadd.s32 @!p0 s1, s13;
	[sflag:s8] =	ssyncadd.s32 @!p0 $0xFFFF9C00;
	s8 =	simm.s32 @!p0 $0xC8  }
0xd6: {  	[tilespmem:s19], [sflag:$0x1] =	stream.indirect.gather @!p0 [hbm4b:s4+s8], $0x80, s9, s8, $0xb8;
	[tilespmem:$0x19400] =	vst v63  }
0xd7: {  	s10 =	simm.s32 @!p0 $0x6800;
	s1 =	sshrl.u32 @!p0 s1, $0x3;
	s19 =	simm.s32 @!p0 $0x100  }
0xd8: {  	[tilespmem:s10], [sflag:$0x1] =	stream.indirect.gather @!p0 [hbm4b:s4+s8], $0x80, s19, s8, $0xb8;
	[tilespmem:$0x19400] =	vst v63  }
0xd9: {  	s8 =	sadd.s32 @!p0 s5, s1;
	s10 =	simm.s32 @!p0 $0x200  }
0xda: {  	[tilespmem:s10], [sflag:$0x4] =	stream.linear.gather @!p0 [hbm4b:s8+s9], $0xC8, $0x38;
	[tilespmem:$0x19400] =	vst v63  }
0xdb: {  	s1 =	sadd.s32 @!p0 s6, s1;
	s8 =	simm.s32 @!p0 $0x300  }
0xdc: {  	[tilespmem:s8], [sflag:$0x4] =	stream.linear.gather @!p0 [hbm4b:s1+s9], $0xC8, $0x38;
	[tilespmem:$0x19400] =	vst v63  }
0xdd: {  	s1 =	simm.s32 $0xCD00  }
0xde: {  	s19 =	simm.s32 $0x13100;
	v0 =	vld [tilespmem:s1+$0x80]  }
0xdf: {  	v1 =	vld [tilespmem:s19+$0x80]  }
0xe0: {  	v2 =	vld [tilespmem:s1+$0xFFFFFF80]  }
0xe1: {  	v3 =	vld [tilespmem:s19+$0xFFFFFF80]  }
0xe2: {  	v4 =	vld [tilespmem:s1+$0x0]  }
0xe3: {  	v5 =	vld [tilespmem:s19+$0x0]  }
0xe4: {  	v6 =	vld [tilespmem:s1+$0xFFFFFF00];
	v0 =	vadd.f32 v1, v0  }
0xe5: {  	v1 =	vld [tilespmem:s19+$0xFFFFFF00]  }
0xe6: {  	[tilespmem:s1+$0x80] =	vst v0;
	v0 =	vld [tilespmem:s1+$0x90]  }
0xe7: {  	v2 =	vadd.f32 v3, v2;
	v3 =	vld [tilespmem:s19+$0x90]  }
0xe8: {  	v7 =	vld [tilespmem:s1+$0xFFFFFF10]  }
0xe9: {  	[tilespmem:s1+$0xFFFFFF80] =	vst v2;
	v2 =	vadd.f32 v5, v4;
	v4 =	vld [tilespmem:s1+$0xFFFFFF90]  }
0xea: {  	v5 =	vld [tilespmem:s19+$0xFFFFFF90];
	v1 =	vadd.f32 v1, v6  }
0xeb: {  	[tilespmem:s1+$0x0] =	vst v2;
	v2 =	vld [tilespmem:s1+$0x10]  }
0xec: {  	v6 =	vld [tilespmem:s19+$0x10];
	[tilespmem:s1+$0xFFFFFF00] =	vst v1;
	v0 =	vadd.f32 v3, v0  }
0xed: {  	v1 =	vld [tilespmem:s19+$0xFFFFFF10]  }
0xee: {  	[tilespmem:s1+$0x90] =	vst v0;
	v0 =	vld [tilespmem:s1+$0xA0]  }
0xef: {  	v3 =	vadd.f32 v5, v4;
	v4 =	vld [tilespmem:s19+$0xA0]  }
0xf0: {  	v5 =	vld [tilespmem:s1+$0xFFFFFF20]  }
0xf1: {  	[tilespmem:s1+$0xFFFFFF90] =	vst v3;
	v2 =	vadd.f32 v6, v2;
	v3 =	vld [tilespmem:s1+$0xFFFFFFA0]  }
0xf2: {  	v6 =	vld [tilespmem:s19+$0xFFFFFFA0];
	v1 =	vadd.f32 v1, v7  }
0xf3: {  	[tilespmem:s1+$0x10] =	vst v2;
	v2 =	vld [tilespmem:s1+$0x20]  }
0xf4: {  	v7 =	vld [tilespmem:s19+$0x20];
	[tilespmem:s1+$0xFFFFFF10] =	vst v1;
	v0 =	vadd.f32 v4, v0  }
0xf5: {  	v1 =	vld [tilespmem:s19+$0xFFFFFF20]  }
0xf6: {  	[tilespmem:s1+$0xA0] =	vst v0;
	v0 =	vld [tilespmem:s1+$0xB0]  }
0xf7: {  	v3 =	vadd.f32 v6, v3;
	v4 =	vld [tilespmem:s19+$0xB0]  }
0xf8: {  	v6 =	vld [tilespmem:s1+$0xFFFFFF30]  }
0xf9: {  	[tilespmem:s1+$0xFFFFFFA0] =	vst v3;
	v2 =	vadd.f32 v7, v2;
	v3 =	vld [tilespmem:s1+$0xFFFFFFB0]  }
0xfa: {  	v7 =	vld [tilespmem:s19+$0xFFFFFFB0];
	v1 =	vadd.f32 v1, v5  }
0xfb: {  	[tilespmem:s1+$0x20] =	vst v2;
	v2 =	vld [tilespmem:s1+$0x30]  }
0xfc: {  	v5 =	vld [tilespmem:s19+$0x30];
	[tilespmem:s1+$0xFFFFFF20] =	vst v1;
	v0 =	vadd.f32 v4, v0  }
0xfd: {  	v1 =	vld [tilespmem:s19+$0xFFFFFF30]  }
0xfe: {  	[tilespmem:s1+$0xB0] =	vst v0;
	v0 =	vld [tilespmem:s1+$0xC0]  }
0xff: {  	v3 =	vadd.f32 v7, v3;
	v4 =	vld [tilespmem:s19+$0xC0]  }
0x100: {  	v7 =	vld [tilespmem:s1+$0xFFFFFF40]  }
0x101: {  	[tilespmem:s1+$0xFFFFFFB0] =	vst v3;
	v2 =	vadd.f32 v5, v2;
	v3 =	vld [tilespmem:s1+$0xFFFFFFC0]  }
0x102: {  	v5 =	vld [tilespmem:s19+$0xFFFFFFC0];
	v1 =	vadd.f32 v1, v6  }
0x103: {  	[tilespmem:s1+$0x30] =	vst v2;
	v2 =	vld [tilespmem:s1+$0x40]  }
0x104: {  	v6 =	vld [tilespmem:s19+$0x40];
	[tilespmem:s1+$0xFFFFFF30] =	vst v1;
	v0 =	vadd.f32 v4, v0  }
0x105: {  	v1 =	vld [tilespmem:s19+$0xFFFFFF40]  }
0x106: {  	[tilespmem:s1+$0xC0] =	vst v0;
	v0 =	vld [tilespmem:s1+$0xD0]  }
0x107: {  	v3 =	vadd.f32 v5, v3;
	v4 =	vld [tilespmem:s19+$0xD0]  }
0x108: {  	v5 =	vld [tilespmem:s1+$0xFFFFFF50]  }
0x109: {  	[tilespmem:s1+$0xFFFFFFC0] =	vst v3;
	v2 =	vadd.f32 v6, v2;
	v3 =	vld [tilespmem:s1+$0xFFFFFFD0]  }
0x10a: {  	v6 =	vld [tilespmem:s19+$0xFFFFFFD0];
	v1 =	vadd.f32 v1, v7  }
0x10b: {  	[tilespmem:s1+$0x40] =	vst v2;
	v2 =	vld [tilespmem:s1+$0x50]  }
0x10c: {  	v7 =	vld [tilespmem:s19+$0x50];
	[tilespmem:s1+$0xFFFFFF40] =	vst v1;
	v0 =	vadd.f32 v4, v0  }
0x10d: {  	v1 =	vld [tilespmem:s19+$0xFFFFFF50]  }
0x10e: {  	[tilespmem:s1+$0xD0] =	vst v0;
	v0 =	vld [tilespmem:s1+$0xE0]  }
0x10f: {  	v3 =	vadd.f32 v6, v3;
	v4 =	vld [tilespmem:s19+$0xE0]  }
0x110: {  	v6 =	vld [tilespmem:s1+$0xFFFFFF60]  }
0x111: {  	[tilespmem:s1+$0xFFFFFFD0] =	vst v3;
	v2 =	vadd.f32 v7, v2;
	v3 =	vld [tilespmem:s1+$0xFFFFFFE0]  }
0x112: {  	v7 =	vld [tilespmem:s19+$0xFFFFFFE0];
	v1 =	vadd.f32 v1, v5  }
0x113: {  	[tilespmem:s1+$0x50] =	vst v2;
	v2 =	vld [tilespmem:s1+$0x60]  }
0x114: {  	v5 =	vld [tilespmem:s19+$0x60];
	[tilespmem:s1+$0xFFFFFF50] =	vst v1;
	v0 =	vadd.f32 v4, v0  }
0x115: {  	v4 =	vld [tilespmem:s19+$0xFFFFFF60]  }
0x116: {  	v8 =	vld [tilespmem:s1+$0xF0];
	[tilespmem:s1+$0xE0] =	vst v0  }
0x117: {  	v1 =	vadd.f32 v7, v3;
	v7 =	vld [tilespmem:s19+$0xF0]  }
0x118: {  	v0 =	vld [tilespmem:s1+$0xFFFFFF70]  }
0x119: {  	[tilespmem:s1+$0xFFFFFFE0] =	vst v1;
	v2 =	vadd.f32 v5, v2;
	v1 =	vld [tilespmem:s1+$0xFFFFFFF0]  }
0x11a: {  	v3 =	vld [tilespmem:s19+$0xFFFFFFF0];
	v4 =	vadd.f32 v4, v6  }
0x11b: {  	[tilespmem:s1+$0x60] =	vst v2;
	v2 =	vld [tilespmem:s1+$0x70]  }
0x11c: {  	[tilespmem:s1+$0xFFFFFF60] =	vst v4;
	v4 =	vld [tilespmem:s19+$0x70];
	v6 =	vadd.f32 v7, v8  }
0x11d: {  	s8 =	simm.s32 $0x0;
	s9 =	simm.s32 $0xCF00;
	v5 =	vld [tilespmem:s19+$0xFFFFFF70]  }
.LBB2_9:
0x11e: {  	v7 =	vld [tilespmem:s9+$0x80];
	[tilespmem:s1+$0xF0] =	vst v6;
	s19 =	sadd.s32 $0x200, s19  }
0x11f: {  	s8 =	sadd.s32 $0x4, s8;
	v6 =	vld [tilespmem:s19+$0x80];
	v1 =	vadd.f32 v3, v1  }
0x120: {  	p0 =	slt.u32 s8, $0xC4;
	v3 =	vld [tilespmem:s19+$0xFFFFFF00]  }
0x121: {  	v8 =	vld [tilespmem:s9+$0xFFFFFF80];
	[tilespmem:s1+$0xFFFFFFF0] =	vst v1;
	v1 =	vadd.f32 v4, v2  }
0x122: {  	v2 =	vld [tilespmem:s19+$0xFFFFFF80];
	v0 =	vadd.f32 v5, v0  }
0x123: {  	v4 =	vld [tilespmem:s9+$0x0];
	[tilespmem:s1+$0x70] =	vst v1  }
0x124: {  	v1 =	vld [tilespmem:s19+$0x0];
	v5 =	vadd.f32 v6, v7;
	[tilespmem:s1+$0xFFFFFF70] =	vst v0;
	s1 =	smov.u32 s9  }
0x125: {  	v0 =	vld [tilespmem:s9+$0xFFFFFF00]  }
0x126: {  	[tilespmem:s9+$0x80] =	vst v5;
	v5 =	vld [tilespmem:s9+$0x90]  }
0x127: {  	v2 =	vadd.f32 v2, v8;
	v6 =	vld [tilespmem:s19+$0x90]  }
0x128: {  	v7 =	vld [tilespmem:s9+$0xFFFFFF10]  }
0x129: {  	[tilespmem:s9+$0xFFFFFF80] =	vst v2;
	v2 =	vld [tilespmem:s9+$0xFFFFFF90];
	v1 =	vadd.f32 v1, v4  }
0x12a: {  	v0 =	vadd.f32 v3, v0;
	v3 =	vld [tilespmem:s19+$0xFFFFFF90]  }
0x12b: {  	[tilespmem:s9+$0x0] =	vst v1;
	v1 =	vld [tilespmem:s9+$0x10]  }
0x12c: {  	[tilespmem:s9+$0xFFFFFF00] =	vst v0;
	v0 =	vld [tilespmem:s19+$0x10];
	v4 =	vadd.f32 v6, v5  }
0x12d: {  	v5 =	vld [tilespmem:s19+$0xFFFFFF10]  }
0x12e: {  	[tilespmem:s9+$0x90] =	vst v4;
	v4 =	vld [tilespmem:s9+$0xA0]  }
0x12f: {  	v2 =	vadd.f32 v3, v2;
	v3 =	vld [tilespmem:s19+$0xA0]  }
0x130: {  	v6 =	vld [tilespmem:s9+$0xFFFFFF20]  }
0x131: {  	[tilespmem:s9+$0xFFFFFF90] =	vst v2;
	v2 =	vld [tilespmem:s9+$0xFFFFFFA0];
	v0 =	vadd.f32 v0, v1  }
0x132: {  	v1 =	vadd.f32 v5, v7;
	v5 =	vld [tilespmem:s19+$0xFFFFFFA0]  }
0x133: {  	[tilespmem:s9+$0x10] =	vst v0;
	v0 =	vld [tilespmem:s9+$0x20]  }
0x134: {  	[tilespmem:s9+$0xFFFFFF10] =	vst v1;
	v1 =	vld [tilespmem:s19+$0x20];
	v3 =	vadd.f32 v3, v4  }
0x135: {  	v4 =	vld [tilespmem:s19+$0xFFFFFF20]  }
0x136: {  	[tilespmem:s9+$0xA0] =	vst v3;
	v3 =	vld [tilespmem:s9+$0xB0]  }
0x137: {  	v2 =	vadd.f32 v5, v2;
	v5 =	vld [tilespmem:s19+$0xB0]  }
0x138: {  	v7 =	vld [tilespmem:s9+$0xFFFFFF30]  }
0x139: {  	[tilespmem:s9+$0xFFFFFFA0] =	vst v2;
	v2 =	vld [tilespmem:s9+$0xFFFFFFB0];
	v0 =	vadd.f32 v1, v0  }
0x13a: {  	v1 =	vadd.f32 v4, v6;
	v4 =	vld [tilespmem:s19+$0xFFFFFFB0]  }
0x13b: {  	[tilespmem:s9+$0x20] =	vst v0;
	v0 =	vld [tilespmem:s9+$0x30]  }
0x13c: {  	[tilespmem:s9+$0xFFFFFF20] =	vst v1;
	v1 =	vld [tilespmem:s19+$0x30];
	v3 =	vadd.f32 v5, v3  }
0x13d: {  	v5 =	vld [tilespmem:s19+$0xFFFFFF30]  }
0x13e: {  	[tilespmem:s9+$0xB0] =	vst v3;
	v3 =	vld [tilespmem:s9+$0xC0]  }
0x13f: {  	v2 =	vadd.f32 v4, v2;
	v4 =	vld [tilespmem:s19+$0xC0]  }
0x140: {  	v6 =	vld [tilespmem:s9+$0xFFFFFF40]  }
0x141: {  	[tilespmem:s9+$0xFFFFFFB0] =	vst v2;
	v2 =	vld [tilespmem:s9+$0xFFFFFFC0];
	v0 =	vadd.f32 v1, v0  }
0x142: {  	v1 =	vadd.f32 v5, v7;
	v5 =	vld [tilespmem:s19+$0xFFFFFFC0]  }
0x143: {  	[tilespmem:s9+$0x30] =	vst v0;
	v0 =	vld [tilespmem:s9+$0x40]  }
0x144: {  	[tilespmem:s9+$0xFFFFFF30] =	vst v1;
	v1 =	vld [tilespmem:s19+$0x40];
	v3 =	vadd.f32 v4, v3  }
0x145: {  	v4 =	vld [tilespmem:s19+$0xFFFFFF40]  }
0x146: {  	[tilespmem:s9+$0xC0] =	vst v3;
	v3 =	vld [tilespmem:s9+$0xD0]  }
0x147: {  	v2 =	vadd.f32 v5, v2;
	v5 =	vld [tilespmem:s19+$0xD0]  }
0x148: {  	v7 =	vld [tilespmem:s9+$0xFFFFFF50]  }
0x149: {  	[tilespmem:s9+$0xFFFFFFC0] =	vst v2;
	v2 =	vld [tilespmem:s9+$0xFFFFFFD0];
	v0 =	vadd.f32 v1, v0  }
0x14a: {  	v1 =	vadd.f32 v4, v6;
	v4 =	vld [tilespmem:s19+$0xFFFFFFD0]  }
0x14b: {  	[tilespmem:s9+$0x40] =	vst v0;
	v0 =	vld [tilespmem:s9+$0x50]  }
0x14c: {  	[tilespmem:s9+$0xFFFFFF40] =	vst v1;
	v1 =	vld [tilespmem:s19+$0x50];
	v3 =	vadd.f32 v5, v3  }
0x14d: {  	v5 =	vld [tilespmem:s19+$0xFFFFFF50]  }
0x14e: {  	[tilespmem:s9+$0xD0] =	vst v3;
	v3 =	vld [tilespmem:s9+$0xE0]  }
0x14f: {  	v2 =	vadd.f32 v4, v2;
	v4 =	vld [tilespmem:s19+$0xE0]  }
0x150: {  	v6 =	vld [tilespmem:s9+$0xFFFFFF60]  }
0x151: {  	[tilespmem:s9+$0xFFFFFFD0] =	vst v2;
	v2 =	vld [tilespmem:s9+$0xFFFFFFE0];
	v0 =	vadd.f32 v1, v0  }
0x152: {  	v1 =	vadd.f32 v5, v7;
	v5 =	vld [tilespmem:s19+$0xFFFFFFE0]  }
0x153: {  	[tilespmem:s9+$0x50] =	vst v0;
	v7 =	vld [tilespmem:s9+$0x60]  }
0x154: {  	[tilespmem:s9+$0xFFFFFF50] =	vst v1;
	v8 =	vld [tilespmem:s19+$0x60];
	v0 =	vadd.f32 v4, v3  }
0x155: {  	v3 =	vld [tilespmem:s19+$0xFFFFFF60]  }
0x156: {  	[tilespmem:s9+$0xE0] =	vst v0;
	v9 =	vld [tilespmem:s9+$0xF0]  }
0x157: {  	v1 =	vadd.f32 v5, v2;
	v5 =	vld [tilespmem:s19+$0xF0]  }
0x158: {  	v0 =	vld [tilespmem:s9+$0xFFFFFF70]  }
.Ltmp4:
0x159: {  	[tilespmem:s9+$0xFFFFFFE0] =	vst v1;
	v1 =	vld [tilespmem:s9+$0xFFFFFFF0];
	v2 =	vadd.f32 v8, v7;
	(pc) =	sbr.rel @p0 .LBB2_9-.Ltmp4, $4  }
0x15a: {  	v4 =	vadd.f32 v3, v6;
	v3 =	vld [tilespmem:s19+$0xFFFFFFF0]  }
0x15b: {  	[tilespmem:s9+$0x60] =	vst v2;
	v2 =	vld [tilespmem:s9+$0x70]  }
0x15c: {  	[tilespmem:s9+$0xFFFFFF60] =	vst v4;
	v4 =	vld [tilespmem:s19+$0x70];
	v6 =	vadd.f32 v5, v9  }
0x15d: {  	s9 =	sadd.s32 $0x200, s9;
	v5 =	vld [tilespmem:s19+$0xFFFFFF70]  }
0x15e: {  	_ = 	snop  }
0x15f: {  	s31 =	sadd.s32 $0x1, s31  }
0x160: {  	s0 =	smul.u32 $0xC8, s0;
	v1 =	vadd.f32 v3, v1;
	p0 =	sne.s32 s31, $0x5  }
.Ltmp5:
0x161: {  	[tilespmem:s1+$0xF0] =	vst v6;
	v2 =	vadd.f32 v4, v2;
	(pc) =	sbr.rel @p0 .LBB2_2-.Ltmp5, $4  }
0x162: {  	s0 =	sadd.s32 s3, s0;
	[tilespmem:s1+$0xFFFFFFF0] =	vst v1;
	v0 =	vadd.f32 v5, v0  }
0x163: {  	s0 =	sshll.u32 s0, $0x4;
	[tilespmem:s1+$0x70] =	vst v2  }
0x164: {  	s0 =	sadd.s32 s7, s0;
	[tilespmem:s1+$0xFFFFFF70] =	vst v0  }
0x165: {  	[hbm4b:s0+s2] =	stream.linear.scatter [tilespmem:s24], [sflag:$0x6], $0x6400, $0x38;
	[tilespmem:$0x19400] =	vst v63  }
0x166: {  	s30 =	sadd.s32 $0x1, s30  }
0x167: {  	_ =	swait.ge [sflag:s28], $0x6400;
	p0 =	sne.s32 s30, s14  }
.Ltmp6:
0x168: {  	[sflag:s28] =	ssyncset.done $0x0;
	(pc) =	sbr.rel @p0 .LBB2_1-.Ltmp6, $4  }
0x169: {  	[sflag:s28] =	ssyncadd.s32 $0xFFFF9C00  }
0x16a: {  	_ =	swait.ge [sflag:s29], $0x6400  }
0x16b: {  	[sflag:s29] =	ssyncset.done $0x0  }
0x16c: {  	[sflag:s29] =	ssyncadd.s32 $0xFFFF9C00  }
0x16d: {  	_ =	sfence.sel $0x180000  }
0x16e: {  	[bflag:$0x0] =	sbarrier.arrive $0xFFFF  }
0x16f: {  	_ =	strace $0x90000053  }
0x170: {  	s0 =	stileid.u32;
	[bflag:$0x2] =	sbarrier.arrive $0xFFFF  }
0x171: {  	p0 =	sne.s32 s0, $0x0;
	s0 =	rddreg [dreg:$0x1]  }
0x172: {  	s0 =	sadd.s32 @!p0 $0x100000, s0  }
0x173: {  	[sflag:s0] =	ssyncadd.tile.s32 @!p0 $0x1;
	_ =	shalt  }
.Lfunc_end2:
_tile_overlayer_lowered:
.L_overlay_start_2:
0x174: {  	(tag) =	ssettag $0x2  }
0x175: {  	s0 =	rddreg [dreg:$0x0];
	s2 =	stileid.u32  }
0x176: {  	s1 =	rddreg [dreg:$0x1];
	p0 =	sne.s32 s2, $0x0  }
0x177: {  	s3 =	rddreg [dreg:$0x2];
	[bflag:$0x3] =	sbarrier.arrive $0xFFFF;
	s2 =	simm.s32 @!p0 $0x1C07  }
0x178: {  	[timem:s3], [sflag:s2] =	dma.local @!p0 [hbm:s0], s1  }
0x179: {  	s0 =	simm.s32 @!p0 $0x7  }
0x17a: {  	_ =	swait.ge @!p0 [sflag:s0], s1  }
0x17b: {  	s1 =	ssub.s32 @!p0 $0x0, s1;
	[sflag:s0] =	ssyncset.done @!p0 $0x0  }
0x17c: {  	[sflag:s0] =	ssyncadd.s32 @!p0 s1  }
0x17d: {  	[bflag:$0x3] =	sbarrier.arrive $0xFFFF  }
0x17e: {  	_ =	shalt  }

</sc_bundles>
